<compile_context>
chip_gen: v7x
topology: tpu7x:2x2x1
jax: 0.10.2.dev20260603
libtpu: 0.0.44.dev20260713+nightly
codegen_flags: <defaults>
</compile_context>

<pallas_src>
import functools

import jax
import jax.numpy as jnp
import numpy as np
from jax import lax
from jax.experimental import pallas as pl
from jax.experimental.pallas import tpu as pltpu
from jax.experimental.pallas import tpu_sc as plsc

HEADS = 1
X_IND = 128
X_HS = 64
U_IND = 64
EDGE_IND = 16
NLAYERS = 4
N_NODES = 10000
N_GRAPHS = 64
N_EDGES = 160000
NEG_SLOPE = 0.2
IBN = float(1.0 / np.sqrt(1.0 + 1e-5))

NC = 2
NS = 16
NW = NC * NS
E_PAD = 163840
EB = 1024
NB = 1000
N_GRID = N_NODES // NB
E_GRID = E_PAD // EB
SC_CH = 128
SC_NBATCH = E_PAD // NW // SC_CH

_INTERPRET = False


def _elu(x):
    return jnp.where(x > 0, x, jnp.exp(jnp.minimum(x, 0.0)) - 1.0)


def _lrelu(x):
    return jnp.where(x >= 0, x, NEG_SLOPE * x)



def _fold_layer(p, x_ind, e_ind, u_ind):
    f = {}
    W = p["edge_model"][0]["W"] * IBN
    f["em1_i_t"] = W[:, :x_ind].T
    f["em1_j_t"] = W[:, x_ind:2 * x_ind].T
    f["em1_e_t"] = W[:, 2 * x_ind:2 * x_ind + e_ind].T
    f["em1_u_t"] = W[:, 2 * x_ind + e_ind:].T
    f["em2_t"] = (p["edge_model"][1]["W"] * IBN).T
    W = p["edge_mlp"][0]["W"] * IBN
    f["mm1_e_t"] = W[:, :e_ind].T
    f["mm1_o_t"] = W[:, e_ind:].T
    f["mm2_t"] = (p["edge_mlp"][1]["W"] * IBN).T
    f["mm2_b"] = (p["edge_mlp"][1]["b"] * IBN)[None, :]
    W = p["node_model"][0]["W"] * IBN
    f["nm1_x_t"] = W[:, :x_ind].T
    f["nm1_u_t"] = W[:, x_ind:x_ind + u_ind].T
    f["nm1_a_t"] = W[:, x_ind + u_ind:].T
    f["nm2_t"] = (p["node_model"][1]["W"] * IBN).T
    W = p["node_mlp"][0]["W"] * IBN
    f["np1_x_t"] = W[:, :x_ind].T
    f["np1_o_t"] = W[:, x_ind:].T
    f["np2_t"] = (p["node_mlp"][1]["W"] * IBN).T
    f["np2_b"] = (p["node_mlp"][1]["b"] * IBN)[None, :]
    ag = p["att_global"][0, 0]
    agmat = jnp.zeros((X_HS, 128), jnp.float32)
    agmat = agmat.at[:, 0].set(ag[:X_HS]).at[:, 1].set(ag[X_HS:])
    f["agmat"] = agmat
    f["ppij_row"] = jnp.zeros((1, 128), jnp.float32).at[0, :3].set(p["pij"][0, 0])
    p1 = p["Pij_model"][0]["W"] * IBN
    f["p1_pad_t"] = jnp.zeros((128, 8), jnp.float32).at[:3, :].set(p1.T)
    f["p2_t"] = (p["Pij_model"][1]["W"] * IBN).T
    W = p["global_model"][0]["W"] * IBN
    f["g1_u_t"] = W[:, :u_ind].T
    f["g1_o_t"] = W[:, u_ind:].T
    f["g2_t"] = (p["global_model"][1]["W"] * IBN).T
    f["g3_t"] = (p["global_model"][2]["W"] * IBN).T
    W = p["global_mlp"][0]["W"] * IBN
    f["q1_u_t"] = W[:, :u_ind].T
    f["q1_o_t"] = W[:, u_ind:].T
    f["q2_t"] = (p["global_mlp"][1]["W"] * IBN).T
    f["q2_b"] = (p["global_mlp"][1]["b"] * IBN)[None, :]
    return f



def _full(shape):
    return pl.BlockSpec(shape, lambda *k: tuple(0 for _ in shape))


def _tc_pre_body(x_ref, b3_ref, u_ref, wi_ref, wj_ref, emu_ref, nmu_ref,
                 pd_ref, ps_ref, nu_ref):
    xb = x_ref[...]
    pd_ref[...] = jnp.dot(xb, wi_ref[...], preferred_element_type=jnp.float32)
    bblk = b3_ref[0, 0, :]
    oh = (bblk[:, None] == lax.broadcasted_iota(jnp.int32, (NB, N_GRAPHS), 1)
          ).astype(jnp.float32)
    uw = jnp.dot(u_ref[...], emu_ref[...], preferred_element_type=jnp.float32)
    ps_ref[...] = (jnp.dot(xb, wj_ref[...], preferred_element_type=jnp.float32)
                   + jnp.dot(oh, uw, preferred_element_type=jnp.float32))
    nw = jnp.dot(u_ref[...], nmu_ref[...], preferred_element_type=jnp.float32)
    nu_ref[...] = jnp.dot(oh, nw, preferred_element_type=jnp.float32)


def _tc_pre(x, batch3, u, f, xd):
    return pl.pallas_call(
        _tc_pre_body,
        grid=(N_GRID,),
        in_specs=[
            pl.BlockSpec((NB, xd), lambda k: (k, 0)),
            pl.BlockSpec((1, 1, NB), lambda k: (k, 0, 0)),
            _full((N_GRAPHS, U_IND)),
            _full((xd, X_HS)), _full((xd, X_HS)),
            _full((U_IND, X_HS)), _full((U_IND, X_HS)),
        ],
        out_specs=[pl.BlockSpec((NB, X_HS), lambda k: (k, 0))] * 3,
        out_shape=[jax.ShapeDtypeStruct((N_NODES, X_HS), jnp.float32)] * 3,
        interpret=_INTERPRET,
    )(x, batch3, u, f["em1_i_t"], f["em1_j_t"], f["em1_u_t"], f["nm1_u_t"])


def _tc_edge_body(ga_ref, gb_ref, ea_ref, d3_ref, we_ref, w2_ref, me_ref,
                  mo_ref, m2_ref, mb_ref, ean_ref, *, ed):
    dv = d3_ref[0, 0, :][:, None]
    ea = ea_ref[:, :ed]
    h1 = _elu(ga_ref[...] + gb_ref[...]
              + jnp.dot(ea * dv, we_ref[...], preferred_element_type=jnp.float32))
    eo = jnp.dot(h1, w2_ref[...], preferred_element_type=jnp.float32)
    m = _elu(jnp.dot(ea, me_ref[...], preferred_element_type=jnp.float32)
             + jnp.dot(eo, mo_ref[...], preferred_element_type=jnp.float32))
    ean = jnp.dot(m, m2_ref[...], preferred_element_type=jnp.float32) + mb_ref[0, :]
    ean_ref[...] = jnp.concatenate([ean, ean * dv], axis=1)


def _tc_edge(ga, gb, ea, d3, f, ed):
    ea_cols = ea.shape[1]
    return pl.pallas_call(
        functools.partial(_tc_edge_body, ed=ed),
        grid=(E_GRID,),
        in_specs=[
            pl.BlockSpec((EB, X_HS), lambda k: (k, 0)),
            pl.BlockSpec((EB, X_HS), lambda k: (k, 0)),
            pl.BlockSpec((EB, ea_cols), lambda k: (k, 0)),
            pl.BlockSpec((1, 1, EB), lambda k: (k, 0, 0)),
            _full((ed, X_HS)), _full((X_HS, X_HS)), _full((ed, X_HS)),
            _full((X_HS, X_HS)), _full((X_HS, X_HS)), _full((1, X_HS)),
        ],
        out_specs=pl.BlockSpec((EB, 2 * X_HS), lambda k: (k, 0)),
        out_shape=jax.ShapeDtypeStruct((E_PAD, 2 * X_HS), jnp.float32),
        interpret=_INTERPRET,
    )(ga, gb, ea, d3, f["em1_e_t"], f["em2_t"], f["mm1_e_t"], f["mm1_o_t"],
      f["mm2_t"], f["mm2_b"])


def _tc_node_body(x_ref, nu_ref, agg_ref, pij_ref, nmx_ref, nma_ref, nm2_ref,
                  npx_ref, npo_ref, np2_ref, npb_ref, agm_ref, ppr_ref,
                  p1_ref, p2_ref, xn_ref, p3_ref, aux_ref):
    xb = x_ref[...]
    agg = agg_ref[0, :, X_HS:] + agg_ref[1, :, X_HS:]
    h = _elu(jnp.dot(xb, nmx_ref[...], preferred_element_type=jnp.float32)
             + nu_ref[...]
             + jnp.dot(agg, nma_ref[...], preferred_element_type=jnp.float32))
    x_out = jnp.dot(h, nm2_ref[...], preferred_element_type=jnp.float32)
    h2 = _elu(jnp.dot(xb, npx_ref[...], preferred_element_type=jnp.float32)
              + jnp.dot(x_out, npo_ref[...], preferred_element_type=jnp.float32))
    x_new = jnp.dot(h2, np2_ref[...], preferred_element_type=jnp.float32) + npb_ref[0, :]
    xn_ref[...] = x_new
    pij = pij_ref[...]
    p3h = _elu(jnp.dot(pij, p1_ref[...], preferred_element_type=jnp.float32))
    p3_ref[...] = jnp.dot(p3h, p2_ref[...], preferred_element_type=jnp.float32)
    pd = jnp.sum(pij * ppr_ref[0, :][None, :], axis=1)
    pe = jnp.exp(_lrelu(pd))
    col2 = (lax.broadcasted_iota(jnp.int32, (1, 128), 1) == 2).astype(jnp.float32)
    aux_ref[...] = (jnp.dot(x_new, agm_ref[...], preferred_element_type=jnp.float32)
                    + pe[:, None] * col2)


def _tc_node(x, nu, agg, pijp, f, xd):
    return pl.pallas_call(
        _tc_node_body,
        grid=(N_GRID,),
        in_specs=[
            pl.BlockSpec((NB, xd), lambda k: (k, 0)),
            pl.BlockSpec((NB, X_HS), lambda k: (k, 0)),
            pl.BlockSpec((NC, NB, 2 * X_HS), lambda k: (0, k, 0)),
            pl.BlockSpec((NB, 128), lambda k: (k, 0)),
            _full((xd, X_HS)), _full((X_HS, X_HS)), _full((X_HS, X_HS)),
            _full((xd, X_HS)), _full((X_HS, X_HS)), _full((X_HS, X_HS)),
            _full((1, X_HS)), _full((X_HS, 128)), _full((1, 128)),
            _full((128, 8)), _full((8, X_HS)),
        ],
        out_specs=[
            pl.BlockSpec((NB, X_HS), lambda k: (k, 0)),
            pl.BlockSpec((NB, X_HS), lambda k: (k, 0)),
            pl.BlockSpec((NB, 128), lambda k: (k, 0)),
        ],
        out_shape=[
            jax.ShapeDtypeStruct((N_NODES, X_HS), jnp.float32),
            jax.ShapeDtypeStruct((N_NODES, X_HS), jnp.float32),
            jax.ShapeDtypeStruct((N_NODES, 128), jnp.float32),
        ],
        interpret=_INTERPRET,
    )(x, nu, agg, pijp, f["nm1_x_t"], f["nm1_a_t"], f["nm2_t"], f["np1_x_t"],
      f["np1_o_t"], f["np2_t"], f["np2_b"], f["agmat"], f["ppij_row"],
      f["p1_pad_t"], f["p2_t"])


def _tc_graph_body(w3_ref, p3_ref, xn_ref, b3_ref, bp3_ref, u_ref,
                   g1u_ref, g1o_ref, g2_ref, g3_ref, q1u_ref, q1o_ref,
                   q2_ref, q2b_ref, un_ref, xs_ref, accu_ref, accx_ref):
    k = pl.program_id(0)

    @pl.when(k == 0)
    def _init():
        accu_ref[...] = jnp.zeros_like(accu_ref)
        accx_ref[...] = jnp.zeros_like(accx_ref)

    wv = w3_ref[0, 0, :][:, None]
    y = wv * p3_ref[...] * xn_ref[...]
    bblk = b3_ref[0, 0, :]
    oh = (bblk[:, None] == lax.broadcasted_iota(jnp.int32, (NB, N_GRAPHS), 1)
          ).astype(jnp.float32)
    accu_ref[...] += lax.dot_general(oh, y, (((0,), (0,)), ((), ())),
                                     preferred_element_type=jnp.float32)
    first = (bblk != bp3_ref[0, 0, :]).astype(jnp.float32)
    foh = oh * first[:, None]
    accx_ref[...] += lax.dot_general(foh, xn_ref[...], (((0,), (0,)), ((), ())),
                                     preferred_element_type=jnp.float32)

    @pl.when(k == N_GRID - 1)
    def _fin():
        u = u_ref[...]
        u_out0 = accu_ref[...]
        g1 = _elu(jnp.dot(u, g1u_ref[...], preferred_element_type=jnp.float32)
                  + jnp.dot(u_out0, g1o_ref[...], preferred_element_type=jnp.float32))
        g2 = _elu(jnp.dot(g1, g2_ref[...], preferred_element_type=jnp.float32))
        u_out = jnp.dot(g2, g3_ref[...], preferred_element_type=jnp.float32)
        q = _elu(jnp.dot(u, q1u_ref[...], preferred_element_type=jnp.float32)
                 + jnp.dot(u_out, q1o_ref[...], preferred_element_type=jnp.float32))
        un_ref[...] = (jnp.dot(q, q2_ref[...], preferred_element_type=jnp.float32)
                       + q2b_ref[0, :])
        xs_ref[...] = accx_ref[...]


def _tc_graph(w3, pij3, x_new, batch3, bprev3, u, f):
    return pl.pallas_call(
        _tc_graph_body,
        grid=(N_GRID,),
        in_specs=[
            pl.BlockSpec((1, 1, NB), lambda k: (k, 0, 0)),
            pl.BlockSpec((NB, X_HS), lambda k: (k, 0)),
            pl.BlockSpec((NB, X_HS), lambda k: (k, 0)),
            pl.BlockSpec((1, 1, NB), lambda k: (k, 0, 0)),
            pl.BlockSpec((1, 1, NB), lambda k: (k, 0, 0)),
            _full((N_GRAPHS, U_IND)),
            _full((U_IND, X_HS)), _full((X_HS, X_HS)), _full((X_HS, X_HS)),
            _full((X_HS, X_HS)), _full((U_IND, X_HS)), _full((X_HS, X_HS)),
            _full((X_HS, X_HS)), _full((1, X_HS)),
        ],
        out_specs=[_full((N_GRAPHS, X_HS)), _full((N_GRAPHS, X_HS))],
        out_shape=[jax.ShapeDtypeStruct((N_GRAPHS, X_HS), jnp.float32)] * 2,
        scratch_shapes=[pltpu.VMEM((N_GRAPHS, X_HS), jnp.float32)] * 2,
        interpret=_INTERPRET,
    )(w3, pij3, x_new, batch3, bprev3, u, f["g1_u_t"], f["g1_o_t"], f["g2_t"],
      f["g3_t"], f["q1_u_t"], f["q1_o_t"], f["q2_t"], f["q2_b"])


def _tc_final_body(xs_ref, ub_ref, w1_ref, b1_ref, wd_ref, bd_ref, out_ref):
    h = jnp.concatenate([xs_ref[i] for i in range(NLAYERS)]
                        + [ub_ref[i] for i in range(NLAYERS)], axis=1)
    y = _elu(jnp.dot(h, w1_ref[...], preferred_element_type=jnp.float32)
             + b1_ref[0, :])
    z = jnp.dot(y, wd_ref[...], preferred_element_type=jnp.float32) + bd_ref[0, :]
    out_ref[...] = 1.0 / (1.0 + jnp.exp(-z))


def _tc_final(xs, ub, w1t, b1, wd, bd):
    return pl.pallas_call(
        _tc_final_body,
        in_specs=[
            _full((NLAYERS, N_GRAPHS, X_HS)), _full((NLAYERS, N_GRAPHS, X_HS)),
            _full((NLAYERS * 2 * X_HS, X_HS)), _full((1, X_HS)),
            _full((X_HS, 128)), _full((1, 128)),
        ],
        out_specs=_full((N_GRAPHS, 128)),
        out_shape=jax.ShapeDtypeStruct((N_GRAPHS, 128), jnp.float32),
        interpret=_INTERPRET,
    )(xs, ub, w1t, b1, wd, bd)



@functools.cache
def _make_sc_gather():
    mesh = plsc.VectorSubcoreMesh(core_axis_name="c", subcore_axis_name="s")
    return pl.kernel(
        _sc_gather_body, mesh=mesh,
        compiler_params=pltpu.CompilerParams(use_tc_tiling_on_sc=False),
        out_type=[jax.ShapeDtypeStruct((E_PAD, X_HS), jnp.float32),
                  jax.ShapeDtypeStruct((E_PAD, X_HS), jnp.float32)],
        scratch_types=[
            pltpu.VMEM((SC_CH,), jnp.int32), pltpu.VMEM((SC_CH,), jnp.int32),
            pltpu.VMEM((SC_CH, X_HS), jnp.float32),
            pltpu.VMEM((SC_CH, X_HS), jnp.float32),
            pltpu.SemaphoreType.DMA, pltpu.SemaphoreType.DMA,
        ],
    )


def _sc_gather(pd, ps, dst, src):
    return _make_sc_gather()(pd, ps, dst, src)


def _sc_gather_body(pd_hbm, ps_hbm, dst_hbm, src_hbm, ga_hbm, gb_hbm,
                    idx_a, idx_b, rows_a, rows_b, sem_a, sem_b):
    wid = lax.axis_index("s") * NC + lax.axis_index("c")
    per_w = E_PAD // NW

    def body(c, carry):
        base = wid * per_w + c * SC_CH
        pltpu.sync_copy(dst_hbm.at[pl.ds(base, SC_CH)], idx_a)
        pltpu.sync_copy(src_hbm.at[pl.ds(base, SC_CH)], idx_b)
        cp_a = pltpu.async_copy(pd_hbm.at[idx_a], rows_a, sem_a)
        cp_b = pltpu.async_copy(ps_hbm.at[idx_b], rows_b, sem_b)
        cp_a.wait()
        cp_b.wait()
        pltpu.sync_copy(rows_a, ga_hbm.at[pl.ds(base, SC_CH)])
        pltpu.sync_copy(rows_b, gb_hbm.at[pl.ds(base, SC_CH)])
        return carry

    lax.fori_loop(0, SC_NBATCH, body, 0)


@functools.cache
def _make_sc_scatter():
    mesh = plsc.VectorSubcoreMesh(core_axis_name="c", subcore_axis_name="s")
    return pl.kernel(
        _sc_scatter_body, mesh=mesh,
        out_type=jax.ShapeDtypeStruct((NC, N_NODES, 2 * X_HS), jnp.float32),
        scratch_types=[
            pltpu.VMEM((SC_NBATCH, SC_CH), jnp.int32),
            pltpu.VMEM((SC_CH, 2 * X_HS), jnp.float32),
            pltpu.VMEM_SHARED((N_NODES, 2 * X_HS), jnp.float32),
        ],
    )


def _sc_scatter(src2, sc_in, zeros):
    return _make_sc_scatter()(src2, sc_in, zeros)


def _sc_scatter_body(src2_hbm, scin_hbm, zeros_hbm, out_hbm, idx_v, rows_v, acc):
    cid = lax.axis_index("c")
    sid = lax.axis_index("s")
    wid = sid * NC + cid
    rpt = 1000

    @pl.when(sid < N_NODES // rpt)
    def _init():
        pltpu.sync_copy(zeros_hbm.at[pl.ds(sid * rpt, rpt)],
                        acc.at[pl.ds(sid * rpt, rpt)])

    pltpu.sync_copy(src2_hbm.at[pl.ds(wid * SC_NBATCH, SC_NBATCH)], idx_v)
    plsc.subcore_barrier()

    def body(b, carry):
        base = (wid * SC_NBATCH + b) * SC_CH
        pltpu.sync_copy(scin_hbm.at[pl.ds(base, SC_CH)], rows_v)
        pltpu.sync_copy(rows_v, acc.at[idx_v.at[b]], add=True)
        return carry

    lax.fori_loop(0, SC_NBATCH, body, 0)
    plsc.subcore_barrier()

    @pl.when(sid < N_NODES // rpt)
    def _out():
        pltpu.sync_copy(acc.at[pl.ds(sid * rpt, rpt)],
                        out_hbm.at[cid, pl.ds(sid * rpt, rpt)])


@functools.cache
def _make_sc_att():
    mesh = plsc.VectorSubcoreMesh(core_axis_name="c", subcore_axis_name="s")
    return pl.kernel(
        _sc_att_body, mesh=mesh,
        compiler_params=pltpu.CompilerParams(needs_layout_passes=False),
        out_type=jax.ShapeDtypeStruct((N_NODES,), jnp.float32),
        scratch_types=[
            pltpu.VMEM((N_NODES,), jnp.float32),
            pltpu.VMEM((N_NODES,), jnp.float32),
            pltpu.VMEM((N_NODES,), jnp.float32),
            pltpu.VMEM((N_NODES,), jnp.float32),
            pltpu.VMEM((N_NODES,), jnp.int32),
            pltpu.VMEM((N_NODES,), jnp.int32),
            pltpu.VMEM((N_NODES,), jnp.float32),
            pltpu.VMEM((N_NODES,), jnp.float32),
            pltpu.VMEM((N_NODES,), jnp.float32),
            pltpu.VMEM((N_NODES,), jnp.float32),
        ],
    )


def _sc_att(a0, a1, pe, wijv, gi0, gi1):
    return _make_sc_att()(a0, a1, pe, wijv, gi0, gi1)


def _sc_att_body(a0_hbm, a1_hbm, pe_hbm, wij_hbm, gi0_hbm, gi1_hbm, w_hbm,
                 va0, va1, vpe, vwij, vg0, vg1, vatt, vca, vcp, vw):
    cid = lax.axis_index("c")
    sid = lax.axis_index("s")

    @pl.when(jnp.logical_and(cid == 0, sid == 0))
    def _run():
        pltpu.sync_copy(a0_hbm, va0)
        pltpu.sync_copy(a1_hbm, va1)
        pltpu.sync_copy(pe_hbm, vpe)
        pltpu.sync_copy(wij_hbm, vwij)
        pltpu.sync_copy(gi0_hbm, vg0)
        pltpu.sync_copy(gi1_hbm, vg1)
        zero = jnp.zeros((16,), jnp.float32)

        def zbody(i, carry):
            vca[pl.ds(i * 16, 16)] = zero
            vcp[pl.ds(i * 16, 16)] = zero
            return carry

        lax.fori_loop(0, N_NODES // 16, zbody, 0)

        def accum(i, carry):
            s = pl.ds(i * 16, 16)
            g0 = vg0[s]
            g1 = vg1[s]
            t = plsc.load_gather(va0, [g0]) + plsc.load_gather(va1, [g1])
            e = jnp.exp(jnp.where(t >= 0, t, NEG_SLOPE * t))
            vatt[s] = e
            plsc.addupdate_scatter(vca, [g0], e)
            plsc.addupdate_scatter(vcp, [g0], vpe[s])
            return carry

        lax.fori_loop(0, N_NODES // 16, accum, 0)

        def norm(i, carry):
            s = pl.ds(i * 16, 16)
            g0 = vg0[s]
            sa = plsc.load_gather(vca, [g0])
            sp = plsc.load_gather(vcp, [g0])
            vw[s] = (vatt[s] / (sa + 1e-16) + vwij[s]
                     + vpe[s] / (sp + 1e-16)) * (1.0 / 3.0)
            return carry

        lax.fori_loop(0, N_NODES // 16, norm, 0)
        pltpu.sync_copy(vw, w_hbm)



def kernel(x, dij, edge_index, edge_attr, global_index, wij, Pij, u, batch,
           pos, params):
    npad = E_PAD - N_EDGES
    src = jnp.pad(edge_index[0].astype(jnp.int32), (0, npad))
    dst = jnp.pad(edge_index[1].astype(jnp.int32), (0, npad))
    d3 = jnp.pad(dij[:, 0], (0, npad)).reshape(E_GRID, 1, EB)
    ea = jnp.pad(edge_attr, ((0, npad), (0, 0)))
    src2 = src.reshape(E_PAD // SC_CH, SC_CH)
    batch = batch.astype(jnp.int32)
    batch3 = batch.reshape(N_GRID, 1, NB)
    bprev = jnp.concatenate([jnp.full((1,), -1, jnp.int32), batch[:-1]])
    bprev3 = bprev.reshape(N_GRID, 1, NB)
    gi0 = global_index[0].astype(jnp.int32)
    gi1 = global_index[1].astype(jnp.int32)
    wijv = wij[:, 0]
    pijp = jnp.pad(Pij, ((0, 0), (0, 128 - 3)))
    zeros_n128 = jnp.zeros((N_NODES, 2 * X_HS), jnp.float32)

    x_self, glob = [], []
    for l in range(NLAYERS):
        xd = X_IND if l == 0 else X_HS
        ed = EDGE_IND if l == 0 else X_HS
        f = _fold_layer(params["layers"][l], xd, ed, U_IND)
        p_dst, p_src, nu = _tc_pre(x, batch3, u, f, xd)
        ga, gb = _sc_gather(p_dst, p_src, dst, src)
        ean_pk = _tc_edge(ga, gb, ea, d3, f, ed)
        agg = _sc_scatter(src2, ean_pk, zeros_n128)
        x_new, pij3, aux = _tc_node(x, nu, agg, pijp, f, xd)
        w = _sc_att(aux[:, 0], aux[:, 1], aux[:, 2], wijv, gi0, gi1)
        w3 = w.reshape(N_GRID, 1, NB)
        u_new, xs = _tc_graph(w3, pij3, x_new, batch3, bprev3, u, f)
        x_self.append(xs)
        glob.append(u_new)
        x, u, ea = x_new, u_new, ean_pk

    c = params["clf"]
    w1t = (c["W1"] * IBN).T
    b1 = (c["b1"] * IBN)[None, :]
    wd = jnp.zeros((X_HS, 128), jnp.float32).at[:, 0].set(c["W2"][1] - c["W2"][0])
    bd = jnp.zeros((1, 128), jnp.float32).at[0, 0].set(c["b2"][1] - c["b2"][0])
    out = _tc_final(jnp.stack(x_self), jnp.stack(glob), w1t, b1, wd, bd)
    return out[:, 0]

# --- scband reference (transcript-rebuilt; emitter-appended) ---
"""Pipeline reference for scband-gat-56246891708452 (READ-ONLY COPY).

The authoritative reference and input builder live on the scoring server;
editing this copy changes nothing except your own understanding.
"""

import jax, jax.numpy as jnp
import numpy as np

HEADS = 1
X_IND = 128
X_HS = 64
U_IND = 64
EDGE_IND = 16
NLAYERS = 4
N_NODES = 10000
N_EDGES = 160000
N_GRAPHS = 64
NEG_SLOPE = 0.2
BN_EPS = 1e-5


def _conv(key, cin, cout, bias):
    W = jax.random.normal(key, (cout, cin), dtype=jnp.float32) * (1.0 / np.sqrt(cin))
    b = jnp.zeros((cout,), jnp.float32) if bias else None
    return {"W": W, "b": b}


def _layer_params(key, x_ind, x_hs, u_ind, edge_ind):
    ks = jax.random.split(key, 17)
    p = {}
    p["edge_model"] = [_conv(ks[0], 2 * x_ind + edge_ind + u_ind, x_hs, False), _conv(ks[1], x_hs, x_hs, False)]
    p["edge_mlp"] = [_conv(ks[2], x_hs + edge_ind, x_hs, False), _conv(ks[3], x_hs, x_hs, True)]
    p["node_model"] = [_conv(ks[4], x_ind + u_ind + x_hs, x_hs, False), _conv(ks[5], x_hs, x_hs, False)]
    p["node_mlp"] = [_conv(ks[6], x_hs + x_ind, x_hs, False), _conv(ks[7], x_hs, x_hs, True)]
    p["Pij_model"] = [_conv(ks[8], 3, 8, False), _conv(ks[9], 8, x_hs, False)]
    p["global_model"] = [_conv(ks[10], u_ind + x_hs, x_hs, False), _conv(ks[11], x_hs, x_hs, False), _conv(ks[12], x_hs, x_hs, False)]
    p["global_mlp"] = [_conv(ks[13], x_hs + u_ind, x_hs, False), _conv(ks[14], x_hs, x_hs, True)]
    p["att_global"] = jax.random.normal(ks[15], (1, HEADS, 2 * x_hs), dtype=jnp.float32) * 0.1
    p["pij"] = jax.random.normal(ks[16], (1, HEADS, 3), dtype=jnp.float32) * 0.1
    return p


def _make_params(key):
    ks = jax.random.split(key, NLAYERS + 2)
    layers = [_layer_params(ks[0], X_IND, X_HS, U_IND, EDGE_IND)]
    for i in range(1, NLAYERS):
        layers.append(_layer_params(ks[i], X_HS, X_HS, X_HS, X_HS))
    d_in = X_HS * NLAYERS * 2
    clf = {
        "W1": jax.random.normal(ks[NLAYERS], (X_HS, d_in), dtype=jnp.float32) * (1.0 / np.sqrt(d_in)),
        "b1": jnp.zeros((X_HS,), jnp.float32),
        "W2": jax.random.normal(ks[NLAYERS + 1], (2, X_HS), dtype=jnp.float32) * (1.0 / np.sqrt(X_HS)),
        "b2": jnp.zeros((2,), jnp.float32),
    }
    return {"layers": layers, "clf": clf}


def _bn(x):
    # eval-mode BatchNorm1d with default running stats (mean=0, var=1, gamma=1, beta=0)
    return x / jnp.sqrt(1.0 + BN_EPS)


def _cv(layer, x):
    # Conv1d(kernel_size=1) applied on tensor laid out as [L, heads, Cin]
    y = jnp.einsum('lhc,oc->lho', x, layer["W"])
    if layer["b"] is not None:
        y = y + layer["b"]
    return y


def _seq2(ls, x):
    # Conv, BN, ELU, Dropout(eval=id), Conv, BN
    x = jax.nn.elu(_bn(_cv(ls[0], x)))
    return _bn(_cv(ls[1], x))


def _seq3(ls, x):
    # Conv, BN, ELU, Drop, Conv, BN, ELU, Drop, Conv, BN
    x = jax.nn.elu(_bn(_cv(ls[0], x)))
    x = jax.nn.elu(_bn(_cv(ls[1], x)))
    return _bn(_cv(ls[2], x))


def _seg_softmax(x, seg, num_segments):
    m = jax.ops.segment_max(x, seg, num_segments=num_segments)
    m = jnp.where(jnp.isfinite(m), m, 0.0)
    e = jnp.exp(x - m[seg])
    s = jax.ops.segment_sum(e, seg, num_segments=num_segments)
    return e / (s[seg] + 1e-16)


def _gatconv(p, x, dij, edge_index, edge_attr, global_index, wij, Pij, u, batch):
    N = x.shape[0]
    x_ind = x.shape[1]
    edge_ind = edge_attr.shape[1]
    u_ind = u.shape[1]
    x3 = jnp.tile(x, (1, HEADS)).reshape(-1, HEADS, x_ind)
    ea3 = jnp.tile(edge_attr, (1, HEADS)).reshape(-1, HEADS, edge_ind)
    u3 = jnp.tile(u, (1, HEADS)).reshape(-1, HEADS, u_ind)
    d3 = jnp.tile(dij, (1, HEADS)).reshape(-1, HEADS, 1)
    src = edge_index[0]  # j (source, PyG flow source_to_target)
    dst = edge_index[1]  # i (target)
    x_i = x3[dst]
    x_j = x3[src]
    u_b = u3[batch]
    edge_in = jnp.concatenate([x_i, x_j, ea3 * d3, u_b[src]], axis=-1)
    edge_attr_out = _seq2(p["edge_model"], edge_in)
    ea_new = _seq2(p["edge_mlp"], jnp.concatenate([ea3, edge_attr_out], axis=-1))
    agg = jax.ops.segment_sum(ea_new * d3, src, num_segments=N)
    x_out = _seq2(p["node_model"], jnp.concatenate([x3, u_b, agg], axis=-1))
    x_new = _seq2(p["node_mlp"], jnp.concatenate([x3, x_out], axis=-1))
    gi0 = global_index[0]
    gi1 = global_index[1]
    att = (jnp.concatenate([x_new[gi0], x_new[gi1]], axis=-1) * p["att_global"]).sum(-1)
    att = jax.nn.leaky_relu(att, NEG_SLOPE)
    att = _seg_softmax(att, gi0, N)
    pij_w = (jnp.tile(Pij[:, None, :], (1, HEADS, 1)) * p["pij"]).sum(-1)
    pij_w = _seg_softmax(jax.nn.leaky_relu(pij_w, NEG_SLOPE), gi0, N)
    wij_h = jnp.tile(wij, (1, HEADS))
    w = jnp.concatenate([att, wij_h, pij_w], axis=-1).mean(-1)[:, None, None]
    w = jnp.tile(w, (1, HEADS, 1))
    Pij3 = _seq2(p["Pij_model"], jnp.tile(Pij[:, None, :], (1, HEADS, 1)))
    u_out = jax.ops.segment_sum(w * Pij3 * x_new, batch, num_segments=N_GRAPHS)
    u_out = _seq3(p["global_model"], jnp.concatenate([u3, u_out], axis=-1))
    u_new = _seq2(p["global_mlp"], jnp.concatenate([u3, u_out], axis=-1))
    return x_new.mean(1), u_new.mean(1), ea_new.mean(1)


def _gat_forward(params, x, dij, edge_index, edge_attr, global_index, wij, Pij, u, batch, pos):
    x_self = []
    glob = []
    for l in range(NLAYERS):
        x, u, edge_attr = _gatconv(params["layers"][l], x, dij, edge_index, edge_attr, global_index, wij, Pij, u, batch)
        # to_dense_batch(...)[:, 0, :] == first node of each graph (batch is sorted)
        idx = jnp.searchsorted(batch, jnp.arange(N_GRAPHS))
        idxc = jnp.clip(idx, 0, x.shape[0] - 1)
        valid = (idx < x.shape[0]) & (batch[idxc] == jnp.arange(N_GRAPHS))
        x_self.append(jnp.where(valid[:, None], x[idxc], 0.0))
        glob.append(u)
    h = jnp.concatenate([jnp.concatenate(x_self, axis=1), jnp.concatenate(glob, axis=1)], axis=1)
    c = params["clf"]
    h = h @ c["W1"].T + c["b1"]
    h = jax.nn.elu(_bn(h))
    h = h @ c["W2"].T + c["b2"]
    out = jax.nn.softmax(h, axis=-1)
    return out[:, -1]


def setup_inputs(seed: int = 0) -> dict:
    key = jax.random.key(seed)
    ks = jax.random.split(key, 11)
    x = jax.random.normal(ks[0], (N_NODES, X_IND), dtype=jnp.float32)
    dij = jax.random.uniform(ks[1], (N_EDGES, 1), dtype=jnp.float32)
    edge_index = jax.random.randint(ks[2], (2, N_EDGES), 0, N_NODES)
    edge_attr = jax.random.normal(ks[3], (N_EDGES, EDGE_IND), dtype=jnp.float32)
    global_index = jax.random.randint(ks[4], (2, N_NODES), 0, N_NODES)
    wij = jax.random.uniform(ks[5], (N_NODES, 1), dtype=jnp.float32)
    Pij = jax.random.normal(ks[6], (N_NODES, 3), dtype=jnp.float32)
    u = jax.random.normal(ks[7], (N_GRAPHS, U_IND), dtype=jnp.float32)
    batch = jnp.sort(jax.random.randint(ks[8], (N_NODES,), 0, N_GRAPHS))
    pos = jax.random.normal(ks[9], (N_NODES, 3), dtype=jnp.float32)
    params = _make_params(ks[10])
    return {"x": x, "dij": dij, "edge_index": edge_index, "edge_attr": edge_attr,
            "global_index": global_index, "wij": wij, "Pij": Pij, "u": u,
            "batch": batch, "pos": pos, "params": params}


def reference(x, dij, edge_index, edge_attr, global_index, wij, Pij, u, batch, pos, params):
    return _gat_forward(params, x, dij, edge_index, edge_attr, global_index, wij, Pij, u, batch, pos)

if __name__ == "__main__":
    import jax
    _d = setup_inputs()
    print(jax.jit(kernel)(*tuple(_d.values())))

</pallas_src>

<mosaic_0001>
#map = affine_map<(d0, d1) -> (0, 0)>
#map1 = affine_map<(d0, d1) -> (0, 0, 0)>
module attributes {stable_mosaic.version = 14 : i64} {
  func.func @_sc_scatter_body(%arg0: i32, %arg1: i32, %arg2: memref<1280x128xi32, #tpu.memory_space<hbm>>, %arg3: memref<163840x128xf32, #tpu.memory_space<hbm>>, %arg4: memref<10000x128xf32, #tpu.memory_space<hbm>>, %arg5: memref<2x10000x128xf32, #tpu.memory_space<hbm>>, %arg6: memref<40x128xi32, #tpu.memory_space<vmem>>, %arg7: memref<128x128xf32, #tpu.memory_space<vmem>>, %arg8: memref<10000x128xf32, #tpu.memory_space<vmem_shared>>) attributes {dimension_semantics = [#tpu.dimension_semantics<core_parallel>, #tpu.dimension_semantics<subcore_parallel>], iteration_bounds = array<i64: 2, 16>, scalar_prefetch = 0 : i64, scratch_operands = 3 : i64, tpu.core_type = #tpu.core_type<sc_vector_subcore>, window_params = [{transform_indices = #map}, {transform_indices = #map}, {transform_indices = #map}, {transform_indices = #map1}]} {
    %mul3A = arith.constant 2 : i32
    %mul3A_0 = arith.muli %arg1, %mul3A : i32
    %add3A = arith.addi %mul3A_0, %arg0 : i32
    %lt3A = arith.constant 10 : i32
    %lt3A_1 = arith.cmpi slt, %arg1, %lt3A : i32
    %convert_element_type3A = arith.extui %lt3A_1 : i1 to i32
    %cond3A = arith.constant 0 : i32
    %cond3A_2 = arith.cmpi ne, %convert_element_type3A, %cond3A : i32
    scf.if %cond3A_2 {
      %mul3A_16 = arith.constant 1000 : i32
      %mul3A_17 = arith.muli %arg1, %mul3A_16 : i32
      %mul3A_18 = arith.constant 1000 : i32
      %mul3A_19 = arith.muli %arg1, %mul3A_18 : i32
      "tpu.region"() ({
        %run_scoped3A = tpu.sem_alloc : memref<!tpu.dma_semaphore, #tpu.memory_space<semaphore_mem>>
        %dma_start3A = arith.constant 0 : i32
        %dma_start3A_20 = tpu.memref_slice %arg8[%mul3A_19, %dma_start3A] : memref<10000x128xf32, #tpu.memory_space<vmem_shared>> -> memref<1000x128xf32, #tpu.memory_space<vmem_shared>>
        %dma_start3A_21 = arith.constant 0 : i32
        %dma_start3A_22 = tpu.memref_slice %arg4[%mul3A_17, %dma_start3A_21] : memref<10000x128xf32, #tpu.memory_space<hbm>> -> memref<1000x128xf32, #tpu.memory_space<hbm>>
        tpu.enqueue_dma source(%dma_start3A_22 : memref<1000x128xf32, #tpu.memory_space<hbm>>) target(%dma_start3A_20 : memref<1000x128xf32, #tpu.memory_space<vmem_shared>>) target_semaphore(%run_scoped3A : memref<!tpu.dma_semaphore, #tpu.memory_space<semaphore_mem>>)
        %dma_wait3A = arith.constant 0 : i32
        %dma_wait3A_23 = tpu.memref_slice %arg8[%mul3A_19, %dma_wait3A] : memref<10000x128xf32, #tpu.memory_space<vmem_shared>> -> memref<1000x128xf32, #tpu.memory_space<vmem_shared>>
        %dma_wait3A_24 = arith.constant 0 : i32
        %dma_wait3A_25 = tpu.memref_slice %arg4[%mul3A_17, %dma_wait3A_24] : memref<10000x128xf32, #tpu.memory_space<hbm>> -> memref<1000x128xf32, #tpu.memory_space<hbm>>
        tpu.wait_dma2 semaphore(%run_scoped3A : memref<!tpu.dma_semaphore, #tpu.memory_space<semaphore_mem>>) src(%dma_wait3A_25 : memref<1000x128xf32, #tpu.memory_space<hbm>>) dst(%dma_wait3A_23 : memref<1000x128xf32, #tpu.memory_space<vmem_shared>>)
        tpu.yield
      }) : () -> ()
    } else {
    }
    %mul3A_3 = arith.constant 40 : i32
    %mul3A_4 = arith.muli %add3A, %mul3A_3 : i32
    "tpu.region"() ({
      %run_scoped3A = tpu.sem_alloc : memref<!tpu.dma_semaphore, #tpu.memory_space<semaphore_mem>>
      %dma_start3A = arith.constant 0 : i32
      %dma_start3A_16 = tpu.memref_slice %arg2[%mul3A_4, %dma_start3A] : memref<1280x128xi32, #tpu.memory_space<hbm>> -> memref<40x128xi32, #tpu.memory_space<hbm>>
      %dma_start3A_17 = arith.constant 0 : i32
      %dma_start3A_18 = tpu.memref_slice %arg2[%mul3A_4, %dma_start3A_17] : memref<1280x128xi32, #tpu.memory_space<hbm>> -> memref<40x128xi32, #tpu.memory_space<hbm>>
      tpu.enqueue_dma source(%dma_start3A_18 : memref<40x128xi32, #tpu.memory_space<hbm>>) target(%arg6 : memref<40x128xi32, #tpu.memory_space<vmem>>) target_semaphore(%run_scoped3A : memref<!tpu.dma_semaphore, #tpu.memory_space<semaphore_mem>>)
      %dma_wait3A = arith.constant 0 : i32
      %dma_wait3A_19 = tpu.memref_slice %arg2[%mul3A_4, %dma_wait3A] : memref<1280x128xi32, #tpu.memory_space<hbm>> -> memref<40x128xi32, #tpu.memory_space<hbm>>
      %dma_wait3A_20 = arith.constant 0 : i32
      %dma_wait3A_21 = tpu.memref_slice %arg2[%mul3A_4, %dma_wait3A_20] : memref<1280x128xi32, #tpu.memory_space<hbm>> -> memref<40x128xi32, #tpu.memory_space<hbm>>
      tpu.wait_dma2 semaphore(%run_scoped3A : memref<!tpu.dma_semaphore, #tpu.memory_space<semaphore_mem>>) src(%dma_wait3A_21 : memref<40x128xi32, #tpu.memory_space<hbm>>) dst(%arg6 : memref<40x128xi32, #tpu.memory_space<vmem>>)
      tpu.yield
    }) : () -> ()
    %barrier3A = arith.constant 0 : index
    tpu.barrier barrier_id(%barrier3A)
    %scan3A = arith.constant 0 : i32
    %scan3A_5 = arith.constant 0 : i32
    %scan3A_6 = arith.constant 40 : i32
    %scan3A_7 = arith.addi %scan3A_5, %scan3A_6 : i32
    %scan3A_8 = arith.constant 1 : i32
    scf.for %scan3A_16 = %scan3A_5 to %scan3A_7 step %scan3A_8  : i32 {
      %mul3A_17 = arith.constant 40 : i32
      %mul3A_18 = arith.muli %add3A, %mul3A_17 : i32
      %add3A_19 = arith.addi %mul3A_18, %scan3A_16 : i32
      %mul3A_20 = arith.constant 128 : i32
      %mul3A_21 = arith.muli %add3A_19, %mul3A_20 : i32
      "tpu.region"() ({
        %run_scoped3A = tpu.sem_alloc : memref<!tpu.dma_semaphore, #tpu.memory_space<semaphore_mem>>
        %dma_start3A = arith.constant 0 : i32
        %dma_start3A_22 = tpu.memref_slice %arg3[%mul3A_21, %dma_start3A] : memref<163840x128xf32, #tpu.memory_space<hbm>> -> memref<128x128xf32, #tpu.memory_space<hbm>>
        %dma_start3A_23 = arith.constant 0 : i32
        %dma_start3A_24 = tpu.memref_slice %arg3[%mul3A_21, %dma_start3A_23] : memref<163840x128xf32, #tpu.memory_space<hbm>> -> memref<128x128xf32, #tpu.memory_space<hbm>>
        tpu.enqueue_dma source(%dma_start3A_24 : memref<128x128xf32, #tpu.memory_space<hbm>>) target(%arg7 : memref<128x128xf32, #tpu.memory_space<vmem>>) target_semaphore(%run_scoped3A : memref<!tpu.dma_semaphore, #tpu.memory_space<semaphore_mem>>)
        %dma_wait3A = arith.constant 0 : i32
        %dma_wait3A_25 = tpu.memref_slice %arg3[%mul3A_21, %dma_wait3A] : memref<163840x128xf32, #tpu.memory_space<hbm>> -> memref<128x128xf32, #tpu.memory_space<hbm>>
        %dma_wait3A_26 = arith.constant 0 : i32
        %dma_wait3A_27 = tpu.memref_slice %arg3[%mul3A_21, %dma_wait3A_26] : memref<163840x128xf32, #tpu.memory_space<hbm>> -> memref<128x128xf32, #tpu.memory_space<hbm>>
        tpu.wait_dma2 semaphore(%run_scoped3A : memref<!tpu.dma_semaphore, #tpu.memory_space<semaphore_mem>>) src(%dma_wait3A_27 : memref<128x128xf32, #tpu.memory_space<hbm>>) dst(%arg7 : memref<128x128xf32, #tpu.memory_space<vmem>>)
        tpu.yield
      }) : () -> ()
      "tpu.region"() ({
        %run_scoped3A = tpu.sem_alloc : memref<!tpu.dma_semaphore, #tpu.memory_space<semaphore_mem>>
        %dma_start3A = arith.constant 0 : i32
        %dma_start3A_22 = tpu.memref_slice %arg6[%scan3A_16, %dma_start3A] : memref<40x128xi32, #tpu.memory_space<vmem>> -> memref<1x128xi32, #tpu.memory_space<vmem>>
        %dma_start3A_23 = tpu.memref_squeeze %dma_start3A_22 : memref<1x128xi32, #tpu.memory_space<vmem>> -> memref<128xi32, #tpu.memory_space<vmem>>
        %dma_start3A_24 = arith.constant 0 : i32
        %dma_start3A_25 = arith.constant 0 : i32
        %dma_start3A_26 = tpu.memref_slice %arg8[%dma_start3A_24, %dma_start3A_25] : memref<10000x128xf32, #tpu.memory_space<vmem_shared>> -> memref<10000x128xf32, #tpu.memory_space<vmem_shared>>
        tpu.enqueue_indirect_dma source(%arg7 : memref<128x128xf32, #tpu.memory_space<vmem>>) target(%dma_start3A_26 : memref<10000x128xf32, #tpu.memory_space<vmem_shared>>) offsets(%dma_start3A_23 : memref<128xi32, #tpu.memory_space<vmem>>) semaphore(%run_scoped3A : memref<!tpu.dma_semaphore, #tpu.memory_space<semaphore_mem>>) {add = true}
        %dma_wait3A = arith.constant 0 : i32
        %dma_wait3A_27 = tpu.memref_slice %arg6[%scan3A_16, %dma_wait3A] : memref<40x128xi32, #tpu.memory_space<vmem>> -> memref<1x128xi32, #tpu.memory_space<vmem>>
        %dma_wait3A_28 = tpu.memref_squeeze %dma_wait3A_27 : memref<1x128xi32, #tpu.memory_space<vmem>> -> memref<128xi32, #tpu.memory_space<vmem>>
        %dma_wait3A_29 = arith.constant 0 : i32
        %dma_wait3A_30 = arith.constant 0 : i32
        %dma_wait3A_31 = tpu.memref_slice %arg8[%dma_wait3A_29, %dma_wait3A_30] : memref<10000x128xf32, #tpu.memory_space<vmem_shared>> -> memref<10000x128xf32, #tpu.memory_space<vmem_shared>>
        tpu.wait_indirect_dma semaphore(%run_scoped3A : memref<!tpu.dma_semaphore, #tpu.memory_space<semaphore_mem>>) src(%arg7 : memref<128x128xf32, #tpu.memory_space<vmem>>) dst(%dma_wait3A_31 : memref<10000x128xf32, #tpu.memory_space<vmem_shared>>)
        tpu.yield
      }) : () -> ()
    }
    %scan3A_9 = arith.constant 40 : i32
    %barrier3A_10 = arith.constant 0 : index
    tpu.barrier barrier_id(%barrier3A_10)
    %lt3A_11 = arith.constant 10 : i32
    %lt3A_12 = arith.cmpi slt, %arg1, %lt3A_11 : i32
    %convert_element_type3A_13 = arith.extui %lt3A_12 : i1 to i32
    %cond3A_14 = arith.constant 0 : i32
    %cond3A_15 = arith.cmpi ne, %convert_element_type3A_13, %cond3A_14 : i32
    scf.if %cond3A_15 {
      %mul3A_16 = arith.constant 1000 : i32
      %mul3A_17 = arith.muli %arg1, %mul3A_16 : i32
      %mul3A_18 = arith.constant 1000 : i32
      %mul3A_19 = arith.muli %arg1, %mul3A_18 : i32
      "tpu.region"() ({
        %run_scoped3A = tpu.sem_alloc : memref<!tpu.dma_semaphore, #tpu.memory_space<semaphore_mem>>
        %dma_start3A = arith.constant 0 : i32
        %dma_start3A_20 = tpu.memref_slice %arg5[%arg0, %mul3A_19, %dma_start3A] : memref<2x10000x128xf32, #tpu.memory_space<hbm>> -> memref<1x1000x128xf32, #tpu.memory_space<hbm>>
        %dma_start3A_21 = tpu.memref_squeeze %dma_start3A_20 : memref<1x1000x128xf32, #tpu.memory_space<hbm>> -> memref<1000x128xf32, #tpu.memory_space<hbm>>
        %dma_start3A_22 = arith.constant 0 : i32
        %dma_start3A_23 = tpu.memref_slice %arg8[%mul3A_17, %dma_start3A_22] : memref<10000x128xf32, #tpu.memory_space<vmem_shared>> -> memref<1000x128xf32, #tpu.memory_space<vmem_shared>>
        tpu.enqueue_dma source(%dma_start3A_23 : memref<1000x128xf32, #tpu.memory_space<vmem_shared>>) target(%dma_start3A_21 : memref<1000x128xf32, #tpu.memory_space<hbm>>) target_semaphore(%run_scoped3A : memref<!tpu.dma_semaphore, #tpu.memory_space<semaphore_mem>>)
        %dma_wait3A = arith.constant 0 : i32
        %dma_wait3A_24 = tpu.memref_slice %arg5[%arg0, %mul3A_19, %dma_wait3A] : memref<2x10000x128xf32, #tpu.memory_space<hbm>> -> memref<1x1000x128xf32, #tpu.memory_space<hbm>>
        %dma_wait3A_25 = tpu.memref_squeeze %dma_wait3A_24 : memref<1x1000x128xf32, #tpu.memory_space<hbm>> -> memref<1000x128xf32, #tpu.memory_space<hbm>>
        %dma_wait3A_26 = arith.constant 0 : i32
        %dma_wait3A_27 = tpu.memref_slice %arg8[%mul3A_17, %dma_wait3A_26] : memref<10000x128xf32, #tpu.memory_space<vmem_shared>> -> memref<1000x128xf32, #tpu.memory_space<vmem_shared>>
        tpu.wait_dma2 semaphore(%run_scoped3A : memref<!tpu.dma_semaphore, #tpu.memory_space<semaphore_mem>>) src(%dma_wait3A_27 : memref<1000x128xf32, #tpu.memory_space<vmem_shared>>) dst(%dma_wait3A_25 : memref<1000x128xf32, #tpu.memory_space<hbm>>)
        tpu.yield
      }) : () -> ()
    } else {
    }
    return
  }
}

#map = affine_map<(d0, d1) -> (0, 0)>
#map1 = affine_map<(d0, d1) -> (0)>
module attributes {stable_mosaic.version = 14 : i64} {
  func.func @_sc_gather_body(%arg0: i32, %arg1: i32, %arg2: memref<10000x64xf32, #tpu.memory_space<hbm>>, %arg3: memref<10000x64xf32, #tpu.memory_space<hbm>>, %arg4: memref<163840xi32, #tpu.memory_space<hbm>>, %arg5: memref<163840xi32, #tpu.memory_space<hbm>>, %arg6: memref<163840x64xf32, #tpu.memory_space<hbm>>, %arg7: memref<163840x64xf32, #tpu.memory_space<hbm>>, %arg8: memref<128xi32, #tpu.memory_space<vmem>>, %arg9: memref<128xi32, #tpu.memory_space<vmem>>, %arg10: memref<128x64xf32, #tpu.memory_space<vmem>>, %arg11: memref<128x64xf32, #tpu.memory_space<vmem>>, %arg12: memref<!tpu.dma_semaphore, #tpu.memory_space<semaphore_mem>>, %arg13: memref<!tpu.dma_semaphore, #tpu.memory_space<semaphore_mem>>) attributes {dimension_semantics = [#tpu.dimension_semantics<core_parallel>, #tpu.dimension_semantics<subcore_parallel>], iteration_bounds = array<i64: 2, 16>, scalar_prefetch = 0 : i64, scratch_operands = 6 : i64, tpu.core_type = #tpu.core_type<sc_vector_subcore>, window_params = [{transform_indices = #map}, {transform_indices = #map}, {transform_indices = #map1}, {transform_indices = #map1}, {transform_indices = #map}, {transform_indices = #map}]} {
    %mul3A = arith.constant 2 : i32
    %mul3A_0 = arith.muli %arg1, %mul3A : i32
    %add3A = arith.addi %mul3A_0, %arg0 : i32
    %scan3A = arith.constant 0 : i32
    %scan3A_1 = arith.constant 0 : i32
    %scan3A_2 = arith.constant 40 : i32
    %scan3A_3 = arith.addi %scan3A_1, %scan3A_2 : i32
    %scan3A_4 = arith.constant 1 : i32
    scf.for %scan3A_6 = %scan3A_1 to %scan3A_3 step %scan3A_4  : i32 {
      %mul3A_7 = arith.constant 5120 : i32
      %mul3A_8 = arith.muli %add3A, %mul3A_7 : i32
      %mul3A_9 = arith.constant 128 : i32
      %mul3A_10 = arith.muli %scan3A_6, %mul3A_9 : i32
      %add3A_11 = arith.addi %mul3A_8, %mul3A_10 : i32
      "tpu.region"() ({
        %run_scoped3A = tpu.sem_alloc : memref<!tpu.dma_semaphore, #tpu.memory_space<semaphore_mem>>
        %dma_start3A_22 = tpu.memref_slice %arg4[%add3A_11] : memref<163840xi32, #tpu.memory_space<hbm>> -> memref<128xi32, #tpu.memory_space<hbm>>
        %dma_start3A_23 = tpu.memref_slice %arg4[%add3A_11] : memref<163840xi32, #tpu.memory_space<hbm>> -> memref<128xi32, #tpu.memory_space<hbm>>
        tpu.enqueue_dma source(%dma_start3A_23 : memref<128xi32, #tpu.memory_space<hbm>>) target(%arg8 : memref<128xi32, #tpu.memory_space<vmem>>) target_semaphore(%run_scoped3A : memref<!tpu.dma_semaphore, #tpu.memory_space<semaphore_mem>>)
        %dma_wait3A_24 = tpu.memref_slice %arg4[%add3A_11] : memref<163840xi32, #tpu.memory_space<hbm>> -> memref<128xi32, #tpu.memory_space<hbm>>
        %dma_wait3A_25 = tpu.memref_slice %arg4[%add3A_11] : memref<163840xi32, #tpu.memory_space<hbm>> -> memref<128xi32, #tpu.memory_space<hbm>>
        tpu.wait_dma2 semaphore(%run_scoped3A : memref<!tpu.dma_semaphore, #tpu.memory_space<semaphore_mem>>) src(%dma_wait3A_25 : memref<128xi32, #tpu.memory_space<hbm>>) dst(%arg8 : memref<128xi32, #tpu.memory_space<vmem>>)
        tpu.yield
      }) : () -> ()
      "tpu.region"() ({
        %run_scoped3A = tpu.sem_alloc : memref<!tpu.dma_semaphore, #tpu.memory_space<semaphore_mem>>
        %dma_start3A_22 = tpu.memref_slice %arg5[%add3A_11] : memref<163840xi32, #tpu.memory_space<hbm>> -> memref<128xi32, #tpu.memory_space<hbm>>
        %dma_start3A_23 = tpu.memref_slice %arg5[%add3A_11] : memref<163840xi32, #tpu.memory_space<hbm>> -> memref<128xi32, #tpu.memory_space<hbm>>
        tpu.enqueue_dma source(%dma_start3A_23 : memref<128xi32, #tpu.memory_space<hbm>>) target(%arg9 : memref<128xi32, #tpu.memory_space<vmem>>) target_semaphore(%run_scoped3A : memref<!tpu.dma_semaphore, #tpu.memory_space<semaphore_mem>>)
        %dma_wait3A_24 = tpu.memref_slice %arg5[%add3A_11] : memref<163840xi32, #tpu.memory_space<hbm>> -> memref<128xi32, #tpu.memory_space<hbm>>
        %dma_wait3A_25 = tpu.memref_slice %arg5[%add3A_11] : memref<163840xi32, #tpu.memory_space<hbm>> -> memref<128xi32, #tpu.memory_space<hbm>>
        tpu.wait_dma2 semaphore(%run_scoped3A : memref<!tpu.dma_semaphore, #tpu.memory_space<semaphore_mem>>) src(%dma_wait3A_25 : memref<128xi32, #tpu.memory_space<hbm>>) dst(%arg9 : memref<128xi32, #tpu.memory_space<vmem>>)
        tpu.yield
      }) : () -> ()
      %dma_start3A = arith.constant 0 : i32
      %dma_start3A_12 = arith.constant 0 : i32
      %dma_start3A_13 = tpu.memref_slice %arg2[%dma_start3A, %dma_start3A_12] : memref<10000x64xf32, #tpu.memory_space<hbm>> -> memref<10000x64xf32, #tpu.memory_space<hbm>>
      tpu.enqueue_indirect_dma source(%dma_start3A_13 : memref<10000x64xf32, #tpu.memory_space<hbm>>) target(%arg10 : memref<128x64xf32, #tpu.memory_space<vmem>>) offsets(%arg8 : memref<128xi32, #tpu.memory_space<vmem>>) semaphore(%arg12 : memref<!tpu.dma_semaphore, #tpu.memory_space<semaphore_mem>>)
      %dma_start3A_14 = arith.constant 0 : i32
      %dma_start3A_15 = arith.constant 0 : i32
      %dma_start3A_16 = tpu.memref_slice %arg3[%dma_start3A_14, %dma_start3A_15] : memref<10000x64xf32, #tpu.memory_space<hbm>> -> memref<10000x64xf32, #tpu.memory_space<hbm>>
      tpu.enqueue_indirect_dma source(%dma_start3A_16 : memref<10000x64xf32, #tpu.memory_space<hbm>>) target(%arg11 : memref<128x64xf32, #tpu.memory_space<vmem>>) offsets(%arg9 : memref<128xi32, #tpu.memory_space<vmem>>) semaphore(%arg13 : memref<!tpu.dma_semaphore, #tpu.memory_space<semaphore_mem>>)
      %dma_wait3A = arith.constant 0 : i32
      %dma_wait3A_17 = arith.constant 0 : i32
      %dma_wait3A_18 = tpu.memref_slice %arg2[%dma_wait3A, %dma_wait3A_17] : memref<10000x64xf32, #tpu.memory_space<hbm>> -> memref<10000x64xf32, #tpu.memory_space<hbm>>
      tpu.wait_indirect_dma semaphore(%arg12 : memref<!tpu.dma_semaphore, #tpu.memory_space<semaphore_mem>>) src(%dma_wait3A_18 : memref<10000x64xf32, #tpu.memory_space<hbm>>) dst(%arg10 : memref<128x64xf32, #tpu.memory_space<vmem>>)
      %dma_wait3A_19 = arith.constant 0 : i32
      %dma_wait3A_20 = arith.constant 0 : i32
      %dma_wait3A_21 = tpu.memref_slice %arg3[%dma_wait3A_19, %dma_wait3A_20] : memref<10000x64xf32, #tpu.memory_space<hbm>> -> memref<10000x64xf32, #tpu.memory_space<hbm>>
      tpu.wait_indirect_dma semaphore(%arg13 : memref<!tpu.dma_semaphore, #tpu.memory_space<semaphore_mem>>) src(%dma_wait3A_21 : memref<10000x64xf32, #tpu.memory_space<hbm>>) dst(%arg11 : memref<128x64xf32, #tpu.memory_space<vmem>>)
      "tpu.region"() ({
        %run_scoped3A = tpu.sem_alloc : memref<!tpu.dma_semaphore, #tpu.memory_space<semaphore_mem>>
        %dma_start3A_22 = arith.constant 0 : i32
        %dma_start3A_23 = tpu.memref_slice %arg6[%add3A_11, %dma_start3A_22] : memref<163840x64xf32, #tpu.memory_space<hbm>> -> memref<128x64xf32, #tpu.memory_space<hbm>>
        %dma_start3A_24 = arith.constant 0 : i32
        %dma_start3A_25 = tpu.memref_slice %arg6[%add3A_11, %dma_start3A_24] : memref<163840x64xf32, #tpu.memory_space<hbm>> -> memref<128x64xf32, #tpu.memory_space<hbm>>
        tpu.enqueue_dma source(%arg10 : memref<128x64xf32, #tpu.memory_space<vmem>>) target(%dma_start3A_25 : memref<128x64xf32, #tpu.memory_space<hbm>>) target_semaphore(%run_scoped3A : memref<!tpu.dma_semaphore, #tpu.memory_space<semaphore_mem>>)
        %dma_wait3A_26 = arith.constant 0 : i32
        %dma_wait3A_27 = tpu.memref_slice %arg6[%add3A_11, %dma_wait3A_26] : memref<163840x64xf32, #tpu.memory_space<hbm>> -> memref<128x64xf32, #tpu.memory_space<hbm>>
        %dma_wait3A_28 = arith.constant 0 : i32
        %dma_wait3A_29 = tpu.memref_slice %arg6[%add3A_11, %dma_wait3A_28] : memref<163840x64xf32, #tpu.memory_space<hbm>> -> memref<128x64xf32, #tpu.memory_space<hbm>>
        tpu.wait_dma2 semaphore(%run_scoped3A : memref<!tpu.dma_semaphore, #tpu.memory_space<semaphore_mem>>) src(%arg10 : memref<128x64xf32, #tpu.memory_space<vmem>>) dst(%dma_wait3A_29 : memref<128x64xf32, #tpu.memory_space<hbm>>)
        tpu.yield
      }) : () -> ()
      "tpu.region"() ({
        %run_scoped3A = tpu.sem_alloc : memref<!tpu.dma_semaphore, #tpu.memory_space<semaphore_mem>>
        %dma_start3A_22 = arith.constant 0 : i32
        %dma_start3A_23 = tpu.memref_slice %arg7[%add3A_11, %dma_start3A_22] : memref<163840x64xf32, #tpu.memory_space<hbm>> -> memref<128x64xf32, #tpu.memory_space<hbm>>
        %dma_start3A_24 = arith.constant 0 : i32
        %dma_start3A_25 = tpu.memref_slice %arg7[%add3A_11, %dma_start3A_24] : memref<163840x64xf32, #tpu.memory_space<hbm>> -> memref<128x64xf32, #tpu.memory_space<hbm>>
        tpu.enqueue_dma source(%arg11 : memref<128x64xf32, #tpu.memory_space<vmem>>) target(%dma_start3A_25 : memref<128x64xf32, #tpu.memory_space<hbm>>) target_semaphore(%run_scoped3A : memref<!tpu.dma_semaphore, #tpu.memory_space<semaphore_mem>>)
        %dma_wait3A_26 = arith.constant 0 : i32
        %dma_wait3A_27 = tpu.memref_slice %arg7[%add3A_11, %dma_wait3A_26] : memref<163840x64xf32, #tpu.memory_space<hbm>> -> memref<128x64xf32, #tpu.memory_space<hbm>>
        %dma_wait3A_28 = arith.constant 0 : i32
        %dma_wait3A_29 = tpu.memref_slice %arg7[%add3A_11, %dma_wait3A_28] : memref<163840x64xf32, #tpu.memory_space<hbm>> -> memref<128x64xf32, #tpu.memory_space<hbm>>
        tpu.wait_dma2 semaphore(%run_scoped3A : memref<!tpu.dma_semaphore, #tpu.memory_space<semaphore_mem>>) src(%arg11 : memref<128x64xf32, #tpu.memory_space<vmem>>) dst(%dma_wait3A_29 : memref<128x64xf32, #tpu.memory_space<hbm>>)
        tpu.yield
      }) : () -> ()
    }
    %scan3A_5 = arith.constant 40 : i32
    return
  }
}

#map = affine_map<(d0, d1) -> (0, 0)>
#map1 = affine_map<(d0, d1) -> (0)>
module attributes {stable_mosaic.version = 14 : i64} {
  func.func @_sc_gather_body(%arg0: i32, %arg1: i32, %arg2: memref<10000x64xf32, #tpu.memory_space<hbm>>, %arg3: memref<10000x64xf32, #tpu.memory_space<hbm>>, %arg4: memref<163840xi32, #tpu.memory_space<hbm>>, %arg5: memref<163840xi32, #tpu.memory_space<hbm>>, %arg6: memref<163840x64xf32, #tpu.memory_space<hbm>>, %arg7: memref<163840x64xf32, #tpu.memory_space<hbm>>, %arg8: memref<128xi32, #tpu.memory_space<vmem>>, %arg9: memref<128xi32, #tpu.memory_space<vmem>>, %arg10: memref<128x64xf32, #tpu.memory_space<vmem>>, %arg11: memref<128x64xf32, #tpu.memory_space<vmem>>, %arg12: memref<!tpu.dma_semaphore, #tpu.memory_space<semaphore_mem>>, %arg13: memref<!tpu.dma_semaphore, #tpu.memory_space<semaphore_mem>>) attributes {dimension_semantics = [#tpu.dimension_semantics<core_parallel>, #tpu.dimension_semantics<subcore_parallel>], iteration_bounds = array<i64: 2, 16>, scalar_prefetch = 0 : i64, scratch_operands = 6 : i64, tpu.core_type = #tpu.core_type<sc_vector_subcore>, window_params = [{transform_indices = #map}, {transform_indices = #map}, {transform_indices = #map1}, {transform_indices = #map1}, {transform_indices = #map}, {transform_indices = #map}]} {
    %mul3A = arith.constant 2 : i32
    %mul3A_0 = arith.muli %arg1, %mul3A : i32
    %add3A = arith.addi %mul3A_0, %arg0 : i32
    %scan3A = arith.constant 0 : i32
    %scan3A_1 = arith.constant 0 : i32
    %scan3A_2 = arith.constant 40 : i32
    %scan3A_3 = arith.addi %scan3A_1, %scan3A_2 : i32
    %scan3A_4 = arith.constant 1 : i32
    scf.for %scan3A_6 = %scan3A_1 to %scan3A_3 step %scan3A_4  : i32 {
      %mul3A_7 = arith.constant 5120 : i32
      %mul3A_8 = arith.muli %add3A, %mul3A_7 : i32
      %mul3A_9 = arith.constant 128 : i32
      %mul3A_10 = arith.muli %scan3A_6, %mul3A_9 : i32
      %add3A_11 = arith.addi %mul3A_8, %mul3A_10 : i32
      "tpu.region"() ({
        %run_scoped3A = tpu.sem_alloc : memref<!tpu.dma_semaphore, #tpu.memory_space<semaphore_mem>>
        %dma_start3A_22 = tpu.memref_slice %arg4[%add3A_11] : memref<163840xi32, #tpu.memory_space<hbm>> -> memref<128xi32, #tpu.memory_space<hbm>>
        %dma_start3A_23 = tpu.memref_slice %arg4[%add3A_11] : memref<163840xi32, #tpu.memory_space<hbm>> -> memref<128xi32, #tpu.memory_space<hbm>>
        tpu.enqueue_dma source(%dma_start3A_23 : memref<128xi32, #tpu.memory_space<hbm>>) target(%arg8 : memref<128xi32, #tpu.memory_space<vmem>>) target_semaphore(%run_scoped3A : memref<!tpu.dma_semaphore, #tpu.memory_space<semaphore_mem>>)
        %dma_wait3A_24 = tpu.memref_slice %arg4[%add3A_11] : memref<163840xi32, #tpu.memory_space<hbm>> -> memref<128xi32, #tpu.memory_space<hbm>>
        %dma_wait3A_25 = tpu.memref_slice %arg4[%add3A_11] : memref<163840xi32, #tpu.memory_space<hbm>> -> memref<128xi32, #tpu.memory_space<hbm>>
        tpu.wait_dma2 semaphore(%run_scoped3A : memref<!tpu.dma_semaphore, #tpu.memory_space<semaphore_mem>>) src(%dma_wait3A_25 : memref<128xi32, #tpu.memory_space<hbm>>) dst(%arg8 : memref<128xi32, #tpu.memory_space<vmem>>)
        tpu.yield
      }) : () -> ()
      "tpu.region"() ({
        %run_scoped3A = tpu.sem_alloc : memref<!tpu.dma_semaphore, #tpu.memory_space<semaphore_mem>>
        %dma_start3A_22 = tpu.memref_slice %arg5[%add3A_11] : memref<163840xi32, #tpu.memory_space<hbm>> -> memref<128xi32, #tpu.memory_space<hbm>>
        %dma_start3A_23 = tpu.memref_slice %arg5[%add3A_11] : memref<163840xi32, #tpu.memory_space<hbm>> -> memref<128xi32, #tpu.memory_space<hbm>>
        tpu.enqueue_dma source(%dma_start3A_23 : memref<128xi32, #tpu.memory_space<hbm>>) target(%arg9 : memref<128xi32, #tpu.memory_space<vmem>>) target_semaphore(%run_scoped3A : memref<!tpu.dma_semaphore, #tpu.memory_space<semaphore_mem>>)
        %dma_wait3A_24 = tpu.memref_slice %arg5[%add3A_11] : memref<163840xi32, #tpu.memory_space<hbm>> -> memref<128xi32, #tpu.memory_space<hbm>>
        %dma_wait3A_25 = tpu.memref_slice %arg5[%add3A_11] : memref<163840xi32, #tpu.memory_space<hbm>> -> memref<128xi32, #tpu.memory_space<hbm>>
        tpu.wait_dma2 semaphore(%run_scoped3A : memref<!tpu.dma_semaphore, #tpu.memory_space<semaphore_mem>>) src(%dma_wait3A_25 : memref<128xi32, #tpu.memory_space<hbm>>) dst(%arg9 : memref<128xi32, #tpu.memory_space<vmem>>)
        tpu.yield
      }) : () -> ()
      %dma_start3A = arith.constant 0 : i32
      %dma_start3A_12 = arith.constant 0 : i32
      %dma_start3A_13 = tpu.memref_slice %arg2[%dma_start3A, %dma_start3A_12] : memref<10000x64xf32, #tpu.memory_space<hbm>> -> memref<10000x64xf32, #tpu.memory_space<hbm>>
      tpu.enqueue_indirect_dma source(%dma_start3A_13 : memref<10000x64xf32, #tpu.memory_space<hbm>>) target(%arg10 : memref<128x64xf32, #tpu.memory_space<vmem>>) offsets(%arg8 : memref<128xi32, #tpu.memory_space<vmem>>) semaphore(%arg12 : memref<!tpu.dma_semaphore, #tpu.memory_space<semaphore_mem>>)
      %dma_start3A_14 = arith.constant 0 : i32
      %dma_start3A_15 = arith.constant 0 : i32
      %dma_start3A_16 = tpu.memref_slice %arg3[%dma_start3A_14, %dma_start3A_15] : memref<10000x64xf32, #tpu.memory_space<hbm>> -> memref<10000x64xf32, #tpu.memory_space<hbm>>
      tpu.enqueue_indirect_dma source(%dma_start3A_16 : memref<10000x64xf32, #tpu.memory_space<hbm>>) target(%arg11 : memref<128x64xf32, #tpu.memory_space<vmem>>) offsets(%arg9 : memref<128xi32, #tpu.memory_space<vmem>>) semaphore(%arg13 : memref<!tpu.dma_semaphore, #tpu.memory_space<semaphore_mem>>)
      %dma_wait3A = arith.constant 0 : i32
      %dma_wait3A_17 = arith.constant 0 : i32
      %dma_wait3A_18 = tpu.memref_slice %arg2[%dma_wait3A, %dma_wait3A_17] : memref<10000x64xf32, #tpu.memory_space<hbm>> -> memref<10000x64xf32, #tpu.memory_space<hbm>>
      tpu.wait_indirect_dma semaphore(%arg12 : memref<!tpu.dma_semaphore, #tpu.memory_space<semaphore_mem>>) src(%dma_wait3A_18 : memref<10000x64xf32, #tpu.memory_space<hbm>>) dst(%arg10 : memref<128x64xf32, #tpu.memory_space<vmem>>)
      %dma_wait3A_19 = arith.constant 0 : i32
      %dma_wait3A_20 = arith.constant 0 : i32
      %dma_wait3A_21 = tpu.memref_slice %arg3[%dma_wait3A_19, %dma_wait3A_20] : memref<10000x64xf32, #tpu.memory_space<hbm>> -> memref<10000x64xf32, #tpu.memory_space<hbm>>
      tpu.wait_indirect_dma semaphore(%arg13 : memref<!tpu.dma_semaphore, #tpu.memory_space<semaphore_mem>>) src(%dma_wait3A_21 : memref<10000x64xf32, #tpu.memory_space<hbm>>) dst(%arg11 : memref<128x64xf32, #tpu.memory_space<vmem>>)
      "tpu.region"() ({
        %run_scoped3A = tpu.sem_alloc : memref<!tpu.dma_semaphore, #tpu.memory_space<semaphore_mem>>
        %dma_start3A_22 = arith.constant 0 : i32
        %dma_start3A_23 = tpu.memref_slice %arg6[%add3A_11, %dma_start3A_22] : memref<163840x64xf32, #tpu.memory_space<hbm>> -> memref<128x64xf32, #tpu.memory_space<hbm>>
        %dma_start3A_24 = arith.constant 0 : i32
        %dma_start3A_25 = tpu.memref_slice %arg6[%add3A_11, %dma_start3A_24] : memref<163840x64xf32, #tpu.memory_space<hbm>> -> memref<128x64xf32, #tpu.memory_space<hbm>>
        tpu.enqueue_dma source(%arg10 : memref<128x64xf32, #tpu.memory_space<vmem>>) target(%dma_start3A_25 : memref<128x64xf32, #tpu.memory_space<hbm>>) target_semaphore(%run_scoped3A : memref<!tpu.dma_semaphore, #tpu.memory_space<semaphore_mem>>)
        %dma_wait3A_26 = arith.constant 0 : i32
        %dma_wait3A_27 = tpu.memref_slice %arg6[%add3A_11, %dma_wait3A_26] : memref<163840x64xf32, #tpu.memory_space<hbm>> -> memref<128x64xf32, #tpu.memory_space<hbm>>
        %dma_wait3A_28 = arith.constant 0 : i32
        %dma_wait3A_29 = tpu.memref_slice %arg6[%add3A_11, %dma_wait3A_28] : memref<163840x64xf32, #tpu.memory_space<hbm>> -> memref<128x64xf32, #tpu.memory_space<hbm>>
        tpu.wait_dma2 semaphore(%run_scoped3A : memref<!tpu.dma_semaphore, #tpu.memory_space<semaphore_mem>>) src(%arg10 : memref<128x64xf32, #tpu.memory_space<vmem>>) dst(%dma_wait3A_29 : memref<128x64xf32, #tpu.memory_space<hbm>>)
        tpu.yield
      }) : () -> ()
      "tpu.region"() ({
        %run_scoped3A = tpu.sem_alloc : memref<!tpu.dma_semaphore, #tpu.memory_space<semaphore_mem>>
        %dma_start3A_22 = arith.constant 0 : i32
        %dma_start3A_23 = tpu.memref_slice %arg7[%add3A_11, %dma_start3A_22] : memref<163840x64xf32, #tpu.memory_space<hbm>> -> memref<128x64xf32, #tpu.memory_space<hbm>>
        %dma_start3A_24 = arith.constant 0 : i32
        %dma_start3A_25 = tpu.memref_slice %arg7[%add3A_11, %dma_start3A_24] : memref<163840x64xf32, #tpu.memory_space<hbm>> -> memref<128x64xf32, #tpu.memory_space<hbm>>
        tpu.enqueue_dma source(%arg11 : memref<128x64xf32, #tpu.memory_space<vmem>>) target(%dma_start3A_25 : memref<128x64xf32, #tpu.memory_space<hbm>>) target_semaphore(%run_scoped3A : memref<!tpu.dma_semaphore, #tpu.memory_space<semaphore_mem>>)
        %dma_wait3A_26 = arith.constant 0 : i32
        %dma_wait3A_27 = tpu.memref_slice %arg7[%add3A_11, %dma_wait3A_26] : memref<163840x64xf32, #tpu.memory_space<hbm>> -> memref<128x64xf32, #tpu.memory_space<hbm>>
        %dma_wait3A_28 = arith.constant 0 : i32
        %dma_wait3A_29 = tpu.memref_slice %arg7[%add3A_11, %dma_wait3A_28] : memref<163840x64xf32, #tpu.memory_space<hbm>> -> memref<128x64xf32, #tpu.memory_space<hbm>>
        tpu.wait_dma2 semaphore(%run_scoped3A : memref<!tpu.dma_semaphore, #tpu.memory_space<semaphore_mem>>) src(%arg11 : memref<128x64xf32, #tpu.memory_space<vmem>>) dst(%dma_wait3A_29 : memref<128x64xf32, #tpu.memory_space<hbm>>)
        tpu.yield
      }) : () -> ()
    }
    %scan3A_5 = arith.constant 40 : i32
    return
  }
}

#map = affine_map<(d0, d1) -> (0)>
module attributes {stable_mosaic.version = 14 : i64} {
  func.func @_sc_att_body(%arg0: i32, %arg1: i32, %arg2: memref<10000xf32, #tpu.memory_space<hbm>>, %arg3: memref<10000xf32, #tpu.memory_space<hbm>>, %arg4: memref<10000xf32, #tpu.memory_space<hbm>>, %arg5: memref<10000xf32, #tpu.memory_space<hbm>>, %arg6: memref<10000xi32, #tpu.memory_space<hbm>>, %arg7: memref<10000xi32, #tpu.memory_space<hbm>>, %arg8: memref<10000xf32, #tpu.memory_space<hbm>>, %arg9: memref<10000xf32, #tpu.memory_space<vmem>>, %arg10: memref<10000xf32, #tpu.memory_space<vmem>>, %arg11: memref<10000xf32, #tpu.memory_space<vmem>>, %arg12: memref<10000xf32, #tpu.memory_space<vmem>>, %arg13: memref<10000xi32, #tpu.memory_space<vmem>>, %arg14: memref<10000xi32, #tpu.memory_space<vmem>>, %arg15: memref<10000xf32, #tpu.memory_space<vmem>>, %arg16: memref<10000xf32, #tpu.memory_space<vmem>>, %arg17: memref<10000xf32, #tpu.memory_space<vmem>>, %arg18: memref<10000xf32, #tpu.memory_space<vmem>>) attributes {dimension_semantics = [#tpu.dimension_semantics<core_parallel>, #tpu.dimension_semantics<subcore_parallel>], iteration_bounds = array<i64: 2, 16>, scalar_prefetch = 0 : i64, scratch_operands = 10 : i64, tpu.core_type = #tpu.core_type<sc_vector_subcore>, window_params = [{transform_indices = #map}, {transform_indices = #map}, {transform_indices = #map}, {transform_indices = #map}, {transform_indices = #map}, {transform_indices = #map}, {transform_indices = #map}]} {
    %eq3A = arith.constant 0 : i32
    %eq3A_0 = arith.cmpi eq, %arg0, %eq3A : i32
    %eq3A_1 = arith.constant 0 : i32
    %eq3A_2 = arith.cmpi eq, %arg1, %eq3A_1 : i32
    %and3A = arith.andi %eq3A_0, %eq3A_2 : i1
    %convert_element_type3A = arith.extui %and3A : i1 to i32
    %cond3A = arith.constant 0 : i32
    %cond3A_3 = arith.cmpi ne, %convert_element_type3A, %cond3A : i32
    scf.if %cond3A_3 {
      "tpu.region"() ({
        %run_scoped3A = tpu.sem_alloc : memref<!tpu.dma_semaphore, #tpu.memory_space<semaphore_mem>>
        tpu.enqueue_dma source(%arg2 : memref<10000xf32, #tpu.memory_space<hbm>>) target(%arg9 : memref<10000xf32, #tpu.memory_space<vmem>>) target_semaphore(%run_scoped3A : memref<!tpu.dma_semaphore, #tpu.memory_space<semaphore_mem>>)
        tpu.wait_dma2 semaphore(%run_scoped3A : memref<!tpu.dma_semaphore, #tpu.memory_space<semaphore_mem>>) src(%arg2 : memref<10000xf32, #tpu.memory_space<hbm>>) dst(%arg9 : memref<10000xf32, #tpu.memory_space<vmem>>)
        tpu.yield
      }) : () -> ()
      "tpu.region"() ({
        %run_scoped3A = tpu.sem_alloc : memref<!tpu.dma_semaphore, #tpu.memory_space<semaphore_mem>>
        tpu.enqueue_dma source(%arg3 : memref<10000xf32, #tpu.memory_space<hbm>>) target(%arg10 : memref<10000xf32, #tpu.memory_space<vmem>>) target_semaphore(%run_scoped3A : memref<!tpu.dma_semaphore, #tpu.memory_space<semaphore_mem>>)
        tpu.wait_dma2 semaphore(%run_scoped3A : memref<!tpu.dma_semaphore, #tpu.memory_space<semaphore_mem>>) src(%arg3 : memref<10000xf32, #tpu.memory_space<hbm>>) dst(%arg10 : memref<10000xf32, #tpu.memory_space<vmem>>)
        tpu.yield
      }) : () -> ()
      "tpu.region"() ({
        %run_scoped3A = tpu.sem_alloc : memref<!tpu.dma_semaphore, #tpu.memory_space<semaphore_mem>>
        tpu.enqueue_dma source(%arg4 : memref<10000xf32, #tpu.memory_space<hbm>>) target(%arg11 : memref<10000xf32, #tpu.memory_space<vmem>>) target_semaphore(%run_scoped3A : memref<!tpu.dma_semaphore, #tpu.memory_space<semaphore_mem>>)
        tpu.wait_dma2 semaphore(%run_scoped3A : memref<!tpu.dma_semaphore, #tpu.memory_space<semaphore_mem>>) src(%arg4 : memref<10000xf32, #tpu.memory_space<hbm>>) dst(%arg11 : memref<10000xf32, #tpu.memory_space<vmem>>)
        tpu.yield
      }) : () -> ()
      "tpu.region"() ({
        %run_scoped3A = tpu.sem_alloc : memref<!tpu.dma_semaphore, #tpu.memory_space<semaphore_mem>>
        tpu.enqueue_dma source(%arg5 : memref<10000xf32, #tpu.memory_space<hbm>>) target(%arg12 : memref<10000xf32, #tpu.memory_space<vmem>>) target_semaphore(%run_scoped3A : memref<!tpu.dma_semaphore, #tpu.memory_space<semaphore_mem>>)
        tpu.wait_dma2 semaphore(%run_scoped3A : memref<!tpu.dma_semaphore, #tpu.memory_space<semaphore_mem>>) src(%arg5 : memref<10000xf32, #tpu.memory_space<hbm>>) dst(%arg12 : memref<10000xf32, #tpu.memory_space<vmem>>)
        tpu.yield
      }) : () -> ()
      "tpu.region"() ({
        %run_scoped3A = tpu.sem_alloc : memref<!tpu.dma_semaphore, #tpu.memory_space<semaphore_mem>>
        tpu.enqueue_dma source(%arg6 : memref<10000xi32, #tpu.memory_space<hbm>>) target(%arg13 : memref<10000xi32, #tpu.memory_space<vmem>>) target_semaphore(%run_scoped3A : memref<!tpu.dma_semaphore, #tpu.memory_space<semaphore_mem>>)
        tpu.wait_dma2 semaphore(%run_scoped3A : memref<!tpu.dma_semaphore, #tpu.memory_space<semaphore_mem>>) src(%arg6 : memref<10000xi32, #tpu.memory_space<hbm>>) dst(%arg13 : memref<10000xi32, #tpu.memory_space<vmem>>)
        tpu.yield
      }) : () -> ()
      "tpu.region"() ({
        %run_scoped3A = tpu.sem_alloc : memref<!tpu.dma_semaphore, #tpu.memory_space<semaphore_mem>>
        tpu.enqueue_dma source(%arg7 : memref<10000xi32, #tpu.memory_space<hbm>>) target(%arg14 : memref<10000xi32, #tpu.memory_space<vmem>>) target_semaphore(%run_scoped3A : memref<!tpu.dma_semaphore, #tpu.memory_space<semaphore_mem>>)
        tpu.wait_dma2 semaphore(%run_scoped3A : memref<!tpu.dma_semaphore, #tpu.memory_space<semaphore_mem>>) src(%arg7 : memref<10000xi32, #tpu.memory_space<hbm>>) dst(%arg14 : memref<10000xi32, #tpu.memory_space<vmem>>)
        tpu.yield
      }) : () -> ()
      %broadcast_in_dim3A = arith.constant 0.000000e+00 : f32
      %broadcast_in_dim3A_4 = vector.broadcast %broadcast_in_dim3A : f32 to vector<16xf32>
      %scan3A = arith.constant 0 : i32
      %scan3A_5 = arith.constant 0 : i32
      %scan3A_6 = arith.constant 625 : i32
      %scan3A_7 = arith.addi %scan3A_5, %scan3A_6 : i32
      %scan3A_8 = arith.constant 1 : i32
      scf.for %scan3A_22 = %scan3A_5 to %scan3A_7 step %scan3A_8  : i32 {
        %mul3A = arith.constant 16 : i32
        %mul3A_23 = arith.muli %scan3A_22, %mul3A : i32
        %swap3A = arith.index_cast %mul3A_23 : i32 to index
        %swap3A_24 = tpu.vector_load %arg16[%swap3A] {strides = array<i32>} : memref<10000xf32, #tpu.memory_space<vmem>>, vector<16xf32>,
        tpu.vector_store %arg16[%swap3A], %broadcast_in_dim3A_4 {strides = array<i32>} : memref<10000xf32, #tpu.memory_space<vmem>>, vector<16xf32>,
        %mul3A_25 = arith.constant 16 : i32
        %mul3A_26 = arith.muli %scan3A_22, %mul3A_25 : i32
        %swap3A_27 = arith.index_cast %mul3A_26 : i32 to index
        %swap3A_28 = tpu.vector_load %arg17[%swap3A_27] {strides = array<i32>} : memref<10000xf32, #tpu.memory_space<vmem>>, vector<16xf32>,
        tpu.vector_store %arg17[%swap3A_27], %broadcast_in_dim3A_4 {strides = array<i32>} : memref<10000xf32, #tpu.memory_space<vmem>>, vector<16xf32>,
      }
      %scan3A_9 = arith.constant 625 : i32
      %scan3A_10 = arith.constant 0 : i32
      %scan3A_11 = arith.constant 0 : i32
      %scan3A_12 = arith.constant 625 : i32
      %scan3A_13 = arith.addi %scan3A_11, %scan3A_12 : i32
      %scan3A_14 = arith.constant 1 : i32
      scf.for %scan3A_22 = %scan3A_11 to %scan3A_13 step %scan3A_14  : i32 {
        %mul3A = arith.constant 16 : i32
        %mul3A_23 = arith.muli %scan3A_22, %mul3A : i32
        %get3A = arith.index_cast %mul3A_23 : i32 to index
        %get3A_24 = tpu.vector_load %arg13[%get3A] {strides = array<i32>} : memref<10000xi32, #tpu.memory_space<vmem>>, vector<16xi32>,
        %get3A_25 = arith.index_cast %mul3A_23 : i32 to index
        %get3A_26 = tpu.vector_load %arg14[%get3A_25] {strides = array<i32>} : memref<10000xi32, #tpu.memory_space<vmem>>, vector<16xi32>,
        %gather3A = tpu.vector_load_idx %arg9[%get3A_24] : memref<10000xf32, #tpu.memory_space<vmem>>[vector<16xi32>], vector<16xf32>,
        %gather3A_27 = tpu.vector_load_idx %arg10[%get3A_26] : memref<10000xf32, #tpu.memory_space<vmem>>[vector<16xi32>], vector<16xf32>,
        %add3A = arith.addf %gather3A, %gather3A_27 : vector<16xf32>
        %ge3A = arith.constant 0.000000e+00 : f32
        %ge3A_28 = vector.broadcast %ge3A : f32 to vector<16xf32>
        %ge3A_29 = arith.cmpf oge, %add3A, %ge3A_28 : vector<16xf32>
        %mul3A_30 = arith.constant 2.000000e-01 : f32
        %mul3A_31 = vector.broadcast %mul3A_30 : f32 to vector<16xf32>
        %mul3A_32 = arith.mulf %mul3A_31, %add3A : vector<16xf32>
        %select_n3A = arith.select %ge3A_29, %add3A, %mul3A_32 : vector<16xi1>, vector<16xf32>
        %exp3A = math.exp %select_n3A : vector<16xf32>
        %swap3A = arith.index_cast %mul3A_23 : i32 to index
        %swap3A_33 = tpu.vector_load %arg15[%swap3A] {strides = array<i32>} : memref<10000xf32, #tpu.memory_space<vmem>>, vector<16xf32>,
        tpu.vector_store %arg15[%swap3A], %exp3A {strides = array<i32>} : memref<10000xf32, #tpu.memory_space<vmem>>, vector<16xf32>,
        tpu.vector_store_idx %arg16[%get3A_24], %exp3A {add = true} : memref<10000xf32, #tpu.memory_space<vmem>>[vector<16xi32>], vector<16xf32>,
        %get3A_34 = arith.index_cast %mul3A_23 : i32 to index
        %get3A_35 = tpu.vector_load %arg11[%get3A_34] {strides = array<i32>} : memref<10000xf32, #tpu.memory_space<vmem>>, vector<16xf32>,
        tpu.vector_store_idx %arg17[%get3A_24], %get3A_35 {add = true} : memref<10000xf32, #tpu.memory_space<vmem>>[vector<16xi32>], vector<16xf32>,
      }
      %scan3A_15 = arith.constant 625 : i32
      %scan3A_16 = arith.constant 0 : i32
      %scan3A_17 = arith.constant 0 : i32
      %scan3A_18 = arith.constant 625 : i32
      %scan3A_19 = arith.addi %scan3A_17, %scan3A_18 : i32
      %scan3A_20 = arith.constant 1 : i32
      scf.for %scan3A_22 = %scan3A_17 to %scan3A_19 step %scan3A_20  : i32 {
        %mul3A = arith.constant 16 : i32
        %mul3A_23 = arith.muli %scan3A_22, %mul3A : i32
        %get3A = arith.index_cast %mul3A_23 : i32 to index
        %get3A_24 = tpu.vector_load %arg13[%get3A] {strides = array<i32>} : memref<10000xi32, #tpu.memory_space<vmem>>, vector<16xi32>,
        %gather3A = tpu.vector_load_idx %arg16[%get3A_24] : memref<10000xf32, #tpu.memory_space<vmem>>[vector<16xi32>], vector<16xf32>,
        %gather3A_25 = tpu.vector_load_idx %arg17[%get3A_24] : memref<10000xf32, #tpu.memory_space<vmem>>[vector<16xi32>], vector<16xf32>,
        %get3A_26 = arith.index_cast %mul3A_23 : i32 to index
        %get3A_27 = tpu.vector_load %arg15[%get3A_26] {strides = array<i32>} : memref<10000xf32, #tpu.memory_space<vmem>>, vector<16xf32>,
        %add3A = arith.constant 1.000000e-16 : f32
        %add3A_28 = vector.broadcast %add3A : f32 to vector<16xf32>
        %add3A_29 = arith.addf %gather3A, %add3A_28 : vector<16xf32>
        %div3A = arith.divf %get3A_27, %add3A_29 : vector<16xf32>
        %get3A_30 = arith.index_cast %mul3A_23 : i32 to index
        %get3A_31 = tpu.vector_load %arg12[%get3A_30] {strides = array<i32>} : memref<10000xf32, #tpu.memory_space<vmem>>, vector<16xf32>,
        %add3A_32 = arith.addf %div3A, %get3A_31 : vector<16xf32>
        %get3A_33 = arith.index_cast %mul3A_23 : i32 to index
        %get3A_34 = tpu.vector_load %arg11[%get3A_33] {strides = array<i32>} : memref<10000xf32, #tpu.memory_space<vmem>>, vector<16xf32>,
        %add3A_35 = arith.constant 1.000000e-16 : f32
        %add3A_36 = vector.broadcast %add3A_35 : f32 to vector<16xf32>
        %add3A_37 = arith.addf %gather3A_25, %add3A_36 : vector<16xf32>
        %div3A_38 = arith.divf %get3A_34, %add3A_37 : vector<16xf32>
        %add3A_39 = arith.addf %add3A_32, %div3A_38 : vector<16xf32>
        %mul3A_40 = arith.constant 0.333333343 : f32
        %mul3A_41 = vector.broadcast %mul3A_40 : f32 to vector<16xf32>
        %mul3A_42 = arith.mulf %add3A_39, %mul3A_41 : vector<16xf32>
        %swap3A = arith.index_cast %mul3A_23 : i32 to index
        %swap3A_43 = tpu.vector_load %arg18[%swap3A] {strides = array<i32>} : memref<10000xf32, #tpu.memory_space<vmem>>, vector<16xf32>,
        tpu.vector_store %arg18[%swap3A], %mul3A_42 {strides = array<i32>} : memref<10000xf32, #tpu.memory_space<vmem>>, vector<16xf32>,
      }
      %scan3A_21 = arith.constant 625 : i32
      "tpu.region"() ({
        %run_scoped3A = tpu.sem_alloc : memref<!tpu.dma_semaphore, #tpu.memory_space<semaphore_mem>>
        tpu.enqueue_dma source(%arg18 : memref<10000xf32, #tpu.memory_space<vmem>>) target(%arg8 : memref<10000xf32, #tpu.memory_space<hbm>>) target_semaphore(%run_scoped3A : memref<!tpu.dma_semaphore, #tpu.memory_space<semaphore_mem>>)
        tpu.wait_dma2 semaphore(%run_scoped3A : memref<!tpu.dma_semaphore, #tpu.memory_space<semaphore_mem>>) src(%arg18 : memref<10000xf32, #tpu.memory_space<vmem>>) dst(%arg8 : memref<10000xf32, #tpu.memory_space<hbm>>)
        tpu.yield
      }) : () -> ()
    } else {
    }
    return
  }
}

#map = affine_map<(d0, d1) -> (0, 0)>
#map1 = affine_map<(d0, d1) -> (0, 0, 0)>
module attributes {stable_mosaic.version = 14 : i64} {
  func.func @_sc_scatter_body(%arg0: i32, %arg1: i32, %arg2: memref<1280x128xi32, #tpu.memory_space<hbm>>, %arg3: memref<163840x128xf32, #tpu.memory_space<hbm>>, %arg4: memref<10000x128xf32, #tpu.memory_space<hbm>>, %arg5: memref<2x10000x128xf32, #tpu.memory_space<hbm>>, %arg6: memref<40x128xi32, #tpu.memory_space<vmem>>, %arg7: memref<128x128xf32, #tpu.memory_space<vmem>>, %arg8: memref<10000x128xf32, #tpu.memory_space<vmem_shared>>) attributes {dimension_semantics = [#tpu.dimension_semantics<core_parallel>, #tpu.dimension_semantics<subcore_parallel>], iteration_bounds = array<i64: 2, 16>, scalar_prefetch = 0 : i64, scratch_operands = 3 : i64, tpu.core_type = #tpu.core_type<sc_vector_subcore>, window_params = [{transform_indices = #map}, {transform_indices = #map}, {transform_indices = #map}, {transform_indices = #map1}]} {
    %mul3A = arith.constant 2 : i32
    %mul3A_0 = arith.muli %arg1, %mul3A : i32
    %add3A = arith.addi %mul3A_0, %arg0 : i32
    %lt3A = arith.constant 10 : i32
    %lt3A_1 = arith.cmpi slt, %arg1, %lt3A : i32
    %convert_element_type3A = arith.extui %lt3A_1 : i1 to i32
    %cond3A = arith.constant 0 : i32
    %cond3A_2 = arith.cmpi ne, %convert_element_type3A, %cond3A : i32
    scf.if %cond3A_2 {
      %mul3A_16 = arith.constant 1000 : i32
      %mul3A_17 = arith.muli %arg1, %mul3A_16 : i32
      %mul3A_18 = arith.constant 1000 : i32
      %mul3A_19 = arith.muli %arg1, %mul3A_18 : i32
      "tpu.region"() ({
        %run_scoped3A = tpu.sem_alloc : memref<!tpu.dma_semaphore, #tpu.memory_space<semaphore_mem>>
        %dma_start3A = arith.constant 0 : i32
        %dma_start3A_20 = tpu.memref_slice %arg8[%mul3A_19, %dma_start3A] : memref<10000x128xf32, #tpu.memory_space<vmem_shared>> -> memref<1000x128xf32, #tpu.memory_space<vmem_shared>>
        %dma_start3A_21 = arith.constant 0 : i32
        %dma_start3A_22 = tpu.memref_slice %arg4[%mul3A_17, %dma_start3A_21] : memref<10000x128xf32, #tpu.memory_space<hbm>> -> memref<1000x128xf32, #tpu.memory_space<hbm>>
        tpu.enqueue_dma source(%dma_start3A_22 : memref<1000x128xf32, #tpu.memory_space<hbm>>) target(%dma_start3A_20 : memref<1000x128xf32, #tpu.memory_space<vmem_shared>>) target_semaphore(%run_scoped3A : memref<!tpu.dma_semaphore, #tpu.memory_space<semaphore_mem>>)
        %dma_wait3A = arith.constant 0 : i32
        %dma_wait3A_23 = tpu.memref_slice %arg8[%mul3A_19, %dma_wait3A] : memref<10000x128xf32, #tpu.memory_space<vmem_shared>> -> memref<1000x128xf32, #tpu.memory_space<vmem_shared>>
        %dma_wait3A_24 = arith.constant 0 : i32
        %dma_wait3A_25 = tpu.memref_slice %arg4[%mul3A_17, %dma_wait3A_24] : memref<10000x128xf32, #tpu.memory_space<hbm>> -> memref<1000x128xf32, #tpu.memory_space<hbm>>
        tpu.wait_dma2 semaphore(%run_scoped3A : memref<!tpu.dma_semaphore, #tpu.memory_space<semaphore_mem>>) src(%dma_wait3A_25 : memref<1000x128xf32, #tpu.memory_space<hbm>>) dst(%dma_wait3A_23 : memref<1000x128xf32, #tpu.memory_space<vmem_shared>>)
        tpu.yield
      }) : () -> ()
    } else {
    }
    %mul3A_3 = arith.constant 40 : i32
    %mul3A_4 = arith.muli %add3A, %mul3A_3 : i32
    "tpu.region"() ({
      %run_scoped3A = tpu.sem_alloc : memref<!tpu.dma_semaphore, #tpu.memory_space<semaphore_mem>>
      %dma_start3A = arith.constant 0 : i32
      %dma_start3A_16 = tpu.memref_slice %arg2[%mul3A_4, %dma_start3A] : memref<1280x128xi32, #tpu.memory_space<hbm>> -> memref<40x128xi32, #tpu.memory_space<hbm>>
      %dma_start3A_17 = arith.constant 0 : i32
      %dma_start3A_18 = tpu.memref_slice %arg2[%mul3A_4, %dma_start3A_17] : memref<1280x128xi32, #tpu.memory_space<hbm>> -> memref<40x128xi32, #tpu.memory_space<hbm>>
      tpu.enqueue_dma source(%dma_start3A_18 : memref<40x128xi32, #tpu.memory_space<hbm>>) target(%arg6 : memref<40x128xi32, #tpu.memory_space<vmem>>) target_semaphore(%run_scoped3A : memref<!tpu.dma_semaphore, #tpu.memory_space<semaphore_mem>>)
      %dma_wait3A = arith.constant 0 : i32
      %dma_wait3A_19 = tpu.memref_slice %arg2[%mul3A_4, %dma_wait3A] : memref<1280x128xi32, #tpu.memory_space<hbm>> -> memref<40x128xi32, #tpu.memory_space<hbm>>
      %dma_wait3A_20 = arith.constant 0 : i32
      %dma_wait3A_21 = tpu.memref_slice %arg2[%mul3A_4, %dma_wait3A_20] : memref<1280x128xi32, #tpu.memory_space<hbm>> -> memref<40x128xi32, #tpu.memory_space<hbm>>
      tpu.wait_dma2 semaphore(%run_scoped3A : memref<!tpu.dma_semaphore, #tpu.memory_space<semaphore_mem>>) src(%dma_wait3A_21 : memref<40x128xi32, #tpu.memory_space<hbm>>) dst(%arg6 : memref<40x128xi32, #tpu.memory_space<vmem>>)
      tpu.yield
    }) : () -> ()
    %barrier3A = arith.constant 0 : index
    tpu.barrier barrier_id(%barrier3A)
    %scan3A = arith.constant 0 : i32
    %scan3A_5 = arith.constant 0 : i32
    %scan3A_6 = arith.constant 40 : i32
    %scan3A_7 = arith.addi %scan3A_5, %scan3A_6 : i32
    %scan3A_8 = arith.constant 1 : i32
    scf.for %scan3A_16 = %scan3A_5 to %scan3A_7 step %scan3A_8  : i32 {
      %mul3A_17 = arith.constant 40 : i32
      %mul3A_18 = arith.muli %add3A, %mul3A_17 : i32
      %add3A_19 = arith.addi %mul3A_18, %scan3A_16 : i32
      %mul3A_20 = arith.constant 128 : i32
      %mul3A_21 = arith.muli %add3A_19, %mul3A_20 : i32
      "tpu.region"() ({
        %run_scoped3A = tpu.sem_alloc : memref<!tpu.dma_semaphore, #tpu.memory_space<semaphore_mem>>
        %dma_start3A = arith.constant 0 : i32
        %dma_start3A_22 = tpu.memref_slice %arg3[%mul3A_21, %dma_start3A] : memref<163840x128xf32, #tpu.memory_space<hbm>> -> memref<128x128xf32, #tpu.memory_space<hbm>>
        %dma_start3A_23 = arith.constant 0 : i32
        %dma_start3A_24 = tpu.memref_slice %arg3[%mul3A_21, %dma_start3A_23] : memref<163840x128xf32, #tpu.memory_space<hbm>> -> memref<128x128xf32, #tpu.memory_space<hbm>>
        tpu.enqueue_dma source(%dma_start3A_24 : memref<128x128xf32, #tpu.memory_space<hbm>>) target(%arg7 : memref<128x128xf32, #tpu.memory_space<vmem>>) target_semaphore(%run_scoped3A : memref<!tpu.dma_semaphore, #tpu.memory_space<semaphore_mem>>)
        %dma_wait3A = arith.constant 0 : i32
        %dma_wait3A_25 = tpu.memref_slice %arg3[%mul3A_21, %dma_wait3A] : memref<163840x128xf32, #tpu.memory_space<hbm>> -> memref<128x128xf32, #tpu.memory_space<hbm>>
        %dma_wait3A_26 = arith.constant 0 : i32
        %dma_wait3A_27 = tpu.memref_slice %arg3[%mul3A_21, %dma_wait3A_26] : memref<163840x128xf32, #tpu.memory_space<hbm>> -> memref<128x128xf32, #tpu.memory_space<hbm>>
        tpu.wait_dma2 semaphore(%run_scoped3A : memref<!tpu.dma_semaphore, #tpu.memory_space<semaphore_mem>>) src(%dma_wait3A_27 : memref<128x128xf32, #tpu.memory_space<hbm>>) dst(%arg7 : memref<128x128xf32, #tpu.memory_space<vmem>>)
        tpu.yield
      }) : () -> ()
      "tpu.region"() ({
        %run_scoped3A = tpu.sem_alloc : memref<!tpu.dma_semaphore, #tpu.memory_space<semaphore_mem>>
        %dma_start3A = arith.constant 0 : i32
        %dma_start3A_22 = tpu.memref_slice %arg6[%scan3A_16, %dma_start3A] : memref<40x128xi32, #tpu.memory_space<vmem>> -> memref<1x128xi32, #tpu.memory_space<vmem>>
        %dma_start3A_23 = tpu.memref_squeeze %dma_start3A_22 : memref<1x128xi32, #tpu.memory_space<vmem>> -> memref<128xi32, #tpu.memory_space<vmem>>
        %dma_start3A_24 = arith.constant 0 : i32
        %dma_start3A_25 = arith.constant 0 : i32
        %dma_start3A_26 = tpu.memref_slice %arg8[%dma_start3A_24, %dma_start3A_25] : memref<10000x128xf32, #tpu.memory_space<vmem_shared>> -> memref<10000x128xf32, #tpu.memory_space<vmem_shared>>
        tpu.enqueue_indirect_dma source(%arg7 : memref<128x128xf32, #tpu.memory_space<vmem>>) target(%dma_start3A_26 : memref<10000x128xf32, #tpu.memory_space<vmem_shared>>) offsets(%dma_start3A_23 : memref<128xi32, #tpu.memory_space<vmem>>) semaphore(%run_scoped3A : memref<!tpu.dma_semaphore, #tpu.memory_space<semaphore_mem>>) {add = true}
        %dma_wait3A = arith.constant 0 : i32
        %dma_wait3A_27 = tpu.memref_slice %arg6[%scan3A_16, %dma_wait3A] : memref<40x128xi32, #tpu.memory_space<vmem>> -> memref<1x128xi32, #tpu.memory_space<vmem>>
        %dma_wait3A_28 = tpu.memref_squeeze %dma_wait3A_27 : memref<1x128xi32, #tpu.memory_space<vmem>> -> memref<128xi32, #tpu.memory_space<vmem>>
        %dma_wait3A_29 = arith.constant 0 : i32
        %dma_wait3A_30 = arith.constant 0 : i32
        %dma_wait3A_31 = tpu.memref_slice %arg8[%dma_wait3A_29, %dma_wait3A_30] : memref<10000x128xf32, #tpu.memory_space<vmem_shared>> -> memref<10000x128xf32, #tpu.memory_space<vmem_shared>>
        tpu.wait_indirect_dma semaphore(%run_scoped3A : memref<!tpu.dma_semaphore, #tpu.memory_space<semaphore_mem>>) src(%arg7 : memref<128x128xf32, #tpu.memory_space<vmem>>) dst(%dma_wait3A_31 : memref<10000x128xf32, #tpu.memory_space<vmem_shared>>)
        tpu.yield
      }) : () -> ()
    }
    %scan3A_9 = arith.constant 40 : i32
    %barrier3A_10 = arith.constant 0 : index
    tpu.barrier barrier_id(%barrier3A_10)
    %lt3A_11 = arith.constant 10 : i32
    %lt3A_12 = arith.cmpi slt, %arg1, %lt3A_11 : i32
    %convert_element_type3A_13 = arith.extui %lt3A_12 : i1 to i32
    %cond3A_14 = arith.constant 0 : i32
    %cond3A_15 = arith.cmpi ne, %convert_element_type3A_13, %cond3A_14 : i32
    scf.if %cond3A_15 {
      %mul3A_16 = arith.constant 1000 : i32
      %mul3A_17 = arith.muli %arg1, %mul3A_16 : i32
      %mul3A_18 = arith.constant 1000 : i32
      %mul3A_19 = arith.muli %arg1, %mul3A_18 : i32
      "tpu.region"() ({
        %run_scoped3A = tpu.sem_alloc : memref<!tpu.dma_semaphore, #tpu.memory_space<semaphore_mem>>
        %dma_start3A = arith.constant 0 : i32
        %dma_start3A_20 = tpu.memref_slice %arg5[%arg0, %mul3A_19, %dma_start3A] : memref<2x10000x128xf32, #tpu.memory_space<hbm>> -> memref<1x1000x128xf32, #tpu.memory_space<hbm>>
        %dma_start3A_21 = tpu.memref_squeeze %dma_start3A_20 : memref<1x1000x128xf32, #tpu.memory_space<hbm>> -> memref<1000x128xf32, #tpu.memory_space<hbm>>
        %dma_start3A_22 = arith.constant 0 : i32
        %dma_start3A_23 = tpu.memref_slice %arg8[%mul3A_17, %dma_start3A_22] : memref<10000x128xf32, #tpu.memory_space<vmem_shared>> -> memref<1000x128xf32, #tpu.memory_space<vmem_shared>>
        tpu.enqueue_dma source(%dma_start3A_23 : memref<1000x128xf32, #tpu.memory_space<vmem_shared>>) target(%dma_start3A_21 : memref<1000x128xf32, #tpu.memory_space<hbm>>) target_semaphore(%run_scoped3A : memref<!tpu.dma_semaphore, #tpu.memory_space<semaphore_mem>>)
        %dma_wait3A = arith.constant 0 : i32
        %dma_wait3A_24 = tpu.memref_slice %arg5[%arg0, %mul3A_19, %dma_wait3A] : memref<2x10000x128xf32, #tpu.memory_space<hbm>> -> memref<1x1000x128xf32, #tpu.memory_space<hbm>>
        %dma_wait3A_25 = tpu.memref_squeeze %dma_wait3A_24 : memref<1x1000x128xf32, #tpu.memory_space<hbm>> -> memref<1000x128xf32, #tpu.memory_space<hbm>>
        %dma_wait3A_26 = arith.constant 0 : i32
        %dma_wait3A_27 = tpu.memref_slice %arg8[%mul3A_17, %dma_wait3A_26] : memref<10000x128xf32, #tpu.memory_space<vmem_shared>> -> memref<1000x128xf32, #tpu.memory_space<vmem_shared>>
        tpu.wait_dma2 semaphore(%run_scoped3A : memref<!tpu.dma_semaphore, #tpu.memory_space<semaphore_mem>>) src(%dma_wait3A_27 : memref<1000x128xf32, #tpu.memory_space<vmem_shared>>) dst(%dma_wait3A_25 : memref<1000x128xf32, #tpu.memory_space<hbm>>)
        tpu.yield
      }) : () -> ()
    } else {
    }
    return
  }
}

#map = affine_map<(d0, d1) -> (0)>
module attributes {stable_mosaic.version = 14 : i64} {
  func.func @_sc_att_body(%arg0: i32, %arg1: i32, %arg2: memref<10000xf32, #tpu.memory_space<hbm>>, %arg3: memref<10000xf32, #tpu.memory_space<hbm>>, %arg4: memref<10000xf32, #tpu.memory_space<hbm>>, %arg5: memref<10000xf32, #tpu.memory_space<hbm>>, %arg6: memref<10000xi32, #tpu.memory_space<hbm>>, %arg7: memref<10000xi32, #tpu.memory_space<hbm>>, %arg8: memref<10000xf32, #tpu.memory_space<hbm>>, %arg9: memref<10000xf32, #tpu.memory_space<vmem>>, %arg10: memref<10000xf32, #tpu.memory_space<vmem>>, %arg11: memref<10000xf32, #tpu.memory_space<vmem>>, %arg12: memref<10000xf32, #tpu.memory_space<vmem>>, %arg13: memref<10000xi32, #tpu.memory_space<vmem>>, %arg14: memref<10000xi32, #tpu.memory_space<vmem>>, %arg15: memref<10000xf32, #tpu.memory_space<vmem>>, %arg16: memref<10000xf32, #tpu.memory_space<vmem>>, %arg17: memref<10000xf32, #tpu.memory_space<vmem>>, %arg18: memref<10000xf32, #tpu.memory_space<vmem>>) attributes {dimension_semantics = [#tpu.dimension_semantics<core_parallel>, #tpu.dimension_semantics<subcore_parallel>], iteration_bounds = array<i64: 2, 16>, scalar_prefetch = 0 : i64, scratch_operands = 10 : i64, tpu.core_type = #tpu.core_type<sc_vector_subcore>, window_params = [{transform_indices = #map}, {transform_indices = #map}, {transform_indices = #map}, {transform_indices = #map}, {transform_indices = #map}, {transform_indices = #map}, {transform_indices = #map}]} {
    %eq3A = arith.constant 0 : i32
    %eq3A_0 = arith.cmpi eq, %arg0, %eq3A : i32
    %eq3A_1 = arith.constant 0 : i32
    %eq3A_2 = arith.cmpi eq, %arg1, %eq3A_1 : i32
    %and3A = arith.andi %eq3A_0, %eq3A_2 : i1
    %convert_element_type3A = arith.extui %and3A : i1 to i32
    %cond3A = arith.constant 0 : i32
    %cond3A_3 = arith.cmpi ne, %convert_element_type3A, %cond3A : i32
    scf.if %cond3A_3 {
      "tpu.region"() ({
        %run_scoped3A = tpu.sem_alloc : memref<!tpu.dma_semaphore, #tpu.memory_space<semaphore_mem>>
        tpu.enqueue_dma source(%arg2 : memref<10000xf32, #tpu.memory_space<hbm>>) target(%arg9 : memref<10000xf32, #tpu.memory_space<vmem>>) target_semaphore(%run_scoped3A : memref<!tpu.dma_semaphore, #tpu.memory_space<semaphore_mem>>)
        tpu.wait_dma2 semaphore(%run_scoped3A : memref<!tpu.dma_semaphore, #tpu.memory_space<semaphore_mem>>) src(%arg2 : memref<10000xf32, #tpu.memory_space<hbm>>) dst(%arg9 : memref<10000xf32, #tpu.memory_space<vmem>>)
        tpu.yield
      }) : () -> ()
      "tpu.region"() ({
        %run_scoped3A = tpu.sem_alloc : memref<!tpu.dma_semaphore, #tpu.memory_space<semaphore_mem>>
        tpu.enqueue_dma source(%arg3 : memref<10000xf32, #tpu.memory_space<hbm>>) target(%arg10 : memref<10000xf32, #tpu.memory_space<vmem>>) target_semaphore(%run_scoped3A : memref<!tpu.dma_semaphore, #tpu.memory_space<semaphore_mem>>)
        tpu.wait_dma2 semaphore(%run_scoped3A : memref<!tpu.dma_semaphore, #tpu.memory_space<semaphore_mem>>) src(%arg3 : memref<10000xf32, #tpu.memory_space<hbm>>) dst(%arg10 : memref<10000xf32, #tpu.memory_space<vmem>>)
        tpu.yield
      }) : () -> ()
      "tpu.region"() ({
        %run_scoped3A = tpu.sem_alloc : memref<!tpu.dma_semaphore, #tpu.memory_space<semaphore_mem>>
        tpu.enqueue_dma source(%arg4 : memref<10000xf32, #tpu.memory_space<hbm>>) target(%arg11 : memref<10000xf32, #tpu.memory_space<vmem>>) target_semaphore(%run_scoped3A : memref<!tpu.dma_semaphore, #tpu.memory_space<semaphore_mem>>)
        tpu.wait_dma2 semaphore(%run_scoped3A : memref<!tpu.dma_semaphore, #tpu.memory_space<semaphore_mem>>) src(%arg4 : memref<10000xf32, #tpu.memory_space<hbm>>) dst(%arg11 : memref<10000xf32, #tpu.memory_space<vmem>>)
        tpu.yield
      }) : () -> ()
      "tpu.region"() ({
        %run_scoped3A = tpu.sem_alloc : memref<!tpu.dma_semaphore, #tpu.memory_space<semaphore_mem>>
        tpu.enqueue_dma source(%arg5 : memref<10000xf32, #tpu.memory_space<hbm>>) target(%arg12 : memref<10000xf32, #tpu.memory_space<vmem>>) target_semaphore(%run_scoped3A : memref<!tpu.dma_semaphore, #tpu.memory_space<semaphore_mem>>)
        tpu.wait_dma2 semaphore(%run_scoped3A : memref<!tpu.dma_semaphore, #tpu.memory_space<semaphore_mem>>) src(%arg5 : memref<10000xf32, #tpu.memory_space<hbm>>) dst(%arg12 : memref<10000xf32, #tpu.memory_space<vmem>>)
        tpu.yield
      }) : () -> ()
      "tpu.region"() ({
        %run_scoped3A = tpu.sem_alloc : memref<!tpu.dma_semaphore, #tpu.memory_space<semaphore_mem>>
        tpu.enqueue_dma source(%arg6 : memref<10000xi32, #tpu.memory_space<hbm>>) target(%arg13 : memref<10000xi32, #tpu.memory_space<vmem>>) target_semaphore(%run_scoped3A : memref<!tpu.dma_semaphore, #tpu.memory_space<semaphore_mem>>)
        tpu.wait_dma2 semaphore(%run_scoped3A : memref<!tpu.dma_semaphore, #tpu.memory_space<semaphore_mem>>) src(%arg6 : memref<10000xi32, #tpu.memory_space<hbm>>) dst(%arg13 : memref<10000xi32, #tpu.memory_space<vmem>>)
        tpu.yield
      }) : () -> ()
      "tpu.region"() ({
        %run_scoped3A = tpu.sem_alloc : memref<!tpu.dma_semaphore, #tpu.memory_space<semaphore_mem>>
        tpu.enqueue_dma source(%arg7 : memref<10000xi32, #tpu.memory_space<hbm>>) target(%arg14 : memref<10000xi32, #tpu.memory_space<vmem>>) target_semaphore(%run_scoped3A : memref<!tpu.dma_semaphore, #tpu.memory_space<semaphore_mem>>)
        tpu.wait_dma2 semaphore(%run_scoped3A : memref<!tpu.dma_semaphore, #tpu.memory_space<semaphore_mem>>) src(%arg7 : memref<10000xi32, #tpu.memory_space<hbm>>) dst(%arg14 : memref<10000xi32, #tpu.memory_space<vmem>>)
        tpu.yield
      }) : () -> ()
      %broadcast_in_dim3A = arith.constant 0.000000e+00 : f32
      %broadcast_in_dim3A_4 = vector.broadcast %broadcast_in_dim3A : f32 to vector<16xf32>
      %scan3A = arith.constant 0 : i32
      %scan3A_5 = arith.constant 0 : i32
      %scan3A_6 = arith.constant 625 : i32
      %scan3A_7 = arith.addi %scan3A_5, %scan3A_6 : i32
      %scan3A_8 = arith.constant 1 : i32
      scf.for %scan3A_22 = %scan3A_5 to %scan3A_7 step %scan3A_8  : i32 {
        %mul3A = arith.constant 16 : i32
        %mul3A_23 = arith.muli %scan3A_22, %mul3A : i32
        %swap3A = arith.index_cast %mul3A_23 : i32 to index
        %swap3A_24 = tpu.vector_load %arg16[%swap3A] {strides = array<i32>} : memref<10000xf32, #tpu.memory_space<vmem>>, vector<16xf32>,
        tpu.vector_store %arg16[%swap3A], %broadcast_in_dim3A_4 {strides = array<i32>} : memref<10000xf32, #tpu.memory_space<vmem>>, vector<16xf32>,
        %mul3A_25 = arith.constant 16 : i32
        %mul3A_26 = arith.muli %scan3A_22, %mul3A_25 : i32
        %swap3A_27 = arith.index_cast %mul3A_26 : i32 to index
        %swap3A_28 = tpu.vector_load %arg17[%swap3A_27] {strides = array<i32>} : memref<10000xf32, #tpu.memory_space<vmem>>, vector<16xf32>,
        tpu.vector_store %arg17[%swap3A_27], %broadcast_in_dim3A_4 {strides = array<i32>} : memref<10000xf32, #tpu.memory_space<vmem>>, vector<16xf32>,
      }
      %scan3A_9 = arith.constant 625 : i32
      %scan3A_10 = arith.constant 0 : i32
      %scan3A_11 = arith.constant 0 : i32
      %scan3A_12 = arith.constant 625 : i32
      %scan3A_13 = arith.addi %scan3A_11, %scan3A_12 : i32
      %scan3A_14 = arith.constant 1 : i32
      scf.for %scan3A_22 = %scan3A_11 to %scan3A_13 step %scan3A_14  : i32 {
        %mul3A = arith.constant 16 : i32
        %mul3A_23 = arith.muli %scan3A_22, %mul3A : i32
        %get3A = arith.index_cast %mul3A_23 : i32 to index
        %get3A_24 = tpu.vector_load %arg13[%get3A] {strides = array<i32>} : memref<10000xi32, #tpu.memory_space<vmem>>, vector<16xi32>,
        %get3A_25 = arith.index_cast %mul3A_23 : i32 to index
        %get3A_26 = tpu.vector_load %arg14[%get3A_25] {strides = array<i32>} : memref<10000xi32, #tpu.memory_space<vmem>>, vector<16xi32>,
        %gather3A = tpu.vector_load_idx %arg9[%get3A_24] : memref<10000xf32, #tpu.memory_space<vmem>>[vector<16xi32>], vector<16xf32>,
        %gather3A_27 = tpu.vector_load_idx %arg10[%get3A_26] : memref<10000xf32, #tpu.memory_space<vmem>>[vector<16xi32>], vector<16xf32>,
        %add3A = arith.addf %gather3A, %gather3A_27 : vector<16xf32>
        %ge3A = arith.constant 0.000000e+00 : f32
        %ge3A_28 = vector.broadcast %ge3A : f32 to vector<16xf32>
        %ge3A_29 = arith.cmpf oge, %add3A, %ge3A_28 : vector<16xf32>
        %mul3A_30 = arith.constant 2.000000e-01 : f32
        %mul3A_31 = vector.broadcast %mul3A_30 : f32 to vector<16xf32>
        %mul3A_32 = arith.mulf %mul3A_31, %add3A : vector<16xf32>
        %select_n3A = arith.select %ge3A_29, %add3A, %mul3A_32 : vector<16xi1>, vector<16xf32>
        %exp3A = math.exp %select_n3A : vector<16xf32>
        %swap3A = arith.index_cast %mul3A_23 : i32 to index
        %swap3A_33 = tpu.vector_load %arg15[%swap3A] {strides = array<i32>} : memref<10000xf32, #tpu.memory_space<vmem>>, vector<16xf32>,
        tpu.vector_store %arg15[%swap3A], %exp3A {strides = array<i32>} : memref<10000xf32, #tpu.memory_space<vmem>>, vector<16xf32>,
        tpu.vector_store_idx %arg16[%get3A_24], %exp3A {add = true} : memref<10000xf32, #tpu.memory_space<vmem>>[vector<16xi32>], vector<16xf32>,
        %get3A_34 = arith.index_cast %mul3A_23 : i32 to index
        %get3A_35 = tpu.vector_load %arg11[%get3A_34] {strides = array<i32>} : memref<10000xf32, #tpu.memory_space<vmem>>, vector<16xf32>,
        tpu.vector_store_idx %arg17[%get3A_24], %get3A_35 {add = true} : memref<10000xf32, #tpu.memory_space<vmem>>[vector<16xi32>], vector<16xf32>,
      }
      %scan3A_15 = arith.constant 625 : i32
      %scan3A_16 = arith.constant 0 : i32
      %scan3A_17 = arith.constant 0 : i32
      %scan3A_18 = arith.constant 625 : i32
      %scan3A_19 = arith.addi %scan3A_17, %scan3A_18 : i32
      %scan3A_20 = arith.constant 1 : i32
      scf.for %scan3A_22 = %scan3A_17 to %scan3A_19 step %scan3A_20  : i32 {
        %mul3A = arith.constant 16 : i32
        %mul3A_23 = arith.muli %scan3A_22, %mul3A : i32
        %get3A = arith.index_cast %mul3A_23 : i32 to index
        %get3A_24 = tpu.vector_load %arg13[%get3A] {strides = array<i32>} : memref<10000xi32, #tpu.memory_space<vmem>>, vector<16xi32>,
        %gather3A = tpu.vector_load_idx %arg16[%get3A_24] : memref<10000xf32, #tpu.memory_space<vmem>>[vector<16xi32>], vector<16xf32>,
        %gather3A_25 = tpu.vector_load_idx %arg17[%get3A_24] : memref<10000xf32, #tpu.memory_space<vmem>>[vector<16xi32>], vector<16xf32>,
        %get3A_26 = arith.index_cast %mul3A_23 : i32 to index
        %get3A_27 = tpu.vector_load %arg15[%get3A_26] {strides = array<i32>} : memref<10000xf32, #tpu.memory_space<vmem>>, vector<16xf32>,
        %add3A = arith.constant 1.000000e-16 : f32
        %add3A_28 = vector.broadcast %add3A : f32 to vector<16xf32>
        %add3A_29 = arith.addf %gather3A, %add3A_28 : vector<16xf32>
        %div3A = arith.divf %get3A_27, %add3A_29 : vector<16xf32>
        %get3A_30 = arith.index_cast %mul3A_23 : i32 to index
        %get3A_31 = tpu.vector_load %arg12[%get3A_30] {strides = array<i32>} : memref<10000xf32, #tpu.memory_space<vmem>>, vector<16xf32>,
        %add3A_32 = arith.addf %div3A, %get3A_31 : vector<16xf32>
        %get3A_33 = arith.index_cast %mul3A_23 : i32 to index
        %get3A_34 = tpu.vector_load %arg11[%get3A_33] {strides = array<i32>} : memref<10000xf32, #tpu.memory_space<vmem>>, vector<16xf32>,
        %add3A_35 = arith.constant 1.000000e-16 : f32
        %add3A_36 = vector.broadcast %add3A_35 : f32 to vector<16xf32>
        %add3A_37 = arith.addf %gather3A_25, %add3A_36 : vector<16xf32>
        %div3A_38 = arith.divf %get3A_34, %add3A_37 : vector<16xf32>
        %add3A_39 = arith.addf %add3A_32, %div3A_38 : vector<16xf32>
        %mul3A_40 = arith.constant 0.333333343 : f32
        %mul3A_41 = vector.broadcast %mul3A_40 : f32 to vector<16xf32>
        %mul3A_42 = arith.mulf %add3A_39, %mul3A_41 : vector<16xf32>
        %swap3A = arith.index_cast %mul3A_23 : i32 to index
        %swap3A_43 = tpu.vector_load %arg18[%swap3A] {strides = array<i32>} : memref<10000xf32, #tpu.memory_space<vmem>>, vector<16xf32>,
        tpu.vector_store %arg18[%swap3A], %mul3A_42 {strides = array<i32>} : memref<10000xf32, #tpu.memory_space<vmem>>, vector<16xf32>,
      }
      %scan3A_21 = arith.constant 625 : i32
      "tpu.region"() ({
        %run_scoped3A = tpu.sem_alloc : memref<!tpu.dma_semaphore, #tpu.memory_space<semaphore_mem>>
        tpu.enqueue_dma source(%arg18 : memref<10000xf32, #tpu.memory_space<vmem>>) target(%arg8 : memref<10000xf32, #tpu.memory_space<hbm>>) target_semaphore(%run_scoped3A : memref<!tpu.dma_semaphore, #tpu.memory_space<semaphore_mem>>)
        tpu.wait_dma2 semaphore(%run_scoped3A : memref<!tpu.dma_semaphore, #tpu.memory_space<semaphore_mem>>) src(%arg18 : memref<10000xf32, #tpu.memory_space<vmem>>) dst(%arg8 : memref<10000xf32, #tpu.memory_space<hbm>>)
        tpu.yield
      }) : () -> ()
    } else {
    }
    return
  }
}

#map = affine_map<(d0, d1) -> (0, 0)>
#map1 = affine_map<(d0, d1) -> (0)>
module attributes {stable_mosaic.version = 14 : i64} {
  func.func @_sc_gather_body(%arg0: i32, %arg1: i32, %arg2: memref<10000x64xf32, #tpu.memory_space<hbm>>, %arg3: memref<10000x64xf32, #tpu.memory_space<hbm>>, %arg4: memref<163840xi32, #tpu.memory_space<hbm>>, %arg5: memref<163840xi32, #tpu.memory_space<hbm>>, %arg6: memref<163840x64xf32, #tpu.memory_space<hbm>>, %arg7: memref<163840x64xf32, #tpu.memory_space<hbm>>, %arg8: memref<128xi32, #tpu.memory_space<vmem>>, %arg9: memref<128xi32, #tpu.memory_space<vmem>>, %arg10: memref<128x64xf32, #tpu.memory_space<vmem>>, %arg11: memref<128x64xf32, #tpu.memory_space<vmem>>, %arg12: memref<!tpu.dma_semaphore, #tpu.memory_space<semaphore_mem>>, %arg13: memref<!tpu.dma_semaphore, #tpu.memory_space<semaphore_mem>>) attributes {dimension_semantics = [#tpu.dimension_semantics<core_parallel>, #tpu.dimension_semantics<subcore_parallel>], iteration_bounds = array<i64: 2, 16>, scalar_prefetch = 0 : i64, scratch_operands = 6 : i64, tpu.core_type = #tpu.core_type<sc_vector_subcore>, window_params = [{transform_indices = #map}, {transform_indices = #map}, {transform_indices = #map1}, {transform_indices = #map1}, {transform_indices = #map}, {transform_indices = #map}]} {
    %mul3A = arith.constant 2 : i32
    %mul3A_0 = arith.muli %arg1, %mul3A : i32
    %add3A = arith.addi %mul3A_0, %arg0 : i32
    %scan3A = arith.constant 0 : i32
    %scan3A_1 = arith.constant 0 : i32
    %scan3A_2 = arith.constant 40 : i32
    %scan3A_3 = arith.addi %scan3A_1, %scan3A_2 : i32
    %scan3A_4 = arith.constant 1 : i32
    scf.for %scan3A_6 = %scan3A_1 to %scan3A_3 step %scan3A_4  : i32 {
      %mul3A_7 = arith.constant 5120 : i32
      %mul3A_8 = arith.muli %add3A, %mul3A_7 : i32
      %mul3A_9 = arith.constant 128 : i32
      %mul3A_10 = arith.muli %scan3A_6, %mul3A_9 : i32
      %add3A_11 = arith.addi %mul3A_8, %mul3A_10 : i32
      "tpu.region"() ({
        %run_scoped3A = tpu.sem_alloc : memref<!tpu.dma_semaphore, #tpu.memory_space<semaphore_mem>>
        %dma_start3A_22 = tpu.memref_slice %arg4[%add3A_11] : memref<163840xi32, #tpu.memory_space<hbm>> -> memref<128xi32, #tpu.memory_space<hbm>>
        %dma_start3A_23 = tpu.memref_slice %arg4[%add3A_11] : memref<163840xi32, #tpu.memory_space<hbm>> -> memref<128xi32, #tpu.memory_space<hbm>>
        tpu.enqueue_dma source(%dma_start3A_23 : memref<128xi32, #tpu.memory_space<hbm>>) target(%arg8 : memref<128xi32, #tpu.memory_space<vmem>>) target_semaphore(%run_scoped3A : memref<!tpu.dma_semaphore, #tpu.memory_space<semaphore_mem>>)
        %dma_wait3A_24 = tpu.memref_slice %arg4[%add3A_11] : memref<163840xi32, #tpu.memory_space<hbm>> -> memref<128xi32, #tpu.memory_space<hbm>>
        %dma_wait3A_25 = tpu.memref_slice %arg4[%add3A_11] : memref<163840xi32, #tpu.memory_space<hbm>> -> memref<128xi32, #tpu.memory_space<hbm>>
        tpu.wait_dma2 semaphore(%run_scoped3A : memref<!tpu.dma_semaphore, #tpu.memory_space<semaphore_mem>>) src(%dma_wait3A_25 : memref<128xi32, #tpu.memory_space<hbm>>) dst(%arg8 : memref<128xi32, #tpu.memory_space<vmem>>)
        tpu.yield
      }) : () -> ()
      "tpu.region"() ({
        %run_scoped3A = tpu.sem_alloc : memref<!tpu.dma_semaphore, #tpu.memory_space<semaphore_mem>>
        %dma_start3A_22 = tpu.memref_slice %arg5[%add3A_11] : memref<163840xi32, #tpu.memory_space<hbm>> -> memref<128xi32, #tpu.memory_space<hbm>>
        %dma_start3A_23 = tpu.memref_slice %arg5[%add3A_11] : memref<163840xi32, #tpu.memory_space<hbm>> -> memref<128xi32, #tpu.memory_space<hbm>>
        tpu.enqueue_dma source(%dma_start3A_23 : memref<128xi32, #tpu.memory_space<hbm>>) target(%arg9 : memref<128xi32, #tpu.memory_space<vmem>>) target_semaphore(%run_scoped3A : memref<!tpu.dma_semaphore, #tpu.memory_space<semaphore_mem>>)
        %dma_wait3A_24 = tpu.memref_slice %arg5[%add3A_11] : memref<163840xi32, #tpu.memory_space<hbm>> -> memref<128xi32, #tpu.memory_space<hbm>>
        %dma_wait3A_25 = tpu.memref_slice %arg5[%add3A_11] : memref<163840xi32, #tpu.memory_space<hbm>> -> memref<128xi32, #tpu.memory_space<hbm>>
        tpu.wait_dma2 semaphore(%run_scoped3A : memref<!tpu.dma_semaphore, #tpu.memory_space<semaphore_mem>>) src(%dma_wait3A_25 : memref<128xi32, #tpu.memory_space<hbm>>) dst(%arg9 : memref<128xi32, #tpu.memory_space<vmem>>)
        tpu.yield
      }) : () -> ()
      %dma_start3A = arith.constant 0 : i32
      %dma_start3A_12 = arith.constant 0 : i32
      %dma_start3A_13 = tpu.memref_slice %arg2[%dma_start3A, %dma_start3A_12] : memref<10000x64xf32, #tpu.memory_space<hbm>> -> memref<10000x64xf32, #tpu.memory_space<hbm>>
      tpu.enqueue_indirect_dma source(%dma_start3A_13 : memref<10000x64xf32, #tpu.memory_space<hbm>>) target(%arg10 : memref<128x64xf32, #tpu.memory_space<vmem>>) offsets(%arg8 : memref<128xi32, #tpu.memory_space<vmem>>) semaphore(%arg12 : memref<!tpu.dma_semaphore, #tpu.memory_space<semaphore_mem>>)
      %dma_start3A_14 = arith.constant 0 : i32
      %dma_start3A_15 = arith.constant 0 : i32
      %dma_start3A_16 = tpu.memref_slice %arg3[%dma_start3A_14, %dma_start3A_15] : memref<10000x64xf32, #tpu.memory_space<hbm>> -> memref<10000x64xf32, #tpu.memory_space<hbm>>
      tpu.enqueue_indirect_dma source(%dma_start3A_16 : memref<10000x64xf32, #tpu.memory_space<hbm>>) target(%arg11 : memref<128x64xf32, #tpu.memory_space<vmem>>) offsets(%arg9 : memref<128xi32, #tpu.memory_space<vmem>>) semaphore(%arg13 : memref<!tpu.dma_semaphore, #tpu.memory_space<semaphore_mem>>)
      %dma_wait3A = arith.constant 0 : i32
      %dma_wait3A_17 = arith.constant 0 : i32
      %dma_wait3A_18 = tpu.memref_slice %arg2[%dma_wait3A, %dma_wait3A_17] : memref<10000x64xf32, #tpu.memory_space<hbm>> -> memref<10000x64xf32, #tpu.memory_space<hbm>>
      tpu.wait_indirect_dma semaphore(%arg12 : memref<!tpu.dma_semaphore, #tpu.memory_space<semaphore_mem>>) src(%dma_wait3A_18 : memref<10000x64xf32, #tpu.memory_space<hbm>>) dst(%arg10 : memref<128x64xf32, #tpu.memory_space<vmem>>)
      %dma_wait3A_19 = arith.constant 0 : i32
      %dma_wait3A_20 = arith.constant 0 : i32
      %dma_wait3A_21 = tpu.memref_slice %arg3[%dma_wait3A_19, %dma_wait3A_20] : memref<10000x64xf32, #tpu.memory_space<hbm>> -> memref<10000x64xf32, #tpu.memory_space<hbm>>
      tpu.wait_indirect_dma semaphore(%arg13 : memref<!tpu.dma_semaphore, #tpu.memory_space<semaphore_mem>>) src(%dma_wait3A_21 : memref<10000x64xf32, #tpu.memory_space<hbm>>) dst(%arg11 : memref<128x64xf32, #tpu.memory_space<vmem>>)
      "tpu.region"() ({
        %run_scoped3A = tpu.sem_alloc : memref<!tpu.dma_semaphore, #tpu.memory_space<semaphore_mem>>
        %dma_start3A_22 = arith.constant 0 : i32
        %dma_start3A_23 = tpu.memref_slice %arg6[%add3A_11, %dma_start3A_22] : memref<163840x64xf32, #tpu.memory_space<hbm>> -> memref<128x64xf32, #tpu.memory_space<hbm>>
        %dma_start3A_24 = arith.constant 0 : i32
        %dma_start3A_25 = tpu.memref_slice %arg6[%add3A_11, %dma_start3A_24] : memref<163840x64xf32, #tpu.memory_space<hbm>> -> memref<128x64xf32, #tpu.memory_space<hbm>>
        tpu.enqueue_dma source(%arg10 : memref<128x64xf32, #tpu.memory_space<vmem>>) target(%dma_start3A_25 : memref<128x64xf32, #tpu.memory_space<hbm>>) target_semaphore(%run_scoped3A : memref<!tpu.dma_semaphore, #tpu.memory_space<semaphore_mem>>)
        %dma_wait3A_26 = arith.constant 0 : i32
        %dma_wait3A_27 = tpu.memref_slice %arg6[%add3A_11, %dma_wait3A_26] : memref<163840x64xf32, #tpu.memory_space<hbm>> -> memref<128x64xf32, #tpu.memory_space<hbm>>
        %dma_wait3A_28 = arith.constant 0 : i32
        %dma_wait3A_29 = tpu.memref_slice %arg6[%add3A_11, %dma_wait3A_28] : memref<163840x64xf32, #tpu.memory_space<hbm>> -> memref<128x64xf32, #tpu.memory_space<hbm>>
        tpu.wait_dma2 semaphore(%run_scoped3A : memref<!tpu.dma_semaphore, #tpu.memory_space<semaphore_mem>>) src(%arg10 : memref<128x64xf32, #tpu.memory_space<vmem>>) dst(%dma_wait3A_29 : memref<128x64xf32, #tpu.memory_space<hbm>>)
        tpu.yield
      }) : () -> ()
      "tpu.region"() ({
        %run_scoped3A = tpu.sem_alloc : memref<!tpu.dma_semaphore, #tpu.memory_space<semaphore_mem>>
        %dma_start3A_22 = arith.constant 0 : i32
        %dma_start3A_23 = tpu.memref_slice %arg7[%add3A_11, %dma_start3A_22] : memref<163840x64xf32, #tpu.memory_space<hbm>> -> memref<128x64xf32, #tpu.memory_space<hbm>>
        %dma_start3A_24 = arith.constant 0 : i32
        %dma_start3A_25 = tpu.memref_slice %arg7[%add3A_11, %dma_start3A_24] : memref<163840x64xf32, #tpu.memory_space<hbm>> -> memref<128x64xf32, #tpu.memory_space<hbm>>
        tpu.enqueue_dma source(%arg11 : memref<128x64xf32, #tpu.memory_space<vmem>>) target(%dma_start3A_25 : memref<128x64xf32, #tpu.memory_space<hbm>>) target_semaphore(%run_scoped3A : memref<!tpu.dma_semaphore, #tpu.memory_space<semaphore_mem>>)
        %dma_wait3A_26 = arith.constant 0 : i32
        %dma_wait3A_27 = tpu.memref_slice %arg7[%add3A_11, %dma_wait3A_26] : memref<163840x64xf32, #tpu.memory_space<hbm>> -> memref<128x64xf32, #tpu.memory_space<hbm>>
        %dma_wait3A_28 = arith.constant 0 : i32
        %dma_wait3A_29 = tpu.memref_slice %arg7[%add3A_11, %dma_wait3A_28] : memref<163840x64xf32, #tpu.memory_space<hbm>> -> memref<128x64xf32, #tpu.memory_space<hbm>>
        tpu.wait_dma2 semaphore(%run_scoped3A : memref<!tpu.dma_semaphore, #tpu.memory_space<semaphore_mem>>) src(%arg11 : memref<128x64xf32, #tpu.memory_space<vmem>>) dst(%dma_wait3A_29 : memref<128x64xf32, #tpu.memory_space<hbm>>)
        tpu.yield
      }) : () -> ()
    }
    %scan3A_5 = arith.constant 40 : i32
    return
  }
}

#map = affine_map<(d0, d1) -> (0, 0)>
#map1 = affine_map<(d0, d1) -> (0, 0, 0)>
module attributes {stable_mosaic.version = 14 : i64} {
  func.func @_sc_scatter_body(%arg0: i32, %arg1: i32, %arg2: memref<1280x128xi32, #tpu.memory_space<hbm>>, %arg3: memref<163840x128xf32, #tpu.memory_space<hbm>>, %arg4: memref<10000x128xf32, #tpu.memory_space<hbm>>, %arg5: memref<2x10000x128xf32, #tpu.memory_space<hbm>>, %arg6: memref<40x128xi32, #tpu.memory_space<vmem>>, %arg7: memref<128x128xf32, #tpu.memory_space<vmem>>, %arg8: memref<10000x128xf32, #tpu.memory_space<vmem_shared>>) attributes {dimension_semantics = [#tpu.dimension_semantics<core_parallel>, #tpu.dimension_semantics<subcore_parallel>], iteration_bounds = array<i64: 2, 16>, scalar_prefetch = 0 : i64, scratch_operands = 3 : i64, tpu.core_type = #tpu.core_type<sc_vector_subcore>, window_params = [{transform_indices = #map}, {transform_indices = #map}, {transform_indices = #map}, {transform_indices = #map1}]} {
    %mul3A = arith.constant 2 : i32
    %mul3A_0 = arith.muli %arg1, %mul3A : i32
    %add3A = arith.addi %mul3A_0, %arg0 : i32
    %lt3A = arith.constant 10 : i32
    %lt3A_1 = arith.cmpi slt, %arg1, %lt3A : i32
    %convert_element_type3A = arith.extui %lt3A_1 : i1 to i32
    %cond3A = arith.constant 0 : i32
    %cond3A_2 = arith.cmpi ne, %convert_element_type3A, %cond3A : i32
    scf.if %cond3A_2 {
      %mul3A_16 = arith.constant 1000 : i32
      %mul3A_17 = arith.muli %arg1, %mul3A_16 : i32
      %mul3A_18 = arith.constant 1000 : i32
      %mul3A_19 = arith.muli %arg1, %mul3A_18 : i32
      "tpu.region"() ({
        %run_scoped3A = tpu.sem_alloc : memref<!tpu.dma_semaphore, #tpu.memory_space<semaphore_mem>>
        %dma_start3A = arith.constant 0 : i32
        %dma_start3A_20 = tpu.memref_slice %arg8[%mul3A_19, %dma_start3A] : memref<10000x128xf32, #tpu.memory_space<vmem_shared>> -> memref<1000x128xf32, #tpu.memory_space<vmem_shared>>
        %dma_start3A_21 = arith.constant 0 : i32
        %dma_start3A_22 = tpu.memref_slice %arg4[%mul3A_17, %dma_start3A_21] : memref<10000x128xf32, #tpu.memory_space<hbm>> -> memref<1000x128xf32, #tpu.memory_space<hbm>>
        tpu.enqueue_dma source(%dma_start3A_22 : memref<1000x128xf32, #tpu.memory_space<hbm>>) target(%dma_start3A_20 : memref<1000x128xf32, #tpu.memory_space<vmem_shared>>) target_semaphore(%run_scoped3A : memref<!tpu.dma_semaphore, #tpu.memory_space<semaphore_mem>>)
        %dma_wait3A = arith.constant 0 : i32
        %dma_wait3A_23 = tpu.memref_slice %arg8[%mul3A_19, %dma_wait3A] : memref<10000x128xf32, #tpu.memory_space<vmem_shared>> -> memref<1000x128xf32, #tpu.memory_space<vmem_shared>>
        %dma_wait3A_24 = arith.constant 0 : i32
        %dma_wait3A_25 = tpu.memref_slice %arg4[%mul3A_17, %dma_wait3A_24] : memref<10000x128xf32, #tpu.memory_space<hbm>> -> memref<1000x128xf32, #tpu.memory_space<hbm>>
        tpu.wait_dma2 semaphore(%run_scoped3A : memref<!tpu.dma_semaphore, #tpu.memory_space<semaphore_mem>>) src(%dma_wait3A_25 : memref<1000x128xf32, #tpu.memory_space<hbm>>) dst(%dma_wait3A_23 : memref<1000x128xf32, #tpu.memory_space<vmem_shared>>)
        tpu.yield
      }) : () -> ()
    } else {
    }
    %mul3A_3 = arith.constant 40 : i32
    %mul3A_4 = arith.muli %add3A, %mul3A_3 : i32
    "tpu.region"() ({
      %run_scoped3A = tpu.sem_alloc : memref<!tpu.dma_semaphore, #tpu.memory_space<semaphore_mem>>
      %dma_start3A = arith.constant 0 : i32
      %dma_start3A_16 = tpu.memref_slice %arg2[%mul3A_4, %dma_start3A] : memref<1280x128xi32, #tpu.memory_space<hbm>> -> memref<40x128xi32, #tpu.memory_space<hbm>>
      %dma_start3A_17 = arith.constant 0 : i32
      %dma_start3A_18 = tpu.memref_slice %arg2[%mul3A_4, %dma_start3A_17] : memref<1280x128xi32, #tpu.memory_space<hbm>> -> memref<40x128xi32, #tpu.memory_space<hbm>>
      tpu.enqueue_dma source(%dma_start3A_18 : memref<40x128xi32, #tpu.memory_space<hbm>>) target(%arg6 : memref<40x128xi32, #tpu.memory_space<vmem>>) target_semaphore(%run_scoped3A : memref<!tpu.dma_semaphore, #tpu.memory_space<semaphore_mem>>)
      %dma_wait3A = arith.constant 0 : i32
      %dma_wait3A_19 = tpu.memref_slice %arg2[%mul3A_4, %dma_wait3A] : memref<1280x128xi32, #tpu.memory_space<hbm>> -> memref<40x128xi32, #tpu.memory_space<hbm>>
      %dma_wait3A_20 = arith.constant 0 : i32
      %dma_wait3A_21 = tpu.memref_slice %arg2[%mul3A_4, %dma_wait3A_20] : memref<1280x128xi32, #tpu.memory_space<hbm>> -> memref<40x128xi32, #tpu.memory_space<hbm>>
      tpu.wait_dma2 semaphore(%run_scoped3A : memref<!tpu.dma_semaphore, #tpu.memory_space<semaphore_mem>>) src(%dma_wait3A_21 : memref<40x128xi32, #tpu.memory_space<hbm>>) dst(%arg6 : memref<40x128xi32, #tpu.memory_space<vmem>>)
      tpu.yield
    }) : () -> ()
    %barrier3A = arith.constant 0 : index
    tpu.barrier barrier_id(%barrier3A)
    %scan3A = arith.constant 0 : i32
    %scan3A_5 = arith.constant 0 : i32
    %scan3A_6 = arith.constant 40 : i32
    %scan3A_7 = arith.addi %scan3A_5, %scan3A_6 : i32
    %scan3A_8 = arith.constant 1 : i32
    scf.for %scan3A_16 = %scan3A_5 to %scan3A_7 step %scan3A_8  : i32 {
      %mul3A_17 = arith.constant 40 : i32
      %mul3A_18 = arith.muli %add3A, %mul3A_17 : i32
      %add3A_19 = arith.addi %mul3A_18, %scan3A_16 : i32
      %mul3A_20 = arith.constant 128 : i32
      %mul3A_21 = arith.muli %add3A_19, %mul3A_20 : i32
      "tpu.region"() ({
        %run_scoped3A = tpu.sem_alloc : memref<!tpu.dma_semaphore, #tpu.memory_space<semaphore_mem>>
        %dma_start3A = arith.constant 0 : i32
        %dma_start3A_22 = tpu.memref_slice %arg3[%mul3A_21, %dma_start3A] : memref<163840x128xf32, #tpu.memory_space<hbm>> -> memref<128x128xf32, #tpu.memory_space<hbm>>
        %dma_start3A_23 = arith.constant 0 : i32
        %dma_start3A_24 = tpu.memref_slice %arg3[%mul3A_21, %dma_start3A_23] : memref<163840x128xf32, #tpu.memory_space<hbm>> -> memref<128x128xf32, #tpu.memory_space<hbm>>
        tpu.enqueue_dma source(%dma_start3A_24 : memref<128x128xf32, #tpu.memory_space<hbm>>) target(%arg7 : memref<128x128xf32, #tpu.memory_space<vmem>>) target_semaphore(%run_scoped3A : memref<!tpu.dma_semaphore, #tpu.memory_space<semaphore_mem>>)
        %dma_wait3A = arith.constant 0 : i32
        %dma_wait3A_25 = tpu.memref_slice %arg3[%mul3A_21, %dma_wait3A] : memref<163840x128xf32, #tpu.memory_space<hbm>> -> memref<128x128xf32, #tpu.memory_space<hbm>>
        %dma_wait3A_26 = arith.constant 0 : i32
        %dma_wait3A_27 = tpu.memref_slice %arg3[%mul3A_21, %dma_wait3A_26] : memref<163840x128xf32, #tpu.memory_space<hbm>> -> memref<128x128xf32, #tpu.memory_space<hbm>>
        tpu.wait_dma2 semaphore(%run_scoped3A : memref<!tpu.dma_semaphore, #tpu.memory_space<semaphore_mem>>) src(%dma_wait3A_27 : memref<128x128xf32, #tpu.memory_space<hbm>>) dst(%arg7 : memref<128x128xf32, #tpu.memory_space<vmem>>)
        tpu.yield
      }) : () -> ()
      "tpu.region"() ({
        %run_scoped3A = tpu.sem_alloc : memref<!tpu.dma_semaphore, #tpu.memory_space<semaphore_mem>>
        %dma_start3A = arith.constant 0 : i32
        %dma_start3A_22 = tpu.memref_slice %arg6[%scan3A_16, %dma_start3A] : memref<40x128xi32, #tpu.memory_space<vmem>> -> memref<1x128xi32, #tpu.memory_space<vmem>>
        %dma_start3A_23 = tpu.memref_squeeze %dma_start3A_22 : memref<1x128xi32, #tpu.memory_space<vmem>> -> memref<128xi32, #tpu.memory_space<vmem>>
        %dma_start3A_24 = arith.constant 0 : i32
        %dma_start3A_25 = arith.constant 0 : i32
        %dma_start3A_26 = tpu.memref_slice %arg8[%dma_start3A_24, %dma_start3A_25] : memref<10000x128xf32, #tpu.memory_space<vmem_shared>> -> memref<10000x128xf32, #tpu.memory_space<vmem_shared>>
        tpu.enqueue_indirect_dma source(%arg7 : memref<128x128xf32, #tpu.memory_space<vmem>>) target(%dma_start3A_26 : memref<10000x128xf32, #tpu.memory_space<vmem_shared>>) offsets(%dma_start3A_23 : memref<128xi32, #tpu.memory_space<vmem>>) semaphore(%run_scoped3A : memref<!tpu.dma_semaphore, #tpu.memory_space<semaphore_mem>>) {add = true}
        %dma_wait3A = arith.constant 0 : i32
        %dma_wait3A_27 = tpu.memref_slice %arg6[%scan3A_16, %dma_wait3A] : memref<40x128xi32, #tpu.memory_space<vmem>> -> memref<1x128xi32, #tpu.memory_space<vmem>>
        %dma_wait3A_28 = tpu.memref_squeeze %dma_wait3A_27 : memref<1x128xi32, #tpu.memory_space<vmem>> -> memref<128xi32, #tpu.memory_space<vmem>>
        %dma_wait3A_29 = arith.constant 0 : i32
        %dma_wait3A_30 = arith.constant 0 : i32
        %dma_wait3A_31 = tpu.memref_slice %arg8[%dma_wait3A_29, %dma_wait3A_30] : memref<10000x128xf32, #tpu.memory_space<vmem_shared>> -> memref<10000x128xf32, #tpu.memory_space<vmem_shared>>
        tpu.wait_indirect_dma semaphore(%run_scoped3A : memref<!tpu.dma_semaphore, #tpu.memory_space<semaphore_mem>>) src(%arg7 : memref<128x128xf32, #tpu.memory_space<vmem>>) dst(%dma_wait3A_31 : memref<10000x128xf32, #tpu.memory_space<vmem_shared>>)
        tpu.yield
      }) : () -> ()
    }
    %scan3A_9 = arith.constant 40 : i32
    %barrier3A_10 = arith.constant 0 : index
    tpu.barrier barrier_id(%barrier3A_10)
    %lt3A_11 = arith.constant 10 : i32
    %lt3A_12 = arith.cmpi slt, %arg1, %lt3A_11 : i32
    %convert_element_type3A_13 = arith.extui %lt3A_12 : i1 to i32
    %cond3A_14 = arith.constant 0 : i32
    %cond3A_15 = arith.cmpi ne, %convert_element_type3A_13, %cond3A_14 : i32
    scf.if %cond3A_15 {
      %mul3A_16 = arith.constant 1000 : i32
      %mul3A_17 = arith.muli %arg1, %mul3A_16 : i32
      %mul3A_18 = arith.constant 1000 : i32
      %mul3A_19 = arith.muli %arg1, %mul3A_18 : i32
      "tpu.region"() ({
        %run_scoped3A = tpu.sem_alloc : memref<!tpu.dma_semaphore, #tpu.memory_space<semaphore_mem>>
        %dma_start3A = arith.constant 0 : i32
        %dma_start3A_20 = tpu.memref_slice %arg5[%arg0, %mul3A_19, %dma_start3A] : memref<2x10000x128xf32, #tpu.memory_space<hbm>> -> memref<1x1000x128xf32, #tpu.memory_space<hbm>>
        %dma_start3A_21 = tpu.memref_squeeze %dma_start3A_20 : memref<1x1000x128xf32, #tpu.memory_space<hbm>> -> memref<1000x128xf32, #tpu.memory_space<hbm>>
        %dma_start3A_22 = arith.constant 0 : i32
        %dma_start3A_23 = tpu.memref_slice %arg8[%mul3A_17, %dma_start3A_22] : memref<10000x128xf32, #tpu.memory_space<vmem_shared>> -> memref<1000x128xf32, #tpu.memory_space<vmem_shared>>
        tpu.enqueue_dma source(%dma_start3A_23 : memref<1000x128xf32, #tpu.memory_space<vmem_shared>>) target(%dma_start3A_21 : memref<1000x128xf32, #tpu.memory_space<hbm>>) target_semaphore(%run_scoped3A : memref<!tpu.dma_semaphore, #tpu.memory_space<semaphore_mem>>)
        %dma_wait3A = arith.constant 0 : i32
        %dma_wait3A_24 = tpu.memref_slice %arg5[%arg0, %mul3A_19, %dma_wait3A] : memref<2x10000x128xf32, #tpu.memory_space<hbm>> -> memref<1x1000x128xf32, #tpu.memory_space<hbm>>
        %dma_wait3A_25 = tpu.memref_squeeze %dma_wait3A_24 : memref<1x1000x128xf32, #tpu.memory_space<hbm>> -> memref<1000x128xf32, #tpu.memory_space<hbm>>
        %dma_wait3A_26 = arith.constant 0 : i32
        %dma_wait3A_27 = tpu.memref_slice %arg8[%mul3A_17, %dma_wait3A_26] : memref<10000x128xf32, #tpu.memory_space<vmem_shared>> -> memref<1000x128xf32, #tpu.memory_space<vmem_shared>>
        tpu.wait_dma2 semaphore(%run_scoped3A : memref<!tpu.dma_semaphore, #tpu.memory_space<semaphore_mem>>) src(%dma_wait3A_27 : memref<1000x128xf32, #tpu.memory_space<vmem_shared>>) dst(%dma_wait3A_25 : memref<1000x128xf32, #tpu.memory_space<hbm>>)
        tpu.yield
      }) : () -> ()
    } else {
    }
    return
  }
}

#map = affine_map<(d0, d1) -> (0)>
module attributes {stable_mosaic.version = 14 : i64} {
  func.func @_sc_att_body(%arg0: i32, %arg1: i32, %arg2: memref<10000xf32, #tpu.memory_space<hbm>>, %arg3: memref<10000xf32, #tpu.memory_space<hbm>>, %arg4: memref<10000xf32, #tpu.memory_space<hbm>>, %arg5: memref<10000xf32, #tpu.memory_space<hbm>>, %arg6: memref<10000xi32, #tpu.memory_space<hbm>>, %arg7: memref<10000xi32, #tpu.memory_space<hbm>>, %arg8: memref<10000xf32, #tpu.memory_space<hbm>>, %arg9: memref<10000xf32, #tpu.memory_space<vmem>>, %arg10: memref<10000xf32, #tpu.memory_space<vmem>>, %arg11: memref<10000xf32, #tpu.memory_space<vmem>>, %arg12: memref<10000xf32, #tpu.memory_space<vmem>>, %arg13: memref<10000xi32, #tpu.memory_space<vmem>>, %arg14: memref<10000xi32, #tpu.memory_space<vmem>>, %arg15: memref<10000xf32, #tpu.memory_space<vmem>>, %arg16: memref<10000xf32, #tpu.memory_space<vmem>>, %arg17: memref<10000xf32, #tpu.memory_space<vmem>>, %arg18: memref<10000xf32, #tpu.memory_space<vmem>>) attributes {dimension_semantics = [#tpu.dimension_semantics<core_parallel>, #tpu.dimension_semantics<subcore_parallel>], iteration_bounds = array<i64: 2, 16>, scalar_prefetch = 0 : i64, scratch_operands = 10 : i64, tpu.core_type = #tpu.core_type<sc_vector_subcore>, window_params = [{transform_indices = #map}, {transform_indices = #map}, {transform_indices = #map}, {transform_indices = #map}, {transform_indices = #map}, {transform_indices = #map}, {transform_indices = #map}]} {
    %eq3A = arith.constant 0 : i32
    %eq3A_0 = arith.cmpi eq, %arg0, %eq3A : i32
    %eq3A_1 = arith.constant 0 : i32
    %eq3A_2 = arith.cmpi eq, %arg1, %eq3A_1 : i32
    %and3A = arith.andi %eq3A_0, %eq3A_2 : i1
    %convert_element_type3A = arith.extui %and3A : i1 to i32
    %cond3A = arith.constant 0 : i32
    %cond3A_3 = arith.cmpi ne, %convert_element_type3A, %cond3A : i32
    scf.if %cond3A_3 {
      "tpu.region"() ({
        %run_scoped3A = tpu.sem_alloc : memref<!tpu.dma_semaphore, #tpu.memory_space<semaphore_mem>>
        tpu.enqueue_dma source(%arg2 : memref<10000xf32, #tpu.memory_space<hbm>>) target(%arg9 : memref<10000xf32, #tpu.memory_space<vmem>>) target_semaphore(%run_scoped3A : memref<!tpu.dma_semaphore, #tpu.memory_space<semaphore_mem>>)
        tpu.wait_dma2 semaphore(%run_scoped3A : memref<!tpu.dma_semaphore, #tpu.memory_space<semaphore_mem>>) src(%arg2 : memref<10000xf32, #tpu.memory_space<hbm>>) dst(%arg9 : memref<10000xf32, #tpu.memory_space<vmem>>)
        tpu.yield
      }) : () -> ()
      "tpu.region"() ({
        %run_scoped3A = tpu.sem_alloc : memref<!tpu.dma_semaphore, #tpu.memory_space<semaphore_mem>>
        tpu.enqueue_dma source(%arg3 : memref<10000xf32, #tpu.memory_space<hbm>>) target(%arg10 : memref<10000xf32, #tpu.memory_space<vmem>>) target_semaphore(%run_scoped3A : memref<!tpu.dma_semaphore, #tpu.memory_space<semaphore_mem>>)
        tpu.wait_dma2 semaphore(%run_scoped3A : memref<!tpu.dma_semaphore, #tpu.memory_space<semaphore_mem>>) src(%arg3 : memref<10000xf32, #tpu.memory_space<hbm>>) dst(%arg10 : memref<10000xf32, #tpu.memory_space<vmem>>)
        tpu.yield
      }) : () -> ()
      "tpu.region"() ({
        %run_scoped3A = tpu.sem_alloc : memref<!tpu.dma_semaphore, #tpu.memory_space<semaphore_mem>>
        tpu.enqueue_dma source(%arg4 : memref<10000xf32, #tpu.memory_space<hbm>>) target(%arg11 : memref<10000xf32, #tpu.memory_space<vmem>>) target_semaphore(%run_scoped3A : memref<!tpu.dma_semaphore, #tpu.memory_space<semaphore_mem>>)
        tpu.wait_dma2 semaphore(%run_scoped3A : memref<!tpu.dma_semaphore, #tpu.memory_space<semaphore_mem>>) src(%arg4 : memref<10000xf32, #tpu.memory_space<hbm>>) dst(%arg11 : memref<10000xf32, #tpu.memory_space<vmem>>)
        tpu.yield
      }) : () -> ()
      "tpu.region"() ({
        %run_scoped3A = tpu.sem_alloc : memref<!tpu.dma_semaphore, #tpu.memory_space<semaphore_mem>>
        tpu.enqueue_dma source(%arg5 : memref<10000xf32, #tpu.memory_space<hbm>>) target(%arg12 : memref<10000xf32, #tpu.memory_space<vmem>>) target_semaphore(%run_scoped3A : memref<!tpu.dma_semaphore, #tpu.memory_space<semaphore_mem>>)
        tpu.wait_dma2 semaphore(%run_scoped3A : memref<!tpu.dma_semaphore, #tpu.memory_space<semaphore_mem>>) src(%arg5 : memref<10000xf32, #tpu.memory_space<hbm>>) dst(%arg12 : memref<10000xf32, #tpu.memory_space<vmem>>)
        tpu.yield
      }) : () -> ()
      "tpu.region"() ({
        %run_scoped3A = tpu.sem_alloc : memref<!tpu.dma_semaphore, #tpu.memory_space<semaphore_mem>>
        tpu.enqueue_dma source(%arg6 : memref<10000xi32, #tpu.memory_space<hbm>>) target(%arg13 : memref<10000xi32, #tpu.memory_space<vmem>>) target_semaphore(%run_scoped3A : memref<!tpu.dma_semaphore, #tpu.memory_space<semaphore_mem>>)
        tpu.wait_dma2 semaphore(%run_scoped3A : memref<!tpu.dma_semaphore, #tpu.memory_space<semaphore_mem>>) src(%arg6 : memref<10000xi32, #tpu.memory_space<hbm>>) dst(%arg13 : memref<10000xi32, #tpu.memory_space<vmem>>)
        tpu.yield
      }) : () -> ()
      "tpu.region"() ({
        %run_scoped3A = tpu.sem_alloc : memref<!tpu.dma_semaphore, #tpu.memory_space<semaphore_mem>>
        tpu.enqueue_dma source(%arg7 : memref<10000xi32, #tpu.memory_space<hbm>>) target(%arg14 : memref<10000xi32, #tpu.memory_space<vmem>>) target_semaphore(%run_scoped3A : memref<!tpu.dma_semaphore, #tpu.memory_space<semaphore_mem>>)
        tpu.wait_dma2 semaphore(%run_scoped3A : memref<!tpu.dma_semaphore, #tpu.memory_space<semaphore_mem>>) src(%arg7 : memref<10000xi32, #tpu.memory_space<hbm>>) dst(%arg14 : memref<10000xi32, #tpu.memory_space<vmem>>)
        tpu.yield
      }) : () -> ()
      %broadcast_in_dim3A = arith.constant 0.000000e+00 : f32
      %broadcast_in_dim3A_4 = vector.broadcast %broadcast_in_dim3A : f32 to vector<16xf32>
      %scan3A = arith.constant 0 : i32
      %scan3A_5 = arith.constant 0 : i32
      %scan3A_6 = arith.constant 625 : i32
      %scan3A_7 = arith.addi %scan3A_5, %scan3A_6 : i32
      %scan3A_8 = arith.constant 1 : i32
      scf.for %scan3A_22 = %scan3A_5 to %scan3A_7 step %scan3A_8  : i32 {
        %mul3A = arith.constant 16 : i32
        %mul3A_23 = arith.muli %scan3A_22, %mul3A : i32
        %swap3A = arith.index_cast %mul3A_23 : i32 to index
        %swap3A_24 = tpu.vector_load %arg16[%swap3A] {strides = array<i32>} : memref<10000xf32, #tpu.memory_space<vmem>>, vector<16xf32>,
        tpu.vector_store %arg16[%swap3A], %broadcast_in_dim3A_4 {strides = array<i32>} : memref<10000xf32, #tpu.memory_space<vmem>>, vector<16xf32>,
        %mul3A_25 = arith.constant 16 : i32
        %mul3A_26 = arith.muli %scan3A_22, %mul3A_25 : i32
        %swap3A_27 = arith.index_cast %mul3A_26 : i32 to index
        %swap3A_28 = tpu.vector_load %arg17[%swap3A_27] {strides = array<i32>} : memref<10000xf32, #tpu.memory_space<vmem>>, vector<16xf32>,
        tpu.vector_store %arg17[%swap3A_27], %broadcast_in_dim3A_4 {strides = array<i32>} : memref<10000xf32, #tpu.memory_space<vmem>>, vector<16xf32>,
      }
      %scan3A_9 = arith.constant 625 : i32
      %scan3A_10 = arith.constant 0 : i32
      %scan3A_11 = arith.constant 0 : i32
      %scan3A_12 = arith.constant 625 : i32
      %scan3A_13 = arith.addi %scan3A_11, %scan3A_12 : i32
      %scan3A_14 = arith.constant 1 : i32
      scf.for %scan3A_22 = %scan3A_11 to %scan3A_13 step %scan3A_14  : i32 {
        %mul3A = arith.constant 16 : i32
        %mul3A_23 = arith.muli %scan3A_22, %mul3A : i32
        %get3A = arith.index_cast %mul3A_23 : i32 to index
        %get3A_24 = tpu.vector_load %arg13[%get3A] {strides = array<i32>} : memref<10000xi32, #tpu.memory_space<vmem>>, vector<16xi32>,
        %get3A_25 = arith.index_cast %mul3A_23 : i32 to index
        %get3A_26 = tpu.vector_load %arg14[%get3A_25] {strides = array<i32>} : memref<10000xi32, #tpu.memory_space<vmem>>, vector<16xi32>,
        %gather3A = tpu.vector_load_idx %arg9[%get3A_24] : memref<10000xf32, #tpu.memory_space<vmem>>[vector<16xi32>], vector<16xf32>,
        %gather3A_27 = tpu.vector_load_idx %arg10[%get3A_26] : memref<10000xf32, #tpu.memory_space<vmem>>[vector<16xi32>], vector<16xf32>,
        %add3A = arith.addf %gather3A, %gather3A_27 : vector<16xf32>
        %ge3A = arith.constant 0.000000e+00 : f32
        %ge3A_28 = vector.broadcast %ge3A : f32 to vector<16xf32>
        %ge3A_29 = arith.cmpf oge, %add3A, %ge3A_28 : vector<16xf32>
        %mul3A_30 = arith.constant 2.000000e-01 : f32
        %mul3A_31 = vector.broadcast %mul3A_30 : f32 to vector<16xf32>
        %mul3A_32 = arith.mulf %mul3A_31, %add3A : vector<16xf32>
        %select_n3A = arith.select %ge3A_29, %add3A, %mul3A_32 : vector<16xi1>, vector<16xf32>
        %exp3A = math.exp %select_n3A : vector<16xf32>
        %swap3A = arith.index_cast %mul3A_23 : i32 to index
        %swap3A_33 = tpu.vector_load %arg15[%swap3A] {strides = array<i32>} : memref<10000xf32, #tpu.memory_space<vmem>>, vector<16xf32>,
        tpu.vector_store %arg15[%swap3A], %exp3A {strides = array<i32>} : memref<10000xf32, #tpu.memory_space<vmem>>, vector<16xf32>,
        tpu.vector_store_idx %arg16[%get3A_24], %exp3A {add = true} : memref<10000xf32, #tpu.memory_space<vmem>>[vector<16xi32>], vector<16xf32>,
        %get3A_34 = arith.index_cast %mul3A_23 : i32 to index
        %get3A_35 = tpu.vector_load %arg11[%get3A_34] {strides = array<i32>} : memref<10000xf32, #tpu.memory_space<vmem>>, vector<16xf32>,
        tpu.vector_store_idx %arg17[%get3A_24], %get3A_35 {add = true} : memref<10000xf32, #tpu.memory_space<vmem>>[vector<16xi32>], vector<16xf32>,
      }
      %scan3A_15 = arith.constant 625 : i32
      %scan3A_16 = arith.constant 0 : i32
      %scan3A_17 = arith.constant 0 : i32
      %scan3A_18 = arith.constant 625 : i32
      %scan3A_19 = arith.addi %scan3A_17, %scan3A_18 : i32
      %scan3A_20 = arith.constant 1 : i32
      scf.for %scan3A_22 = %scan3A_17 to %scan3A_19 step %scan3A_20  : i32 {
        %mul3A = arith.constant 16 : i32
        %mul3A_23 = arith.muli %scan3A_22, %mul3A : i32
        %get3A = arith.index_cast %mul3A_23 : i32 to index
        %get3A_24 = tpu.vector_load %arg13[%get3A] {strides = array<i32>} : memref<10000xi32, #tpu.memory_space<vmem>>, vector<16xi32>,
        %gather3A = tpu.vector_load_idx %arg16[%get3A_24] : memref<10000xf32, #tpu.memory_space<vmem>>[vector<16xi32>], vector<16xf32>,
        %gather3A_25 = tpu.vector_load_idx %arg17[%get3A_24] : memref<10000xf32, #tpu.memory_space<vmem>>[vector<16xi32>], vector<16xf32>,
        %get3A_26 = arith.index_cast %mul3A_23 : i32 to index
        %get3A_27 = tpu.vector_load %arg15[%get3A_26] {strides = array<i32>} : memref<10000xf32, #tpu.memory_space<vmem>>, vector<16xf32>,
        %add3A = arith.constant 1.000000e-16 : f32
        %add3A_28 = vector.broadcast %add3A : f32 to vector<16xf32>
        %add3A_29 = arith.addf %gather3A, %add3A_28 : vector<16xf32>
        %div3A = arith.divf %get3A_27, %add3A_29 : vector<16xf32>
        %get3A_30 = arith.index_cast %mul3A_23 : i32 to index
        %get3A_31 = tpu.vector_load %arg12[%get3A_30] {strides = array<i32>} : memref<10000xf32, #tpu.memory_space<vmem>>, vector<16xf32>,
        %add3A_32 = arith.addf %div3A, %get3A_31 : vector<16xf32>
        %get3A_33 = arith.index_cast %mul3A_23 : i32 to index
        %get3A_34 = tpu.vector_load %arg11[%get3A_33] {strides = array<i32>} : memref<10000xf32, #tpu.memory_space<vmem>>, vector<16xf32>,
        %add3A_35 = arith.constant 1.000000e-16 : f32
        %add3A_36 = vector.broadcast %add3A_35 : f32 to vector<16xf32>
        %add3A_37 = arith.addf %gather3A_25, %add3A_36 : vector<16xf32>
        %div3A_38 = arith.divf %get3A_34, %add3A_37 : vector<16xf32>
        %add3A_39 = arith.addf %add3A_32, %div3A_38 : vector<16xf32>
        %mul3A_40 = arith.constant 0.333333343 : f32
        %mul3A_41 = vector.broadcast %mul3A_40 : f32 to vector<16xf32>
        %mul3A_42 = arith.mulf %add3A_39, %mul3A_41 : vector<16xf32>
        %swap3A = arith.index_cast %mul3A_23 : i32 to index
        %swap3A_43 = tpu.vector_load %arg18[%swap3A] {strides = array<i32>} : memref<10000xf32, #tpu.memory_space<vmem>>, vector<16xf32>,
        tpu.vector_store %arg18[%swap3A], %mul3A_42 {strides = array<i32>} : memref<10000xf32, #tpu.memory_space<vmem>>, vector<16xf32>,
      }
      %scan3A_21 = arith.constant 625 : i32
      "tpu.region"() ({
        %run_scoped3A = tpu.sem_alloc : memref<!tpu.dma_semaphore, #tpu.memory_space<semaphore_mem>>
        tpu.enqueue_dma source(%arg18 : memref<10000xf32, #tpu.memory_space<vmem>>) target(%arg8 : memref<10000xf32, #tpu.memory_space<hbm>>) target_semaphore(%run_scoped3A : memref<!tpu.dma_semaphore, #tpu.memory_space<semaphore_mem>>)
        tpu.wait_dma2 semaphore(%run_scoped3A : memref<!tpu.dma_semaphore, #tpu.memory_space<semaphore_mem>>) src(%arg18 : memref<10000xf32, #tpu.memory_space<vmem>>) dst(%arg8 : memref<10000xf32, #tpu.memory_space<hbm>>)
        tpu.yield
      }) : () -> ()
    } else {
    }
    return
  }
}

#map = affine_map<(d0, d1) -> (0, 0)>
#map1 = affine_map<(d0, d1) -> (0)>
module attributes {stable_mosaic.version = 14 : i64} {
  func.func @_sc_gather_body(%arg0: i32, %arg1: i32, %arg2: memref<10000x64xf32, #tpu.memory_space<hbm>>, %arg3: memref<10000x64xf32, #tpu.memory_space<hbm>>, %arg4: memref<163840xi32, #tpu.memory_space<hbm>>, %arg5: memref<163840xi32, #tpu.memory_space<hbm>>, %arg6: memref<163840x64xf32, #tpu.memory_space<hbm>>, %arg7: memref<163840x64xf32, #tpu.memory_space<hbm>>, %arg8: memref<128xi32, #tpu.memory_space<vmem>>, %arg9: memref<128xi32, #tpu.memory_space<vmem>>, %arg10: memref<128x64xf32, #tpu.memory_space<vmem>>, %arg11: memref<128x64xf32, #tpu.memory_space<vmem>>, %arg12: memref<!tpu.dma_semaphore, #tpu.memory_space<semaphore_mem>>, %arg13: memref<!tpu.dma_semaphore, #tpu.memory_space<semaphore_mem>>) attributes {dimension_semantics = [#tpu.dimension_semantics<core_parallel>, #tpu.dimension_semantics<subcore_parallel>], iteration_bounds = array<i64: 2, 16>, scalar_prefetch = 0 : i64, scratch_operands = 6 : i64, tpu.core_type = #tpu.core_type<sc_vector_subcore>, window_params = [{transform_indices = #map}, {transform_indices = #map}, {transform_indices = #map1}, {transform_indices = #map1}, {transform_indices = #map}, {transform_indices = #map}]} {
    %mul3A = arith.constant 2 : i32
    %mul3A_0 = arith.muli %arg1, %mul3A : i32
    %add3A = arith.addi %mul3A_0, %arg0 : i32
    %scan3A = arith.constant 0 : i32
    %scan3A_1 = arith.constant 0 : i32
    %scan3A_2 = arith.constant 40 : i32
    %scan3A_3 = arith.addi %scan3A_1, %scan3A_2 : i32
    %scan3A_4 = arith.constant 1 : i32
    scf.for %scan3A_6 = %scan3A_1 to %scan3A_3 step %scan3A_4  : i32 {
      %mul3A_7 = arith.constant 5120 : i32
      %mul3A_8 = arith.muli %add3A, %mul3A_7 : i32
      %mul3A_9 = arith.constant 128 : i32
      %mul3A_10 = arith.muli %scan3A_6, %mul3A_9 : i32
      %add3A_11 = arith.addi %mul3A_8, %mul3A_10 : i32
      "tpu.region"() ({
        %run_scoped3A = tpu.sem_alloc : memref<!tpu.dma_semaphore, #tpu.memory_space<semaphore_mem>>
        %dma_start3A_22 = tpu.memref_slice %arg4[%add3A_11] : memref<163840xi32, #tpu.memory_space<hbm>> -> memref<128xi32, #tpu.memory_space<hbm>>
        %dma_start3A_23 = tpu.memref_slice %arg4[%add3A_11] : memref<163840xi32, #tpu.memory_space<hbm>> -> memref<128xi32, #tpu.memory_space<hbm>>
        tpu.enqueue_dma source(%dma_start3A_23 : memref<128xi32, #tpu.memory_space<hbm>>) target(%arg8 : memref<128xi32, #tpu.memory_space<vmem>>) target_semaphore(%run_scoped3A : memref<!tpu.dma_semaphore, #tpu.memory_space<semaphore_mem>>)
        %dma_wait3A_24 = tpu.memref_slice %arg4[%add3A_11] : memref<163840xi32, #tpu.memory_space<hbm>> -> memref<128xi32, #tpu.memory_space<hbm>>
        %dma_wait3A_25 = tpu.memref_slice %arg4[%add3A_11] : memref<163840xi32, #tpu.memory_space<hbm>> -> memref<128xi32, #tpu.memory_space<hbm>>
        tpu.wait_dma2 semaphore(%run_scoped3A : memref<!tpu.dma_semaphore, #tpu.memory_space<semaphore_mem>>) src(%dma_wait3A_25 : memref<128xi32, #tpu.memory_space<hbm>>) dst(%arg8 : memref<128xi32, #tpu.memory_space<vmem>>)
        tpu.yield
      }) : () -> ()
      "tpu.region"() ({
        %run_scoped3A = tpu.sem_alloc : memref<!tpu.dma_semaphore, #tpu.memory_space<semaphore_mem>>
        %dma_start3A_22 = tpu.memref_slice %arg5[%add3A_11] : memref<163840xi32, #tpu.memory_space<hbm>> -> memref<128xi32, #tpu.memory_space<hbm>>
        %dma_start3A_23 = tpu.memref_slice %arg5[%add3A_11] : memref<163840xi32, #tpu.memory_space<hbm>> -> memref<128xi32, #tpu.memory_space<hbm>>
        tpu.enqueue_dma source(%dma_start3A_23 : memref<128xi32, #tpu.memory_space<hbm>>) target(%arg9 : memref<128xi32, #tpu.memory_space<vmem>>) target_semaphore(%run_scoped3A : memref<!tpu.dma_semaphore, #tpu.memory_space<semaphore_mem>>)
        %dma_wait3A_24 = tpu.memref_slice %arg5[%add3A_11] : memref<163840xi32, #tpu.memory_space<hbm>> -> memref<128xi32, #tpu.memory_space<hbm>>
        %dma_wait3A_25 = tpu.memref_slice %arg5[%add3A_11] : memref<163840xi32, #tpu.memory_space<hbm>> -> memref<128xi32, #tpu.memory_space<hbm>>
        tpu.wait_dma2 semaphore(%run_scoped3A : memref<!tpu.dma_semaphore, #tpu.memory_space<semaphore_mem>>) src(%dma_wait3A_25 : memref<128xi32, #tpu.memory_space<hbm>>) dst(%arg9 : memref<128xi32, #tpu.memory_space<vmem>>)
        tpu.yield
      }) : () -> ()
      %dma_start3A = arith.constant 0 : i32
      %dma_start3A_12 = arith.constant 0 : i32
      %dma_start3A_13 = tpu.memref_slice %arg2[%dma_start3A, %dma_start3A_12] : memref<10000x64xf32, #tpu.memory_space<hbm>> -> memref<10000x64xf32, #tpu.memory_space<hbm>>
      tpu.enqueue_indirect_dma source(%dma_start3A_13 : memref<10000x64xf32, #tpu.memory_space<hbm>>) target(%arg10 : memref<128x64xf32, #tpu.memory_space<vmem>>) offsets(%arg8 : memref<128xi32, #tpu.memory_space<vmem>>) semaphore(%arg12 : memref<!tpu.dma_semaphore, #tpu.memory_space<semaphore_mem>>)
      %dma_start3A_14 = arith.constant 0 : i32
      %dma_start3A_15 = arith.constant 0 : i32
      %dma_start3A_16 = tpu.memref_slice %arg3[%dma_start3A_14, %dma_start3A_15] : memref<10000x64xf32, #tpu.memory_space<hbm>> -> memref<10000x64xf32, #tpu.memory_space<hbm>>
      tpu.enqueue_indirect_dma source(%dma_start3A_16 : memref<10000x64xf32, #tpu.memory_space<hbm>>) target(%arg11 : memref<128x64xf32, #tpu.memory_space<vmem>>) offsets(%arg9 : memref<128xi32, #tpu.memory_space<vmem>>) semaphore(%arg13 : memref<!tpu.dma_semaphore, #tpu.memory_space<semaphore_mem>>)
      %dma_wait3A = arith.constant 0 : i32
      %dma_wait3A_17 = arith.constant 0 : i32
      %dma_wait3A_18 = tpu.memref_slice %arg2[%dma_wait3A, %dma_wait3A_17] : memref<10000x64xf32, #tpu.memory_space<hbm>> -> memref<10000x64xf32, #tpu.memory_space<hbm>>
      tpu.wait_indirect_dma semaphore(%arg12 : memref<!tpu.dma_semaphore, #tpu.memory_space<semaphore_mem>>) src(%dma_wait3A_18 : memref<10000x64xf32, #tpu.memory_space<hbm>>) dst(%arg10 : memref<128x64xf32, #tpu.memory_space<vmem>>)
      %dma_wait3A_19 = arith.constant 0 : i32
      %dma_wait3A_20 = arith.constant 0 : i32
      %dma_wait3A_21 = tpu.memref_slice %arg3[%dma_wait3A_19, %dma_wait3A_20] : memref<10000x64xf32, #tpu.memory_space<hbm>> -> memref<10000x64xf32, #tpu.memory_space<hbm>>
      tpu.wait_indirect_dma semaphore(%arg13 : memref<!tpu.dma_semaphore, #tpu.memory_space<semaphore_mem>>) src(%dma_wait3A_21 : memref<10000x64xf32, #tpu.memory_space<hbm>>) dst(%arg11 : memref<128x64xf32, #tpu.memory_space<vmem>>)
      "tpu.region"() ({
        %run_scoped3A = tpu.sem_alloc : memref<!tpu.dma_semaphore, #tpu.memory_space<semaphore_mem>>
        %dma_start3A_22 = arith.constant 0 : i32
        %dma_start3A_23 = tpu.memref_slice %arg6[%add3A_11, %dma_start3A_22] : memref<163840x64xf32, #tpu.memory_space<hbm>> -> memref<128x64xf32, #tpu.memory_space<hbm>>
        %dma_start3A_24 = arith.constant 0 : i32
        %dma_start3A_25 = tpu.memref_slice %arg6[%add3A_11, %dma_start3A_24] : memref<163840x64xf32, #tpu.memory_space<hbm>> -> memref<128x64xf32, #tpu.memory_space<hbm>>
        tpu.enqueue_dma source(%arg10 : memref<128x64xf32, #tpu.memory_space<vmem>>) target(%dma_start3A_25 : memref<128x64xf32, #tpu.memory_space<hbm>>) target_semaphore(%run_scoped3A : memref<!tpu.dma_semaphore, #tpu.memory_space<semaphore_mem>>)
        %dma_wait3A_26 = arith.constant 0 : i32
        %dma_wait3A_27 = tpu.memref_slice %arg6[%add3A_11, %dma_wait3A_26] : memref<163840x64xf32, #tpu.memory_space<hbm>> -> memref<128x64xf32, #tpu.memory_space<hbm>>
        %dma_wait3A_28 = arith.constant 0 : i32
        %dma_wait3A_29 = tpu.memref_slice %arg6[%add3A_11, %dma_wait3A_28] : memref<163840x64xf32, #tpu.memory_space<hbm>> -> memref<128x64xf32, #tpu.memory_space<hbm>>
        tpu.wait_dma2 semaphore(%run_scoped3A : memref<!tpu.dma_semaphore, #tpu.memory_space<semaphore_mem>>) src(%arg10 : memref<128x64xf32, #tpu.memory_space<vmem>>) dst(%dma_wait3A_29 : memref<128x64xf32, #tpu.memory_space<hbm>>)
        tpu.yield
      }) : () -> ()
      "tpu.region"() ({
        %run_scoped3A = tpu.sem_alloc : memref<!tpu.dma_semaphore, #tpu.memory_space<semaphore_mem>>
        %dma_start3A_22 = arith.constant 0 : i32
        %dma_start3A_23 = tpu.memref_slice %arg7[%add3A_11, %dma_start3A_22] : memref<163840x64xf32, #tpu.memory_space<hbm>> -> memref<128x64xf32, #tpu.memory_space<hbm>>
        %dma_start3A_24 = arith.constant 0 : i32
        %dma_start3A_25 = tpu.memref_slice %arg7[%add3A_11, %dma_start3A_24] : memref<163840x64xf32, #tpu.memory_space<hbm>> -> memref<128x64xf32, #tpu.memory_space<hbm>>
        tpu.enqueue_dma source(%arg11 : memref<128x64xf32, #tpu.memory_space<vmem>>) target(%dma_start3A_25 : memref<128x64xf32, #tpu.memory_space<hbm>>) target_semaphore(%run_scoped3A : memref<!tpu.dma_semaphore, #tpu.memory_space<semaphore_mem>>)
        %dma_wait3A_26 = arith.constant 0 : i32
        %dma_wait3A_27 = tpu.memref_slice %arg7[%add3A_11, %dma_wait3A_26] : memref<163840x64xf32, #tpu.memory_space<hbm>> -> memref<128x64xf32, #tpu.memory_space<hbm>>
        %dma_wait3A_28 = arith.constant 0 : i32
        %dma_wait3A_29 = tpu.memref_slice %arg7[%add3A_11, %dma_wait3A_28] : memref<163840x64xf32, #tpu.memory_space<hbm>> -> memref<128x64xf32, #tpu.memory_space<hbm>>
        tpu.wait_dma2 semaphore(%run_scoped3A : memref<!tpu.dma_semaphore, #tpu.memory_space<semaphore_mem>>) src(%arg11 : memref<128x64xf32, #tpu.memory_space<vmem>>) dst(%dma_wait3A_29 : memref<128x64xf32, #tpu.memory_space<hbm>>)
        tpu.yield
      }) : () -> ()
    }
    %scan3A_5 = arith.constant 40 : i32
    return
  }
}

#map = affine_map<(d0, d1) -> (0, 0)>
#map1 = affine_map<(d0, d1) -> (0, 0, 0)>
module attributes {stable_mosaic.version = 14 : i64} {
  func.func @_sc_scatter_body(%arg0: i32, %arg1: i32, %arg2: memref<1280x128xi32, #tpu.memory_space<hbm>>, %arg3: memref<163840x128xf32, #tpu.memory_space<hbm>>, %arg4: memref<10000x128xf32, #tpu.memory_space<hbm>>, %arg5: memref<2x10000x128xf32, #tpu.memory_space<hbm>>, %arg6: memref<40x128xi32, #tpu.memory_space<vmem>>, %arg7: memref<128x128xf32, #tpu.memory_space<vmem>>, %arg8: memref<10000x128xf32, #tpu.memory_space<vmem_shared>>) attributes {dimension_semantics = [#tpu.dimension_semantics<core_parallel>, #tpu.dimension_semantics<subcore_parallel>], iteration_bounds = array<i64: 2, 16>, scalar_prefetch = 0 : i64, scratch_operands = 3 : i64, tpu.core_type = #tpu.core_type<sc_vector_subcore>, window_params = [{transform_indices = #map}, {transform_indices = #map}, {transform_indices = #map}, {transform_indices = #map1}]} {
    %mul3A = arith.constant 2 : i32
    %mul3A_0 = arith.muli %arg1, %mul3A : i32
    %add3A = arith.addi %mul3A_0, %arg0 : i32
    %lt3A = arith.constant 10 : i32
    %lt3A_1 = arith.cmpi slt, %arg1, %lt3A : i32
    %convert_element_type3A = arith.extui %lt3A_1 : i1 to i32
    %cond3A = arith.constant 0 : i32
    %cond3A_2 = arith.cmpi ne, %convert_element_type3A, %cond3A : i32
    scf.if %cond3A_2 {
      %mul3A_16 = arith.constant 1000 : i32
      %mul3A_17 = arith.muli %arg1, %mul3A_16 : i32
      %mul3A_18 = arith.constant 1000 : i32
      %mul3A_19 = arith.muli %arg1, %mul3A_18 : i32
      "tpu.region"() ({
        %run_scoped3A = tpu.sem_alloc : memref<!tpu.dma_semaphore, #tpu.memory_space<semaphore_mem>>
        %dma_start3A = arith.constant 0 : i32
        %dma_start3A_20 = tpu.memref_slice %arg8[%mul3A_19, %dma_start3A] : memref<10000x128xf32, #tpu.memory_space<vmem_shared>> -> memref<1000x128xf32, #tpu.memory_space<vmem_shared>>
        %dma_start3A_21 = arith.constant 0 : i32
        %dma_start3A_22 = tpu.memref_slice %arg4[%mul3A_17, %dma_start3A_21] : memref<10000x128xf32, #tpu.memory_space<hbm>> -> memref<1000x128xf32, #tpu.memory_space<hbm>>
        tpu.enqueue_dma source(%dma_start3A_22 : memref<1000x128xf32, #tpu.memory_space<hbm>>) target(%dma_start3A_20 : memref<1000x128xf32, #tpu.memory_space<vmem_shared>>) target_semaphore(%run_scoped3A : memref<!tpu.dma_semaphore, #tpu.memory_space<semaphore_mem>>)
        %dma_wait3A = arith.constant 0 : i32
        %dma_wait3A_23 = tpu.memref_slice %arg8[%mul3A_19, %dma_wait3A] : memref<10000x128xf32, #tpu.memory_space<vmem_shared>> -> memref<1000x128xf32, #tpu.memory_space<vmem_shared>>
        %dma_wait3A_24 = arith.constant 0 : i32
        %dma_wait3A_25 = tpu.memref_slice %arg4[%mul3A_17, %dma_wait3A_24] : memref<10000x128xf32, #tpu.memory_space<hbm>> -> memref<1000x128xf32, #tpu.memory_space<hbm>>
        tpu.wait_dma2 semaphore(%run_scoped3A : memref<!tpu.dma_semaphore, #tpu.memory_space<semaphore_mem>>) src(%dma_wait3A_25 : memref<1000x128xf32, #tpu.memory_space<hbm>>) dst(%dma_wait3A_23 : memref<1000x128xf32, #tpu.memory_space<vmem_shared>>)
        tpu.yield
      }) : () -> ()
    } else {
    }
    %mul3A_3 = arith.constant 40 : i32
    %mul3A_4 = arith.muli %add3A, %mul3A_3 : i32
    "tpu.region"() ({
      %run_scoped3A = tpu.sem_alloc : memref<!tpu.dma_semaphore, #tpu.memory_space<semaphore_mem>>
      %dma_start3A = arith.constant 0 : i32
      %dma_start3A_16 = tpu.memref_slice %arg2[%mul3A_4, %dma_start3A] : memref<1280x128xi32, #tpu.memory_space<hbm>> -> memref<40x128xi32, #tpu.memory_space<hbm>>
      %dma_start3A_17 = arith.constant 0 : i32
      %dma_start3A_18 = tpu.memref_slice %arg2[%mul3A_4, %dma_start3A_17] : memref<1280x128xi32, #tpu.memory_space<hbm>> -> memref<40x128xi32, #tpu.memory_space<hbm>>
      tpu.enqueue_dma source(%dma_start3A_18 : memref<40x128xi32, #tpu.memory_space<hbm>>) target(%arg6 : memref<40x128xi32, #tpu.memory_space<vmem>>) target_semaphore(%run_scoped3A : memref<!tpu.dma_semaphore, #tpu.memory_space<semaphore_mem>>)
      %dma_wait3A = arith.constant 0 : i32
      %dma_wait3A_19 = tpu.memref_slice %arg2[%mul3A_4, %dma_wait3A] : memref<1280x128xi32, #tpu.memory_space<hbm>> -> memref<40x128xi32, #tpu.memory_space<hbm>>
      %dma_wait3A_20 = arith.constant 0 : i32
      %dma_wait3A_21 = tpu.memref_slice %arg2[%mul3A_4, %dma_wait3A_20] : memref<1280x128xi32, #tpu.memory_space<hbm>> -> memref<40x128xi32, #tpu.memory_space<hbm>>
      tpu.wait_dma2 semaphore(%run_scoped3A : memref<!tpu.dma_semaphore, #tpu.memory_space<semaphore_mem>>) src(%dma_wait3A_21 : memref<40x128xi32, #tpu.memory_space<hbm>>) dst(%arg6 : memref<40x128xi32, #tpu.memory_space<vmem>>)
      tpu.yield
    }) : () -> ()
    %barrier3A = arith.constant 0 : index
    tpu.barrier barrier_id(%barrier3A)
    %scan3A = arith.constant 0 : i32
    %scan3A_5 = arith.constant 0 : i32
    %scan3A_6 = arith.constant 40 : i32
    %scan3A_7 = arith.addi %scan3A_5, %scan3A_6 : i32
    %scan3A_8 = arith.constant 1 : i32
    scf.for %scan3A_16 = %scan3A_5 to %scan3A_7 step %scan3A_8  : i32 {
      %mul3A_17 = arith.constant 40 : i32
      %mul3A_18 = arith.muli %add3A, %mul3A_17 : i32
      %add3A_19 = arith.addi %mul3A_18, %scan3A_16 : i32
      %mul3A_20 = arith.constant 128 : i32
      %mul3A_21 = arith.muli %add3A_19, %mul3A_20 : i32
      "tpu.region"() ({
        %run_scoped3A = tpu.sem_alloc : memref<!tpu.dma_semaphore, #tpu.memory_space<semaphore_mem>>
        %dma_start3A = arith.constant 0 : i32
        %dma_start3A_22 = tpu.memref_slice %arg3[%mul3A_21, %dma_start3A] : memref<163840x128xf32, #tpu.memory_space<hbm>> -> memref<128x128xf32, #tpu.memory_space<hbm>>
        %dma_start3A_23 = arith.constant 0 : i32
        %dma_start3A_24 = tpu.memref_slice %arg3[%mul3A_21, %dma_start3A_23] : memref<163840x128xf32, #tpu.memory_space<hbm>> -> memref<128x128xf32, #tpu.memory_space<hbm>>
        tpu.enqueue_dma source(%dma_start3A_24 : memref<128x128xf32, #tpu.memory_space<hbm>>) target(%arg7 : memref<128x128xf32, #tpu.memory_space<vmem>>) target_semaphore(%run_scoped3A : memref<!tpu.dma_semaphore, #tpu.memory_space<semaphore_mem>>)
        %dma_wait3A = arith.constant 0 : i32
        %dma_wait3A_25 = tpu.memref_slice %arg3[%mul3A_21, %dma_wait3A] : memref<163840x128xf32, #tpu.memory_space<hbm>> -> memref<128x128xf32, #tpu.memory_space<hbm>>
        %dma_wait3A_26 = arith.constant 0 : i32
        %dma_wait3A_27 = tpu.memref_slice %arg3[%mul3A_21, %dma_wait3A_26] : memref<163840x128xf32, #tpu.memory_space<hbm>> -> memref<128x128xf32, #tpu.memory_space<hbm>>
        tpu.wait_dma2 semaphore(%run_scoped3A : memref<!tpu.dma_semaphore, #tpu.memory_space<semaphore_mem>>) src(%dma_wait3A_27 : memref<128x128xf32, #tpu.memory_space<hbm>>) dst(%arg7 : memref<128x128xf32, #tpu.memory_space<vmem>>)
        tpu.yield
      }) : () -> ()
      "tpu.region"() ({
        %run_scoped3A = tpu.sem_alloc : memref<!tpu.dma_semaphore, #tpu.memory_space<semaphore_mem>>
        %dma_start3A = arith.constant 0 : i32
        %dma_start3A_22 = tpu.memref_slice %arg6[%scan3A_16, %dma_start3A] : memref<40x128xi32, #tpu.memory_space<vmem>> -> memref<1x128xi32, #tpu.memory_space<vmem>>
        %dma_start3A_23 = tpu.memref_squeeze %dma_start3A_22 : memref<1x128xi32, #tpu.memory_space<vmem>> -> memref<128xi32, #tpu.memory_space<vmem>>
        %dma_start3A_24 = arith.constant 0 : i32
        %dma_start3A_25 = arith.constant 0 : i32
        %dma_start3A_26 = tpu.memref_slice %arg8[%dma_start3A_24, %dma_start3A_25] : memref<10000x128xf32, #tpu.memory_space<vmem_shared>> -> memref<10000x128xf32, #tpu.memory_space<vmem_shared>>
        tpu.enqueue_indirect_dma source(%arg7 : memref<128x128xf32, #tpu.memory_space<vmem>>) target(%dma_start3A_26 : memref<10000x128xf32, #tpu.memory_space<vmem_shared>>) offsets(%dma_start3A_23 : memref<128xi32, #tpu.memory_space<vmem>>) semaphore(%run_scoped3A : memref<!tpu.dma_semaphore, #tpu.memory_space<semaphore_mem>>) {add = true}
        %dma_wait3A = arith.constant 0 : i32
        %dma_wait3A_27 = tpu.memref_slice %arg6[%scan3A_16, %dma_wait3A] : memref<40x128xi32, #tpu.memory_space<vmem>> -> memref<1x128xi32, #tpu.memory_space<vmem>>
        %dma_wait3A_28 = tpu.memref_squeeze %dma_wait3A_27 : memref<1x128xi32, #tpu.memory_space<vmem>> -> memref<128xi32, #tpu.memory_space<vmem>>
        %dma_wait3A_29 = arith.constant 0 : i32
        %dma_wait3A_30 = arith.constant 0 : i32
        %dma_wait3A_31 = tpu.memref_slice %arg8[%dma_wait3A_29, %dma_wait3A_30] : memref<10000x128xf32, #tpu.memory_space<vmem_shared>> -> memref<10000x128xf32, #tpu.memory_space<vmem_shared>>
        tpu.wait_indirect_dma semaphore(%run_scoped3A : memref<!tpu.dma_semaphore, #tpu.memory_space<semaphore_mem>>) src(%arg7 : memref<128x128xf32, #tpu.memory_space<vmem>>) dst(%dma_wait3A_31 : memref<10000x128xf32, #tpu.memory_space<vmem_shared>>)
        tpu.yield
      }) : () -> ()
    }
    %scan3A_9 = arith.constant 40 : i32
    %barrier3A_10 = arith.constant 0 : index
    tpu.barrier barrier_id(%barrier3A_10)
    %lt3A_11 = arith.constant 10 : i32
    %lt3A_12 = arith.cmpi slt, %arg1, %lt3A_11 : i32
    %convert_element_type3A_13 = arith.extui %lt3A_12 : i1 to i32
    %cond3A_14 = arith.constant 0 : i32
    %cond3A_15 = arith.cmpi ne, %convert_element_type3A_13, %cond3A_14 : i32
    scf.if %cond3A_15 {
      %mul3A_16 = arith.constant 1000 : i32
      %mul3A_17 = arith.muli %arg1, %mul3A_16 : i32
      %mul3A_18 = arith.constant 1000 : i32
      %mul3A_19 = arith.muli %arg1, %mul3A_18 : i32
      "tpu.region"() ({
        %run_scoped3A = tpu.sem_alloc : memref<!tpu.dma_semaphore, #tpu.memory_space<semaphore_mem>>
        %dma_start3A = arith.constant 0 : i32
        %dma_start3A_20 = tpu.memref_slice %arg5[%arg0, %mul3A_19, %dma_start3A] : memref<2x10000x128xf32, #tpu.memory_space<hbm>> -> memref<1x1000x128xf32, #tpu.memory_space<hbm>>
        %dma_start3A_21 = tpu.memref_squeeze %dma_start3A_20 : memref<1x1000x128xf32, #tpu.memory_space<hbm>> -> memref<1000x128xf32, #tpu.memory_space<hbm>>
        %dma_start3A_22 = arith.constant 0 : i32
        %dma_start3A_23 = tpu.memref_slice %arg8[%mul3A_17, %dma_start3A_22] : memref<10000x128xf32, #tpu.memory_space<vmem_shared>> -> memref<1000x128xf32, #tpu.memory_space<vmem_shared>>
        tpu.enqueue_dma source(%dma_start3A_23 : memref<1000x128xf32, #tpu.memory_space<vmem_shared>>) target(%dma_start3A_21 : memref<1000x128xf32, #tpu.memory_space<hbm>>) target_semaphore(%run_scoped3A : memref<!tpu.dma_semaphore, #tpu.memory_space<semaphore_mem>>)
        %dma_wait3A = arith.constant 0 : i32
        %dma_wait3A_24 = tpu.memref_slice %arg5[%arg0, %mul3A_19, %dma_wait3A] : memref<2x10000x128xf32, #tpu.memory_space<hbm>> -> memref<1x1000x128xf32, #tpu.memory_space<hbm>>
        %dma_wait3A_25 = tpu.memref_squeeze %dma_wait3A_24 : memref<1x1000x128xf32, #tpu.memory_space<hbm>> -> memref<1000x128xf32, #tpu.memory_space<hbm>>
        %dma_wait3A_26 = arith.constant 0 : i32
        %dma_wait3A_27 = tpu.memref_slice %arg8[%mul3A_17, %dma_wait3A_26] : memref<10000x128xf32, #tpu.memory_space<vmem_shared>> -> memref<1000x128xf32, #tpu.memory_space<vmem_shared>>
        tpu.wait_dma2 semaphore(%run_scoped3A : memref<!tpu.dma_semaphore, #tpu.memory_space<semaphore_mem>>) src(%dma_wait3A_27 : memref<1000x128xf32, #tpu.memory_space<vmem_shared>>) dst(%dma_wait3A_25 : memref<1000x128xf32, #tpu.memory_space<hbm>>)
        tpu.yield
      }) : () -> ()
    } else {
    }
    return
  }
}

#map = affine_map<(d0, d1) -> (0)>
module attributes {stable_mosaic.version = 14 : i64} {
  func.func @_sc_att_body(%arg0: i32, %arg1: i32, %arg2: memref<10000xf32, #tpu.memory_space<hbm>>, %arg3: memref<10000xf32, #tpu.memory_space<hbm>>, %arg4: memref<10000xf32, #tpu.memory_space<hbm>>, %arg5: memref<10000xf32, #tpu.memory_space<hbm>>, %arg6: memref<10000xi32, #tpu.memory_space<hbm>>, %arg7: memref<10000xi32, #tpu.memory_space<hbm>>, %arg8: memref<10000xf32, #tpu.memory_space<hbm>>, %arg9: memref<10000xf32, #tpu.memory_space<vmem>>, %arg10: memref<10000xf32, #tpu.memory_space<vmem>>, %arg11: memref<10000xf32, #tpu.memory_space<vmem>>, %arg12: memref<10000xf32, #tpu.memory_space<vmem>>, %arg13: memref<10000xi32, #tpu.memory_space<vmem>>, %arg14: memref<10000xi32, #tpu.memory_space<vmem>>, %arg15: memref<10000xf32, #tpu.memory_space<vmem>>, %arg16: memref<10000xf32, #tpu.memory_space<vmem>>, %arg17: memref<10000xf32, #tpu.memory_space<vmem>>, %arg18: memref<10000xf32, #tpu.memory_space<vmem>>) attributes {dimension_semantics = [#tpu.dimension_semantics<core_parallel>, #tpu.dimension_semantics<subcore_parallel>], iteration_bounds = array<i64: 2, 16>, scalar_prefetch = 0 : i64, scratch_operands = 10 : i64, tpu.core_type = #tpu.core_type<sc_vector_subcore>, window_params = [{transform_indices = #map}, {transform_indices = #map}, {transform_indices = #map}, {transform_indices = #map}, {transform_indices = #map}, {transform_indices = #map}, {transform_indices = #map}]} {
    %eq3A = arith.constant 0 : i32
    %eq3A_0 = arith.cmpi eq, %arg0, %eq3A : i32
    %eq3A_1 = arith.constant 0 : i32
    %eq3A_2 = arith.cmpi eq, %arg1, %eq3A_1 : i32
    %and3A = arith.andi %eq3A_0, %eq3A_2 : i1
    %convert_element_type3A = arith.extui %and3A : i1 to i32
    %cond3A = arith.constant 0 : i32
    %cond3A_3 = arith.cmpi ne, %convert_element_type3A, %cond3A : i32
    scf.if %cond3A_3 {
      "tpu.region"() ({
        %run_scoped3A = tpu.sem_alloc : memref<!tpu.dma_semaphore, #tpu.memory_space<semaphore_mem>>
        tpu.enqueue_dma source(%arg2 : memref<10000xf32, #tpu.memory_space<hbm>>) target(%arg9 : memref<10000xf32, #tpu.memory_space<vmem>>) target_semaphore(%run_scoped3A : memref<!tpu.dma_semaphore, #tpu.memory_space<semaphore_mem>>)
        tpu.wait_dma2 semaphore(%run_scoped3A : memref<!tpu.dma_semaphore, #tpu.memory_space<semaphore_mem>>) src(%arg2 : memref<10000xf32, #tpu.memory_space<hbm>>) dst(%arg9 : memref<10000xf32, #tpu.memory_space<vmem>>)
        tpu.yield
      }) : () -> ()
      "tpu.region"() ({
        %run_scoped3A = tpu.sem_alloc : memref<!tpu.dma_semaphore, #tpu.memory_space<semaphore_mem>>
        tpu.enqueue_dma source(%arg3 : memref<10000xf32, #tpu.memory_space<hbm>>) target(%arg10 : memref<10000xf32, #tpu.memory_space<vmem>>) target_semaphore(%run_scoped3A : memref<!tpu.dma_semaphore, #tpu.memory_space<semaphore_mem>>)
        tpu.wait_dma2 semaphore(%run_scoped3A : memref<!tpu.dma_semaphore, #tpu.memory_space<semaphore_mem>>) src(%arg3 : memref<10000xf32, #tpu.memory_space<hbm>>) dst(%arg10 : memref<10000xf32, #tpu.memory_space<vmem>>)
        tpu.yield
      }) : () -> ()
      "tpu.region"() ({
        %run_scoped3A = tpu.sem_alloc : memref<!tpu.dma_semaphore, #tpu.memory_space<semaphore_mem>>
        tpu.enqueue_dma source(%arg4 : memref<10000xf32, #tpu.memory_space<hbm>>) target(%arg11 : memref<10000xf32, #tpu.memory_space<vmem>>) target_semaphore(%run_scoped3A : memref<!tpu.dma_semaphore, #tpu.memory_space<semaphore_mem>>)
        tpu.wait_dma2 semaphore(%run_scoped3A : memref<!tpu.dma_semaphore, #tpu.memory_space<semaphore_mem>>) src(%arg4 : memref<10000xf32, #tpu.memory_space<hbm>>) dst(%arg11 : memref<10000xf32, #tpu.memory_space<vmem>>)
        tpu.yield
      }) : () -> ()
      "tpu.region"() ({
        %run_scoped3A = tpu.sem_alloc : memref<!tpu.dma_semaphore, #tpu.memory_space<semaphore_mem>>
        tpu.enqueue_dma source(%arg5 : memref<10000xf32, #tpu.memory_space<hbm>>) target(%arg12 : memref<10000xf32, #tpu.memory_space<vmem>>) target_semaphore(%run_scoped3A : memref<!tpu.dma_semaphore, #tpu.memory_space<semaphore_mem>>)
        tpu.wait_dma2 semaphore(%run_scoped3A : memref<!tpu.dma_semaphore, #tpu.memory_space<semaphore_mem>>) src(%arg5 : memref<10000xf32, #tpu.memory_space<hbm>>) dst(%arg12 : memref<10000xf32, #tpu.memory_space<vmem>>)
        tpu.yield
      }) : () -> ()
      "tpu.region"() ({
        %run_scoped3A = tpu.sem_alloc : memref<!tpu.dma_semaphore, #tpu.memory_space<semaphore_mem>>
        tpu.enqueue_dma source(%arg6 : memref<10000xi32, #tpu.memory_space<hbm>>) target(%arg13 : memref<10000xi32, #tpu.memory_space<vmem>>) target_semaphore(%run_scoped3A : memref<!tpu.dma_semaphore, #tpu.memory_space<semaphore_mem>>)
        tpu.wait_dma2 semaphore(%run_scoped3A : memref<!tpu.dma_semaphore, #tpu.memory_space<semaphore_mem>>) src(%arg6 : memref<10000xi32, #tpu.memory_space<hbm>>) dst(%arg13 : memref<10000xi32, #tpu.memory_space<vmem>>)
        tpu.yield
      }) : () -> ()
      "tpu.region"() ({
        %run_scoped3A = tpu.sem_alloc : memref<!tpu.dma_semaphore, #tpu.memory_space<semaphore_mem>>
        tpu.enqueue_dma source(%arg7 : memref<10000xi32, #tpu.memory_space<hbm>>) target(%arg14 : memref<10000xi32, #tpu.memory_space<vmem>>) target_semaphore(%run_scoped3A : memref<!tpu.dma_semaphore, #tpu.memory_space<semaphore_mem>>)
        tpu.wait_dma2 semaphore(%run_scoped3A : memref<!tpu.dma_semaphore, #tpu.memory_space<semaphore_mem>>) src(%arg7 : memref<10000xi32, #tpu.memory_space<hbm>>) dst(%arg14 : memref<10000xi32, #tpu.memory_space<vmem>>)
        tpu.yield
      }) : () -> ()
      %broadcast_in_dim3A = arith.constant 0.000000e+00 : f32
      %broadcast_in_dim3A_4 = vector.broadcast %broadcast_in_dim3A : f32 to vector<16xf32>
      %scan3A = arith.constant 0 : i32
      %scan3A_5 = arith.constant 0 : i32
      %scan3A_6 = arith.constant 625 : i32
      %scan3A_7 = arith.addi %scan3A_5, %scan3A_6 : i32
      %scan3A_8 = arith.constant 1 : i32
      scf.for %scan3A_22 = %scan3A_5 to %scan3A_7 step %scan3A_8  : i32 {
        %mul3A = arith.constant 16 : i32
        %mul3A_23 = arith.muli %scan3A_22, %mul3A : i32
        %swap3A = arith.index_cast %mul3A_23 : i32 to index
        %swap3A_24 = tpu.vector_load %arg16[%swap3A] {strides = array<i32>} : memref<10000xf32, #tpu.memory_space<vmem>>, vector<16xf32>,
        tpu.vector_store %arg16[%swap3A], %broadcast_in_dim3A_4 {strides = array<i32>} : memref<10000xf32, #tpu.memory_space<vmem>>, vector<16xf32>,
        %mul3A_25 = arith.constant 16 : i32
        %mul3A_26 = arith.muli %scan3A_22, %mul3A_25 : i32
        %swap3A_27 = arith.index_cast %mul3A_26 : i32 to index
        %swap3A_28 = tpu.vector_load %arg17[%swap3A_27] {strides = array<i32>} : memref<10000xf32, #tpu.memory_space<vmem>>, vector<16xf32>,
        tpu.vector_store %arg17[%swap3A_27], %broadcast_in_dim3A_4 {strides = array<i32>} : memref<10000xf32, #tpu.memory_space<vmem>>, vector<16xf32>,
      }
      %scan3A_9 = arith.constant 625 : i32
      %scan3A_10 = arith.constant 0 : i32
      %scan3A_11 = arith.constant 0 : i32
      %scan3A_12 = arith.constant 625 : i32
      %scan3A_13 = arith.addi %scan3A_11, %scan3A_12 : i32
      %scan3A_14 = arith.constant 1 : i32
      scf.for %scan3A_22 = %scan3A_11 to %scan3A_13 step %scan3A_14  : i32 {
        %mul3A = arith.constant 16 : i32
        %mul3A_23 = arith.muli %scan3A_22, %mul3A : i32
        %get3A = arith.index_cast %mul3A_23 : i32 to index
        %get3A_24 = tpu.vector_load %arg13[%get3A] {strides = array<i32>} : memref<10000xi32, #tpu.memory_space<vmem>>, vector<16xi32>,
        %get3A_25 = arith.index_cast %mul3A_23 : i32 to index
        %get3A_26 = tpu.vector_load %arg14[%get3A_25] {strides = array<i32>} : memref<10000xi32, #tpu.memory_space<vmem>>, vector<16xi32>,
        %gather3A = tpu.vector_load_idx %arg9[%get3A_24] : memref<10000xf32, #tpu.memory_space<vmem>>[vector<16xi32>], vector<16xf32>,
        %gather3A_27 = tpu.vector_load_idx %arg10[%get3A_26] : memref<10000xf32, #tpu.memory_space<vmem>>[vector<16xi32>], vector<16xf32>,
        %add3A = arith.addf %gather3A, %gather3A_27 : vector<16xf32>
        %ge3A = arith.constant 0.000000e+00 : f32
        %ge3A_28 = vector.broadcast %ge3A : f32 to vector<16xf32>
        %ge3A_29 = arith.cmpf oge, %add3A, %ge3A_28 : vector<16xf32>
        %mul3A_30 = arith.constant 2.000000e-01 : f32
        %mul3A_31 = vector.broadcast %mul3A_30 : f32 to vector<16xf32>
        %mul3A_32 = arith.mulf %mul3A_31, %add3A : vector<16xf32>
        %select_n3A = arith.select %ge3A_29, %add3A, %mul3A_32 : vector<16xi1>, vector<16xf32>
        %exp3A = math.exp %select_n3A : vector<16xf32>
        %swap3A = arith.index_cast %mul3A_23 : i32 to index
        %swap3A_33 = tpu.vector_load %arg15[%swap3A] {strides = array<i32>} : memref<10000xf32, #tpu.memory_space<vmem>>, vector<16xf32>,
        tpu.vector_store %arg15[%swap3A], %exp3A {strides = array<i32>} : memref<10000xf32, #tpu.memory_space<vmem>>, vector<16xf32>,
        tpu.vector_store_idx %arg16[%get3A_24], %exp3A {add = true} : memref<10000xf32, #tpu.memory_space<vmem>>[vector<16xi32>], vector<16xf32>,
        %get3A_34 = arith.index_cast %mul3A_23 : i32 to index
        %get3A_35 = tpu.vector_load %arg11[%get3A_34] {strides = array<i32>} : memref<10000xf32, #tpu.memory_space<vmem>>, vector<16xf32>,
        tpu.vector_store_idx %arg17[%get3A_24], %get3A_35 {add = true} : memref<10000xf32, #tpu.memory_space<vmem>>[vector<16xi32>], vector<16xf32>,
      }
      %scan3A_15 = arith.constant 625 : i32
      %scan3A_16 = arith.constant 0 : i32
      %scan3A_17 = arith.constant 0 : i32
      %scan3A_18 = arith.constant 625 : i32
      %scan3A_19 = arith.addi %scan3A_17, %scan3A_18 : i32
      %scan3A_20 = arith.constant 1 : i32
      scf.for %scan3A_22 = %scan3A_17 to %scan3A_19 step %scan3A_20  : i32 {
        %mul3A = arith.constant 16 : i32
        %mul3A_23 = arith.muli %scan3A_22, %mul3A : i32
        %get3A = arith.index_cast %mul3A_23 : i32 to index
        %get3A_24 = tpu.vector_load %arg13[%get3A] {strides = array<i32>} : memref<10000xi32, #tpu.memory_space<vmem>>, vector<16xi32>,
        %gather3A = tpu.vector_load_idx %arg16[%get3A_24] : memref<10000xf32, #tpu.memory_space<vmem>>[vector<16xi32>], vector<16xf32>,
        %gather3A_25 = tpu.vector_load_idx %arg17[%get3A_24] : memref<10000xf32, #tpu.memory_space<vmem>>[vector<16xi32>], vector<16xf32>,
        %get3A_26 = arith.index_cast %mul3A_23 : i32 to index
        %get3A_27 = tpu.vector_load %arg15[%get3A_26] {strides = array<i32>} : memref<10000xf32, #tpu.memory_space<vmem>>, vector<16xf32>,
        %add3A = arith.constant 1.000000e-16 : f32
        %add3A_28 = vector.broadcast %add3A : f32 to vector<16xf32>
        %add3A_29 = arith.addf %gather3A, %add3A_28 : vector<16xf32>
        %div3A = arith.divf %get3A_27, %add3A_29 : vector<16xf32>
        %get3A_30 = arith.index_cast %mul3A_23 : i32 to index
        %get3A_31 = tpu.vector_load %arg12[%get3A_30] {strides = array<i32>} : memref<10000xf32, #tpu.memory_space<vmem>>, vector<16xf32>,
        %add3A_32 = arith.addf %div3A, %get3A_31 : vector<16xf32>
        %get3A_33 = arith.index_cast %mul3A_23 : i32 to index
        %get3A_34 = tpu.vector_load %arg11[%get3A_33] {strides = array<i32>} : memref<10000xf32, #tpu.memory_space<vmem>>, vector<16xf32>,
        %add3A_35 = arith.constant 1.000000e-16 : f32
        %add3A_36 = vector.broadcast %add3A_35 : f32 to vector<16xf32>
        %add3A_37 = arith.addf %gather3A_25, %add3A_36 : vector<16xf32>
        %div3A_38 = arith.divf %get3A_34, %add3A_37 : vector<16xf32>
        %add3A_39 = arith.addf %add3A_32, %div3A_38 : vector<16xf32>
        %mul3A_40 = arith.constant 0.333333343 : f32
        %mul3A_41 = vector.broadcast %mul3A_40 : f32 to vector<16xf32>
        %mul3A_42 = arith.mulf %add3A_39, %mul3A_41 : vector<16xf32>
        %swap3A = arith.index_cast %mul3A_23 : i32 to index
        %swap3A_43 = tpu.vector_load %arg18[%swap3A] {strides = array<i32>} : memref<10000xf32, #tpu.memory_space<vmem>>, vector<16xf32>,
        tpu.vector_store %arg18[%swap3A], %mul3A_42 {strides = array<i32>} : memref<10000xf32, #tpu.memory_space<vmem>>, vector<16xf32>,
      }
      %scan3A_21 = arith.constant 625 : i32
      "tpu.region"() ({
        %run_scoped3A = tpu.sem_alloc : memref<!tpu.dma_semaphore, #tpu.memory_space<semaphore_mem>>
        tpu.enqueue_dma source(%arg18 : memref<10000xf32, #tpu.memory_space<vmem>>) target(%arg8 : memref<10000xf32, #tpu.memory_space<hbm>>) target_semaphore(%run_scoped3A : memref<!tpu.dma_semaphore, #tpu.memory_space<semaphore_mem>>)
        tpu.wait_dma2 semaphore(%run_scoped3A : memref<!tpu.dma_semaphore, #tpu.memory_space<semaphore_mem>>) src(%arg18 : memref<10000xf32, #tpu.memory_space<vmem>>) dst(%arg8 : memref<10000xf32, #tpu.memory_space<hbm>>)
        tpu.yield
      }) : () -> ()
    } else {
    }
    return
  }
}

module attributes {stable_mosaic.version = 14 : i64} {
  func.func @_tc_pre_body(%arg0: i32, %arg1: memref<1000x128xf32, #tpu.memory_space<vmem>>, %arg2: memref<1x1x1000xi32, #tpu.memory_space<vmem>>, %arg3: memref<64x64xf32, #tpu.memory_space<vmem>>, %arg4: memref<128x64xf32, #tpu.memory_space<vmem>>, %arg5: memref<128x64xf32, #tpu.memory_space<vmem>>, %arg6: memref<64x64xf32, #tpu.memory_space<vmem>>, %arg7: memref<64x64xf32, #tpu.memory_space<vmem>>, %arg8: memref<1000x64xf32, #tpu.memory_space<vmem>>, %arg9: memref<1000x64xf32, #tpu.memory_space<vmem>>, %arg10: memref<1000x64xf32, #tpu.memory_space<vmem>>) attributes {dimension_semantics = [#tpu.dimension_semantics<arbitrary>], iteration_bounds = array<i64: 10>, scalar_prefetch = 0 : i64, scratch_operands = 0 : i64, tpu.core_type = #tpu.core_type<tc>, window_params = [{transform_indices = @transform_0, window_bounds = array<i64: 1000, 128>}, {transform_indices = @transform_1, window_bounds = array<i64: 1, 1, 1000>}, {pipeline_mode = #tpu.pipeline_mode<synchronous>, transform_indices = @transform_2, window_bounds = array<i64: 64, 64>}, {pipeline_mode = #tpu.pipeline_mode<synchronous>, transform_indices = @transform_3, window_bounds = array<i64: 128, 64>}, {pipeline_mode = #tpu.pipeline_mode<synchronous>, transform_indices = @transform_4, window_bounds = array<i64: 128, 64>}, {pipeline_mode = #tpu.pipeline_mode<synchronous>, transform_indices = @transform_5, window_bounds = array<i64: 64, 64>}, {pipeline_mode = #tpu.pipeline_mode<synchronous>, transform_indices = @transform_6, window_bounds = array<i64: 64, 64>}, {transform_indices = @transform_7, window_bounds = array<i64: 1000, 64>}, {transform_indices = @transform_8, window_bounds = array<i64: 1000, 64>}, {transform_indices = @transform_9, window_bounds = array<i64: 1000, 64>}]} {
    %get3A = arith.constant 0 : index
    %get3A_0 = arith.constant 0 : index
    %get3A_1 = vector.load %arg1[%get3A, %get3A_0] : memref<1000x128xf32, #tpu.memory_space<vmem>>, vector<1000x128xf32>
    %get3A_2 = arith.constant 0 : index
    %get3A_3 = arith.constant 0 : index
    %get3A_4 = vector.load %arg4[%get3A_2, %get3A_3] : memref<128x64xf32, #tpu.memory_space<vmem>>, vector<128x64xf32>
    %dot_general3A = arith.constant dense<0.000000e+00> : vector<1000x64xf32>
    %dot_general3A_5 = tpu.matmul %get3A_1, %get3A_4, %dot_general3A {dimension_numbers = #tpu.dot_dimension_numbers<[1], [0], [0], [1], [0, 0, 1, 1], [], []>, transpose_lhs_hint = false} : vector<1000x128xf32>, vector<128x64xf32>, vector<1000x64xf32> -> vector<1000x64xf32>
    %swap3A = arith.constant 0 : index
    %swap3A_6 = arith.constant 0 : index
    %swap3A_7 = vector.load %arg8[%swap3A, %swap3A_6] : memref<1000x64xf32, #tpu.memory_space<vmem>>, vector<1000x64xf32>
    tpu.vector_store %arg8[%swap3A, %swap3A_6], %dot_general3A_5 {strides = array<i32>} : memref<1000x64xf32, #tpu.memory_space<vmem>>, vector<1000x64xf32>,
    %get3A_8 = arith.constant 0 : index
    %get3A_9 = arith.constant 0 : index
    %get3A_10 = arith.constant 0 : index
    %get3A_11 = vector.load %arg2[%get3A_8, %get3A_9, %get3A_10] : memref<1x1x1000xi32, #tpu.memory_space<vmem>>, vector<1x1x1000xi32>
    %get3A_12 = vector.shape_cast %get3A_11 : vector<1x1x1000xi32> to vector<1000xi32>
    %broadcast_in_dim3A = vector.shape_cast %get3A_12 : vector<1000xi32> to vector<1000x1xi32>
    %iota3A = tpu.iota {dimensions = array<i32: 1>} : vector<1000x64xi32>
    %eq3A = vector.broadcast %broadcast_in_dim3A : vector<1000x1xi32> to vector<1000x64xi32>
    %eq3A_13 = arith.cmpi eq, %eq3A, %iota3A : vector<1000x64xi32>
    %convert_element_type3A = arith.extui %eq3A_13 : vector<1000x64xi1> to vector<1000x64xi32>
    %convert_element_type3A_14 = arith.sitofp %convert_element_type3A : vector<1000x64xi32> to vector<1000x64xf32>
    %get3A_15 = arith.constant 0 : index
    %get3A_16 = arith.constant 0 : index
    %get3A_17 = vector.load %arg3[%get3A_15, %get3A_16] : memref<64x64xf32, #tpu.memory_space<vmem>>, vector<64x64xf32>
    %get3A_18 = arith.constant 0 : index
    %get3A_19 = arith.constant 0 : index
    %get3A_20 = vector.load %arg6[%get3A_18, %get3A_19] : memref<64x64xf32, #tpu.memory_space<vmem>>, vector<64x64xf32>
    %dot_general3A_21 = arith.constant dense<0.000000e+00> : vector<64x64xf32>
    %dot_general3A_22 = tpu.matmul %get3A_17, %get3A_20, %dot_general3A_21 {dimension_numbers = #tpu.dot_dimension_numbers<[1], [0], [0], [1], [0, 0, 1, 1], [], []>, transpose_lhs_hint = false} : vector<64x64xf32>, vector<64x64xf32>, vector<64x64xf32> -> vector<64x64xf32>
    %get3A_23 = arith.constant 0 : index
    %get3A_24 = arith.constant 0 : index
    %get3A_25 = vector.load %arg5[%get3A_23, %get3A_24] : memref<128x64xf32, #tpu.memory_space<vmem>>, vector<128x64xf32>
    %dot_general3A_26 = arith.constant dense<0.000000e+00> : vector<1000x64xf32>
    %dot_general3A_27 = tpu.matmul %get3A_1, %get3A_25, %dot_general3A_26 {dimension_numbers = #tpu.dot_dimension_numbers<[1], [0], [0], [1], [0, 0, 1, 1], [], []>, transpose_lhs_hint = false} : vector<1000x128xf32>, vector<128x64xf32>, vector<1000x64xf32> -> vector<1000x64xf32>
    %dot_general3A_28 = arith.constant dense<0.000000e+00> : vector<1000x64xf32>
    %dot_general3A_29 = tpu.matmul %convert_element_type3A_14, %dot_general3A_22, %dot_general3A_28 {dimension_numbers = #tpu.dot_dimension_numbers<[1], [0], [0], [1], [0, 0, 1, 1], [], []>, transpose_lhs_hint = false} : vector<1000x64xf32>, vector<64x64xf32>, vector<1000x64xf32> -> vector<1000x64xf32>
    %add3A = arith.addf %dot_general3A_27, %dot_general3A_29 : vector<1000x64xf32>
    %swap3A_30 = arith.constant 0 : index
    %swap3A_31 = arith.constant 0 : index
    %swap3A_32 = vector.load %arg9[%swap3A_30, %swap3A_31] : memref<1000x64xf32, #tpu.memory_space<vmem>>, vector<1000x64xf32>
    tpu.vector_store %arg9[%swap3A_30, %swap3A_31], %add3A {strides = array<i32>} : memref<1000x64xf32, #tpu.memory_space<vmem>>, vector<1000x64xf32>,
    %get3A_33 = arith.constant 0 : index
    %get3A_34 = arith.constant 0 : index
    %get3A_35 = vector.load %arg3[%get3A_33, %get3A_34] : memref<64x64xf32, #tpu.memory_space<vmem>>, vector<64x64xf32>
    %get3A_36 = arith.constant 0 : index
    %get3A_37 = arith.constant 0 : index
    %get3A_38 = vector.load %arg7[%get3A_36, %get3A_37] : memref<64x64xf32, #tpu.memory_space<vmem>>, vector<64x64xf32>
    %dot_general3A_39 = arith.constant dense<0.000000e+00> : vector<64x64xf32>
    %dot_general3A_40 = tpu.matmul %get3A_35, %get3A_38, %dot_general3A_39 {dimension_numbers = #tpu.dot_dimension_numbers<[1], [0], [0], [1], [0, 0, 1, 1], [], []>, transpose_lhs_hint = false} : vector<64x64xf32>, vector<64x64xf32>, vector<64x64xf32> -> vector<64x64xf32>
    %dot_general3A_41 = arith.constant dense<0.000000e+00> : vector<1000x64xf32>
    %dot_general3A_42 = tpu.matmul %convert_element_type3A_14, %dot_general3A_40, %dot_general3A_41 {dimension_numbers = #tpu.dot_dimension_numbers<[1], [0], [0], [1], [0, 0, 1, 1], [], []>, transpose_lhs_hint = false} : vector<1000x64xf32>, vector<64x64xf32>, vector<1000x64xf32> -> vector<1000x64xf32>
    %swap3A_43 = arith.constant 0 : index
    %swap3A_44 = arith.constant 0 : index
    %swap3A_45 = vector.load %arg10[%swap3A_43, %swap3A_44] : memref<1000x64xf32, #tpu.memory_space<vmem>>, vector<1000x64xf32>
    tpu.vector_store %arg10[%swap3A_43, %swap3A_44], %dot_general3A_42 {strides = array<i32>} : memref<1000x64xf32, #tpu.memory_space<vmem>>, vector<1000x64xf32>,
    return
  }
  func.func @transform_0(%arg0: i32) -> (i32, i32) {
    %c0_i32 = arith.constant 0 : i32
    %c0_i32_0 = arith.constant 0 : i32
    return %arg0, %c0_i32 : i32, i32
  }
  func.func @transform_1(%arg0: i32) -> (i32, i32, i32) {
    %c0_i32 = arith.constant 0 : i32
    %c0_i32_0 = arith.constant 0 : i32
    %c0_i32_1 = arith.constant 0 : i32
    return %arg0, %c0_i32, %c0_i32_0 : i32, i32, i32
  }
  func.func @transform_2(%arg0: i32) -> (i32, i32) {
    %c0_i32 = arith.constant 0 : i32
    %c0_i32_0 = arith.constant 0 : i32
    %c0_i32_1 = arith.constant 0 : i32
    return %c0_i32, %c0_i32_0 : i32, i32
  }
  func.func @transform_3(%arg0: i32) -> (i32, i32) {
    %c0_i32 = arith.constant 0 : i32
    %c0_i32_0 = arith.constant 0 : i32
    %c0_i32_1 = arith.constant 0 : i32
    return %c0_i32, %c0_i32_0 : i32, i32
  }
  func.func @transform_4(%arg0: i32) -> (i32, i32) {
    %c0_i32 = arith.constant 0 : i32
    %c0_i32_0 = arith.constant 0 : i32
    %c0_i32_1 = arith.constant 0 : i32
    return %c0_i32, %c0_i32_0 : i32, i32
  }
  func.func @transform_5(%arg0: i32) -> (i32, i32) {
    %c0_i32 = arith.constant 0 : i32
    %c0_i32_0 = arith.constant 0 : i32
    %c0_i32_1 = arith.constant 0 : i32
    return %c0_i32, %c0_i32_0 : i32, i32
  }
  func.func @transform_6(%arg0: i32) -> (i32, i32) {
    %c0_i32 = arith.constant 0 : i32
    %c0_i32_0 = arith.constant 0 : i32
    %c0_i32_1 = arith.constant 0 : i32
    return %c0_i32, %c0_i32_0 : i32, i32
  }
  func.func @transform_7(%arg0: i32) -> (i32, i32) {
    %c0_i32 = arith.constant 0 : i32
    %c0_i32_0 = arith.constant 0 : i32
    return %arg0, %c0_i32 : i32, i32
  }
  func.func @transform_8(%arg0: i32) -> (i32, i32) {
    %c0_i32 = arith.constant 0 : i32
    %c0_i32_0 = arith.constant 0 : i32
    return %arg0, %c0_i32 : i32, i32
  }
  func.func @transform_9(%arg0: i32) -> (i32, i32) {
    %c0_i32 = arith.constant 0 : i32
    %c0_i32_0 = arith.constant 0 : i32
    return %arg0, %c0_i32 : i32, i32
  }
}

module attributes {stable_mosaic.version = 14 : i64} {
  func.func @_tc_edge_body(%arg0: i32, %arg1: memref<1024x64xf32, #tpu.memory_space<vmem>>, %arg2: memref<1024x64xf32, #tpu.memory_space<vmem>>, %arg3: memref<1024x16xf32, #tpu.memory_space<vmem>>, %arg4: memref<1x1x1024xf32, #tpu.memory_space<vmem>>, %arg5: memref<16x64xf32, #tpu.memory_space<vmem>>, %arg6: memref<64x64xf32, #tpu.memory_space<vmem>>, %arg7: memref<16x64xf32, #tpu.memory_space<vmem>>, %arg8: memref<64x64xf32, #tpu.memory_space<vmem>>, %arg9: memref<64x64xf32, #tpu.memory_space<vmem>>, %arg10: memref<1x64xf32, #tpu.memory_space<vmem>>, %arg11: memref<1024x128xf32, #tpu.memory_space<vmem>>) attributes {dimension_semantics = [#tpu.dimension_semantics<arbitrary>], iteration_bounds = array<i64: 160>, scalar_prefetch = 0 : i64, scratch_operands = 0 : i64, tpu.core_type = #tpu.core_type<tc>, window_params = [{transform_indices = @transform_0, window_bounds = array<i64: 1024, 64>}, {transform_indices = @transform_1, window_bounds = array<i64: 1024, 64>}, {transform_indices = @transform_2, window_bounds = array<i64: 1024, 16>}, {transform_indices = @transform_3, window_bounds = array<i64: 1, 1, 1024>}, {pipeline_mode = #tpu.pipeline_mode<synchronous>, transform_indices = @transform_4, window_bounds = array<i64: 16, 64>}, {pipeline_mode = #tpu.pipeline_mode<synchronous>, transform_indices = @transform_5, window_bounds = array<i64: 64, 64>}, {pipeline_mode = #tpu.pipeline_mode<synchronous>, transform_indices = @transform_6, window_bounds = array<i64: 16, 64>}, {pipeline_mode = #tpu.pipeline_mode<synchronous>, transform_indices = @transform_7, window_bounds = array<i64: 64, 64>}, {pipeline_mode = #tpu.pipeline_mode<synchronous>, transform_indices = @transform_8, window_bounds = array<i64: 64, 64>}, {pipeline_mode = #tpu.pipeline_mode<synchronous>, transform_indices = @transform_9, window_bounds = array<i64: 1, 64>}, {transform_indices = @transform_10, window_bounds = array<i64: 1024, 128>}]} {
    %get3A = arith.constant 0 : index
    %get3A_0 = arith.constant 0 : index
    %get3A_1 = arith.constant 0 : index
    %get3A_2 = vector.load %arg4[%get3A, %get3A_0, %get3A_1] : memref<1x1x1024xf32, #tpu.memory_space<vmem>>, vector<1x1x1024xf32>
    %get3A_3 = vector.shape_cast %get3A_2 : vector<1x1x1024xf32> to vector<1024xf32>
    %broadcast_in_dim3A = vector.shape_cast %get3A_3 : vector<1024xf32> to vector<1024x1xf32>
    %get3A_4 = arith.constant 0 : index
    %get3A_5 = arith.constant 0 : index
    %get3A_6 = vector.load %arg3[%get3A_4, %get3A_5] : memref<1024x16xf32, #tpu.memory_space<vmem>>, vector<1024x16xf32>
    %get3A_7 = arith.constant 0 : index
    %get3A_8 = arith.constant 0 : index
    %get3A_9 = vector.load %arg1[%get3A_7, %get3A_8] : memref<1024x64xf32, #tpu.memory_space<vmem>>, vector<1024x64xf32>
    %get3A_10 = arith.constant 0 : index
    %get3A_11 = arith.constant 0 : index
    %get3A_12 = vector.load %arg2[%get3A_10, %get3A_11] : memref<1024x64xf32, #tpu.memory_space<vmem>>, vector<1024x64xf32>
    %add3A = arith.addf %get3A_9, %get3A_12 : vector<1024x64xf32>
    %mul3A = vector.broadcast %broadcast_in_dim3A : vector<1024x1xf32> to vector<1024x16xf32>
    %mul3A_13 = arith.mulf %get3A_6, %mul3A : vector<1024x16xf32>
    %get3A_14 = arith.constant 0 : index
    %get3A_15 = arith.constant 0 : index
    %get3A_16 = vector.load %arg5[%get3A_14, %get3A_15] : memref<16x64xf32, #tpu.memory_space<vmem>>, vector<16x64xf32>
    %dot_general3A = arith.constant dense<0.000000e+00> : vector<1024x64xf32>
    %dot_general3A_17 = tpu.matmul %mul3A_13, %get3A_16, %dot_general3A {dimension_numbers = #tpu.dot_dimension_numbers<[1], [0], [0], [1], [0, 0, 1, 1], [], []>, transpose_lhs_hint = false} : vector<1024x16xf32>, vector<16x64xf32>, vector<1024x64xf32> -> vector<1024x64xf32>
    %add3A_18 = arith.addf %add3A, %dot_general3A_17 : vector<1024x64xf32>
    %gt3A = arith.constant 0.000000e+00 : f32
    %gt3A_19 = vector.broadcast %gt3A : f32 to vector<1024x64xf32>
    %gt3A_20 = arith.cmpf ogt, %add3A_18, %gt3A_19 : vector<1024x64xf32>
    %min3A = arith.constant 0.000000e+00 : f32
    %min3A_21 = vector.broadcast %min3A : f32 to vector<1024x64xf32>
    %min3A_22 = arith.minimumf %add3A_18, %min3A_21 : vector<1024x64xf32>
    %exp3A = math.exp %min3A_22 : vector<1024x64xf32>
    %sub3A = arith.constant 1.000000e+00 : f32
    %sub3A_23 = vector.broadcast %sub3A : f32 to vector<1024x64xf32>
    %sub3A_24 = arith.subf %exp3A, %sub3A_23 : vector<1024x64xf32>
    %select_n3A = arith.select %gt3A_20, %add3A_18, %sub3A_24 : vector<1024x64xi1>, vector<1024x64xf32>
    %get3A_25 = arith.constant 0 : index
    %get3A_26 = arith.constant 0 : index
    %get3A_27 = vector.load %arg6[%get3A_25, %get3A_26] : memref<64x64xf32, #tpu.memory_space<vmem>>, vector<64x64xf32>
    %dot_general3A_28 = arith.constant dense<0.000000e+00> : vector<1024x64xf32>
    %dot_general3A_29 = tpu.matmul %select_n3A, %get3A_27, %dot_general3A_28 {dimension_numbers = #tpu.dot_dimension_numbers<[1], [0], [0], [1], [0, 0, 1, 1], [], []>, transpose_lhs_hint = false} : vector<1024x64xf32>, vector<64x64xf32>, vector<1024x64xf32> -> vector<1024x64xf32>
    %get3A_30 = arith.constant 0 : index
    %get3A_31 = arith.constant 0 : index
    %get3A_32 = vector.load %arg7[%get3A_30, %get3A_31] : memref<16x64xf32, #tpu.memory_space<vmem>>, vector<16x64xf32>
    %dot_general3A_33 = arith.constant dense<0.000000e+00> : vector<1024x64xf32>
    %dot_general3A_34 = tpu.matmul %get3A_6, %get3A_32, %dot_general3A_33 {dimension_numbers = #tpu.dot_dimension_numbers<[1], [0], [0], [1], [0, 0, 1, 1], [], []>, transpose_lhs_hint = false} : vector<1024x16xf32>, vector<16x64xf32>, vector<1024x64xf32> -> vector<1024x64xf32>
    %get3A_35 = arith.constant 0 : index
    %get3A_36 = arith.constant 0 : index
    %get3A_37 = vector.load %arg8[%get3A_35, %get3A_36] : memref<64x64xf32, #tpu.memory_space<vmem>>, vector<64x64xf32>
    %dot_general3A_38 = arith.constant dense<0.000000e+00> : vector<1024x64xf32>
    %dot_general3A_39 = tpu.matmul %dot_general3A_29, %get3A_37, %dot_general3A_38 {dimension_numbers = #tpu.dot_dimension_numbers<[1], [0], [0], [1], [0, 0, 1, 1], [], []>, transpose_lhs_hint = false} : vector<1024x64xf32>, vector<64x64xf32>, vector<1024x64xf32> -> vector<1024x64xf32>
    %add3A_40 = arith.addf %dot_general3A_34, %dot_general3A_39 : vector<1024x64xf32>
    %gt3A_41 = arith.constant 0.000000e+00 : f32
    %gt3A_42 = vector.broadcast %gt3A_41 : f32 to vector<1024x64xf32>
    %gt3A_43 = arith.cmpf ogt, %add3A_40, %gt3A_42 : vector<1024x64xf32>
    %min3A_44 = arith.constant 0.000000e+00 : f32
    %min3A_45 = vector.broadcast %min3A_44 : f32 to vector<1024x64xf32>
    %min3A_46 = arith.minimumf %add3A_40, %min3A_45 : vector<1024x64xf32>
    %exp3A_47 = math.exp %min3A_46 : vector<1024x64xf32>
    %sub3A_48 = arith.constant 1.000000e+00 : f32
    %sub3A_49 = vector.broadcast %sub3A_48 : f32 to vector<1024x64xf32>
    %sub3A_50 = arith.subf %exp3A_47, %sub3A_49 : vector<1024x64xf32>
    %select_n3A_51 = arith.select %gt3A_43, %add3A_40, %sub3A_50 : vector<1024x64xi1>, vector<1024x64xf32>
    %get3A_52 = arith.constant 0 : index
    %get3A_53 = arith.constant 0 : index
    %get3A_54 = vector.load %arg9[%get3A_52, %get3A_53] : memref<64x64xf32, #tpu.memory_space<vmem>>, vector<64x64xf32>
    %dot_general3A_55 = arith.constant dense<0.000000e+00> : vector<1024x64xf32>
    %dot_general3A_56 = tpu.matmul %select_n3A_51, %get3A_54, %dot_general3A_55 {dimension_numbers = #tpu.dot_dimension_numbers<[1], [0], [0], [1], [0, 0, 1, 1], [], []>, transpose_lhs_hint = false} : vector<1024x64xf32>, vector<64x64xf32>, vector<1024x64xf32> -> vector<1024x64xf32>
    %get3A_57 = arith.constant 0 : index
    %get3A_58 = arith.constant 0 : index
    %get3A_59 = vector.load %arg10[%get3A_57, %get3A_58] : memref<1x64xf32, #tpu.memory_space<vmem>>, vector<1x64xf32>
    %get3A_60 = vector.shape_cast %get3A_59 : vector<1x64xf32> to vector<64xf32>
    %broadcast_in_dim3A_61 = vector.shape_cast %get3A_60 : vector<64xf32> to vector<1x64xf32>
    %add3A_62 = vector.broadcast %broadcast_in_dim3A_61 : vector<1x64xf32> to vector<1024x64xf32>
    %add3A_63 = arith.addf %dot_general3A_56, %add3A_62 : vector<1024x64xf32>
    %mul3A_64 = vector.broadcast %broadcast_in_dim3A : vector<1024x1xf32> to vector<1024x64xf32>
    %mul3A_65 = arith.mulf %add3A_63, %mul3A_64 : vector<1024x64xf32>
    %concatenate3A = tpu.concatenate %add3A_63, %mul3A_65 in 1 : vector<1024x64xf32>, vector<1024x64xf32> -> vector<1024x128xf32>
    %swap3A = arith.constant 0 : index
    %swap3A_66 = arith.constant 0 : index
    %swap3A_67 = vector.load %arg11[%swap3A, %swap3A_66] : memref<1024x128xf32, #tpu.memory_space<vmem>>, vector<1024x128xf32>
    tpu.vector_store %arg11[%swap3A, %swap3A_66], %concatenate3A {strides = array<i32>} : memref<1024x128xf32, #tpu.memory_space<vmem>>, vector<1024x128xf32>,
    return
  }
  func.func @transform_0(%arg0: i32) -> (i32, i32) {
    %c0_i32 = arith.constant 0 : i32
    %c0_i32_0 = arith.constant 0 : i32
    return %arg0, %c0_i32 : i32, i32
  }
  func.func @transform_1(%arg0: i32) -> (i32, i32) {
    %c0_i32 = arith.constant 0 : i32
    %c0_i32_0 = arith.constant 0 : i32
    return %arg0, %c0_i32 : i32, i32
  }
  func.func @transform_2(%arg0: i32) -> (i32, i32) {
    %c0_i32 = arith.constant 0 : i32
    %c0_i32_0 = arith.constant 0 : i32
    return %arg0, %c0_i32 : i32, i32
  }
  func.func @transform_3(%arg0: i32) -> (i32, i32, i32) {
    %c0_i32 = arith.constant 0 : i32
    %c0_i32_0 = arith.constant 0 : i32
    %c0_i32_1 = arith.constant 0 : i32
    return %arg0, %c0_i32, %c0_i32_0 : i32, i32, i32
  }
  func.func @transform_4(%arg0: i32) -> (i32, i32) {
    %c0_i32 = arith.constant 0 : i32
    %c0_i32_0 = arith.constant 0 : i32
    %c0_i32_1 = arith.constant 0 : i32
    return %c0_i32, %c0_i32_0 : i32, i32
  }
  func.func @transform_5(%arg0: i32) -> (i32, i32) {
    %c0_i32 = arith.constant 0 : i32
    %c0_i32_0 = arith.constant 0 : i32
    %c0_i32_1 = arith.constant 0 : i32
    return %c0_i32, %c0_i32_0 : i32, i32
  }
  func.func @transform_6(%arg0: i32) -> (i32, i32) {
    %c0_i32 = arith.constant 0 : i32
    %c0_i32_0 = arith.constant 0 : i32
    %c0_i32_1 = arith.constant 0 : i32
    return %c0_i32, %c0_i32_0 : i32, i32
  }
  func.func @transform_7(%arg0: i32) -> (i32, i32) {
    %c0_i32 = arith.constant 0 : i32
    %c0_i32_0 = arith.constant 0 : i32
    %c0_i32_1 = arith.constant 0 : i32
    return %c0_i32, %c0_i32_0 : i32, i32
  }
  func.func @transform_8(%arg0: i32) -> (i32, i32) {
    %c0_i32 = arith.constant 0 : i32
    %c0_i32_0 = arith.constant 0 : i32
    %c0_i32_1 = arith.constant 0 : i32
    return %c0_i32, %c0_i32_0 : i32, i32
  }
  func.func @transform_9(%arg0: i32) -> (i32, i32) {
    %c0_i32 = arith.constant 0 : i32
    %c0_i32_0 = arith.constant 0 : i32
    %c0_i32_1 = arith.constant 0 : i32
    return %c0_i32, %c0_i32_0 : i32, i32
  }
  func.func @transform_10(%arg0: i32) -> (i32, i32) {
    %c0_i32 = arith.constant 0 : i32
    %c0_i32_0 = arith.constant 0 : i32
    return %arg0, %c0_i32 : i32, i32
  }
}

module attributes {stable_mosaic.version = 14 : i64} {
  func.func @_tc_node_body(%arg0: i32, %arg1: memref<1000x128xf32, #tpu.memory_space<vmem>>, %arg2: memref<1000x64xf32, #tpu.memory_space<vmem>>, %arg3: memref<2x1000x128xf32, #tpu.memory_space<vmem>>, %arg4: memref<1000x128xf32, #tpu.memory_space<vmem>>, %arg5: memref<128x64xf32, #tpu.memory_space<vmem>>, %arg6: memref<64x64xf32, #tpu.memory_space<vmem>>, %arg7: memref<64x64xf32, #tpu.memory_space<vmem>>, %arg8: memref<128x64xf32, #tpu.memory_space<vmem>>, %arg9: memref<64x64xf32, #tpu.memory_space<vmem>>, %arg10: memref<64x64xf32, #tpu.memory_space<vmem>>, %arg11: memref<1x64xf32, #tpu.memory_space<vmem>>, %arg12: memref<64x128xf32, #tpu.memory_space<vmem>>, %arg13: memref<1x128xf32, #tpu.memory_space<vmem>>, %arg14: memref<128x8xf32, #tpu.memory_space<vmem>>, %arg15: memref<8x64xf32, #tpu.memory_space<vmem>>, %arg16: memref<1000x64xf32, #tpu.memory_space<vmem>>, %arg17: memref<1000x64xf32, #tpu.memory_space<vmem>>, %arg18: memref<1000x128xf32, #tpu.memory_space<vmem>>) attributes {dimension_semantics = [#tpu.dimension_semantics<arbitrary>], iteration_bounds = array<i64: 10>, scalar_prefetch = 0 : i64, scratch_operands = 0 : i64, tpu.core_type = #tpu.core_type<tc>, window_params = [{transform_indices = @transform_0, window_bounds = array<i64: 1000, 128>}, {transform_indices = @transform_1, window_bounds = array<i64: 1000, 64>}, {transform_indices = @transform_2, window_bounds = array<i64: 2, 1000, 128>}, {transform_indices = @transform_3, window_bounds = array<i64: 1000, 128>}, {pipeline_mode = #tpu.pipeline_mode<synchronous>, transform_indices = @transform_4, window_bounds = array<i64: 128, 64>}, {pipeline_mode = #tpu.pipeline_mode<synchronous>, transform_indices = @transform_5, window_bounds = array<i64: 64, 64>}, {pipeline_mode = #tpu.pipeline_mode<synchronous>, transform_indices = @transform_6, window_bounds = array<i64: 64, 64>}, {pipeline_mode = #tpu.pipeline_mode<synchronous>, transform_indices = @transform_7, window_bounds = array<i64: 128, 64>}, {pipeline_mode = #tpu.pipeline_mode<synchronous>, transform_indices = @transform_8, window_bounds = array<i64: 64, 64>}, {pipeline_mode = #tpu.pipeline_mode<synchronous>, transform_indices = @transform_9, window_bounds = array<i64: 64, 64>}, {pipeline_mode = #tpu.pipeline_mode<synchronous>, transform_indices = @transform_10, window_bounds = array<i64: 1, 64>}, {pipeline_mode = #tpu.pipeline_mode<synchronous>, transform_indices = @transform_11, window_bounds = array<i64: 64, 128>}, {pipeline_mode = #tpu.pipeline_mode<synchronous>, transform_indices = @transform_12, window_bounds = array<i64: 1, 128>}, {pipeline_mode = #tpu.pipeline_mode<synchronous>, transform_indices = @transform_13, window_bounds = array<i64: 128, 8>}, {pipeline_mode = #tpu.pipeline_mode<synchronous>, transform_indices = @transform_14, window_bounds = array<i64: 8, 64>}, {transform_indices = @transform_15, window_bounds = array<i64: 1000, 64>}, {transform_indices = @transform_16, window_bounds = array<i64: 1000, 64>}, {transform_indices = @transform_17, window_bounds = array<i64: 1000, 128>}]} {
    %get3A = arith.constant 0 : index
    %get3A_0 = arith.constant 0 : index
    %get3A_1 = vector.load %arg1[%get3A, %get3A_0] : memref<1000x128xf32, #tpu.memory_space<vmem>>, vector<1000x128xf32>
    %get3A_2 = arith.constant 0 : index
    %get3A_3 = arith.constant 0 : index
    %get3A_4 = arith.constant 64 : index
    %get3A_5 = vector.load %arg3[%get3A_2, %get3A_3, %get3A_4] : memref<2x1000x128xf32, #tpu.memory_space<vmem>>, vector<1x1000x64xf32>
    %get3A_6 = vector.shape_cast %get3A_5 : vector<1x1000x64xf32> to vector<1000x64xf32>
    %get3A_7 = arith.constant 1 : index
    %get3A_8 = arith.constant 0 : index
    %get3A_9 = arith.constant 64 : index
    %get3A_10 = vector.load %arg3[%get3A_7, %get3A_8, %get3A_9] : memref<2x1000x128xf32, #tpu.memory_space<vmem>>, vector<1x1000x64xf32>
    %get3A_11 = vector.shape_cast %get3A_10 : vector<1x1000x64xf32> to vector<1000x64xf32>
    %add3A = arith.addf %get3A_6, %get3A_11 : vector<1000x64xf32>
    %get3A_12 = arith.constant 0 : index
    %get3A_13 = arith.constant 0 : index
    %get3A_14 = vector.load %arg5[%get3A_12, %get3A_13] : memref<128x64xf32, #tpu.memory_space<vmem>>, vector<128x64xf32>
    %dot_general3A = arith.constant dense<0.000000e+00> : vector<1000x64xf32>
    %dot_general3A_15 = tpu.matmul %get3A_1, %get3A_14, %dot_general3A {dimension_numbers = #tpu.dot_dimension_numbers<[1], [0], [0], [1], [0, 0, 1, 1], [], []>, transpose_lhs_hint = false} : vector<1000x128xf32>, vector<128x64xf32>, vector<1000x64xf32> -> vector<1000x64xf32>
    %get3A_16 = arith.constant 0 : index
    %get3A_17 = arith.constant 0 : index
    %get3A_18 = vector.load %arg2[%get3A_16, %get3A_17] : memref<1000x64xf32, #tpu.memory_space<vmem>>, vector<1000x64xf32>
    %add3A_19 = arith.addf %dot_general3A_15, %get3A_18 : vector<1000x64xf32>
    %get3A_20 = arith.constant 0 : index
    %get3A_21 = arith.constant 0 : index
    %get3A_22 = vector.load %arg6[%get3A_20, %get3A_21] : memref<64x64xf32, #tpu.memory_space<vmem>>, vector<64x64xf32>
    %dot_general3A_23 = arith.constant dense<0.000000e+00> : vector<1000x64xf32>
    %dot_general3A_24 = tpu.matmul %add3A, %get3A_22, %dot_general3A_23 {dimension_numbers = #tpu.dot_dimension_numbers<[1], [0], [0], [1], [0, 0, 1, 1], [], []>, transpose_lhs_hint = false} : vector<1000x64xf32>, vector<64x64xf32>, vector<1000x64xf32> -> vector<1000x64xf32>
    %add3A_25 = arith.addf %add3A_19, %dot_general3A_24 : vector<1000x64xf32>
    %gt3A = arith.constant 0.000000e+00 : f32
    %gt3A_26 = vector.broadcast %gt3A : f32 to vector<1000x64xf32>
    %gt3A_27 = arith.cmpf ogt, %add3A_25, %gt3A_26 : vector<1000x64xf32>
    %min3A = arith.constant 0.000000e+00 : f32
    %min3A_28 = vector.broadcast %min3A : f32 to vector<1000x64xf32>
    %min3A_29 = arith.minimumf %add3A_25, %min3A_28 : vector<1000x64xf32>
    %exp3A = math.exp %min3A_29 : vector<1000x64xf32>
    %sub3A = arith.constant 1.000000e+00 : f32
    %sub3A_30 = vector.broadcast %sub3A : f32 to vector<1000x64xf32>
    %sub3A_31 = arith.subf %exp3A, %sub3A_30 : vector<1000x64xf32>
    %select_n3A = arith.select %gt3A_27, %add3A_25, %sub3A_31 : vector<1000x64xi1>, vector<1000x64xf32>
    %get3A_32 = arith.constant 0 : index
    %get3A_33 = arith.constant 0 : index
    %get3A_34 = vector.load %arg7[%get3A_32, %get3A_33] : memref<64x64xf32, #tpu.memory_space<vmem>>, vector<64x64xf32>
    %dot_general3A_35 = arith.constant dense<0.000000e+00> : vector<1000x64xf32>
    %dot_general3A_36 = tpu.matmul %select_n3A, %get3A_34, %dot_general3A_35 {dimension_numbers = #tpu.dot_dimension_numbers<[1], [0], [0], [1], [0, 0, 1, 1], [], []>, transpose_lhs_hint = false} : vector<1000x64xf32>, vector<64x64xf32>, vector<1000x64xf32> -> vector<1000x64xf32>
    %get3A_37 = arith.constant 0 : index
    %get3A_38 = arith.constant 0 : index
    %get3A_39 = vector.load %arg8[%get3A_37, %get3A_38] : memref<128x64xf32, #tpu.memory_space<vmem>>, vector<128x64xf32>
    %dot_general3A_40 = arith.constant dense<0.000000e+00> : vector<1000x64xf32>
    %dot_general3A_41 = tpu.matmul %get3A_1, %get3A_39, %dot_general3A_40 {dimension_numbers = #tpu.dot_dimension_numbers<[1], [0], [0], [1], [0, 0, 1, 1], [], []>, transpose_lhs_hint = false} : vector<1000x128xf32>, vector<128x64xf32>, vector<1000x64xf32> -> vector<1000x64xf32>
    %get3A_42 = arith.constant 0 : index
    %get3A_43 = arith.constant 0 : index
    %get3A_44 = vector.load %arg9[%get3A_42, %get3A_43] : memref<64x64xf32, #tpu.memory_space<vmem>>, vector<64x64xf32>
    %dot_general3A_45 = arith.constant dense<0.000000e+00> : vector<1000x64xf32>
    %dot_general3A_46 = tpu.matmul %dot_general3A_36, %get3A_44, %dot_general3A_45 {dimension_numbers = #tpu.dot_dimension_numbers<[1], [0], [0], [1], [0, 0, 1, 1], [], []>, transpose_lhs_hint = false} : vector<1000x64xf32>, vector<64x64xf32>, vector<1000x64xf32> -> vector<1000x64xf32>
    %add3A_47 = arith.addf %dot_general3A_41, %dot_general3A_46 : vector<1000x64xf32>
    %gt3A_48 = arith.constant 0.000000e+00 : f32
    %gt3A_49 = vector.broadcast %gt3A_48 : f32 to vector<1000x64xf32>
    %gt3A_50 = arith.cmpf ogt, %add3A_47, %gt3A_49 : vector<1000x64xf32>
    %min3A_51 = arith.constant 0.000000e+00 : f32
    %min3A_52 = vector.broadcast %min3A_51 : f32 to vector<1000x64xf32>
    %min3A_53 = arith.minimumf %add3A_47, %min3A_52 : vector<1000x64xf32>
    %exp3A_54 = math.exp %min3A_53 : vector<1000x64xf32>
    %sub3A_55 = arith.constant 1.000000e+00 : f32
    %sub3A_56 = vector.broadcast %sub3A_55 : f32 to vector<1000x64xf32>
    %sub3A_57 = arith.subf %exp3A_54, %sub3A_56 : vector<1000x64xf32>
    %select_n3A_58 = arith.select %gt3A_50, %add3A_47, %sub3A_57 : vector<1000x64xi1>, vector<1000x64xf32>
    %get3A_59 = arith.constant 0 : index
    %get3A_60 = arith.constant 0 : index
    %get3A_61 = vector.load %arg10[%get3A_59, %get3A_60] : memref<64x64xf32, #tpu.memory_space<vmem>>, vector<64x64xf32>
    %dot_general3A_62 = arith.constant dense<0.000000e+00> : vector<1000x64xf32>
    %dot_general3A_63 = tpu.matmul %select_n3A_58, %get3A_61, %dot_general3A_62 {dimension_numbers = #tpu.dot_dimension_numbers<[1], [0], [0], [1], [0, 0, 1, 1], [], []>, transpose_lhs_hint = false} : vector<1000x64xf32>, vector<64x64xf32>, vector<1000x64xf32> -> vector<1000x64xf32>
    %get3A_64 = arith.constant 0 : index
    %get3A_65 = arith.constant 0 : index
    %get3A_66 = vector.load %arg11[%get3A_64, %get3A_65] : memref<1x64xf32, #tpu.memory_space<vmem>>, vector<1x64xf32>
    %get3A_67 = vector.shape_cast %get3A_66 : vector<1x64xf32> to vector<64xf32>
    %broadcast_in_dim3A = vector.shape_cast %get3A_67 : vector<64xf32> to vector<1x64xf32>
    %add3A_68 = vector.broadcast %broadcast_in_dim3A : vector<1x64xf32> to vector<1000x64xf32>
    %add3A_69 = arith.addf %dot_general3A_63, %add3A_68 : vector<1000x64xf32>
    %swap3A = arith.constant 0 : index
    %swap3A_70 = arith.constant 0 : index
    %swap3A_71 = vector.load %arg16[%swap3A, %swap3A_70] : memref<1000x64xf32, #tpu.memory_space<vmem>>, vector<1000x64xf32>
    tpu.vector_store %arg16[%swap3A, %swap3A_70], %add3A_69 {strides = array<i32>} : memref<1000x64xf32, #tpu.memory_space<vmem>>, vector<1000x64xf32>,
    %get3A_72 = arith.constant 0 : index
    %get3A_73 = arith.constant 0 : index
    %get3A_74 = vector.load %arg4[%get3A_72, %get3A_73] : memref<1000x128xf32, #tpu.memory_space<vmem>>, vector<1000x128xf32>
    %get3A_75 = arith.constant 0 : index
    %get3A_76 = arith.constant 0 : index
    %get3A_77 = vector.load %arg14[%get3A_75, %get3A_76] : memref<128x8xf32, #tpu.memory_space<vmem>>, vector<128x8xf32>
    %dot_general3A_78 = arith.constant dense<0.000000e+00> : vector<1000x8xf32>
    %dot_general3A_79 = tpu.matmul %get3A_74, %get3A_77, %dot_general3A_78 {dimension_numbers = #tpu.dot_dimension_numbers<[1], [0], [0], [1], [0, 0, 1, 1], [], []>, transpose_lhs_hint = false} : vector<1000x128xf32>, vector<128x8xf32>, vector<1000x8xf32> -> vector<1000x8xf32>
    %gt3A_80 = arith.constant 0.000000e+00 : f32
    %gt3A_81 = vector.broadcast %gt3A_80 : f32 to vector<1000x8xf32>
    %gt3A_82 = arith.cmpf ogt, %dot_general3A_79, %gt3A_81 : vector<1000x8xf32>
    %min3A_83 = arith.constant 0.000000e+00 : f32
    %min3A_84 = vector.broadcast %min3A_83 : f32 to vector<1000x8xf32>
    %min3A_85 = arith.minimumf %dot_general3A_79, %min3A_84 : vector<1000x8xf32>
    %exp3A_86 = math.exp %min3A_85 : vector<1000x8xf32>
    %sub3A_87 = arith.constant 1.000000e+00 : f32
    %sub3A_88 = vector.broadcast %sub3A_87 : f32 to vector<1000x8xf32>
    %sub3A_89 = arith.subf %exp3A_86, %sub3A_88 : vector<1000x8xf32>
    %select_n3A_90 = arith.select %gt3A_82, %dot_general3A_79, %sub3A_89 : vector<1000x8xi1>, vector<1000x8xf32>
    %get3A_91 = arith.constant 0 : index
    %get3A_92 = arith.constant 0 : index
    %get3A_93 = vector.load %arg15[%get3A_91, %get3A_92] : memref<8x64xf32, #tpu.memory_space<vmem>>, vector<8x64xf32>
    %dot_general3A_94 = arith.constant dense<0.000000e+00> : vector<1000x64xf32>
    %dot_general3A_95 = tpu.matmul %select_n3A_90, %get3A_93, %dot_general3A_94 {dimension_numbers = #tpu.dot_dimension_numbers<[1], [0], [0], [1], [0, 0, 1, 1], [], []>, transpose_lhs_hint = false} : vector<1000x8xf32>, vector<8x64xf32>, vector<1000x64xf32> -> vector<1000x64xf32>
    %swap3A_96 = arith.constant 0 : index
    %swap3A_97 = arith.constant 0 : index
    %swap3A_98 = vector.load %arg17[%swap3A_96, %swap3A_97] : memref<1000x64xf32, #tpu.memory_space<vmem>>, vector<1000x64xf32>
    tpu.vector_store %arg17[%swap3A_96, %swap3A_97], %dot_general3A_95 {strides = array<i32>} : memref<1000x64xf32, #tpu.memory_space<vmem>>, vector<1000x64xf32>,
    %get3A_99 = arith.constant 0 : index
    %get3A_100 = arith.constant 0 : index
    %get3A_101 = vector.load %arg13[%get3A_99, %get3A_100] : memref<1x128xf32, #tpu.memory_space<vmem>>, vector<1x128xf32>
    %get3A_102 = vector.shape_cast %get3A_101 : vector<1x128xf32> to vector<128xf32>
    %broadcast_in_dim3A_103 = vector.shape_cast %get3A_102 : vector<128xf32> to vector<1x128xf32>
    %mul3A = vector.broadcast %broadcast_in_dim3A_103 : vector<1x128xf32> to vector<1000x128xf32>
    %mul3A_104 = arith.mulf %get3A_74, %mul3A : vector<1000x128xf32>
    %reduce_sum3A = arith.constant dense<0.000000e+00> : vector<1000xf32>
    %reduce_sum3A_105 = vector.multi_reduction <add>, %mul3A_104, %reduce_sum3A [1] : vector<1000x128xf32> to vector<1000xf32>
    %ge3A = arith.constant 0.000000e+00 : f32
    %ge3A_106 = vector.broadcast %ge3A : f32 to vector<1000xf32>
    %ge3A_107 = arith.cmpf oge, %reduce_sum3A_105, %ge3A_106 : vector<1000xf32>
    %mul3A_108 = arith.constant 2.000000e-01 : f32
    %mul3A_109 = vector.broadcast %mul3A_108 : f32 to vector<1000xf32>
    %mul3A_110 = arith.mulf %mul3A_109, %reduce_sum3A_105 : vector<1000xf32>
    %select_n3A_111 = arith.select %ge3A_107, %reduce_sum3A_105, %mul3A_110 : vector<1000xi1>, vector<1000xf32>
    %exp3A_112 = math.exp %select_n3A_111 : vector<1000xf32>
    %iota3A = tpu.iota {dimensions = array<i32: 1>} : vector<1x128xi32>
    %eq3A = arith.constant 2 : i32
    %eq3A_113 = vector.broadcast %eq3A : i32 to vector<1x128xi32>
    %eq3A_114 = arith.cmpi eq, %iota3A, %eq3A_113 : vector<1x128xi32>
    %convert_element_type3A = arith.extui %eq3A_114 : vector<1x128xi1> to vector<1x128xi32>
    %convert_element_type3A_115 = arith.sitofp %convert_element_type3A : vector<1x128xi32> to vector<1x128xf32>
    %get3A_116 = arith.constant 0 : index
    %get3A_117 = arith.constant 0 : index
    %get3A_118 = vector.load %arg12[%get3A_116, %get3A_117] : memref<64x128xf32, #tpu.memory_space<vmem>>, vector<64x128xf32>
    %dot_general3A_119 = arith.constant dense<0.000000e+00> : vector<1000x128xf32>
    %dot_general3A_120 = tpu.matmul %add3A_69, %get3A_118, %dot_general3A_119 {dimension_numbers = #tpu.dot_dimension_numbers<[1], [0], [0], [1], [0, 0, 1, 1], [], []>, transpose_lhs_hint = false} : vector<1000x64xf32>, vector<64x128xf32>, vector<1000x128xf32> -> vector<1000x128xf32>
    %broadcast_in_dim3A_121 = vector.shape_cast %exp3A_112 : vector<1000xf32> to vector<1000x1xf32>
    %mul3A_122 = vector.broadcast %broadcast_in_dim3A_121 : vector<1000x1xf32> to vector<1000x128xf32>
    %mul3A_123 = vector.broadcast %convert_element_type3A_115 : vector<1x128xf32> to vector<1000x128xf32>
    %mul3A_124 = arith.mulf %mul3A_122, %mul3A_123 : vector<1000x128xf32>
    %add3A_125 = arith.addf %dot_general3A_120, %mul3A_124 : vector<1000x128xf32>
    %swap3A_126 = arith.constant 0 : index
    %swap3A_127 = arith.constant 0 : index
    %swap3A_128 = vector.load %arg18[%swap3A_126, %swap3A_127] : memref<1000x128xf32, #tpu.memory_space<vmem>>, vector<1000x128xf32>
    tpu.vector_store %arg18[%swap3A_126, %swap3A_127], %add3A_125 {strides = array<i32>} : memref<1000x128xf32, #tpu.memory_space<vmem>>, vector<1000x128xf32>,
    return
  }
  func.func @transform_0(%arg0: i32) -> (i32, i32) {
    %c0_i32 = arith.constant 0 : i32
    %c0_i32_0 = arith.constant 0 : i32
    return %arg0, %c0_i32 : i32, i32
  }
  func.func @transform_1(%arg0: i32) -> (i32, i32) {
    %c0_i32 = arith.constant 0 : i32
    %c0_i32_0 = arith.constant 0 : i32
    return %arg0, %c0_i32 : i32, i32
  }
  func.func @transform_2(%arg0: i32) -> (i32, i32, i32) {
    %c0_i32 = arith.constant 0 : i32
    %c0_i32_0 = arith.constant 0 : i32
    %c0_i32_1 = arith.constant 0 : i32
    return %c0_i32, %arg0, %c0_i32_0 : i32, i32, i32
  }
  func.func @transform_3(%arg0: i32) -> (i32, i32) {
    %c0_i32 = arith.constant 0 : i32
    %c0_i32_0 = arith.constant 0 : i32
    return %arg0, %c0_i32 : i32, i32
  }
  func.func @transform_4(%arg0: i32) -> (i32, i32) {
    %c0_i32 = arith.constant 0 : i32
    %c0_i32_0 = arith.constant 0 : i32
    %c0_i32_1 = arith.constant 0 : i32
    return %c0_i32, %c0_i32_0 : i32, i32
  }
  func.func @transform_5(%arg0: i32) -> (i32, i32) {
    %c0_i32 = arith.constant 0 : i32
    %c0_i32_0 = arith.constant 0 : i32
    %c0_i32_1 = arith.constant 0 : i32
    return %c0_i32, %c0_i32_0 : i32, i32
  }
  func.func @transform_6(%arg0: i32) -> (i32, i32) {
    %c0_i32 = arith.constant 0 : i32
    %c0_i32_0 = arith.constant 0 : i32
    %c0_i32_1 = arith.constant 0 : i32
    return %c0_i32, %c0_i32_0 : i32, i32
  }
  func.func @transform_7(%arg0: i32) -> (i32, i32) {
    %c0_i32 = arith.constant 0 : i32
    %c0_i32_0 = arith.constant 0 : i32
    %c0_i32_1 = arith.constant 0 : i32
    return %c0_i32, %c0_i32_0 : i32, i32
  }
  func.func @transform_8(%arg0: i32) -> (i32, i32) {
    %c0_i32 = arith.constant 0 : i32
    %c0_i32_0 = arith.constant 0 : i32
    %c0_i32_1 = arith.constant 0 : i32
    return %c0_i32, %c0_i32_0 : i32, i32
  }
  func.func @transform_9(%arg0: i32) -> (i32, i32) {
    %c0_i32 = arith.constant 0 : i32
    %c0_i32_0 = arith.constant 0 : i32
    %c0_i32_1 = arith.constant 0 : i32
    return %c0_i32, %c0_i32_0 : i32, i32
  }
  func.func @transform_10(%arg0: i32) -> (i32, i32) {
    %c0_i32 = arith.constant 0 : i32
    %c0_i32_0 = arith.constant 0 : i32
    %c0_i32_1 = arith.constant 0 : i32
    return %c0_i32, %c0_i32_0 : i32, i32
  }
  func.func @transform_11(%arg0: i32) -> (i32, i32) {
    %c0_i32 = arith.constant 0 : i32
    %c0_i32_0 = arith.constant 0 : i32
    %c0_i32_1 = arith.constant 0 : i32
    return %c0_i32, %c0_i32_0 : i32, i32
  }
  func.func @transform_12(%arg0: i32) -> (i32, i32) {
    %c0_i32 = arith.constant 0 : i32
    %c0_i32_0 = arith.constant 0 : i32
    %c0_i32_1 = arith.constant 0 : i32
    return %c0_i32, %c0_i32_0 : i32, i32
  }
  func.func @transform_13(%arg0: i32) -> (i32, i32) {
    %c0_i32 = arith.constant 0 : i32
    %c0_i32_0 = arith.constant 0 : i32
    %c0_i32_1 = arith.constant 0 : i32
    return %c0_i32, %c0_i32_0 : i32, i32
  }
  func.func @transform_14(%arg0: i32) -> (i32, i32) {
    %c0_i32 = arith.constant 0 : i32
    %c0_i32_0 = arith.constant 0 : i32
    %c0_i32_1 = arith.constant 0 : i32
    return %c0_i32, %c0_i32_0 : i32, i32
  }
  func.func @transform_15(%arg0: i32) -> (i32, i32) {
    %c0_i32 = arith.constant 0 : i32
    %c0_i32_0 = arith.constant 0 : i32
    return %arg0, %c0_i32 : i32, i32
  }
  func.func @transform_16(%arg0: i32) -> (i32, i32) {
    %c0_i32 = arith.constant 0 : i32
    %c0_i32_0 = arith.constant 0 : i32
    return %arg0, %c0_i32 : i32, i32
  }
  func.func @transform_17(%arg0: i32) -> (i32, i32) {
    %c0_i32 = arith.constant 0 : i32
    %c0_i32_0 = arith.constant 0 : i32
    return %arg0, %c0_i32 : i32, i32
  }
}

module attributes {stable_mosaic.version = 14 : i64} {
  func.func @_tc_graph_body(%arg0: i32, %arg1: memref<1x1x1000xf32, #tpu.memory_space<vmem>>, %arg2: memref<1000x64xf32, #tpu.memory_space<vmem>>, %arg3: memref<1000x64xf32, #tpu.memory_space<vmem>>, %arg4: memref<1x1x1000xi32, #tpu.memory_space<vmem>>, %arg5: memref<1x1x1000xi32, #tpu.memory_space<vmem>>, %arg6: memref<64x64xf32, #tpu.memory_space<vmem>>, %arg7: memref<64x64xf32, #tpu.memory_space<vmem>>, %arg8: memref<64x64xf32, #tpu.memory_space<vmem>>, %arg9: memref<64x64xf32, #tpu.memory_space<vmem>>, %arg10: memref<64x64xf32, #tpu.memory_space<vmem>>, %arg11: memref<64x64xf32, #tpu.memory_space<vmem>>, %arg12: memref<64x64xf32, #tpu.memory_space<vmem>>, %arg13: memref<64x64xf32, #tpu.memory_space<vmem>>, %arg14: memref<1x64xf32, #tpu.memory_space<vmem>>, %arg15: memref<64x64xf32, #tpu.memory_space<vmem>>, %arg16: memref<64x64xf32, #tpu.memory_space<vmem>>, %arg17: memref<64x64xf32, #tpu.memory_space<vmem>>, %arg18: memref<64x64xf32, #tpu.memory_space<vmem>>) attributes {dimension_semantics = [#tpu.dimension_semantics<arbitrary>], iteration_bounds = array<i64: 10>, scalar_prefetch = 0 : i64, scratch_operands = 2 : i64, tpu.core_type = #tpu.core_type<tc>, window_params = [{transform_indices = @transform_0, window_bounds = array<i64: 1, 1, 1000>}, {transform_indices = @transform_1, window_bounds = array<i64: 1000, 64>}, {transform_indices = @transform_2, window_bounds = array<i64: 1000, 64>}, {transform_indices = @transform_3, window_bounds = array<i64: 1, 1, 1000>}, {transform_indices = @transform_4, window_bounds = array<i64: 1, 1, 1000>}, {pipeline_mode = #tpu.pipeline_mode<synchronous>, transform_indices = @transform_5, window_bounds = array<i64: 64, 64>}, {pipeline_mode = #tpu.pipeline_mode<synchronous>, transform_indices = @transform_6, window_bounds = array<i64: 64, 64>}, {pipeline_mode = #tpu.pipeline_mode<synchronous>, transform_indices = @transform_7, window_bounds = array<i64: 64, 64>}, {pipeline_mode = #tpu.pipeline_mode<synchronous>, transform_indices = @transform_8, window_bounds = array<i64: 64, 64>}, {pipeline_mode = #tpu.pipeline_mode<synchronous>, transform_indices = @transform_9, window_bounds = array<i64: 64, 64>}, {pipeline_mode = #tpu.pipeline_mode<synchronous>, transform_indices = @transform_10, window_bounds = array<i64: 64, 64>}, {pipeline_mode = #tpu.pipeline_mode<synchronous>, transform_indices = @transform_11, window_bounds = array<i64: 64, 64>}, {pipeline_mode = #tpu.pipeline_mode<synchronous>, transform_indices = @transform_12, window_bounds = array<i64: 64, 64>}, {pipeline_mode = #tpu.pipeline_mode<synchronous>, transform_indices = @transform_13, window_bounds = array<i64: 1, 64>}, {pipeline_mode = #tpu.pipeline_mode<synchronous>, transform_indices = @transform_14, window_bounds = array<i64: 64, 64>}, {pipeline_mode = #tpu.pipeline_mode<synchronous>, transform_indices = @transform_15, window_bounds = array<i64: 64, 64>}]} {
    %eq3A = arith.constant 0 : i32
    %eq3A_0 = arith.cmpi eq, %arg0, %eq3A : i32
    %convert_element_type3A = arith.extui %eq3A_0 : i1 to i32
    %cond3A = arith.constant 0 : i32
    %cond3A_1 = arith.cmpi ne, %convert_element_type3A, %cond3A : i32
    scf.if %cond3A_1 {
      %broadcast_in_dim3A_57 = arith.constant 0.000000e+00 : f32
      %broadcast_in_dim3A_58 = vector.broadcast %broadcast_in_dim3A_57 : f32 to vector<64x64xf32>
      %swap3A_59 = arith.constant 0 : index
      %swap3A_60 = arith.constant 0 : index
      %swap3A_61 = vector.load %arg17[%swap3A_59, %swap3A_60] : memref<64x64xf32, #tpu.memory_space<vmem>>, vector<64x64xf32>
      tpu.vector_store %arg17[%swap3A_59, %swap3A_60], %broadcast_in_dim3A_58 {strides = array<i32>} : memref<64x64xf32, #tpu.memory_space<vmem>>, vector<64x64xf32>,
      %broadcast_in_dim3A_62 = arith.constant 0.000000e+00 : f32
      %broadcast_in_dim3A_63 = vector.broadcast %broadcast_in_dim3A_62 : f32 to vector<64x64xf32>
      %swap3A_64 = arith.constant 0 : index
      %swap3A_65 = arith.constant 0 : index
      %swap3A_66 = vector.load %arg18[%swap3A_64, %swap3A_65] : memref<64x64xf32, #tpu.memory_space<vmem>>, vector<64x64xf32>
      tpu.vector_store %arg18[%swap3A_64, %swap3A_65], %broadcast_in_dim3A_63 {strides = array<i32>} : memref<64x64xf32, #tpu.memory_space<vmem>>, vector<64x64xf32>,
    } else {
    }
    %get3A = arith.constant 0 : index
    %get3A_2 = arith.constant 0 : index
    %get3A_3 = arith.constant 0 : index
    %get3A_4 = vector.load %arg1[%get3A, %get3A_2, %get3A_3] : memref<1x1x1000xf32, #tpu.memory_space<vmem>>, vector<1x1x1000xf32>
    %get3A_5 = vector.shape_cast %get3A_4 : vector<1x1x1000xf32> to vector<1000xf32>
    %broadcast_in_dim3A = vector.shape_cast %get3A_5 : vector<1000xf32> to vector<1000x1xf32>
    %get3A_6 = arith.constant 0 : index
    %get3A_7 = arith.constant 0 : index
    %get3A_8 = vector.load %arg2[%get3A_6, %get3A_7] : memref<1000x64xf32, #tpu.memory_space<vmem>>, vector<1000x64xf32>
    %mul3A = vector.broadcast %broadcast_in_dim3A : vector<1000x1xf32> to vector<1000x64xf32>
    %mul3A_9 = arith.mulf %mul3A, %get3A_8 : vector<1000x64xf32>
    %get3A_10 = arith.constant 0 : index
    %get3A_11 = arith.constant 0 : index
    %get3A_12 = vector.load %arg3[%get3A_10, %get3A_11] : memref<1000x64xf32, #tpu.memory_space<vmem>>, vector<1000x64xf32>
    %mul3A_13 = arith.mulf %mul3A_9, %get3A_12 : vector<1000x64xf32>
    %get3A_14 = arith.constant 0 : index
    %get3A_15 = arith.constant 0 : index
    %get3A_16 = arith.constant 0 : index
    %get3A_17 = vector.load %arg4[%get3A_14, %get3A_15, %get3A_16] : memref<1x1x1000xi32, #tpu.memory_space<vmem>>, vector<1x1x1000xi32>
    %get3A_18 = vector.shape_cast %get3A_17 : vector<1x1x1000xi32> to vector<1000xi32>
    %broadcast_in_dim3A_19 = vector.shape_cast %get3A_18 : vector<1000xi32> to vector<1000x1xi32>
    %iota3A = tpu.iota {dimensions = array<i32: 1>} : vector<1000x64xi32>
    %eq3A_20 = vector.broadcast %broadcast_in_dim3A_19 : vector<1000x1xi32> to vector<1000x64xi32>
    %eq3A_21 = arith.cmpi eq, %eq3A_20, %iota3A : vector<1000x64xi32>
    %convert_element_type3A_22 = arith.extui %eq3A_21 : vector<1000x64xi1> to vector<1000x64xi32>
    %convert_element_type3A_23 = arith.sitofp %convert_element_type3A_22 : vector<1000x64xi32> to vector<1000x64xf32>
    %get3A_24 = arith.constant 0 : index
    %get3A_25 = arith.constant 0 : index
    %get3A_26 = vector.load %arg17[%get3A_24, %get3A_25] : memref<64x64xf32, #tpu.memory_space<vmem>>, vector<64x64xf32>
    %dot_general3A = arith.constant dense<0.000000e+00> : vector<64x64xf32>
    %dot_general3A_27 = tpu.matmul %convert_element_type3A_23, %mul3A_13, %dot_general3A {dimension_numbers = #tpu.dot_dimension_numbers<[0], [0], [1], [1], [0, 1, 1, 1], [], []>, transpose_lhs_hint = false} : vector<1000x64xf32>, vector<1000x64xf32>, vector<64x64xf32> -> vector<64x64xf32>
    %add3A = arith.addf %get3A_26, %dot_general3A_27 : vector<64x64xf32>
    %swap3A = arith.constant 0 : index
    %swap3A_28 = arith.constant 0 : index
    %swap3A_29 = vector.load %arg17[%swap3A, %swap3A_28] : memref<64x64xf32, #tpu.memory_space<vmem>>, vector<64x64xf32>
    tpu.vector_store %arg17[%swap3A, %swap3A_28], %add3A {strides = array<i32>} : memref<64x64xf32, #tpu.memory_space<vmem>>, vector<64x64xf32>,
    %get3A_30 = arith.constant 0 : index
    %get3A_31 = arith.constant 0 : index
    %get3A_32 = arith.constant 0 : index
    %get3A_33 = vector.load %arg5[%get3A_30, %get3A_31, %get3A_32] : memref<1x1x1000xi32, #tpu.memory_space<vmem>>, vector<1x1x1000xi32>
    %get3A_34 = vector.shape_cast %get3A_33 : vector<1x1x1000xi32> to vector<1000xi32>
    %ne3A = arith.cmpi ne, %get3A_18, %get3A_34 : vector<1000xi32>
    %convert_element_type3A_35 = arith.extui %ne3A : vector<1000xi1> to vector<1000xi32>
    %convert_element_type3A_36 = arith.sitofp %convert_element_type3A_35 : vector<1000xi32> to vector<1000xf32>
    %broadcast_in_dim3A_37 = vector.shape_cast %convert_element_type3A_36 : vector<1000xf32> to vector<1000x1xf32>
    %mul3A_38 = vector.broadcast %broadcast_in_dim3A_37 : vector<1000x1xf32> to vector<1000x64xf32>
    %mul3A_39 = arith.mulf %convert_element_type3A_23, %mul3A_38 : vector<1000x64xf32>
    %get3A_40 = arith.constant 0 : index
    %get3A_41 = arith.constant 0 : index
    %get3A_42 = vector.load %arg18[%get3A_40, %get3A_41] : memref<64x64xf32, #tpu.memory_space<vmem>>, vector<64x64xf32>
    %get3A_43 = arith.constant 0 : index
    %get3A_44 = arith.constant 0 : index
    %get3A_45 = vector.load %arg3[%get3A_43, %get3A_44] : memref<1000x64xf32, #tpu.memory_space<vmem>>, vector<1000x64xf32>
    %dot_general3A_46 = arith.constant dense<0.000000e+00> : vector<64x64xf32>
    %dot_general3A_47 = tpu.matmul %mul3A_39, %get3A_45, %dot_general3A_46 {dimension_numbers = #tpu.dot_dimension_numbers<[0], [0], [1], [1], [0, 1, 1, 1], [], []>, transpose_lhs_hint = false} : vector<1000x64xf32>, vector<1000x64xf32>, vector<64x64xf32> -> vector<64x64xf32>
    %add3A_48 = arith.addf %get3A_42, %dot_general3A_47 : vector<64x64xf32>
    %swap3A_49 = arith.constant 0 : index
    %swap3A_50 = arith.constant 0 : index
    %swap3A_51 = vector.load %arg18[%swap3A_49, %swap3A_50] : memref<64x64xf32, #tpu.memory_space<vmem>>, vector<64x64xf32>
    tpu.vector_store %arg18[%swap3A_49, %swap3A_50], %add3A_48 {strides = array<i32>} : memref<64x64xf32, #tpu.memory_space<vmem>>, vector<64x64xf32>,
    %eq3A_52 = arith.constant 9 : i32
    %eq3A_53 = arith.cmpi eq, %arg0, %eq3A_52 : i32
    %convert_element_type3A_54 = arith.extui %eq3A_53 : i1 to i32
    %cond3A_55 = arith.constant 0 : i32
    %cond3A_56 = arith.cmpi ne, %convert_element_type3A_54, %cond3A_55 : i32
    scf.if %cond3A_56 {
      %get3A_57 = arith.constant 0 : index
      %get3A_58 = arith.constant 0 : index
      %get3A_59 = vector.load %arg6[%get3A_57, %get3A_58] : memref<64x64xf32, #tpu.memory_space<vmem>>, vector<64x64xf32>
      %get3A_60 = arith.constant 0 : index
      %get3A_61 = arith.constant 0 : index
      %get3A_62 = vector.load %arg17[%get3A_60, %get3A_61] : memref<64x64xf32, #tpu.memory_space<vmem>>, vector<64x64xf32>
      %get3A_63 = arith.constant 0 : index
      %get3A_64 = arith.constant 0 : index
      %get3A_65 = vector.load %arg7[%get3A_63, %get3A_64] : memref<64x64xf32, #tpu.memory_space<vmem>>, vector<64x64xf32>
      %dot_general3A_66 = arith.constant dense<0.000000e+00> : vector<64x64xf32>
      %dot_general3A_67 = tpu.matmul %get3A_59, %get3A_65, %dot_general3A_66 {dimension_numbers = #tpu.dot_dimension_numbers<[1], [0], [0], [1], [0, 0, 1, 1], [], []>, transpose_lhs_hint = false} : vector<64x64xf32>, vector<64x64xf32>, vector<64x64xf32> -> vector<64x64xf32>
      %get3A_68 = arith.constant 0 : index
      %get3A_69 = arith.constant 0 : index
      %get3A_70 = vector.load %arg8[%get3A_68, %get3A_69] : memref<64x64xf32, #tpu.memory_space<vmem>>, vector<64x64xf32>
      %dot_general3A_71 = arith.constant dense<0.000000e+00> : vector<64x64xf32>
      %dot_general3A_72 = tpu.matmul %get3A_62, %get3A_70, %dot_general3A_71 {dimension_numbers = #tpu.dot_dimension_numbers<[1], [0], [0], [1], [0, 0, 1, 1], [], []>, transpose_lhs_hint = false} : vector<64x64xf32>, vector<64x64xf32>, vector<64x64xf32> -> vector<64x64xf32>
      %add3A_73 = arith.addf %dot_general3A_67, %dot_general3A_72 : vector<64x64xf32>
      %gt3A = arith.constant 0.000000e+00 : f32
      %gt3A_74 = vector.broadcast %gt3A : f32 to vector<64x64xf32>
      %gt3A_75 = arith.cmpf ogt, %add3A_73, %gt3A_74 : vector<64x64xf32>
      %min3A = arith.constant 0.000000e+00 : f32
      %min3A_76 = vector.broadcast %min3A : f32 to vector<64x64xf32>
      %min3A_77 = arith.minimumf %add3A_73, %min3A_76 : vector<64x64xf32>
      %exp3A = math.exp %min3A_77 : vector<64x64xf32>
      %sub3A = arith.constant 1.000000e+00 : f32
      %sub3A_78 = vector.broadcast %sub3A : f32 to vector<64x64xf32>
      %sub3A_79 = arith.subf %exp3A, %sub3A_78 : vector<64x64xf32>
      %select_n3A = arith.select %gt3A_75, %add3A_73, %sub3A_79 : vector<64x64xi1>, vector<64x64xf32>
      %get3A_80 = arith.constant 0 : index
      %get3A_81 = arith.constant 0 : index
      %get3A_82 = vector.load %arg9[%get3A_80, %get3A_81] : memref<64x64xf32, #tpu.memory_space<vmem>>, vector<64x64xf32>
      %dot_general3A_83 = arith.constant dense<0.000000e+00> : vector<64x64xf32>
      %dot_general3A_84 = tpu.matmul %select_n3A, %get3A_82, %dot_general3A_83 {dimension_numbers = #tpu.dot_dimension_numbers<[1], [0], [0], [1], [0, 0, 1, 1], [], []>, transpose_lhs_hint = false} : vector<64x64xf32>, vector<64x64xf32>, vector<64x64xf32> -> vector<64x64xf32>
      %gt3A_85 = arith.constant 0.000000e+00 : f32
      %gt3A_86 = vector.broadcast %gt3A_85 : f32 to vector<64x64xf32>
      %gt3A_87 = arith.cmpf ogt, %dot_general3A_84, %gt3A_86 : vector<64x64xf32>
      %min3A_88 = arith.constant 0.000000e+00 : f32
      %min3A_89 = vector.broadcast %min3A_88 : f32 to vector<64x64xf32>
      %min3A_90 = arith.minimumf %dot_general3A_84, %min3A_89 : vector<64x64xf32>
      %exp3A_91 = math.exp %min3A_90 : vector<64x64xf32>
      %sub3A_92 = arith.constant 1.000000e+00 : f32
      %sub3A_93 = vector.broadcast %sub3A_92 : f32 to vector<64x64xf32>
      %sub3A_94 = arith.subf %exp3A_91, %sub3A_93 : vector<64x64xf32>
      %select_n3A_95 = arith.select %gt3A_87, %dot_general3A_84, %sub3A_94 : vector<64x64xi1>, vector<64x64xf32>
      %get3A_96 = arith.constant 0 : index
      %get3A_97 = arith.constant 0 : index
      %get3A_98 = vector.load %arg10[%get3A_96, %get3A_97] : memref<64x64xf32, #tpu.memory_space<vmem>>, vector<64x64xf32>
      %dot_general3A_99 = arith.constant dense<0.000000e+00> : vector<64x64xf32>
      %dot_general3A_100 = tpu.matmul %select_n3A_95, %get3A_98, %dot_general3A_99 {dimension_numbers = #tpu.dot_dimension_numbers<[1], [0], [0], [1], [0, 0, 1, 1], [], []>, transpose_lhs_hint = false} : vector<64x64xf32>, vector<64x64xf32>, vector<64x64xf32> -> vector<64x64xf32>
      %get3A_101 = arith.constant 0 : index
      %get3A_102 = arith.constant 0 : index
      %get3A_103 = vector.load %arg11[%get3A_101, %get3A_102] : memref<64x64xf32, #tpu.memory_space<vmem>>, vector<64x64xf32>
      %dot_general3A_104 = arith.constant dense<0.000000e+00> : vector<64x64xf32>
      %dot_general3A_105 = tpu.matmul %get3A_59, %get3A_103, %dot_general3A_104 {dimension_numbers = #tpu.dot_dimension_numbers<[1], [0], [0], [1], [0, 0, 1, 1], [], []>, transpose_lhs_hint = false} : vector<64x64xf32>, vector<64x64xf32>, vector<64x64xf32> -> vector<64x64xf32>
      %get3A_106 = arith.constant 0 : index
      %get3A_107 = arith.constant 0 : index
      %get3A_108 = vector.load %arg12[%get3A_106, %get3A_107] : memref<64x64xf32, #tpu.memory_space<vmem>>, vector<64x64xf32>
      %dot_general3A_109 = arith.constant dense<0.000000e+00> : vector<64x64xf32>
      %dot_general3A_110 = tpu.matmul %dot_general3A_100, %get3A_108, %dot_general3A_109 {dimension_numbers = #tpu.dot_dimension_numbers<[1], [0], [0], [1], [0, 0, 1, 1], [], []>, transpose_lhs_hint = false} : vector<64x64xf32>, vector<64x64xf32>, vector<64x64xf32> -> vector<64x64xf32>
      %add3A_111 = arith.addf %dot_general3A_105, %dot_general3A_110 : vector<64x64xf32>
      %gt3A_112 = arith.constant 0.000000e+00 : f32
      %gt3A_113 = vector.broadcast %gt3A_112 : f32 to vector<64x64xf32>
      %gt3A_114 = arith.cmpf ogt, %add3A_111, %gt3A_113 : vector<64x64xf32>
      %min3A_115 = arith.constant 0.000000e+00 : f32
      %min3A_116 = vector.broadcast %min3A_115 : f32 to vector<64x64xf32>
      %min3A_117 = arith.minimumf %add3A_111, %min3A_116 : vector<64x64xf32>
      %exp3A_118 = math.exp %min3A_117 : vector<64x64xf32>
      %sub3A_119 = arith.constant 1.000000e+00 : f32
      %sub3A_120 = vector.broadcast %sub3A_119 : f32 to vector<64x64xf32>
      %sub3A_121 = arith.subf %exp3A_118, %sub3A_120 : vector<64x64xf32>
      %select_n3A_122 = arith.select %gt3A_114, %add3A_111, %sub3A_121 : vector<64x64xi1>, vector<64x64xf32>
      %get3A_123 = arith.constant 0 : index
      %get3A_124 = arith.constant 0 : index
      %get3A_125 = vector.load %arg13[%get3A_123, %get3A_124] : memref<64x64xf32, #tpu.memory_space<vmem>>, vector<64x64xf32>
      %dot_general3A_126 = arith.constant dense<0.000000e+00> : vector<64x64xf32>
      %dot_general3A_127 = tpu.matmul %select_n3A_122, %get3A_125, %dot_general3A_126 {dimension_numbers = #tpu.dot_dimension_numbers<[1], [0], [0], [1], [0, 0, 1, 1], [], []>, transpose_lhs_hint = false} : vector<64x64xf32>, vector<64x64xf32>, vector<64x64xf32> -> vector<64x64xf32>
      %get3A_128 = arith.constant 0 : index
      %get3A_129 = arith.constant 0 : index
      %get3A_130 = vector.load %arg14[%get3A_128, %get3A_129] : memref<1x64xf32, #tpu.memory_space<vmem>>, vector<1x64xf32>
      %get3A_131 = vector.shape_cast %get3A_130 : vector<1x64xf32> to vector<64xf32>
      %broadcast_in_dim3A_132 = vector.shape_cast %get3A_131 : vector<64xf32> to vector<1x64xf32>
      %add3A_133 = vector.broadcast %broadcast_in_dim3A_132 : vector<1x64xf32> to vector<64x64xf32>
      %add3A_134 = arith.addf %dot_general3A_127, %add3A_133 : vector<64x64xf32>
      %swap3A_135 = arith.constant 0 : index
      %swap3A_136 = arith.constant 0 : index
      %swap3A_137 = vector.load %arg15[%swap3A_135, %swap3A_136] : memref<64x64xf32, #tpu.memory_space<vmem>>, vector<64x64xf32>
      tpu.vector_store %arg15[%swap3A_135, %swap3A_136], %add3A_134 {strides = array<i32>} : memref<64x64xf32, #tpu.memory_space<vmem>>, vector<64x64xf32>,
      %get3A_138 = arith.constant 0 : index
      %get3A_139 = arith.constant 0 : index
      %get3A_140 = vector.load %arg18[%get3A_138, %get3A_139] : memref<64x64xf32, #tpu.memory_space<vmem>>, vector<64x64xf32>
      %swap3A_141 = arith.constant 0 : index
      %swap3A_142 = arith.constant 0 : index
      %swap3A_143 = vector.load %arg16[%swap3A_141, %swap3A_142] : memref<64x64xf32, #tpu.memory_space<vmem>>, vector<64x64xf32>
      tpu.vector_store %arg16[%swap3A_141, %swap3A_142], %get3A_140 {strides = array<i32>} : memref<64x64xf32, #tpu.memory_space<vmem>>, vector<64x64xf32>,
    } else {
    }
    return
  }
  func.func @transform_0(%arg0: i32) -> (i32, i32, i32) {
    %c0_i32 = arith.constant 0 : i32
    %c0_i32_0 = arith.constant 0 : i32
    %c0_i32_1 = arith.constant 0 : i32
    return %arg0, %c0_i32, %c0_i32_0 : i32, i32, i32
  }
  func.func @transform_1(%arg0: i32) -> (i32, i32) {
    %c0_i32 = arith.constant 0 : i32
    %c0_i32_0 = arith.constant 0 : i32
    return %arg0, %c0_i32 : i32, i32
  }
  func.func @transform_2(%arg0: i32) -> (i32, i32) {
    %c0_i32 = arith.constant 0 : i32
    %c0_i32_0 = arith.constant 0 : i32
    return %arg0, %c0_i32 : i32, i32
  }
  func.func @transform_3(%arg0: i32) -> (i32, i32, i32) {
    %c0_i32 = arith.constant 0 : i32
    %c0_i32_0 = arith.constant 0 : i32
    %c0_i32_1 = arith.constant 0 : i32
    return %arg0, %c0_i32, %c0_i32_0 : i32, i32, i32
  }
  func.func @transform_4(%arg0: i32) -> (i32, i32, i32) {
    %c0_i32 = arith.constant 0 : i32
    %c0_i32_0 = arith.constant 0 : i32
    %c0_i32_1 = arith.constant 0 : i32
    return %arg0, %c0_i32, %c0_i32_0 : i32, i32, i32
  }
  func.func @transform_5(%arg0: i32) -> (i32, i32) {
    %c0_i32 = arith.constant 0 : i32
    %c0_i32_0 = arith.constant 0 : i32
    %c0_i32_1 = arith.constant 0 : i32
    return %c0_i32, %c0_i32_0 : i32, i32
  }
  func.func @transform_6(%arg0: i32) -> (i32, i32) {
    %c0_i32 = arith.constant 0 : i32
    %c0_i32_0 = arith.constant 0 : i32
    %c0_i32_1 = arith.constant 0 : i32
    return %c0_i32, %c0_i32_0 : i32, i32
  }
  func.func @transform_7(%arg0: i32) -> (i32, i32) {
    %c0_i32 = arith.constant 0 : i32
    %c0_i32_0 = arith.constant 0 : i32
    %c0_i32_1 = arith.constant 0 : i32
    return %c0_i32, %c0_i32_0 : i32, i32
  }
  func.func @transform_8(%arg0: i32) -> (i32, i32) {
    %c0_i32 = arith.constant 0 : i32
    %c0_i32_0 = arith.constant 0 : i32
    %c0_i32_1 = arith.constant 0 : i32
    return %c0_i32, %c0_i32_0 : i32, i32
  }
  func.func @transform_9(%arg0: i32) -> (i32, i32) {
    %c0_i32 = arith.constant 0 : i32
    %c0_i32_0 = arith.constant 0 : i32
    %c0_i32_1 = arith.constant 0 : i32
    return %c0_i32, %c0_i32_0 : i32, i32
  }
  func.func @transform_10(%arg0: i32) -> (i32, i32) {
    %c0_i32 = arith.constant 0 : i32
    %c0_i32_0 = arith.constant 0 : i32
    %c0_i32_1 = arith.constant 0 : i32
    return %c0_i32, %c0_i32_0 : i32, i32
  }
  func.func @transform_11(%arg0: i32) -> (i32, i32) {
    %c0_i32 = arith.constant 0 : i32
    %c0_i32_0 = arith.constant 0 : i32
    %c0_i32_1 = arith.constant 0 : i32
    return %c0_i32, %c0_i32_0 : i32, i32
  }
  func.func @transform_12(%arg0: i32) -> (i32, i32) {
    %c0_i32 = arith.constant 0 : i32
    %c0_i32_0 = arith.constant 0 : i32
    %c0_i32_1 = arith.constant 0 : i32
    return %c0_i32, %c0_i32_0 : i32, i32
  }
  func.func @transform_13(%arg0: i32) -> (i32, i32) {
    %c0_i32 = arith.constant 0 : i32
    %c0_i32_0 = arith.constant 0 : i32
    %c0_i32_1 = arith.constant 0 : i32
    return %c0_i32, %c0_i32_0 : i32, i32
  }
  func.func @transform_14(%arg0: i32) -> (i32, i32) {
    %c0_i32 = arith.constant 0 : i32
    %c0_i32_0 = arith.constant 0 : i32
    %c0_i32_1 = arith.constant 0 : i32
    return %c0_i32, %c0_i32_0 : i32, i32
  }
  func.func @transform_15(%arg0: i32) -> (i32, i32) {
    %c0_i32 = arith.constant 0 : i32
    %c0_i32_0 = arith.constant 0 : i32
    %c0_i32_1 = arith.constant 0 : i32
    return %c0_i32, %c0_i32_0 : i32, i32
  }
}

module attributes {stable_mosaic.version = 14 : i64} {
  func.func @_tc_pre_body(%arg0: i32, %arg1: memref<1000x64xf32, #tpu.memory_space<vmem>>, %arg2: memref<1x1x1000xi32, #tpu.memory_space<vmem>>, %arg3: memref<64x64xf32, #tpu.memory_space<vmem>>, %arg4: memref<64x64xf32, #tpu.memory_space<vmem>>, %arg5: memref<64x64xf32, #tpu.memory_space<vmem>>, %arg6: memref<64x64xf32, #tpu.memory_space<vmem>>, %arg7: memref<64x64xf32, #tpu.memory_space<vmem>>, %arg8: memref<1000x64xf32, #tpu.memory_space<vmem>>, %arg9: memref<1000x64xf32, #tpu.memory_space<vmem>>, %arg10: memref<1000x64xf32, #tpu.memory_space<vmem>>) attributes {dimension_semantics = [#tpu.dimension_semantics<arbitrary>], iteration_bounds = array<i64: 10>, scalar_prefetch = 0 : i64, scratch_operands = 0 : i64, tpu.core_type = #tpu.core_type<tc>, window_params = [{transform_indices = @transform_0, window_bounds = array<i64: 1000, 64>}, {transform_indices = @transform_1, window_bounds = array<i64: 1, 1, 1000>}, {pipeline_mode = #tpu.pipeline_mode<synchronous>, transform_indices = @transform_2, window_bounds = array<i64: 64, 64>}, {pipeline_mode = #tpu.pipeline_mode<synchronous>, transform_indices = @transform_3, window_bounds = array<i64: 64, 64>}, {pipeline_mode = #tpu.pipeline_mode<synchronous>, transform_indices = @transform_4, window_bounds = array<i64: 64, 64>}, {pipeline_mode = #tpu.pipeline_mode<synchronous>, transform_indices = @transform_5, window_bounds = array<i64: 64, 64>}, {pipeline_mode = #tpu.pipeline_mode<synchronous>, transform_indices = @transform_6, window_bounds = array<i64: 64, 64>}, {transform_indices = @transform_7, window_bounds = array<i64: 1000, 64>}, {transform_indices = @transform_8, window_bounds = array<i64: 1000, 64>}, {transform_indices = @transform_9, window_bounds = array<i64: 1000, 64>}]} {
    %get3A = arith.constant 0 : index
    %get3A_0 = arith.constant 0 : index
    %get3A_1 = vector.load %arg1[%get3A, %get3A_0] : memref<1000x64xf32, #tpu.memory_space<vmem>>, vector<1000x64xf32>
    %get3A_2 = arith.constant 0 : index
    %get3A_3 = arith.constant 0 : index
    %get3A_4 = vector.load %arg4[%get3A_2, %get3A_3] : memref<64x64xf32, #tpu.memory_space<vmem>>, vector<64x64xf32>
    %dot_general3A = arith.constant dense<0.000000e+00> : vector<1000x64xf32>
    %dot_general3A_5 = tpu.matmul %get3A_1, %get3A_4, %dot_general3A {dimension_numbers = #tpu.dot_dimension_numbers<[1], [0], [0], [1], [0, 0, 1, 1], [], []>, transpose_lhs_hint = false} : vector<1000x64xf32>, vector<64x64xf32>, vector<1000x64xf32> -> vector<1000x64xf32>
    %swap3A = arith.constant 0 : index
    %swap3A_6 = arith.constant 0 : index
    %swap3A_7 = vector.load %arg8[%swap3A, %swap3A_6] : memref<1000x64xf32, #tpu.memory_space<vmem>>, vector<1000x64xf32>
    tpu.vector_store %arg8[%swap3A, %swap3A_6], %dot_general3A_5 {strides = array<i32>} : memref<1000x64xf32, #tpu.memory_space<vmem>>, vector<1000x64xf32>,
    %get3A_8 = arith.constant 0 : index
    %get3A_9 = arith.constant 0 : index
    %get3A_10 = arith.constant 0 : index
    %get3A_11 = vector.load %arg2[%get3A_8, %get3A_9, %get3A_10] : memref<1x1x1000xi32, #tpu.memory_space<vmem>>, vector<1x1x1000xi32>
    %get3A_12 = vector.shape_cast %get3A_11 : vector<1x1x1000xi32> to vector<1000xi32>
    %broadcast_in_dim3A = vector.shape_cast %get3A_12 : vector<1000xi32> to vector<1000x1xi32>
    %iota3A = tpu.iota {dimensions = array<i32: 1>} : vector<1000x64xi32>
    %eq3A = vector.broadcast %broadcast_in_dim3A : vector<1000x1xi32> to vector<1000x64xi32>
    %eq3A_13 = arith.cmpi eq, %eq3A, %iota3A : vector<1000x64xi32>
    %convert_element_type3A = arith.extui %eq3A_13 : vector<1000x64xi1> to vector<1000x64xi32>
    %convert_element_type3A_14 = arith.sitofp %convert_element_type3A : vector<1000x64xi32> to vector<1000x64xf32>
    %get3A_15 = arith.constant 0 : index
    %get3A_16 = arith.constant 0 : index
    %get3A_17 = vector.load %arg3[%get3A_15, %get3A_16] : memref<64x64xf32, #tpu.memory_space<vmem>>, vector<64x64xf32>
    %get3A_18 = arith.constant 0 : index
    %get3A_19 = arith.constant 0 : index
    %get3A_20 = vector.load %arg6[%get3A_18, %get3A_19] : memref<64x64xf32, #tpu.memory_space<vmem>>, vector<64x64xf32>
    %dot_general3A_21 = arith.constant dense<0.000000e+00> : vector<64x64xf32>
    %dot_general3A_22 = tpu.matmul %get3A_17, %get3A_20, %dot_general3A_21 {dimension_numbers = #tpu.dot_dimension_numbers<[1], [0], [0], [1], [0, 0, 1, 1], [], []>, transpose_lhs_hint = false} : vector<64x64xf32>, vector<64x64xf32>, vector<64x64xf32> -> vector<64x64xf32>
    %get3A_23 = arith.constant 0 : index
    %get3A_24 = arith.constant 0 : index
    %get3A_25 = vector.load %arg5[%get3A_23, %get3A_24] : memref<64x64xf32, #tpu.memory_space<vmem>>, vector<64x64xf32>
    %dot_general3A_26 = arith.constant dense<0.000000e+00> : vector<1000x64xf32>
    %dot_general3A_27 = tpu.matmul %get3A_1, %get3A_25, %dot_general3A_26 {dimension_numbers = #tpu.dot_dimension_numbers<[1], [0], [0], [1], [0, 0, 1, 1], [], []>, transpose_lhs_hint = false} : vector<1000x64xf32>, vector<64x64xf32>, vector<1000x64xf32> -> vector<1000x64xf32>
    %dot_general3A_28 = arith.constant dense<0.000000e+00> : vector<1000x64xf32>
    %dot_general3A_29 = tpu.matmul %convert_element_type3A_14, %dot_general3A_22, %dot_general3A_28 {dimension_numbers = #tpu.dot_dimension_numbers<[1], [0], [0], [1], [0, 0, 1, 1], [], []>, transpose_lhs_hint = false} : vector<1000x64xf32>, vector<64x64xf32>, vector<1000x64xf32> -> vector<1000x64xf32>
    %add3A = arith.addf %dot_general3A_27, %dot_general3A_29 : vector<1000x64xf32>
    %swap3A_30 = arith.constant 0 : index
    %swap3A_31 = arith.constant 0 : index
    %swap3A_32 = vector.load %arg9[%swap3A_30, %swap3A_31] : memref<1000x64xf32, #tpu.memory_space<vmem>>, vector<1000x64xf32>
    tpu.vector_store %arg9[%swap3A_30, %swap3A_31], %add3A {strides = array<i32>} : memref<1000x64xf32, #tpu.memory_space<vmem>>, vector<1000x64xf32>,
    %get3A_33 = arith.constant 0 : index
    %get3A_34 = arith.constant 0 : index
    %get3A_35 = vector.load %arg3[%get3A_33, %get3A_34] : memref<64x64xf32, #tpu.memory_space<vmem>>, vector<64x64xf32>
    %get3A_36 = arith.constant 0 : index
    %get3A_37 = arith.constant 0 : index
    %get3A_38 = vector.load %arg7[%get3A_36, %get3A_37] : memref<64x64xf32, #tpu.memory_space<vmem>>, vector<64x64xf32>
    %dot_general3A_39 = arith.constant dense<0.000000e+00> : vector<64x64xf32>
    %dot_general3A_40 = tpu.matmul %get3A_35, %get3A_38, %dot_general3A_39 {dimension_numbers = #tpu.dot_dimension_numbers<[1], [0], [0], [1], [0, 0, 1, 1], [], []>, transpose_lhs_hint = false} : vector<64x64xf32>, vector<64x64xf32>, vector<64x64xf32> -> vector<64x64xf32>
    %dot_general3A_41 = arith.constant dense<0.000000e+00> : vector<1000x64xf32>
    %dot_general3A_42 = tpu.matmul %convert_element_type3A_14, %dot_general3A_40, %dot_general3A_41 {dimension_numbers = #tpu.dot_dimension_numbers<[1], [0], [0], [1], [0, 0, 1, 1], [], []>, transpose_lhs_hint = false} : vector<1000x64xf32>, vector<64x64xf32>, vector<1000x64xf32> -> vector<1000x64xf32>
    %swap3A_43 = arith.constant 0 : index
    %swap3A_44 = arith.constant 0 : index
    %swap3A_45 = vector.load %arg10[%swap3A_43, %swap3A_44] : memref<1000x64xf32, #tpu.memory_space<vmem>>, vector<1000x64xf32>
    tpu.vector_store %arg10[%swap3A_43, %swap3A_44], %dot_general3A_42 {strides = array<i32>} : memref<1000x64xf32, #tpu.memory_space<vmem>>, vector<1000x64xf32>,
    return
  }
  func.func @transform_0(%arg0: i32) -> (i32, i32) {
    %c0_i32 = arith.constant 0 : i32
    %c0_i32_0 = arith.constant 0 : i32
    return %arg0, %c0_i32 : i32, i32
  }
  func.func @transform_1(%arg0: i32) -> (i32, i32, i32) {
    %c0_i32 = arith.constant 0 : i32
    %c0_i32_0 = arith.constant 0 : i32
    %c0_i32_1 = arith.constant 0 : i32
    return %arg0, %c0_i32, %c0_i32_0 : i32, i32, i32
  }
  func.func @transform_2(%arg0: i32) -> (i32, i32) {
    %c0_i32 = arith.constant 0 : i32
    %c0_i32_0 = arith.constant 0 : i32
    %c0_i32_1 = arith.constant 0 : i32
    return %c0_i32, %c0_i32_0 : i32, i32
  }
  func.func @transform_3(%arg0: i32) -> (i32, i32) {
    %c0_i32 = arith.constant 0 : i32
    %c0_i32_0 = arith.constant 0 : i32
    %c0_i32_1 = arith.constant 0 : i32
    return %c0_i32, %c0_i32_0 : i32, i32
  }
  func.func @transform_4(%arg0: i32) -> (i32, i32) {
    %c0_i32 = arith.constant 0 : i32
    %c0_i32_0 = arith.constant 0 : i32
    %c0_i32_1 = arith.constant 0 : i32
    return %c0_i32, %c0_i32_0 : i32, i32
  }
  func.func @transform_5(%arg0: i32) -> (i32, i32) {
    %c0_i32 = arith.constant 0 : i32
    %c0_i32_0 = arith.constant 0 : i32
    %c0_i32_1 = arith.constant 0 : i32
    return %c0_i32, %c0_i32_0 : i32, i32
  }
  func.func @transform_6(%arg0: i32) -> (i32, i32) {
    %c0_i32 = arith.constant 0 : i32
    %c0_i32_0 = arith.constant 0 : i32
    %c0_i32_1 = arith.constant 0 : i32
    return %c0_i32, %c0_i32_0 : i32, i32
  }
  func.func @transform_7(%arg0: i32) -> (i32, i32) {
    %c0_i32 = arith.constant 0 : i32
    %c0_i32_0 = arith.constant 0 : i32
    return %arg0, %c0_i32 : i32, i32
  }
  func.func @transform_8(%arg0: i32) -> (i32, i32) {
    %c0_i32 = arith.constant 0 : i32
    %c0_i32_0 = arith.constant 0 : i32
    return %arg0, %c0_i32 : i32, i32
  }
  func.func @transform_9(%arg0: i32) -> (i32, i32) {
    %c0_i32 = arith.constant 0 : i32
    %c0_i32_0 = arith.constant 0 : i32
    return %arg0, %c0_i32 : i32, i32
  }
}

module attributes {stable_mosaic.version = 14 : i64} {
  func.func @_tc_edge_body(%arg0: i32, %arg1: memref<1024x64xf32, #tpu.memory_space<vmem>>, %arg2: memref<1024x64xf32, #tpu.memory_space<vmem>>, %arg3: memref<1024x128xf32, #tpu.memory_space<vmem>>, %arg4: memref<1x1x1024xf32, #tpu.memory_space<vmem>>, %arg5: memref<64x64xf32, #tpu.memory_space<vmem>>, %arg6: memref<64x64xf32, #tpu.memory_space<vmem>>, %arg7: memref<64x64xf32, #tpu.memory_space<vmem>>, %arg8: memref<64x64xf32, #tpu.memory_space<vmem>>, %arg9: memref<64x64xf32, #tpu.memory_space<vmem>>, %arg10: memref<1x64xf32, #tpu.memory_space<vmem>>, %arg11: memref<1024x128xf32, #tpu.memory_space<vmem>>) attributes {dimension_semantics = [#tpu.dimension_semantics<arbitrary>], iteration_bounds = array<i64: 160>, scalar_prefetch = 0 : i64, scratch_operands = 0 : i64, tpu.core_type = #tpu.core_type<tc>, window_params = [{transform_indices = @transform_0, window_bounds = array<i64: 1024, 64>}, {transform_indices = @transform_1, window_bounds = array<i64: 1024, 64>}, {transform_indices = @transform_2, window_bounds = array<i64: 1024, 128>}, {transform_indices = @transform_3, window_bounds = array<i64: 1, 1, 1024>}, {pipeline_mode = #tpu.pipeline_mode<synchronous>, transform_indices = @transform_4, window_bounds = array<i64: 64, 64>}, {pipeline_mode = #tpu.pipeline_mode<synchronous>, transform_indices = @transform_5, window_bounds = array<i64: 64, 64>}, {pipeline_mode = #tpu.pipeline_mode<synchronous>, transform_indices = @transform_6, window_bounds = array<i64: 64, 64>}, {pipeline_mode = #tpu.pipeline_mode<synchronous>, transform_indices = @transform_7, window_bounds = array<i64: 64, 64>}, {pipeline_mode = #tpu.pipeline_mode<synchronous>, transform_indices = @transform_8, window_bounds = array<i64: 64, 64>}, {pipeline_mode = #tpu.pipeline_mode<synchronous>, transform_indices = @transform_9, window_bounds = array<i64: 1, 64>}, {transform_indices = @transform_10, window_bounds = array<i64: 1024, 128>}]} {
    %get3A = arith.constant 0 : index
    %get3A_0 = arith.constant 0 : index
    %get3A_1 = arith.constant 0 : index
    %get3A_2 = vector.load %arg4[%get3A, %get3A_0, %get3A_1] : memref<1x1x1024xf32, #tpu.memory_space<vmem>>, vector<1x1x1024xf32>
    %get3A_3 = vector.shape_cast %get3A_2 : vector<1x1x1024xf32> to vector<1024xf32>
    %broadcast_in_dim3A = vector.shape_cast %get3A_3 : vector<1024xf32> to vector<1024x1xf32>
    %get3A_4 = arith.constant 0 : index
    %get3A_5 = arith.constant 0 : index
    %get3A_6 = vector.load %arg3[%get3A_4, %get3A_5] : memref<1024x128xf32, #tpu.memory_space<vmem>>, vector<1024x64xf32>
    %get3A_7 = arith.constant 0 : index
    %get3A_8 = arith.constant 0 : index
    %get3A_9 = vector.load %arg1[%get3A_7, %get3A_8] : memref<1024x64xf32, #tpu.memory_space<vmem>>, vector<1024x64xf32>
    %get3A_10 = arith.constant 0 : index
    %get3A_11 = arith.constant 0 : index
    %get3A_12 = vector.load %arg2[%get3A_10, %get3A_11] : memref<1024x64xf32, #tpu.memory_space<vmem>>, vector<1024x64xf32>
    %add3A = arith.addf %get3A_9, %get3A_12 : vector<1024x64xf32>
    %mul3A = vector.broadcast %broadcast_in_dim3A : vector<1024x1xf32> to vector<1024x64xf32>
    %mul3A_13 = arith.mulf %get3A_6, %mul3A : vector<1024x64xf32>
    %get3A_14 = arith.constant 0 : index
    %get3A_15 = arith.constant 0 : index
    %get3A_16 = vector.load %arg5[%get3A_14, %get3A_15] : memref<64x64xf32, #tpu.memory_space<vmem>>, vector<64x64xf32>
    %dot_general3A = arith.constant dense<0.000000e+00> : vector<1024x64xf32>
    %dot_general3A_17 = tpu.matmul %mul3A_13, %get3A_16, %dot_general3A {dimension_numbers = #tpu.dot_dimension_numbers<[1], [0], [0], [1], [0, 0, 1, 1], [], []>, transpose_lhs_hint = false} : vector<1024x64xf32>, vector<64x64xf32>, vector<1024x64xf32> -> vector<1024x64xf32>
    %add3A_18 = arith.addf %add3A, %dot_general3A_17 : vector<1024x64xf32>
    %gt3A = arith.constant 0.000000e+00 : f32
    %gt3A_19 = vector.broadcast %gt3A : f32 to vector<1024x64xf32>
    %gt3A_20 = arith.cmpf ogt, %add3A_18, %gt3A_19 : vector<1024x64xf32>
    %min3A = arith.constant 0.000000e+00 : f32
    %min3A_21 = vector.broadcast %min3A : f32 to vector<1024x64xf32>
    %min3A_22 = arith.minimumf %add3A_18, %min3A_21 : vector<1024x64xf32>
    %exp3A = math.exp %min3A_22 : vector<1024x64xf32>
    %sub3A = arith.constant 1.000000e+00 : f32
    %sub3A_23 = vector.broadcast %sub3A : f32 to vector<1024x64xf32>
    %sub3A_24 = arith.subf %exp3A, %sub3A_23 : vector<1024x64xf32>
    %select_n3A = arith.select %gt3A_20, %add3A_18, %sub3A_24 : vector<1024x64xi1>, vector<1024x64xf32>
    %get3A_25 = arith.constant 0 : index
    %get3A_26 = arith.constant 0 : index
    %get3A_27 = vector.load %arg6[%get3A_25, %get3A_26] : memref<64x64xf32, #tpu.memory_space<vmem>>, vector<64x64xf32>
    %dot_general3A_28 = arith.constant dense<0.000000e+00> : vector<1024x64xf32>
    %dot_general3A_29 = tpu.matmul %select_n3A, %get3A_27, %dot_general3A_28 {dimension_numbers = #tpu.dot_dimension_numbers<[1], [0], [0], [1], [0, 0, 1, 1], [], []>, transpose_lhs_hint = false} : vector<1024x64xf32>, vector<64x64xf32>, vector<1024x64xf32> -> vector<1024x64xf32>
    %get3A_30 = arith.constant 0 : index
    %get3A_31 = arith.constant 0 : index
    %get3A_32 = vector.load %arg7[%get3A_30, %get3A_31] : memref<64x64xf32, #tpu.memory_space<vmem>>, vector<64x64xf32>
    %dot_general3A_33 = arith.constant dense<0.000000e+00> : vector<1024x64xf32>
    %dot_general3A_34 = tpu.matmul %get3A_6, %get3A_32, %dot_general3A_33 {dimension_numbers = #tpu.dot_dimension_numbers<[1], [0], [0], [1], [0, 0, 1, 1], [], []>, transpose_lhs_hint = false} : vector<1024x64xf32>, vector<64x64xf32>, vector<1024x64xf32> -> vector<1024x64xf32>
    %get3A_35 = arith.constant 0 : index
    %get3A_36 = arith.constant 0 : index
    %get3A_37 = vector.load %arg8[%get3A_35, %get3A_36] : memref<64x64xf32, #tpu.memory_space<vmem>>, vector<64x64xf32>
    %dot_general3A_38 = arith.constant dense<0.000000e+00> : vector<1024x64xf32>
    %dot_general3A_39 = tpu.matmul %dot_general3A_29, %get3A_37, %dot_general3A_38 {dimension_numbers = #tpu.dot_dimension_numbers<[1], [0], [0], [1], [0, 0, 1, 1], [], []>, transpose_lhs_hint = false} : vector<1024x64xf32>, vector<64x64xf32>, vector<1024x64xf32> -> vector<1024x64xf32>
    %add3A_40 = arith.addf %dot_general3A_34, %dot_general3A_39 : vector<1024x64xf32>
    %gt3A_41 = arith.constant 0.000000e+00 : f32
    %gt3A_42 = vector.broadcast %gt3A_41 : f32 to vector<1024x64xf32>
    %gt3A_43 = arith.cmpf ogt, %add3A_40, %gt3A_42 : vector<1024x64xf32>
    %min3A_44 = arith.constant 0.000000e+00 : f32
    %min3A_45 = vector.broadcast %min3A_44 : f32 to vector<1024x64xf32>
    %min3A_46 = arith.minimumf %add3A_40, %min3A_45 : vector<1024x64xf32>
    %exp3A_47 = math.exp %min3A_46 : vector<1024x64xf32>
    %sub3A_48 = arith.constant 1.000000e+00 : f32
    %sub3A_49 = vector.broadcast %sub3A_48 : f32 to vector<1024x64xf32>
    %sub3A_50 = arith.subf %exp3A_47, %sub3A_49 : vector<1024x64xf32>
    %select_n3A_51 = arith.select %gt3A_43, %add3A_40, %sub3A_50 : vector<1024x64xi1>, vector<1024x64xf32>
    %get3A_52 = arith.constant 0 : index
    %get3A_53 = arith.constant 0 : index
    %get3A_54 = vector.load %arg9[%get3A_52, %get3A_53] : memref<64x64xf32, #tpu.memory_space<vmem>>, vector<64x64xf32>
    %dot_general3A_55 = arith.constant dense<0.000000e+00> : vector<1024x64xf32>
    %dot_general3A_56 = tpu.matmul %select_n3A_51, %get3A_54, %dot_general3A_55 {dimension_numbers = #tpu.dot_dimension_numbers<[1], [0], [0], [1], [0, 0, 1, 1], [], []>, transpose_lhs_hint = false} : vector<1024x64xf32>, vector<64x64xf32>, vector<1024x64xf32> -> vector<1024x64xf32>
    %get3A_57 = arith.constant 0 : index
    %get3A_58 = arith.constant 0 : index
    %get3A_59 = vector.load %arg10[%get3A_57, %get3A_58] : memref<1x64xf32, #tpu.memory_space<vmem>>, vector<1x64xf32>
    %get3A_60 = vector.shape_cast %get3A_59 : vector<1x64xf32> to vector<64xf32>
    %broadcast_in_dim3A_61 = vector.shape_cast %get3A_60 : vector<64xf32> to vector<1x64xf32>
    %add3A_62 = vector.broadcast %broadcast_in_dim3A_61 : vector<1x64xf32> to vector<1024x64xf32>
    %add3A_63 = arith.addf %dot_general3A_56, %add3A_62 : vector<1024x64xf32>
    %mul3A_64 = vector.broadcast %broadcast_in_dim3A : vector<1024x1xf32> to vector<1024x64xf32>
    %mul3A_65 = arith.mulf %add3A_63, %mul3A_64 : vector<1024x64xf32>
    %concatenate3A = tpu.concatenate %add3A_63, %mul3A_65 in 1 : vector<1024x64xf32>, vector<1024x64xf32> -> vector<1024x128xf32>
    %swap3A = arith.constant 0 : index
    %swap3A_66 = arith.constant 0 : index
    %swap3A_67 = vector.load %arg11[%swap3A, %swap3A_66] : memref<1024x128xf32, #tpu.memory_space<vmem>>, vector<1024x128xf32>
    tpu.vector_store %arg11[%swap3A, %swap3A_66], %concatenate3A {strides = array<i32>} : memref<1024x128xf32, #tpu.memory_space<vmem>>, vector<1024x128xf32>,
    return
  }
  func.func @transform_0(%arg0: i32) -> (i32, i32) {
    %c0_i32 = arith.constant 0 : i32
    %c0_i32_0 = arith.constant 0 : i32
    return %arg0, %c0_i32 : i32, i32
  }
  func.func @transform_1(%arg0: i32) -> (i32, i32) {
    %c0_i32 = arith.constant 0 : i32
    %c0_i32_0 = arith.constant 0 : i32
    return %arg0, %c0_i32 : i32, i32
  }
  func.func @transform_2(%arg0: i32) -> (i32, i32) {
    %c0_i32 = arith.constant 0 : i32
    %c0_i32_0 = arith.constant 0 : i32
    return %arg0, %c0_i32 : i32, i32
  }
  func.func @transform_3(%arg0: i32) -> (i32, i32, i32) {
    %c0_i32 = arith.constant 0 : i32
    %c0_i32_0 = arith.constant 0 : i32
    %c0_i32_1 = arith.constant 0 : i32
    return %arg0, %c0_i32, %c0_i32_0 : i32, i32, i32
  }
  func.func @transform_4(%arg0: i32) -> (i32, i32) {
    %c0_i32 = arith.constant 0 : i32
    %c0_i32_0 = arith.constant 0 : i32
    %c0_i32_1 = arith.constant 0 : i32
    return %c0_i32, %c0_i32_0 : i32, i32
  }
  func.func @transform_5(%arg0: i32) -> (i32, i32) {
    %c0_i32 = arith.constant 0 : i32
    %c0_i32_0 = arith.constant 0 : i32
    %c0_i32_1 = arith.constant 0 : i32
    return %c0_i32, %c0_i32_0 : i32, i32
  }
  func.func @transform_6(%arg0: i32) -> (i32, i32) {
    %c0_i32 = arith.constant 0 : i32
    %c0_i32_0 = arith.constant 0 : i32
    %c0_i32_1 = arith.constant 0 : i32
    return %c0_i32, %c0_i32_0 : i32, i32
  }
  func.func @transform_7(%arg0: i32) -> (i32, i32) {
    %c0_i32 = arith.constant 0 : i32
    %c0_i32_0 = arith.constant 0 : i32
    %c0_i32_1 = arith.constant 0 : i32
    return %c0_i32, %c0_i32_0 : i32, i32
  }
  func.func @transform_8(%arg0: i32) -> (i32, i32) {
    %c0_i32 = arith.constant 0 : i32
    %c0_i32_0 = arith.constant 0 : i32
    %c0_i32_1 = arith.constant 0 : i32
    return %c0_i32, %c0_i32_0 : i32, i32
  }
  func.func @transform_9(%arg0: i32) -> (i32, i32) {
    %c0_i32 = arith.constant 0 : i32
    %c0_i32_0 = arith.constant 0 : i32
    %c0_i32_1 = arith.constant 0 : i32
    return %c0_i32, %c0_i32_0 : i32, i32
  }
  func.func @transform_10(%arg0: i32) -> (i32, i32) {
    %c0_i32 = arith.constant 0 : i32
    %c0_i32_0 = arith.constant 0 : i32
    return %arg0, %c0_i32 : i32, i32
  }
}

module attributes {stable_mosaic.version = 14 : i64} {
  func.func @_tc_node_body(%arg0: i32, %arg1: memref<1000x64xf32, #tpu.memory_space<vmem>>, %arg2: memref<1000x64xf32, #tpu.memory_space<vmem>>, %arg3: memref<2x1000x128xf32, #tpu.memory_space<vmem>>, %arg4: memref<1000x128xf32, #tpu.memory_space<vmem>>, %arg5: memref<64x64xf32, #tpu.memory_space<vmem>>, %arg6: memref<64x64xf32, #tpu.memory_space<vmem>>, %arg7: memref<64x64xf32, #tpu.memory_space<vmem>>, %arg8: memref<64x64xf32, #tpu.memory_space<vmem>>, %arg9: memref<64x64xf32, #tpu.memory_space<vmem>>, %arg10: memref<64x64xf32, #tpu.memory_space<vmem>>, %arg11: memref<1x64xf32, #tpu.memory_space<vmem>>, %arg12: memref<64x128xf32, #tpu.memory_space<vmem>>, %arg13: memref<1x128xf32, #tpu.memory_space<vmem>>, %arg14: memref<128x8xf32, #tpu.memory_space<vmem>>, %arg15: memref<8x64xf32, #tpu.memory_space<vmem>>, %arg16: memref<1000x64xf32, #tpu.memory_space<vmem>>, %arg17: memref<1000x64xf32, #tpu.memory_space<vmem>>, %arg18: memref<1000x128xf32, #tpu.memory_space<vmem>>) attributes {dimension_semantics = [#tpu.dimension_semantics<arbitrary>], iteration_bounds = array<i64: 10>, scalar_prefetch = 0 : i64, scratch_operands = 0 : i64, tpu.core_type = #tpu.core_type<tc>, window_params = [{transform_indices = @transform_0, window_bounds = array<i64: 1000, 64>}, {transform_indices = @transform_1, window_bounds = array<i64: 1000, 64>}, {transform_indices = @transform_2, window_bounds = array<i64: 2, 1000, 128>}, {transform_indices = @transform_3, window_bounds = array<i64: 1000, 128>}, {pipeline_mode = #tpu.pipeline_mode<synchronous>, transform_indices = @transform_4, window_bounds = array<i64: 64, 64>}, {pipeline_mode = #tpu.pipeline_mode<synchronous>, transform_indices = @transform_5, window_bounds = array<i64: 64, 64>}, {pipeline_mode = #tpu.pipeline_mode<synchronous>, transform_indices = @transform_6, window_bounds = array<i64: 64, 64>}, {pipeline_mode = #tpu.pipeline_mode<synchronous>, transform_indices = @transform_7, window_bounds = array<i64: 64, 64>}, {pipeline_mode = #tpu.pipeline_mode<synchronous>, transform_indices = @transform_8, window_bounds = array<i64: 64, 64>}, {pipeline_mode = #tpu.pipeline_mode<synchronous>, transform_indices = @transform_9, window_bounds = array<i64: 64, 64>}, {pipeline_mode = #tpu.pipeline_mode<synchronous>, transform_indices = @transform_10, window_bounds = array<i64: 1, 64>}, {pipeline_mode = #tpu.pipeline_mode<synchronous>, transform_indices = @transform_11, window_bounds = array<i64: 64, 128>}, {pipeline_mode = #tpu.pipeline_mode<synchronous>, transform_indices = @transform_12, window_bounds = array<i64: 1, 128>}, {pipeline_mode = #tpu.pipeline_mode<synchronous>, transform_indices = @transform_13, window_bounds = array<i64: 128, 8>}, {pipeline_mode = #tpu.pipeline_mode<synchronous>, transform_indices = @transform_14, window_bounds = array<i64: 8, 64>}, {transform_indices = @transform_15, window_bounds = array<i64: 1000, 64>}, {transform_indices = @transform_16, window_bounds = array<i64: 1000, 64>}, {transform_indices = @transform_17, window_bounds = array<i64: 1000, 128>}]} {
    %get3A = arith.constant 0 : index
    %get3A_0 = arith.constant 0 : index
    %get3A_1 = vector.load %arg1[%get3A, %get3A_0] : memref<1000x64xf32, #tpu.memory_space<vmem>>, vector<1000x64xf32>
    %get3A_2 = arith.constant 0 : index
    %get3A_3 = arith.constant 0 : index
    %get3A_4 = arith.constant 64 : index
    %get3A_5 = vector.load %arg3[%get3A_2, %get3A_3, %get3A_4] : memref<2x1000x128xf32, #tpu.memory_space<vmem>>, vector<1x1000x64xf32>
    %get3A_6 = vector.shape_cast %get3A_5 : vector<1x1000x64xf32> to vector<1000x64xf32>
    %get3A_7 = arith.constant 1 : index
    %get3A_8 = arith.constant 0 : index
    %get3A_9 = arith.constant 64 : index
    %get3A_10 = vector.load %arg3[%get3A_7, %get3A_8, %get3A_9] : memref<2x1000x128xf32, #tpu.memory_space<vmem>>, vector<1x1000x64xf32>
    %get3A_11 = vector.shape_cast %get3A_10 : vector<1x1000x64xf32> to vector<1000x64xf32>
    %add3A = arith.addf %get3A_6, %get3A_11 : vector<1000x64xf32>
    %get3A_12 = arith.constant 0 : index
    %get3A_13 = arith.constant 0 : index
    %get3A_14 = vector.load %arg5[%get3A_12, %get3A_13] : memref<64x64xf32, #tpu.memory_space<vmem>>, vector<64x64xf32>
    %dot_general3A = arith.constant dense<0.000000e+00> : vector<1000x64xf32>
    %dot_general3A_15 = tpu.matmul %get3A_1, %get3A_14, %dot_general3A {dimension_numbers = #tpu.dot_dimension_numbers<[1], [0], [0], [1], [0, 0, 1, 1], [], []>, transpose_lhs_hint = false} : vector<1000x64xf32>, vector<64x64xf32>, vector<1000x64xf32> -> vector<1000x64xf32>
    %get3A_16 = arith.constant 0 : index
    %get3A_17 = arith.constant 0 : index
    %get3A_18 = vector.load %arg2[%get3A_16, %get3A_17] : memref<1000x64xf32, #tpu.memory_space<vmem>>, vector<1000x64xf32>
    %add3A_19 = arith.addf %dot_general3A_15, %get3A_18 : vector<1000x64xf32>
    %get3A_20 = arith.constant 0 : index
    %get3A_21 = arith.constant 0 : index
    %get3A_22 = vector.load %arg6[%get3A_20, %get3A_21] : memref<64x64xf32, #tpu.memory_space<vmem>>, vector<64x64xf32>
    %dot_general3A_23 = arith.constant dense<0.000000e+00> : vector<1000x64xf32>
    %dot_general3A_24 = tpu.matmul %add3A, %get3A_22, %dot_general3A_23 {dimension_numbers = #tpu.dot_dimension_numbers<[1], [0], [0], [1], [0, 0, 1, 1], [], []>, transpose_lhs_hint = false} : vector<1000x64xf32>, vector<64x64xf32>, vector<1000x64xf32> -> vector<1000x64xf32>
    %add3A_25 = arith.addf %add3A_19, %dot_general3A_24 : vector<1000x64xf32>
    %gt3A = arith.constant 0.000000e+00 : f32
    %gt3A_26 = vector.broadcast %gt3A : f32 to vector<1000x64xf32>
    %gt3A_27 = arith.cmpf ogt, %add3A_25, %gt3A_26 : vector<1000x64xf32>
    %min3A = arith.constant 0.000000e+00 : f32
    %min3A_28 = vector.broadcast %min3A : f32 to vector<1000x64xf32>
    %min3A_29 = arith.minimumf %add3A_25, %min3A_28 : vector<1000x64xf32>
    %exp3A = math.exp %min3A_29 : vector<1000x64xf32>
    %sub3A = arith.constant 1.000000e+00 : f32
    %sub3A_30 = vector.broadcast %sub3A : f32 to vector<1000x64xf32>
    %sub3A_31 = arith.subf %exp3A, %sub3A_30 : vector<1000x64xf32>
    %select_n3A = arith.select %gt3A_27, %add3A_25, %sub3A_31 : vector<1000x64xi1>, vector<1000x64xf32>
    %get3A_32 = arith.constant 0 : index
    %get3A_33 = arith.constant 0 : index
    %get3A_34 = vector.load %arg7[%get3A_32, %get3A_33] : memref<64x64xf32, #tpu.memory_space<vmem>>, vector<64x64xf32>
    %dot_general3A_35 = arith.constant dense<0.000000e+00> : vector<1000x64xf32>
    %dot_general3A_36 = tpu.matmul %select_n3A, %get3A_34, %dot_general3A_35 {dimension_numbers = #tpu.dot_dimension_numbers<[1], [0], [0], [1], [0, 0, 1, 1], [], []>, transpose_lhs_hint = false} : vector<1000x64xf32>, vector<64x64xf32>, vector<1000x64xf32> -> vector<1000x64xf32>
    %get3A_37 = arith.constant 0 : index
    %get3A_38 = arith.constant 0 : index
    %get3A_39 = vector.load %arg8[%get3A_37, %get3A_38] : memref<64x64xf32, #tpu.memory_space<vmem>>, vector<64x64xf32>
    %dot_general3A_40 = arith.constant dense<0.000000e+00> : vector<1000x64xf32>
    %dot_general3A_41 = tpu.matmul %get3A_1, %get3A_39, %dot_general3A_40 {dimension_numbers = #tpu.dot_dimension_numbers<[1], [0], [0], [1], [0, 0, 1, 1], [], []>, transpose_lhs_hint = false} : vector<1000x64xf32>, vector<64x64xf32>, vector<1000x64xf32> -> vector<1000x64xf32>
    %get3A_42 = arith.constant 0 : index
    %get3A_43 = arith.constant 0 : index
    %get3A_44 = vector.load %arg9[%get3A_42, %get3A_43] : memref<64x64xf32, #tpu.memory_space<vmem>>, vector<64x64xf32>
    %dot_general3A_45 = arith.constant dense<0.000000e+00> : vector<1000x64xf32>
    %dot_general3A_46 = tpu.matmul %dot_general3A_36, %get3A_44, %dot_general3A_45 {dimension_numbers = #tpu.dot_dimension_numbers<[1], [0], [0], [1], [0, 0, 1, 1], [], []>, transpose_lhs_hint = false} : vector<1000x64xf32>, vector<64x64xf32>, vector<1000x64xf32> -> vector<1000x64xf32>
    %add3A_47 = arith.addf %dot_general3A_41, %dot_general3A_46 : vector<1000x64xf32>
    %gt3A_48 = arith.constant 0.000000e+00 : f32
    %gt3A_49 = vector.broadcast %gt3A_48 : f32 to vector<1000x64xf32>
    %gt3A_50 = arith.cmpf ogt, %add3A_47, %gt3A_49 : vector<1000x64xf32>
    %min3A_51 = arith.constant 0.000000e+00 : f32
    %min3A_52 = vector.broadcast %min3A_51 : f32 to vector<1000x64xf32>
    %min3A_53 = arith.minimumf %add3A_47, %min3A_52 : vector<1000x64xf32>
    %exp3A_54 = math.exp %min3A_53 : vector<1000x64xf32>
    %sub3A_55 = arith.constant 1.000000e+00 : f32
    %sub3A_56 = vector.broadcast %sub3A_55 : f32 to vector<1000x64xf32>
    %sub3A_57 = arith.subf %exp3A_54, %sub3A_56 : vector<1000x64xf32>
    %select_n3A_58 = arith.select %gt3A_50, %add3A_47, %sub3A_57 : vector<1000x64xi1>, vector<1000x64xf32>
    %get3A_59 = arith.constant 0 : index
    %get3A_60 = arith.constant 0 : index
    %get3A_61 = vector.load %arg10[%get3A_59, %get3A_60] : memref<64x64xf32, #tpu.memory_space<vmem>>, vector<64x64xf32>
    %dot_general3A_62 = arith.constant dense<0.000000e+00> : vector<1000x64xf32>
    %dot_general3A_63 = tpu.matmul %select_n3A_58, %get3A_61, %dot_general3A_62 {dimension_numbers = #tpu.dot_dimension_numbers<[1], [0], [0], [1], [0, 0, 1, 1], [], []>, transpose_lhs_hint = false} : vector<1000x64xf32>, vector<64x64xf32>, vector<1000x64xf32> -> vector<1000x64xf32>
    %get3A_64 = arith.constant 0 : index
    %get3A_65 = arith.constant 0 : index
    %get3A_66 = vector.load %arg11[%get3A_64, %get3A_65] : memref<1x64xf32, #tpu.memory_space<vmem>>, vector<1x64xf32>
    %get3A_67 = vector.shape_cast %get3A_66 : vector<1x64xf32> to vector<64xf32>
    %broadcast_in_dim3A = vector.shape_cast %get3A_67 : vector<64xf32> to vector<1x64xf32>
    %add3A_68 = vector.broadcast %broadcast_in_dim3A : vector<1x64xf32> to vector<1000x64xf32>
    %add3A_69 = arith.addf %dot_general3A_63, %add3A_68 : vector<1000x64xf32>
    %swap3A = arith.constant 0 : index
    %swap3A_70 = arith.constant 0 : index
    %swap3A_71 = vector.load %arg16[%swap3A, %swap3A_70] : memref<1000x64xf32, #tpu.memory_space<vmem>>, vector<1000x64xf32>
    tpu.vector_store %arg16[%swap3A, %swap3A_70], %add3A_69 {strides = array<i32>} : memref<1000x64xf32, #tpu.memory_space<vmem>>, vector<1000x64xf32>,
    %get3A_72 = arith.constant 0 : index
    %get3A_73 = arith.constant 0 : index
    %get3A_74 = vector.load %arg4[%get3A_72, %get3A_73] : memref<1000x128xf32, #tpu.memory_space<vmem>>, vector<1000x128xf32>
    %get3A_75 = arith.constant 0 : index
    %get3A_76 = arith.constant 0 : index
    %get3A_77 = vector.load %arg14[%get3A_75, %get3A_76] : memref<128x8xf32, #tpu.memory_space<vmem>>, vector<128x8xf32>
    %dot_general3A_78 = arith.constant dense<0.000000e+00> : vector<1000x8xf32>
    %dot_general3A_79 = tpu.matmul %get3A_74, %get3A_77, %dot_general3A_78 {dimension_numbers = #tpu.dot_dimension_numbers<[1], [0], [0], [1], [0, 0, 1, 1], [], []>, transpose_lhs_hint = false} : vector<1000x128xf32>, vector<128x8xf32>, vector<1000x8xf32> -> vector<1000x8xf32>
    %gt3A_80 = arith.constant 0.000000e+00 : f32
    %gt3A_81 = vector.broadcast %gt3A_80 : f32 to vector<1000x8xf32>
    %gt3A_82 = arith.cmpf ogt, %dot_general3A_79, %gt3A_81 : vector<1000x8xf32>
    %min3A_83 = arith.constant 0.000000e+00 : f32
    %min3A_84 = vector.broadcast %min3A_83 : f32 to vector<1000x8xf32>
    %min3A_85 = arith.minimumf %dot_general3A_79, %min3A_84 : vector<1000x8xf32>
    %exp3A_86 = math.exp %min3A_85 : vector<1000x8xf32>
    %sub3A_87 = arith.constant 1.000000e+00 : f32
    %sub3A_88 = vector.broadcast %sub3A_87 : f32 to vector<1000x8xf32>
    %sub3A_89 = arith.subf %exp3A_86, %sub3A_88 : vector<1000x8xf32>
    %select_n3A_90 = arith.select %gt3A_82, %dot_general3A_79, %sub3A_89 : vector<1000x8xi1>, vector<1000x8xf32>
    %get3A_91 = arith.constant 0 : index
    %get3A_92 = arith.constant 0 : index
    %get3A_93 = vector.load %arg15[%get3A_91, %get3A_92] : memref<8x64xf32, #tpu.memory_space<vmem>>, vector<8x64xf32>
    %dot_general3A_94 = arith.constant dense<0.000000e+00> : vector<1000x64xf32>
    %dot_general3A_95 = tpu.matmul %select_n3A_90, %get3A_93, %dot_general3A_94 {dimension_numbers = #tpu.dot_dimension_numbers<[1], [0], [0], [1], [0, 0, 1, 1], [], []>, transpose_lhs_hint = false} : vector<1000x8xf32>, vector<8x64xf32>, vector<1000x64xf32> -> vector<1000x64xf32>
    %swap3A_96 = arith.constant 0 : index
    %swap3A_97 = arith.constant 0 : index
    %swap3A_98 = vector.load %arg17[%swap3A_96, %swap3A_97] : memref<1000x64xf32, #tpu.memory_space<vmem>>, vector<1000x64xf32>
    tpu.vector_store %arg17[%swap3A_96, %swap3A_97], %dot_general3A_95 {strides = array<i32>} : memref<1000x64xf32, #tpu.memory_space<vmem>>, vector<1000x64xf32>,
    %get3A_99 = arith.constant 0 : index
    %get3A_100 = arith.constant 0 : index
    %get3A_101 = vector.load %arg13[%get3A_99, %get3A_100] : memref<1x128xf32, #tpu.memory_space<vmem>>, vector<1x128xf32>
    %get3A_102 = vector.shape_cast %get3A_101 : vector<1x128xf32> to vector<128xf32>
    %broadcast_in_dim3A_103 = vector.shape_cast %get3A_102 : vector<128xf32> to vector<1x128xf32>
    %mul3A = vector.broadcast %broadcast_in_dim3A_103 : vector<1x128xf32> to vector<1000x128xf32>
    %mul3A_104 = arith.mulf %get3A_74, %mul3A : vector<1000x128xf32>
    %reduce_sum3A = arith.constant dense<0.000000e+00> : vector<1000xf32>
    %reduce_sum3A_105 = vector.multi_reduction <add>, %mul3A_104, %reduce_sum3A [1] : vector<1000x128xf32> to vector<1000xf32>
    %ge3A = arith.constant 0.000000e+00 : f32
    %ge3A_106 = vector.broadcast %ge3A : f32 to vector<1000xf32>
    %ge3A_107 = arith.cmpf oge, %reduce_sum3A_105, %ge3A_106 : vector<1000xf32>
    %mul3A_108 = arith.constant 2.000000e-01 : f32
    %mul3A_109 = vector.broadcast %mul3A_108 : f32 to vector<1000xf32>
    %mul3A_110 = arith.mulf %mul3A_109, %reduce_sum3A_105 : vector<1000xf32>
    %select_n3A_111 = arith.select %ge3A_107, %reduce_sum3A_105, %mul3A_110 : vector<1000xi1>, vector<1000xf32>
    %exp3A_112 = math.exp %select_n3A_111 : vector<1000xf32>
    %iota3A = tpu.iota {dimensions = array<i32: 1>} : vector<1x128xi32>
    %eq3A = arith.constant 2 : i32
    %eq3A_113 = vector.broadcast %eq3A : i32 to vector<1x128xi32>
    %eq3A_114 = arith.cmpi eq, %iota3A, %eq3A_113 : vector<1x128xi32>
    %convert_element_type3A = arith.extui %eq3A_114 : vector<1x128xi1> to vector<1x128xi32>
    %convert_element_type3A_115 = arith.sitofp %convert_element_type3A : vector<1x128xi32> to vector<1x128xf32>
    %get3A_116 = arith.constant 0 : index
    %get3A_117 = arith.constant 0 : index
    %get3A_118 = vector.load %arg12[%get3A_116, %get3A_117] : memref<64x128xf32, #tpu.memory_space<vmem>>, vector<64x128xf32>
    %dot_general3A_119 = arith.constant dense<0.000000e+00> : vector<1000x128xf32>
    %dot_general3A_120 = tpu.matmul %add3A_69, %get3A_118, %dot_general3A_119 {dimension_numbers = #tpu.dot_dimension_numbers<[1], [0], [0], [1], [0, 0, 1, 1], [], []>, transpose_lhs_hint = false} : vector<1000x64xf32>, vector<64x128xf32>, vector<1000x128xf32> -> vector<1000x128xf32>
    %broadcast_in_dim3A_121 = vector.shape_cast %exp3A_112 : vector<1000xf32> to vector<1000x1xf32>
    %mul3A_122 = vector.broadcast %broadcast_in_dim3A_121 : vector<1000x1xf32> to vector<1000x128xf32>
    %mul3A_123 = vector.broadcast %convert_element_type3A_115 : vector<1x128xf32> to vector<1000x128xf32>
    %mul3A_124 = arith.mulf %mul3A_122, %mul3A_123 : vector<1000x128xf32>
    %add3A_125 = arith.addf %dot_general3A_120, %mul3A_124 : vector<1000x128xf32>
    %swap3A_126 = arith.constant 0 : index
    %swap3A_127 = arith.constant 0 : index
    %swap3A_128 = vector.load %arg18[%swap3A_126, %swap3A_127] : memref<1000x128xf32, #tpu.memory_space<vmem>>, vector<1000x128xf32>
    tpu.vector_store %arg18[%swap3A_126, %swap3A_127], %add3A_125 {strides = array<i32>} : memref<1000x128xf32, #tpu.memory_space<vmem>>, vector<1000x128xf32>,
    return
  }
  func.func @transform_0(%arg0: i32) -> (i32, i32) {
    %c0_i32 = arith.constant 0 : i32
    %c0_i32_0 = arith.constant 0 : i32
    return %arg0, %c0_i32 : i32, i32
  }
  func.func @transform_1(%arg0: i32) -> (i32, i32) {
    %c0_i32 = arith.constant 0 : i32
    %c0_i32_0 = arith.constant 0 : i32
    return %arg0, %c0_i32 : i32, i32
  }
  func.func @transform_2(%arg0: i32) -> (i32, i32, i32) {
    %c0_i32 = arith.constant 0 : i32
    %c0_i32_0 = arith.constant 0 : i32
    %c0_i32_1 = arith.constant 0 : i32
    return %c0_i32, %arg0, %c0_i32_0 : i32, i32, i32
  }
  func.func @transform_3(%arg0: i32) -> (i32, i32) {
    %c0_i32 = arith.constant 0 : i32
    %c0_i32_0 = arith.constant 0 : i32
    return %arg0, %c0_i32 : i32, i32
  }
  func.func @transform_4(%arg0: i32) -> (i32, i32) {
    %c0_i32 = arith.constant 0 : i32
    %c0_i32_0 = arith.constant 0 : i32
    %c0_i32_1 = arith.constant 0 : i32
    return %c0_i32, %c0_i32_0 : i32, i32
  }
  func.func @transform_5(%arg0: i32) -> (i32, i32) {
    %c0_i32 = arith.constant 0 : i32
    %c0_i32_0 = arith.constant 0 : i32
    %c0_i32_1 = arith.constant 0 : i32
    return %c0_i32, %c0_i32_0 : i32, i32
  }
  func.func @transform_6(%arg0: i32) -> (i32, i32) {
    %c0_i32 = arith.constant 0 : i32
    %c0_i32_0 = arith.constant 0 : i32
    %c0_i32_1 = arith.constant 0 : i32
    return %c0_i32, %c0_i32_0 : i32, i32
  }
  func.func @transform_7(%arg0: i32) -> (i32, i32) {
    %c0_i32 = arith.constant 0 : i32
    %c0_i32_0 = arith.constant 0 : i32
    %c0_i32_1 = arith.constant 0 : i32
    return %c0_i32, %c0_i32_0 : i32, i32
  }
  func.func @transform_8(%arg0: i32) -> (i32, i32) {
    %c0_i32 = arith.constant 0 : i32
    %c0_i32_0 = arith.constant 0 : i32
    %c0_i32_1 = arith.constant 0 : i32
    return %c0_i32, %c0_i32_0 : i32, i32
  }
  func.func @transform_9(%arg0: i32) -> (i32, i32) {
    %c0_i32 = arith.constant 0 : i32
    %c0_i32_0 = arith.constant 0 : i32
    %c0_i32_1 = arith.constant 0 : i32
    return %c0_i32, %c0_i32_0 : i32, i32
  }
  func.func @transform_10(%arg0: i32) -> (i32, i32) {
    %c0_i32 = arith.constant 0 : i32
    %c0_i32_0 = arith.constant 0 : i32
    %c0_i32_1 = arith.constant 0 : i32
    return %c0_i32, %c0_i32_0 : i32, i32
  }
  func.func @transform_11(%arg0: i32) -> (i32, i32) {
    %c0_i32 = arith.constant 0 : i32
    %c0_i32_0 = arith.constant 0 : i32
    %c0_i32_1 = arith.constant 0 : i32
    return %c0_i32, %c0_i32_0 : i32, i32
  }
  func.func @transform_12(%arg0: i32) -> (i32, i32) {
    %c0_i32 = arith.constant 0 : i32
    %c0_i32_0 = arith.constant 0 : i32
    %c0_i32_1 = arith.constant 0 : i32
    return %c0_i32, %c0_i32_0 : i32, i32
  }
  func.func @transform_13(%arg0: i32) -> (i32, i32) {
    %c0_i32 = arith.constant 0 : i32
    %c0_i32_0 = arith.constant 0 : i32
    %c0_i32_1 = arith.constant 0 : i32
    return %c0_i32, %c0_i32_0 : i32, i32
  }
  func.func @transform_14(%arg0: i32) -> (i32, i32) {
    %c0_i32 = arith.constant 0 : i32
    %c0_i32_0 = arith.constant 0 : i32
    %c0_i32_1 = arith.constant 0 : i32
    return %c0_i32, %c0_i32_0 : i32, i32
  }
  func.func @transform_15(%arg0: i32) -> (i32, i32) {
    %c0_i32 = arith.constant 0 : i32
    %c0_i32_0 = arith.constant 0 : i32
    return %arg0, %c0_i32 : i32, i32
  }
  func.func @transform_16(%arg0: i32) -> (i32, i32) {
    %c0_i32 = arith.constant 0 : i32
    %c0_i32_0 = arith.constant 0 : i32
    return %arg0, %c0_i32 : i32, i32
  }
  func.func @transform_17(%arg0: i32) -> (i32, i32) {
    %c0_i32 = arith.constant 0 : i32
    %c0_i32_0 = arith.constant 0 : i32
    return %arg0, %c0_i32 : i32, i32
  }
}

module attributes {stable_mosaic.version = 14 : i64} {
  func.func @_tc_final_body(%arg0: memref<4x64x64xf32, #tpu.memory_space<vmem>>, %arg1: memref<4x64x64xf32, #tpu.memory_space<vmem>>, %arg2: memref<512x64xf32, #tpu.memory_space<vmem>>, %arg3: memref<1x64xf32, #tpu.memory_space<vmem>>, %arg4: memref<64x128xf32, #tpu.memory_space<vmem>>, %arg5: memref<1x128xf32, #tpu.memory_space<vmem>>, %arg6: memref<64x128xf32, #tpu.memory_space<vmem>>) attributes {dimension_semantics = [], scalar_prefetch = 0 : i64, scratch_operands = 0 : i64, tpu.core_type = #tpu.core_type<tc>} {
    %get3A = arith.constant 0 : index
    %get3A_0 = arith.constant 0 : index
    %get3A_1 = arith.constant 0 : index
    %get3A_2 = vector.load %arg0[%get3A, %get3A_0, %get3A_1] : memref<4x64x64xf32, #tpu.memory_space<vmem>>, vector<1x64x64xf32>
    %get3A_3 = vector.shape_cast %get3A_2 : vector<1x64x64xf32> to vector<64x64xf32>
    %get3A_4 = arith.constant 1 : index
    %get3A_5 = arith.constant 0 : index
    %get3A_6 = arith.constant 0 : index
    %get3A_7 = vector.load %arg0[%get3A_4, %get3A_5, %get3A_6] : memref<4x64x64xf32, #tpu.memory_space<vmem>>, vector<1x64x64xf32>
    %get3A_8 = vector.shape_cast %get3A_7 : vector<1x64x64xf32> to vector<64x64xf32>
    %get3A_9 = arith.constant 2 : index
    %get3A_10 = arith.constant 0 : index
    %get3A_11 = arith.constant 0 : index
    %get3A_12 = vector.load %arg0[%get3A_9, %get3A_10, %get3A_11] : memref<4x64x64xf32, #tpu.memory_space<vmem>>, vector<1x64x64xf32>
    %get3A_13 = vector.shape_cast %get3A_12 : vector<1x64x64xf32> to vector<64x64xf32>
    %get3A_14 = arith.constant 3 : index
    %get3A_15 = arith.constant 0 : index
    %get3A_16 = arith.constant 0 : index
    %get3A_17 = vector.load %arg0[%get3A_14, %get3A_15, %get3A_16] : memref<4x64x64xf32, #tpu.memory_space<vmem>>, vector<1x64x64xf32>
    %get3A_18 = vector.shape_cast %get3A_17 : vector<1x64x64xf32> to vector<64x64xf32>
    %get3A_19 = arith.constant 0 : index
    %get3A_20 = arith.constant 0 : index
    %get3A_21 = arith.constant 0 : index
    %get3A_22 = vector.load %arg1[%get3A_19, %get3A_20, %get3A_21] : memref<4x64x64xf32, #tpu.memory_space<vmem>>, vector<1x64x64xf32>
    %get3A_23 = vector.shape_cast %get3A_22 : vector<1x64x64xf32> to vector<64x64xf32>
    %get3A_24 = arith.constant 1 : index
    %get3A_25 = arith.constant 0 : index
    %get3A_26 = arith.constant 0 : index
    %get3A_27 = vector.load %arg1[%get3A_24, %get3A_25, %get3A_26] : memref<4x64x64xf32, #tpu.memory_space<vmem>>, vector<1x64x64xf32>
    %get3A_28 = vector.shape_cast %get3A_27 : vector<1x64x64xf32> to vector<64x64xf32>
    %get3A_29 = arith.constant 2 : index
    %get3A_30 = arith.constant 0 : index
    %get3A_31 = arith.constant 0 : index
    %get3A_32 = vector.load %arg1[%get3A_29, %get3A_30, %get3A_31] : memref<4x64x64xf32, #tpu.memory_space<vmem>>, vector<1x64x64xf32>
    %get3A_33 = vector.shape_cast %get3A_32 : vector<1x64x64xf32> to vector<64x64xf32>
    %get3A_34 = arith.constant 3 : index
    %get3A_35 = arith.constant 0 : index
    %get3A_36 = arith.constant 0 : index
    %get3A_37 = vector.load %arg1[%get3A_34, %get3A_35, %get3A_36] : memref<4x64x64xf32, #tpu.memory_space<vmem>>, vector<1x64x64xf32>
    %get3A_38 = vector.shape_cast %get3A_37 : vector<1x64x64xf32> to vector<64x64xf32>
    %concatenate3A = tpu.concatenate %get3A_3, %get3A_8, %get3A_13, %get3A_18, %get3A_23, %get3A_28, %get3A_33, %get3A_38 in 1 : vector<64x64xf32>, vector<64x64xf32>, vector<64x64xf32>, vector<64x64xf32>, vector<64x64xf32>, vector<64x64xf32>, vector<64x64xf32>, vector<64x64xf32> -> vector<64x512xf32>
    %get3A_39 = arith.constant 0 : index
    %get3A_40 = arith.constant 0 : index
    %get3A_41 = vector.load %arg2[%get3A_39, %get3A_40] : memref<512x64xf32, #tpu.memory_space<vmem>>, vector<512x64xf32>
    %dot_general3A = arith.constant dense<0.000000e+00> : vector<64x64xf32>
    %dot_general3A_42 = tpu.matmul %concatenate3A, %get3A_41, %dot_general3A {dimension_numbers = #tpu.dot_dimension_numbers<[1], [0], [0], [1], [0, 0, 1, 1], [], []>, transpose_lhs_hint = false} : vector<64x512xf32>, vector<512x64xf32>, vector<64x64xf32> -> vector<64x64xf32>
    %get3A_43 = arith.constant 0 : index
    %get3A_44 = arith.constant 0 : index
    %get3A_45 = vector.load %arg3[%get3A_43, %get3A_44] : memref<1x64xf32, #tpu.memory_space<vmem>>, vector<1x64xf32>
    %get3A_46 = vector.shape_cast %get3A_45 : vector<1x64xf32> to vector<64xf32>
    %broadcast_in_dim3A = vector.shape_cast %get3A_46 : vector<64xf32> to vector<1x64xf32>
    %add3A = vector.broadcast %broadcast_in_dim3A : vector<1x64xf32> to vector<64x64xf32>
    %add3A_47 = arith.addf %dot_general3A_42, %add3A : vector<64x64xf32>
    %gt3A = arith.constant 0.000000e+00 : f32
    %gt3A_48 = vector.broadcast %gt3A : f32 to vector<64x64xf32>
    %gt3A_49 = arith.cmpf ogt, %add3A_47, %gt3A_48 : vector<64x64xf32>
    %min3A = arith.constant 0.000000e+00 : f32
    %min3A_50 = vector.broadcast %min3A : f32 to vector<64x64xf32>
    %min3A_51 = arith.minimumf %add3A_47, %min3A_50 : vector<64x64xf32>
    %exp3A = math.exp %min3A_51 : vector<64x64xf32>
    %sub3A = arith.constant 1.000000e+00 : f32
    %sub3A_52 = vector.broadcast %sub3A : f32 to vector<64x64xf32>
    %sub3A_53 = arith.subf %exp3A, %sub3A_52 : vector<64x64xf32>
    %select_n3A = arith.select %gt3A_49, %add3A_47, %sub3A_53 : vector<64x64xi1>, vector<64x64xf32>
    %get3A_54 = arith.constant 0 : index
    %get3A_55 = arith.constant 0 : index
    %get3A_56 = vector.load %arg4[%get3A_54, %get3A_55] : memref<64x128xf32, #tpu.memory_space<vmem>>, vector<64x128xf32>
    %dot_general3A_57 = arith.constant dense<0.000000e+00> : vector<64x128xf32>
    %dot_general3A_58 = tpu.matmul %select_n3A, %get3A_56, %dot_general3A_57 {dimension_numbers = #tpu.dot_dimension_numbers<[1], [0], [0], [1], [0, 0, 1, 1], [], []>, transpose_lhs_hint = false} : vector<64x64xf32>, vector<64x128xf32>, vector<64x128xf32> -> vector<64x128xf32>
    %get3A_59 = arith.constant 0 : index
    %get3A_60 = arith.constant 0 : index
    %get3A_61 = vector.load %arg5[%get3A_59, %get3A_60] : memref<1x128xf32, #tpu.memory_space<vmem>>, vector<1x128xf32>
    %get3A_62 = vector.shape_cast %get3A_61 : vector<1x128xf32> to vector<128xf32>
    %broadcast_in_dim3A_63 = vector.shape_cast %get3A_62 : vector<128xf32> to vector<1x128xf32>
    %add3A_64 = vector.broadcast %broadcast_in_dim3A_63 : vector<1x128xf32> to vector<64x128xf32>
    %add3A_65 = arith.addf %dot_general3A_58, %add3A_64 : vector<64x128xf32>
    %neg3A = arith.constant 0.000000e+00 : f32
    %neg3A_66 = vector.broadcast %neg3A : f32 to vector<64x128xf32>
    %neg3A_67 = arith.subf %neg3A_66, %add3A_65 : vector<64x128xf32>
    %exp3A_68 = math.exp %neg3A_67 : vector<64x128xf32>
    %add3A_69 = arith.constant 1.000000e+00 : f32
    %add3A_70 = vector.broadcast %add3A_69 : f32 to vector<64x128xf32>
    %add3A_71 = arith.addf %add3A_70, %exp3A_68 : vector<64x128xf32>
    %div3A = arith.constant 1.000000e+00 : f32
    %div3A_72 = vector.broadcast %div3A : f32 to vector<64x128xf32>
    %div3A_73 = arith.divf %div3A_72, %add3A_71 : vector<64x128xf32>
    %swap3A = arith.constant 0 : index
    %swap3A_74 = arith.constant 0 : index
    %swap3A_75 = vector.load %arg6[%swap3A, %swap3A_74] : memref<64x128xf32, #tpu.memory_space<vmem>>, vector<64x128xf32>
    tpu.vector_store %arg6[%swap3A, %swap3A_74], %div3A_73 {strides = array<i32>} : memref<64x128xf32, #tpu.memory_space<vmem>>, vector<64x128xf32>,
    return
  }
}

</mosaic_0001>

<sc_bundles>
// kernel: kernel.31.cloned.1.call-start
scs
__scs_entry_jumppad:
0x0: {  	(pc) =	sbr.rel $0x88, $3  }
0x1: {  	(tag) =	ssettag $0x0;
	lr =	simm.s32 $0x1  }
0x2: {  	[smem:$0x3F44] =	sst lr;
	_ =	strace $0xD0000000  }
0x3: {  	_ = 	snop  }
0x4: {  	_ = 	snop  }
0x5: {  	_ = 	snop  }
0x6: {  	_ = 	snop  }
0x7: {  	_ = 	snop  }
__scs_overlays_trampoline_lowered:
0x8: {  	[smem:$0x3F53] =	sst s0  }
0x9: {  	[smem:$0x3F54] =	sst s1  }
0xa: {  	[smem:$0x3F55] =	sst s2  }
0xb: {  	[smem:$0x3F56] =	sst s3  }
0xc: {  	[smem:$0x3F57] =	sst s4  }
0xd: {  	[smem:$0x3F58] =	sst s5  }
0xe: {  	[smem:$0x3F59] =	sst s6  }
0xf: {  	[smem:$0x3F5A] =	sst s7  }
0x10: {  	[smem:$0x3F5B] =	sst s8  }
0x11: {  	[smem:$0x3F5C] =	sst s9;
	s0 =	simm.s32 @!p0 $0x0  }
0x12: {  	s1 =	sld [smem:$0x3F42];
	s0 =	simm.s32 @p0 $0x1  }
0x13: {  	[smem:$0x3F5D] =	sst s0;
	s0 =	simm.s32 @!p1 $0x0  }
0x14: {  	s2 =	sld [smem:$0x3F41];
	s0 =	simm.s32 @p1 $0x1  }
0x15: {  	[smem:$0x3F5E] =	sst s0;
	s0 =	simm.s32 @!p2 $0x0  }
0x16: {  	s3 =	sld [smem:$0x3FDB];
	s0 =	simm.s32 @p2 $0x1  }
0x17: {  	s4 =	simm.s32 $0x1BF5;
	[smem:$0x3F60] =	sst s0  }
0x18: {  	s0 =	sld [smem:$0x3F43];
	_ =	swait.ge [sflag:s4], $0x0  }
0x19: {  	s7 =	sld [smem:$0x3F44]  }
0x1a: {  	s8 =	sadd.s32 $0xFFFFE003, lr  }
0x1b: {  	s9 =	sadd.s32 $0xFFFFFEF7, lr;
	s5 =	simm.s32 $0xFFFFFFFF;
	p2 =	slt.u32 s8, $0xFFFFF086  }
0x1c: {  	p1 =	slt.u32 s9, $0xF7A;
	s5 =	simm.s32 @!p2 $0x0  }
0x1d: {  	s5 =	simm.s32 @p1 $0x1;
	p0 =	seq.s32 s7, s2  }
0x1e: {  	s7 =	smul.u32 @!p0 $0xF7A, s2;
	p2 =	seq.s32 @!p0 s5, $0x0  }
0x1f: {  	s9 =	smul.u32 $0xF7A, s1;
	s8 =	simm.s32 @!p0 $0x1BF5;
	p2 =	por !p2, p0  }
0x20: {  	[sflag:s8] =	ssyncset.s32 @!p0 $0xFFFFF086;
	s6 =	sadd.s32 @!p0 s3, s7;
	s7 =	simm.s32 @!p0 $0x108  }
0x21: {  	s3 =	sadd.s32 s3, s9;
	s6 =	sadd.s32 @!p0 $0x88, s6;
	s7 =	simm.s32 @p2 $0x1082  }
0x22: {  	[simem:s7], [sflag:s8] =	dma.local @!p0 [hbm:s6], $0xF7A  }
0x23: {  	s9 =	sor.u32 $0xD0000000, s2;
	s6 =	simm.s32 $0x108;
	_ =	swait.ge @!p0 [sflag:s8], $0x0  }
0x24: {  	s3 =	sadd.s32 $0x88, s3;
	s6 =	simm.s32 @!p1 $0x1082;
	[sflag:s4] =	ssyncset.s32 $0xFFFFF086  }
0x25: {  	[simem:s6], [sflag:s4] =	dma.local [hbm:s3], $0xF7A  }
0x26: {  	[smem:$0x3F44] =	sst s1;
	(tag) =	ssettag s2;
	_ =	strace s9  }
0x27: {  	s1 =	sld [smem:$0x3F54]  }
0x28: {  	s2 =	sld [smem:$0x3F55]  }
0x29: {  	s4 =	sld [smem:$0x3F57]  }
0x2a: {  	p0 =	seq.s32 s5, $0x0;
	s5 =	sld [smem:$0x3F58]  }
0x2b: {  	s6 =	sld [smem:$0x3F59]  }
0x2c: {  	s7 =	sld [smem:$0x3F5A]  }
0x2d: {  	s3 =	simm.s32 $0x108;
	s8 =	sld [smem:$0x3F5B]  }
0x2e: {  	s3 =	simm.s32 @!p0 $0x1082;
	s9 =	sld [smem:$0x3F5C]  }
0x2f: {  	lr =	sadd.s32 s0, s3;
	s0 =	sld [smem:$0x3F53]  }
0x30: {  	s3 =	sld [smem:$0x3F56]  }
0x31: {  	[smem:$0x3F5F] =	sst s10  }
0x32: {  	s10 =	sld [smem:$0x3F5D];
	_ =	sdelay $0x3  }
0x33: {  	p0 =	seq.s32 s10, $0x1;
	s10 =	sld [smem:$0x3F5F];
	_ =	sdelay $0x3  }
0x34: {  	[smem:$0x3F5F] =	sst s10  }
0x35: {  	s10 =	sld [smem:$0x3F5E];
	_ =	sdelay $0x3  }
0x36: {  	p1 =	seq.s32 s10, $0x1;
	s10 =	sld [smem:$0x3F5F];
	_ =	sdelay $0x3  }
0x37: {  	[smem:$0x3F5F] =	sst s10  }
0x38: {  	s10 =	sld [smem:$0x3F60]  }
0x39: {  	_ = 	snop;
	(pc) =	sbr.ind lr, $3  }
0x3a: {  	_ = 	snop  }
0x3b: {  	_ = 	snop  }
0x3c: {  	p2 =	seq.s32 s10, $0x1;
	s10 =	sld [smem:$0x3F5F]  }
0x3d: {  	_ =	shalt  }
0x3e: {  	_ =	shalt  }
0x3f: {  	_ =	shalt  }
0x40: {  	_ =	shalt  }
0x41: {  	_ =	shalt  }
0x42: {  	_ =	shalt  }
0x43: {  	_ =	shalt  }
0x44: {  	_ =	shalt  }
0x45: {  	_ =	shalt  }
0x46: {  	_ =	shalt  }
0x47: {  	_ =	shalt  }
0x48: {  	_ =	shalt  }
0x49: {  	_ =	shalt  }
0x4a: {  	_ =	shalt  }
0x4b: {  	_ =	shalt  }
0x4c: {  	_ =	shalt  }
0x4d: {  	_ =	shalt  }
0x4e: {  	_ =	shalt  }
0x4f: {  	_ =	shalt  }
0x50: {  	_ =	shalt  }
0x51: {  	_ =	shalt  }
0x52: {  	_ =	shalt  }
0x53: {  	_ =	shalt  }
0x54: {  	_ =	shalt  }
0x55: {  	_ =	shalt  }
0x56: {  	_ =	shalt  }
0x57: {  	_ =	shalt  }
0x58: {  	_ =	shalt  }
0x59: {  	_ =	shalt  }
0x5a: {  	_ =	shalt  }
0x5b: {  	_ =	shalt  }
0x5c: {  	_ =	shalt  }
0x5d: {  	_ =	shalt  }
0x5e: {  	_ =	shalt  }
0x5f: {  	_ =	shalt  }
0x60: {  	_ =	shalt  }
0x61: {  	_ =	shalt  }
0x62: {  	_ =	shalt  }
0x63: {  	_ =	shalt  }
0x64: {  	_ =	shalt  }
0x65: {  	_ =	shalt  }
0x66: {  	_ =	shalt  }
0x67: {  	_ =	shalt  }
0x68: {  	_ =	shalt  }
0x69: {  	_ =	shalt  }
0x6a: {  	_ =	shalt  }
0x6b: {  	_ =	shalt  }
0x6c: {  	_ =	shalt  }
0x6d: {  	_ =	shalt  }
0x6e: {  	_ =	shalt  }
0x6f: {  	_ =	shalt  }
0x70: {  	_ =	shalt  }
0x71: {  	_ =	shalt  }
0x72: {  	_ =	shalt  }
0x73: {  	_ =	shalt  }
0x74: {  	_ =	shalt  }
0x75: {  	_ =	shalt  }
0x76: {  	_ =	shalt  }
0x77: {  	_ =	shalt  }
0x78: {  	_ =	shalt  }
0x79: {  	_ =	shalt  }
0x7a: {  	_ =	shalt  }
0x7b: {  	_ =	shalt  }
0x7c: {  	_ =	shalt  }
0x7d: {  	_ =	shalt  }
0x7e: {  	_ =	shalt  }
0x7f: {  	_ =	shalt  }
0x80: {  	_ =	shalt  }
0x81: {  	_ =	shalt  }
0x82: {  	_ =	shalt  }
0x83: {  	_ =	shalt  }
0x84: {  	_ =	shalt  }
0x85: {  	_ =	shalt  }
0x86: {  	_ =	shalt  }
0x87: {  	_ =	shalt  }
.Lfunc_end0:
.L_simem_size_0:
called_computation_lowered:
.L_overlay_start_0:
0x88: {  	s2 =	sld [smem:$0x3FD9]  }
0x89: {  	s3 =	sld [smem:$0x3FFE];
	_ =	sdelay $0x1  }
0x8a: {  	s1 =	srdreg.scid  }
0x8b: {  	s0 =	sand.u32 $0x1, s1  }
0x8c: {  	s16 =	sshll.u32 s0, $0xA;
	s2 =	sadd.s32 s3, s2  }
0x8d: {  	s2 =	sadd.s32 s2, s16  }
0x8e: {  	[smem:$0x3F6B] =	sst s2  }
0x8f: {  	_ = 	snop  }
0x90: {  	(tm) =	ssettm $0x1  }
0x91: {  	s17 =	sld [smem:$0x3FFB];
	_ =	sdelay $0x3  }
0x92: {  	_ =	strace s17  }
0x93: {  	s2 =	sld [smem:$0x3FFC];
	_ =	sdelay $0x3  }
0x94: {  	_ =	strace s2  }
0x95: {  	s2 =	sld [smem:$0x3FFD];
	_ =	sdelay $0x3  }
0x96: {  	_ =	strace s2  }
0x97: {  	_ =	strace $0x8FFFFFFF  }
0x98: {  	s18 =	sld [smem:$0x3FDB];
	_ =	sdelay $0x1  }
0x99: {  	s19 =	simm.s32 $_scs_section_size  }
0x9a: {  	s4 =	simm.s32 $_size__tile_overlayer_lowered;
	s5 =	simm.s32 $_tile_overlayer_lowered  }
0x9b: {  	s22 =	simm.s32 $0x1BFF;
	s21 =	sshll.u32 s5, $0x1;
	s2 =	sadd.s32 s19, s18  }
0x9c: {  	s6 =	simm.s32 $0x0;
	s20 =	sshll.u32 s4, $0x1;
	s4 =	sadd.s32 s21, s2  }
0x9d: {  	[timem:s6], [sflag:s22] =	dma.local [hbm:s4], s20  }
0x9e: {  	_ =	swait.ge [sflag:s22], s20  }
0x9f: {  	s3 =	ssub.s32 $0x0, s20;
	[sflag:s22] =	ssyncset.done $0x0  }
0xa0: {  	[sflag:s22] =	ssyncadd.s32 s3;
	_ =	sdelay $0x1  }
0xa1: {  	s23 =	simm.s32 $0x1B8B  }
0xa2: {  	_ =	swait.ge [sflag:s23], $0x1  }
0xa3: {  	[sflag:s23] =	ssyncset.done $0x0  }
0xa4: {  	s25 =	simm.s32 $0x1B8E;
	s24 =	sld [smem:$0x3FFE];
	[sflag:s23] =	ssyncadd.s32 $0xFFFFFFFF  }
0xa5: {  	s26 =	simm.s32 $execute0_lowered;
	[smem:$0x3FD2] =	sst s25  }
0xa6: {  	s4 =	sshll.u32 s26, $0x1;
	_ =	strace $0x80000046;
	[dreg:$0x1] =	wrdreg $0xFFFFFFFF  }
0xa7: {  	s28 =	simm.s32 $_size_execute0_lowered;
	s2 =	sadd.s32 s2, s4;
	[dreg:$0x0] =	wrdreg $0x0  }
0xa8: {  	s4 =	sshll.u32 s28, $0x1;
	[dreg:$0x2] =	wrdreg s2  }
0xa9: {  	[dreg:$0x3] =	wrdreg s4  }
0xaa: {  	[dreg:$0x4] =	wrdreg $0xC0  }
0xab: {  	_ =	task [dreg:s6], $0x5FFFF  }
0xac: {  	[dreg:$0x1] =	wrdreg $0xFFFFFFFF  }
0xad: {  	[dreg:$0x0] =	wrdreg $0x60  }
0xae: {  	[dreg:$0x2] =	wrdreg s24  }
0xaf: {  	[dreg:$0x3] =	wrdreg $0x9  }
0xb0: {  	_ =	task.clear_ibuf [dreg:s6], $0x4FFFF;
	_ =	strace $0x90000046  }
0xb1: {  	s29 =	simm.s32 $0x9;
	_ =	strace $0x80000048  }
0xb2: {  	_ =	swait.ge [sflag:s29], $0x1  }
0xb3: {  	[sflag:s29] =	ssyncadd.s32 $0xFFFFFFFF  }
0xb4: {  	_ =	strace $0x90000048  }
0xb5: {  	_ =	sfence  }
0xb6: {  	s30 =	sld [smem:$0x0];
	_ =	sdelay $0x2  }
0xb7: {  	s31 =	sshll.u32 s1, $0xD;
	s1 =	sshrl.u32 s1, $0x2  }
0xb8: {  	s3 =	sand.u32 $0x4000, s31;
	s1 =	sadd.s32 s1, s30  }
0xb9: {  	s0 =	sor.u32 s3, s0;
	s1 =	sshll.u32 s1, $0x11  }
0xba: {  	s0 =	sor.u32 s1, s0  }
0xbb: {  	s0 =	sadd.s32 $0x8F2B, s0  }
0xbc: {  	[sflag:s0] =	ssyncadd.remote.s32 $0x1  }
0xbd: {  	_ =	sfence.sel $0xFFFF  }
0xbe: {  	[dreg:$0x0] =	wrdreg $0xFFFFFFFF;
	(pc) =	sbr.abs _section_cstart, $3  }
0xbf: {  	[dreg:$0x1] =	wrdreg $0xFFFFFFFF  }
0xc0: {  	_ =	task.clear_ibuf [dreg:s6], $0x2FFFF;
	_ =	strace $0x9FFFFFFF  }
0xc1: {  	(tm) =	ssettm $0x7FFFFFFF  }
tec
execute0_lowered:
.L_overlay_start_1:
0x0: {  	(tag) =	ssettag $0x1  }
0x1: {  	s5 =	rddreg [dreg:$0x0]  }
0x2: {  	s0 =	rddreg [dreg:$0x1];
	s2 =	simm.s32 $0x0;
	s3 =	srdreg.scid  }
0x3: {  	s1 =	stileid.u32;
	s12 =	simm.s32 $0x100;
	s13 =	simm.s32 $0x2100  }
0x4: {  	s14 =	simm.s32 $0x1;
	s15 =	simm.s32 $0x2;
	s7 =	smul.u32 $0x2800, s1  }
0x5: {  	s16 =	simm.s32 $0x0;
	s6 =	sand.u32 $0x1, s3;
	s9 =	smul.u32 $0x14000, s1  }
0x6: {  	[smem:$0x7FF] =	sst s2;
	s3 =	sadd.s32 $0x47C00, s5;
	s8 =	smul.u32 $0x1400, s6  }
0x7: {  	s4 =	sadd.s32 $0x5B600, s5;
	s29 =	ssub.s32 $0x2, s6;
	s6 =	smul.u32 $0xA000, s6  }
0x8: {  	_ =	strace $0x80000047;
	s9 =	sadd.s32 s9, s5;
	s10 =	sshrl.u32 s29, $0x1  }
0x9: {  	s7 =	sadd.s32 s8, s7;
	s30 =	ssub.s32 s29, s10;
	s31 =	sadd.s32 s6, s9  }
0xa: {  	s10 =	simm.s32 $0x3;
	s7 =	sshrl.u32 s7, $0x3;
	s6 =	sadd.s32 $0x1B4000, s31  }
0xb: {  	s11 =	sadd.s32 s7, s5;
	s5 =	smax.u32 s30, $0x1;
	s7 =	sadd.s32 $0x74000, s31  }
0xc: {  	s8 =	sadd.s32 $0x16A00, s11;
	s9 =	sadd.s32 $0x6F000, s11;
	s11 =	simm.s32 $0x80  }
.LBB2_1:
0xd: {  	s17 =	sadd.s32 $0x0, s9  }
0xe: {  	[tilespmem:s2], [sflag:$0x3] =	stream.linear.gather [hbm4b:s17+s2], $0x80, $0x38;
	[tilespmem:$0x4100] =	vst v63  }
0xf: {  	_ =	swait.ge [sflag:s10], $0x80  }
0x10: {  	[sflag:s10] =	ssyncset.done $0x0  }
0x11: {  	s31 =	sadd.s32 $0x0, s8;
	[sflag:s10] =	ssyncadd.s32 $0xFFFFFF80  }
0x12: {  	[tilespmem:s11], [sflag:$0x3] =	stream.linear.gather [hbm4b:s31+s2], $0x80, $0x38;
	[tilespmem:$0x4100] =	vst v63  }
0x13: {  	_ =	swait.ge [sflag:s10], $0x80  }
0x14: {  	[sflag:s10] =	ssyncset.done $0x0  }
0x15: {  	[sflag:s10] =	ssyncadd.s32 $0xFFFFFF80  }
0x16: {  	[tilespmem:s12], [sflag:$0x1] =	stream.indirect.gather [hbm4b:s3+s11], $0x40, s2, s11, $0xb8;
	[tilespmem:$0x4100] =	vst v63  }
0x17: {  	_ = 	snop  }
0x18: {  	[tilespmem:s13], [sflag:$0x2] =	stream.indirect.gather [hbm4b:s4+s11], $0x40, s11, s11, $0xb8;
	[tilespmem:$0x4100] =	vst v63  }
0x19: {  	_ =	swait.ge [sflag:s14], $0x2000  }
0x1a: {  	[sflag:s14] =	ssyncset.done $0x0  }
0x1b: {  	[sflag:s14] =	ssyncadd.s32 $0xFFFFE000  }
0x1c: {  	_ =	swait.ge [sflag:s15], $0x2000  }
0x1d: {  	[sflag:s15] =	ssyncset.done $0x0  }
0x1e: {  	[sflag:s15] =	ssyncadd.s32 $0xFFFFE000  }
0x1f: {  	[hbm4b:s7+s2] =	stream.linear.scatter [tilespmem:s12], [sflag:$0x3], $0x2000, $0x38;
	[tilespmem:$0x4100] =	vst v63  }
0x20: {  	_ =	swait.ge [sflag:s10], $0x2000  }
0x21: {  	[sflag:s10] =	ssyncset.done $0x0  }
0x22: {  	[sflag:s10] =	ssyncadd.s32 $0xFFFFE000  }
0x23: {  	[hbm4b:s6+s2] =	stream.linear.scatter [tilespmem:s13], [sflag:$0x3], $0x2000, $0x38;
	[tilespmem:$0x4100] =	vst v63  }
0x24: {  	s19 =	simm.s32 $0x10;
	s20 =	simm.s32 $0x20;
	_ =	swait.ge [sflag:s10], $0x2000  }
0x25: {  	s18 =	sadd.s32 $0x400, s7;
	s17 =	sadd.s32 $0x400, s6;
	[sflag:s10] =	ssyncset.done $0x0  }
.LBB2_2:
0x26: {  	s21 =	sadd.s32 s19, s9  }
0x27: {  	[sflag:s10] =	ssyncadd.s32 $0xFFFFE000;
	s22 =	smov.u32 s20;
	s23 =	sadd.s32 $0x10, s20  }
0x28: {  	[tilespmem:s2], [sflag:$0x3] =	stream.linear.gather [hbm4b:s21+s2], $0x80, $0x38;
	[tilespmem:$0x4100] =	vst v63  }
0x29: {  	p0 =	sne.s32 s20, $0x270;
	_ =	swait.ge [sflag:s10], $0x80  }
0x2a: {  	[sflag:s10] =	ssyncset.done $0x0  }
0x2b: {  	s20 =	sadd.s32 s19, s8;
	s19 =	smov.u32 s22;
	[sflag:s10] =	ssyncadd.s32 $0xFFFFFF80  }
0x2c: {  	[tilespmem:s11], [sflag:$0x3] =	stream.linear.gather [hbm4b:s20+s2], $0x80, $0x38;
	[tilespmem:$0x4100] =	vst v63  }
0x2d: {  	_ =	swait.ge [sflag:s10], $0x80  }
0x2e: {  	[sflag:s10] =	ssyncset.done $0x0  }
0x2f: {  	[sflag:s10] =	ssyncadd.s32 $0xFFFFFF80  }
0x30: {  	[tilespmem:s12], [sflag:$0x1] =	stream.indirect.gather [hbm4b:s3+s11], $0x40, s2, s11, $0xb8;
	[tilespmem:$0x4100] =	vst v63  }
0x31: {  	_ = 	snop  }
0x32: {  	[tilespmem:s13], [sflag:$0x2] =	stream.indirect.gather [hbm4b:s4+s11], $0x40, s11, s11, $0xb8;
	[tilespmem:$0x4100] =	vst v63  }
0x33: {  	_ =	swait.ge [sflag:s14], $0x2000  }
0x34: {  	[sflag:s14] =	ssyncset.done $0x0  }
0x35: {  	[sflag:s14] =	ssyncadd.s32 $0xFFFFE000  }
0x36: {  	_ =	swait.ge [sflag:s15], $0x2000  }
0x37: {  	[sflag:s15] =	ssyncset.done $0x0  }
0x38: {  	[sflag:s15] =	ssyncadd.s32 $0xFFFFE000  }
0x39: {  	[hbm4b:s18+s2] =	stream.linear.scatter [tilespmem:s12], [sflag:$0x3], $0x2000, $0x38;
	[tilespmem:$0x4100] =	vst v63  }
0x3a: {  	_ =	swait.ge [sflag:s10], $0x2000  }
.Ltmp0:
0x3b: {  	[sflag:s10] =	ssyncset.done $0x0;
	(pc) =	sbr.rel @p0 .LBB2_2-.Ltmp0, $4  }
0x3c: {  	[sflag:s10] =	ssyncadd.s32 $0xFFFFE000  }
0x3d: {  	[hbm4b:s17+s2] =	stream.linear.scatter [tilespmem:s13], [sflag:$0x3], $0x2000, $0x38;
	[tilespmem:$0x4100] =	vst v63  }
0x3e: {  	s20 =	smov.u32 s23;
	_ =	swait.ge [sflag:s10], $0x2000  }
0x3f: {  	s18 =	sadd.s32 $0x400, s18;
	s17 =	sadd.s32 $0x400, s17;
	[sflag:s10] =	ssyncset.done $0x0  }
0x40: {  	s20 =	sadd.s32 s19, s9;
	[sflag:s10] =	ssyncadd.s32 $0xFFFFE000  }
0x41: {  	[tilespmem:s2], [sflag:$0x3] =	stream.linear.gather [hbm4b:s20+s2], $0x80, $0x38;
	[tilespmem:$0x4100] =	vst v63  }
0x42: {  	_ =	swait.ge [sflag:s10], $0x80  }
0x43: {  	[sflag:s10] =	ssyncset.done $0x0  }
0x44: {  	s31 =	sadd.s32 s19, s8;
	[sflag:s10] =	ssyncadd.s32 $0xFFFFFF80  }
0x45: {  	[tilespmem:s11], [sflag:$0x3] =	stream.linear.gather [hbm4b:s31+s2], $0x80, $0x38;
	[tilespmem:$0x4100] =	vst v63  }
0x46: {  	_ =	swait.ge [sflag:s10], $0x80  }
0x47: {  	[sflag:s10] =	ssyncset.done $0x0  }
0x48: {  	[sflag:s10] =	ssyncadd.s32 $0xFFFFFF80  }
0x49: {  	[tilespmem:s12], [sflag:$0x1] =	stream.indirect.gather [hbm4b:s3+s11], $0x40, s2, s11, $0xb8;
	[tilespmem:$0x4100] =	vst v63  }
0x4a: {  	_ = 	snop  }
0x4b: {  	[tilespmem:s13], [sflag:$0x2] =	stream.indirect.gather [hbm4b:s4+s11], $0x40, s11, s11, $0xb8;
	[tilespmem:$0x4100] =	vst v63  }
0x4c: {  	_ =	swait.ge [sflag:s14], $0x2000  }
0x4d: {  	[sflag:s14] =	ssyncset.done $0x0  }
0x4e: {  	[sflag:s14] =	ssyncadd.s32 $0xFFFFE000  }
0x4f: {  	_ =	swait.ge [sflag:s15], $0x2000  }
0x50: {  	[sflag:s15] =	ssyncset.done $0x0  }
0x51: {  	[sflag:s15] =	ssyncadd.s32 $0xFFFFE000  }
0x52: {  	[hbm4b:s18+s2] =	stream.linear.scatter [tilespmem:s12], [sflag:$0x3], $0x2000, $0x38;
	[tilespmem:$0x4100] =	vst v63  }
0x53: {  	s16 =	sadd.s32 $0x1, s16;
	_ =	swait.ge [sflag:s10], $0x2000  }
0x54: {  	p0 =	sne.s32 s16, s5;
	[sflag:s10] =	ssyncset.done $0x0  }
.Ltmp1:
0x55: {  	[sflag:s10] =	ssyncadd.s32 $0xFFFFE000;
	(pc) =	sbr.rel @p0 .LBB2_1-.Ltmp1, $4  }
0x56: {  	[hbm4b:s17+s2] =	stream.linear.scatter [tilespmem:s13], [sflag:$0x3], $0x2000, $0x38;
	[tilespmem:$0x4100] =	vst v63  }
0x57: {  	_ =	swait.ge [sflag:s10], $0x2000  }
0x58: {  	[sflag:s10] =	ssyncset.done $0x0  }
0x59: {  	[sflag:s10] =	ssyncadd.s32 $0xFFFFE000  }
0x5a: {  	_ =	sfence.sel $0x180000  }
0x5b: {  	[bflag:$0x0] =	sbarrier.arrive $0xFFFF  }
0x5c: {  	p0 =	sne.s32 s1, $0x0;
	_ =	strace $0x90000047  }
0x5d: {  	s0 =	sadd.s32 @!p0 $0x100000, s0;
	[bflag:$0x2] =	sbarrier.arrive $0xFFFF  }
0x5e: {  	[sflag:s0] =	ssyncadd.tile.s32 @!p0 $0x1;
	_ =	shalt  }
.Lfunc_end2:
_tile_overlayer_lowered:
.L_overlay_start_2:
0x5f: {  	(tag) =	ssettag $0x2  }
0x60: {  	s0 =	rddreg [dreg:$0x0];
	s2 =	stileid.u32  }
0x61: {  	s1 =	rddreg [dreg:$0x1];
	p0 =	sne.s32 s2, $0x0  }
0x62: {  	s3 =	rddreg [dreg:$0x2];
	[bflag:$0x3] =	sbarrier.arrive $0xFFFF;
	s2 =	simm.s32 @!p0 $0x1C03  }
0x63: {  	[timem:s3], [sflag:s2] =	dma.local @!p0 [hbm:s0], s1  }
0x64: {  	s0 =	simm.s32 @!p0 $0x3  }
0x65: {  	_ =	swait.ge @!p0 [sflag:s0], s1  }
0x66: {  	s1 =	ssub.s32 @!p0 $0x0, s1;
	[sflag:s0] =	ssyncset.done @!p0 $0x0  }
0x67: {  	[sflag:s0] =	ssyncadd.s32 @!p0 s1  }
0x68: {  	[bflag:$0x3] =	sbarrier.arrive $0xFFFF  }
0x69: {  	_ =	shalt  }

// kernel: kernel.34.cloned.1.call-start
scs
__scs_entry_jumppad:
0x0: {  	(pc) =	sbr.rel $0x88, $3  }
0x1: {  	(tag) =	ssettag $0x0;
	lr =	simm.s32 $0x1  }
0x2: {  	[smem:$0x3F44] =	sst lr;
	_ =	strace $0xD0000000  }
0x3: {  	_ = 	snop  }
0x4: {  	_ = 	snop  }
0x5: {  	_ = 	snop  }
0x6: {  	_ = 	snop  }
0x7: {  	_ = 	snop  }
__scs_overlays_trampoline_lowered:
0x8: {  	[smem:$0x3F53] =	sst s0  }
0x9: {  	[smem:$0x3F54] =	sst s1  }
0xa: {  	[smem:$0x3F55] =	sst s2  }
0xb: {  	[smem:$0x3F56] =	sst s3  }
0xc: {  	[smem:$0x3F57] =	sst s4  }
0xd: {  	[smem:$0x3F58] =	sst s5  }
0xe: {  	[smem:$0x3F59] =	sst s6  }
0xf: {  	[smem:$0x3F5A] =	sst s7  }
0x10: {  	[smem:$0x3F5B] =	sst s8  }
0x11: {  	[smem:$0x3F5C] =	sst s9;
	s0 =	simm.s32 @!p0 $0x0  }
0x12: {  	s1 =	sld [smem:$0x3F42];
	s0 =	simm.s32 @p0 $0x1  }
0x13: {  	[smem:$0x3F5D] =	sst s0;
	s0 =	simm.s32 @!p1 $0x0  }
0x14: {  	s2 =	sld [smem:$0x3F41];
	s0 =	simm.s32 @p1 $0x1  }
0x15: {  	[smem:$0x3F5E] =	sst s0;
	s0 =	simm.s32 @!p2 $0x0  }
0x16: {  	s3 =	sld [smem:$0x3FDB];
	s0 =	simm.s32 @p2 $0x1  }
0x17: {  	s4 =	simm.s32 $0x1BF5;
	[smem:$0x3F60] =	sst s0  }
0x18: {  	s0 =	sld [smem:$0x3F43];
	_ =	swait.ge [sflag:s4], $0x0  }
0x19: {  	s7 =	sld [smem:$0x3F44]  }
0x1a: {  	s8 =	sadd.s32 $0xFFFFE003, lr  }
0x1b: {  	s9 =	sadd.s32 $0xFFFFFEF7, lr;
	s5 =	simm.s32 $0xFFFFFFFF;
	p2 =	slt.u32 s8, $0xFFFFF086  }
0x1c: {  	p1 =	slt.u32 s9, $0xF7A;
	s5 =	simm.s32 @!p2 $0x0  }
0x1d: {  	s5 =	simm.s32 @p1 $0x1;
	p0 =	seq.s32 s7, s2  }
0x1e: {  	s7 =	smul.u32 @!p0 $0xF7A, s2;
	p2 =	seq.s32 @!p0 s5, $0x0  }
0x1f: {  	s9 =	smul.u32 $0xF7A, s1;
	s8 =	simm.s32 @!p0 $0x1BF5;
	p2 =	por !p2, p0  }
0x20: {  	[sflag:s8] =	ssyncset.s32 @!p0 $0xFFFFF086;
	s6 =	sadd.s32 @!p0 s3, s7;
	s7 =	simm.s32 @!p0 $0x108  }
0x21: {  	s3 =	sadd.s32 s3, s9;
	s6 =	sadd.s32 @!p0 $0x88, s6;
	s7 =	simm.s32 @p2 $0x1082  }
0x22: {  	[simem:s7], [sflag:s8] =	dma.local @!p0 [hbm:s6], $0xF7A  }
0x23: {  	s9 =	sor.u32 $0xD0000000, s2;
	s6 =	simm.s32 $0x108;
	_ =	swait.ge @!p0 [sflag:s8], $0x0  }
0x24: {  	s3 =	sadd.s32 $0x88, s3;
	s6 =	simm.s32 @!p1 $0x1082;
	[sflag:s4] =	ssyncset.s32 $0xFFFFF086  }
0x25: {  	[simem:s6], [sflag:s4] =	dma.local [hbm:s3], $0xF7A  }
0x26: {  	[smem:$0x3F44] =	sst s1;
	(tag) =	ssettag s2;
	_ =	strace s9  }
0x27: {  	s1 =	sld [smem:$0x3F54]  }
0x28: {  	s2 =	sld [smem:$0x3F55]  }
0x29: {  	s4 =	sld [smem:$0x3F57]  }
0x2a: {  	p0 =	seq.s32 s5, $0x0;
	s5 =	sld [smem:$0x3F58]  }
0x2b: {  	s6 =	sld [smem:$0x3F59]  }
0x2c: {  	s7 =	sld [smem:$0x3F5A]  }
0x2d: {  	s3 =	simm.s32 $0x108;
	s8 =	sld [smem:$0x3F5B]  }
0x2e: {  	s3 =	simm.s32 @!p0 $0x1082;
	s9 =	sld [smem:$0x3F5C]  }
0x2f: {  	lr =	sadd.s32 s0, s3;
	s0 =	sld [smem:$0x3F53]  }
0x30: {  	s3 =	sld [smem:$0x3F56]  }
0x31: {  	[smem:$0x3F5F] =	sst s10  }
0x32: {  	s10 =	sld [smem:$0x3F5D];
	_ =	sdelay $0x3  }
0x33: {  	p0 =	seq.s32 s10, $0x1;
	s10 =	sld [smem:$0x3F5F];
	_ =	sdelay $0x3  }
0x34: {  	[smem:$0x3F5F] =	sst s10  }
0x35: {  	s10 =	sld [smem:$0x3F5E];
	_ =	sdelay $0x3  }
0x36: {  	p1 =	seq.s32 s10, $0x1;
	s10 =	sld [smem:$0x3F5F];
	_ =	sdelay $0x3  }
0x37: {  	[smem:$0x3F5F] =	sst s10  }
0x38: {  	s10 =	sld [smem:$0x3F60]  }
0x39: {  	_ = 	snop;
	(pc) =	sbr.ind lr, $3  }
0x3a: {  	_ = 	snop  }
0x3b: {  	_ = 	snop  }
0x3c: {  	p2 =	seq.s32 s10, $0x1;
	s10 =	sld [smem:$0x3F5F]  }
0x3d: {  	_ =	shalt  }
0x3e: {  	_ =	shalt  }
0x3f: {  	_ =	shalt  }
0x40: {  	_ =	shalt  }
0x41: {  	_ =	shalt  }
0x42: {  	_ =	shalt  }
0x43: {  	_ =	shalt  }
0x44: {  	_ =	shalt  }
0x45: {  	_ =	shalt  }
0x46: {  	_ =	shalt  }
0x47: {  	_ =	shalt  }
0x48: {  	_ =	shalt  }
0x49: {  	_ =	shalt  }
0x4a: {  	_ =	shalt  }
0x4b: {  	_ =	shalt  }
0x4c: {  	_ =	shalt  }
0x4d: {  	_ =	shalt  }
0x4e: {  	_ =	shalt  }
0x4f: {  	_ =	shalt  }
0x50: {  	_ =	shalt  }
0x51: {  	_ =	shalt  }
0x52: {  	_ =	shalt  }
0x53: {  	_ =	shalt  }
0x54: {  	_ =	shalt  }
0x55: {  	_ =	shalt  }
0x56: {  	_ =	shalt  }
0x57: {  	_ =	shalt  }
0x58: {  	_ =	shalt  }
0x59: {  	_ =	shalt  }
0x5a: {  	_ =	shalt  }
0x5b: {  	_ =	shalt  }
0x5c: {  	_ =	shalt  }
0x5d: {  	_ =	shalt  }
0x5e: {  	_ =	shalt  }
0x5f: {  	_ =	shalt  }
0x60: {  	_ =	shalt  }
0x61: {  	_ =	shalt  }
0x62: {  	_ =	shalt  }
0x63: {  	_ =	shalt  }
0x64: {  	_ =	shalt  }
0x65: {  	_ =	shalt  }
0x66: {  	_ =	shalt  }
0x67: {  	_ =	shalt  }
0x68: {  	_ =	shalt  }
0x69: {  	_ =	shalt  }
0x6a: {  	_ =	shalt  }
0x6b: {  	_ =	shalt  }
0x6c: {  	_ =	shalt  }
0x6d: {  	_ =	shalt  }
0x6e: {  	_ =	shalt  }
0x6f: {  	_ =	shalt  }
0x70: {  	_ =	shalt  }
0x71: {  	_ =	shalt  }
0x72: {  	_ =	shalt  }
0x73: {  	_ =	shalt  }
0x74: {  	_ =	shalt  }
0x75: {  	_ =	shalt  }
0x76: {  	_ =	shalt  }
0x77: {  	_ =	shalt  }
0x78: {  	_ =	shalt  }
0x79: {  	_ =	shalt  }
0x7a: {  	_ =	shalt  }
0x7b: {  	_ =	shalt  }
0x7c: {  	_ =	shalt  }
0x7d: {  	_ =	shalt  }
0x7e: {  	_ =	shalt  }
0x7f: {  	_ =	shalt  }
0x80: {  	_ =	shalt  }
0x81: {  	_ =	shalt  }
0x82: {  	_ =	shalt  }
0x83: {  	_ =	shalt  }
0x84: {  	_ =	shalt  }
0x85: {  	_ =	shalt  }
0x86: {  	_ =	shalt  }
0x87: {  	_ =	shalt  }
.Lfunc_end0:
.L_simem_size_0:
called_computation.1_lowered:
.L_overlay_start_0:
0x88: {  	s2 =	sld [smem:$0x3FD9]  }
0x89: {  	s3 =	sld [smem:$0x3FFE];
	_ =	sdelay $0x1  }
0x8a: {  	s1 =	srdreg.scid  }
0x8b: {  	s0 =	sand.u32 $0x1, s1  }
0x8c: {  	s16 =	sshll.u32 s0, $0xA;
	s2 =	sadd.s32 s3, s2  }
0x8d: {  	s2 =	sadd.s32 s2, s16  }
0x8e: {  	[smem:$0x3F6B] =	sst s2  }
0x8f: {  	_ = 	snop  }
0x90: {  	(tm) =	ssettm $0x1  }
0x91: {  	s17 =	sld [smem:$0x3FFB];
	_ =	sdelay $0x3  }
0x92: {  	_ =	strace s17  }
0x93: {  	s2 =	sld [smem:$0x3FFC];
	_ =	sdelay $0x3  }
0x94: {  	_ =	strace s2  }
0x95: {  	s2 =	sld [smem:$0x3FFD];
	_ =	sdelay $0x3  }
0x96: {  	_ =	strace s2  }
0x97: {  	_ =	strace $0x8FFFFFFF  }
0x98: {  	s18 =	sld [smem:$0x3FDB];
	_ =	sdelay $0x1  }
0x99: {  	s19 =	simm.s32 $_scs_section_size  }
0x9a: {  	s4 =	simm.s32 $_size__tile_overlayer_lowered;
	s5 =	simm.s32 $_tile_overlayer_lowered  }
0x9b: {  	s22 =	simm.s32 $0x1BFF;
	s21 =	sshll.u32 s5, $0x1;
	s2 =	sadd.s32 s19, s18  }
0x9c: {  	s6 =	simm.s32 $0x0;
	s20 =	sshll.u32 s4, $0x1;
	s4 =	sadd.s32 s21, s2  }
0x9d: {  	[timem:s6], [sflag:s22] =	dma.local [hbm:s4], s20  }
0x9e: {  	_ =	swait.ge [sflag:s22], s20  }
0x9f: {  	s3 =	ssub.s32 $0x0, s20;
	[sflag:s22] =	ssyncset.done $0x0  }
0xa0: {  	[sflag:s22] =	ssyncadd.s32 s3;
	_ =	sdelay $0x1  }
0xa1: {  	s23 =	simm.s32 $0x1B8B  }
0xa2: {  	_ =	swait.ge [sflag:s23], $0x1  }
0xa3: {  	[sflag:s23] =	ssyncset.done $0x0  }
0xa4: {  	s25 =	simm.s32 $0x1B8E;
	s24 =	sld [smem:$0x3FFE];
	[sflag:s23] =	ssyncadd.s32 $0xFFFFFFFF  }
0xa5: {  	s26 =	simm.s32 $execute0_lowered;
	[smem:$0x3FD2] =	sst s25  }
0xa6: {  	s4 =	sshll.u32 s26, $0x1;
	_ =	strace $0x80000049;
	[dreg:$0x1] =	wrdreg $0xFFFFFFFF  }
0xa7: {  	s28 =	simm.s32 $_size_execute0_lowered;
	s2 =	sadd.s32 s2, s4;
	[dreg:$0x0] =	wrdreg $0x0  }
0xa8: {  	s4 =	sshll.u32 s28, $0x1;
	[dreg:$0x2] =	wrdreg s2  }
0xa9: {  	[dreg:$0x3] =	wrdreg s4  }
0xaa: {  	[dreg:$0x4] =	wrdreg $0xC0  }
0xab: {  	_ =	task [dreg:s6], $0x5FFFF  }
0xac: {  	[dreg:$0x1] =	wrdreg $0xFFFFFFFF  }
0xad: {  	[dreg:$0x0] =	wrdreg $0x60  }
0xae: {  	[dreg:$0x2] =	wrdreg s24  }
0xaf: {  	[dreg:$0x3] =	wrdreg $0x54000  }
0xb0: {  	[dreg:$0x4] =	wrdreg $0x9  }
0xb1: {  	_ =	task.clear_ibuf [dreg:s6], $0x5FFFF;
	_ =	strace $0x90000049  }
0xb2: {  	s29 =	simm.s32 $0x9;
	_ =	strace $0x8000004B  }
0xb3: {  	_ =	swait.ge [sflag:s29], $0x1  }
0xb4: {  	[sflag:s29] =	ssyncadd.s32 $0xFFFFFFFF  }
0xb5: {  	_ =	strace $0x9000004B  }
0xb6: {  	_ =	sfence  }
0xb7: {  	s30 =	sld [smem:$0x0];
	_ =	sdelay $0x2  }
0xb8: {  	s31 =	sshll.u32 s1, $0xD;
	s1 =	sshrl.u32 s1, $0x2  }
0xb9: {  	s3 =	sand.u32 $0x4000, s31;
	s1 =	sadd.s32 s1, s30  }
0xba: {  	s0 =	sor.u32 s3, s0;
	s1 =	sshll.u32 s1, $0x11  }
0xbb: {  	s0 =	sor.u32 s1, s0  }
0xbc: {  	s0 =	sadd.s32 $0x8F2B, s0  }
0xbd: {  	[sflag:s0] =	ssyncadd.remote.s32 $0x1  }
0xbe: {  	_ =	sfence.sel $0xFFFF  }
0xbf: {  	[dreg:$0x0] =	wrdreg $0xFFFFFFFF;
	(pc) =	sbr.abs _section_cstart, $3  }
0xc0: {  	[dreg:$0x1] =	wrdreg $0xFFFFFFFF  }
0xc1: {  	_ =	task.clear_ibuf [dreg:s6], $0x2FFFF;
	_ =	strace $0x9FFFFFFF  }
0xc2: {  	(tm) =	ssettm $0x7FFFFFFF  }
0xc3: {  	_ =	shalt  }
tec
execute0_lowered:
.L_overlay_start_1:
0x0: {  	(tag) =	ssettag $0x1  }
0x1: {  	s1 =	srdreg.scid;
	s0 =	stileid.u32  }
0x2: {  	s5 =	rddreg [dreg:$0x0];
	s7 =	smul.u32 $0x28000, s0  }
0x3: {  	s2 =	rddreg [dreg:$0x1];
	s3 =	simm.s32 $0x0;
	s9 =	smul.u32 $0x1F400, s0  }
0x4: {  	s13 =	simm.s32 $0x80;
	s14 =	simm.s32 $0x0;
	s10 =	smul.u32 $0x3E80, s0  }
0x5: {  	s4 =	sand.u32 $0x1, s1;
	s25 =	sshll.u32 s0, $0x1;
	s11 =	smul.u32 $0x7D000, s0  }
0x6: {  	[smem:$0x7FF] =	sst s3;
	p0 =	sgt.u32 s0, $0x9;
	s8 =	smul.u32 $0x138800, s4  }
0x7: {  	s1 =	sor.u32 s4, s25;
	s26 =	ssub.s32 $0x2, s4;
	s30 =	smul.u32 $0x14000, s4  }
0x8: {  	s6 =	smul.u32 $0x280, s1;
	s1 =	rddreg [dreg:$0x2];
	_ =	strace $0x8000004A  }
0x9: {  	s7 =	sadd.s32 s7, s5;
	s10 =	sadd.s32 s10, s5;
	s28 =	sshrl.u32 s26, $0x1  }
0xa: {  	s29 =	sshrl.u32 s11, $0x2;
	s11 =	simm.s32 $0x1;
	s8 =	sadd.s32 s9, s8  }
0xb: {  	s9 =	ssub.s32 s26, s28;
	s12 =	sadd.s32 s29, s2;
	s4 =	sadd.s32 $0x47C00, s10  }
0xc: {  	s31 =	sadd.s32 s30, s7;
	s6 =	sadd.s32 s6, s5;
	s8 =	sshrl.u32 s8, $0x3  }
0xd: {  	s7 =	smax.u32 s9, $0x1;
	s9 =	sshll.u32 @!p0 s0, $0x6;
	s10 =	sshrl.u32 @!p0 s12, $0x3  }
0xe: {  	s12 =	simm.s32 $0x1400;
	s8 =	sadd.s32 s8, s5;
	s5 =	sadd.s32 $0x1BA00, s6  }
0xf: {  	s9 =	sor.u32 @!p0 $0x1C01, s9;
	s6 =	sadd.s32 $0x2F9000, s8;
	s8 =	sadd.s32 $0x74000, s31  }
.LBB2_1:
0x10: {  	[spmem:s10], [sflag:s9] =	dma.local @!p0 [hbm:s4], $0x3E80  }
0x11: {  	s15 =	simm.s32 @!p0 $0x1  }
0x12: {  	_ =	swait.ge @!p0 [sflag:s15], $0x3E80  }
0x13: {  	[sflag:s15] =	ssyncset.done @!p0 $0x0  }
0x14: {  	[sflag:s15] =	ssyncadd.s32 @!p0 $0xFFFFC180  }
0x15: {  	[tilespmem:s3], [sflag:$0x1] =	stream.linear.gather [hbm4b:s5+s3], $0x1400, $0x38;
	[tilespmem:$0x18C80] =	vst v63  }
0x16: {  	_ =	swait.ge [sflag:s11], $0x1400  }
0x17: {  	[sflag:s11] =	ssyncset.done $0x0  }
0x18: {  	[sflag:s11] =	ssyncadd.s32 $0xFFFFEC00  }
0x19: {  	[bflag:$0x0] =	sbarrier.arrive $0xFFFF  }
0x1a: {  	[tilespmem:s12], [sflag:$0x1] =	stream.linear.gather [hbm4b:s8+s3], $0x4000, $0x38;
	[tilespmem:$0x18C80] =	vst v63  }
0x1b: {  	_ =	swait.ge [sflag:s11], $0x4000  }
0x1c: {  	[sflag:s11] =	ssyncset.done $0x0  }
0x1d: {  	s31 =	simm.s32 $0x0;
	[sflag:s11] =	ssyncadd.s32 $0xFFFFC000  }
0x1e: {  	[spmem:s2] =	stream.indirect.scatter.add.f32 [tilespmem:s12], [sflag:$0x1], $0x80, s31, s13, $0xb8;
	[tilespmem:$0x18C80] =	vst v63  }
0x1f: {  	_ =	swait.ge [sflag:s11], $0x4000  }
0x20: {  	s16 =	smov.u32 s8;
	s15 =	simm.s32 $0x200;
	[sflag:s11] =	ssyncset.done $0x0  }
.LBB2_2:
0x21: {  	p1 =	sne.s32 s15, $0x4E00;
	[sflag:s11] =	ssyncadd.s32 $0xFFFFC000;
	s16 =	sadd.s32 $0x800, s16  }
0x22: {  	[tilespmem:s12], [sflag:$0x1] =	stream.linear.gather [hbm4b:s16+s3], $0x4000, $0x38;
	[tilespmem:$0x18C80] =	vst v63  }
0x23: {  	s17 =	smov.u32 s15;
	s15 =	sadd.s32 $0x200, s15;
	_ =	swait.ge [sflag:s11], $0x4000  }
.Ltmp0:
0x24: {  	[sflag:s11] =	ssyncset.done $0x0;
	(pc) =	sbr.rel @p1 .LBB2_2-.Ltmp0, $4  }
0x25: {  	s17 =	sshra.s32 s17, $0x2;
	[sflag:s11] =	ssyncadd.s32 $0xFFFFC000  }
0x26: {  	[spmem:s2] =	stream.indirect.scatter.add.f32 [tilespmem:s12], [sflag:$0x1], $0x80, s17, s13, $0xb8;
	[tilespmem:$0x18C80] =	vst v63  }
0x27: {  	_ =	swait.ge [sflag:s11], $0x4000  }
0x28: {  	[sflag:s11] =	ssyncset.done $0x0  }
0x29: {  	s14 =	sadd.s32 $0x1, s14  }
0x2a: {  	[sflag:s11] =	ssyncadd.s32 $0xFFFFC000;
	p1 =	sne.s32 s14, s7  }
.Ltmp1:
0x2b: {  	s15 =	simm.s32 @!p0 $0x1;
	[bflag:$0x0] =	sbarrier.arrive $0xFFFF;
	(pc) =	sbr.rel @p1 .LBB2_1-.Ltmp1, $4  }
0x2c: {  	[hbm:s6], [sflag:s9] =	dma.local @!p0 [spmem:s10], $0x3E80  }
0x2d: {  	_ =	swait.ge @!p0 [sflag:s15], $0x3E80  }
0x2e: {  	[sflag:s15] =	ssyncset.done @!p0 $0x0  }
0x2f: {  	[sflag:s15] =	ssyncadd.s32 @!p0 $0xFFFFC180  }
0x30: {  	_ =	sfence.sel $0x180000  }
0x31: {  	[bflag:$0x0] =	sbarrier.arrive $0xFFFF  }
0x32: {  	p0 =	sne.s32 s0, $0x0;
	_ =	strace $0x9000004A  }
0x33: {  	s0 =	sadd.s32 @!p0 $0x100000, s1;
	[bflag:$0x2] =	sbarrier.arrive $0xFFFF  }
0x34: {  	[sflag:s0] =	ssyncadd.tile.s32 @!p0 $0x1;
	_ =	shalt  }
.Lfunc_end2:
_tile_overlayer_lowered:
.L_overlay_start_2:
0x35: {  	(tag) =	ssettag $0x2  }
0x36: {  	s0 =	rddreg [dreg:$0x0];
	s2 =	stileid.u32  }
0x37: {  	s1 =	rddreg [dreg:$0x1];
	p0 =	sne.s32 s2, $0x0  }
0x38: {  	s3 =	rddreg [dreg:$0x2];
	[bflag:$0x3] =	sbarrier.arrive $0xFFFF;
	s2 =	simm.s32 @!p0 $0x1C01  }
0x39: {  	[timem:s3], [sflag:s2] =	dma.local @!p0 [hbm:s0], s1  }
0x3a: {  	s0 =	simm.s32 @!p0 $0x1  }
0x3b: {  	_ =	swait.ge @!p0 [sflag:s0], s1  }
0x3c: {  	s1 =	ssub.s32 @!p0 $0x0, s1;
	[sflag:s0] =	ssyncset.done @!p0 $0x0  }
0x3d: {  	[sflag:s0] =	ssyncadd.s32 @!p0 s1  }
0x3e: {  	[bflag:$0x3] =	sbarrier.arrive $0xFFFF  }
0x3f: {  	_ =	shalt  }

// kernel: kernel.37.cloned.1.call-start
scs
__scs_entry_jumppad:
0x0: {  	(pc) =	sbr.rel $0x88, $3  }
0x1: {  	(tag) =	ssettag $0x0;
	lr =	simm.s32 $0x1  }
0x2: {  	[smem:$0x3F44] =	sst lr;
	_ =	strace $0xD0000000  }
0x3: {  	_ = 	snop  }
0x4: {  	_ = 	snop  }
0x5: {  	_ = 	snop  }
0x6: {  	_ = 	snop  }
0x7: {  	_ = 	snop  }
__scs_overlays_trampoline_lowered:
0x8: {  	[smem:$0x3F53] =	sst s0  }
0x9: {  	[smem:$0x3F54] =	sst s1  }
0xa: {  	[smem:$0x3F55] =	sst s2  }
0xb: {  	[smem:$0x3F56] =	sst s3  }
0xc: {  	[smem:$0x3F57] =	sst s4  }
0xd: {  	[smem:$0x3F58] =	sst s5  }
0xe: {  	[smem:$0x3F59] =	sst s6  }
0xf: {  	[smem:$0x3F5A] =	sst s7  }
0x10: {  	[smem:$0x3F5B] =	sst s8  }
0x11: {  	[smem:$0x3F5C] =	sst s9;
	s0 =	simm.s32 @!p0 $0x0  }
0x12: {  	s1 =	sld [smem:$0x3F42];
	s0 =	simm.s32 @p0 $0x1  }
0x13: {  	[smem:$0x3F5D] =	sst s0;
	s0 =	simm.s32 @!p1 $0x0  }
0x14: {  	s2 =	sld [smem:$0x3F41];
	s0 =	simm.s32 @p1 $0x1  }
0x15: {  	[smem:$0x3F5E] =	sst s0;
	s0 =	simm.s32 @!p2 $0x0  }
0x16: {  	s3 =	sld [smem:$0x3FDB];
	s0 =	simm.s32 @p2 $0x1  }
0x17: {  	s4 =	simm.s32 $0x1BF5;
	[smem:$0x3F60] =	sst s0  }
0x18: {  	s0 =	sld [smem:$0x3F43];
	_ =	swait.ge [sflag:s4], $0x0  }
0x19: {  	s7 =	sld [smem:$0x3F44]  }
0x1a: {  	s8 =	sadd.s32 $0xFFFFE003, lr  }
0x1b: {  	s9 =	sadd.s32 $0xFFFFFEF7, lr;
	s5 =	simm.s32 $0xFFFFFFFF;
	p2 =	slt.u32 s8, $0xFFFFF086  }
0x1c: {  	p1 =	slt.u32 s9, $0xF7A;
	s5 =	simm.s32 @!p2 $0x0  }
0x1d: {  	s5 =	simm.s32 @p1 $0x1;
	p0 =	seq.s32 s7, s2  }
0x1e: {  	s7 =	smul.u32 @!p0 $0xF7A, s2;
	p2 =	seq.s32 @!p0 s5, $0x0  }
0x1f: {  	s9 =	smul.u32 $0xF7A, s1;
	s8 =	simm.s32 @!p0 $0x1BF5;
	p2 =	por !p2, p0  }
0x20: {  	[sflag:s8] =	ssyncset.s32 @!p0 $0xFFFFF086;
	s6 =	sadd.s32 @!p0 s3, s7;
	s7 =	simm.s32 @!p0 $0x108  }
0x21: {  	s3 =	sadd.s32 s3, s9;
	s6 =	sadd.s32 @!p0 $0x88, s6;
	s7 =	simm.s32 @p2 $0x1082  }
0x22: {  	[simem:s7], [sflag:s8] =	dma.local @!p0 [hbm:s6], $0xF7A  }
0x23: {  	s9 =	sor.u32 $0xD0000000, s2;
	s6 =	simm.s32 $0x108;
	_ =	swait.ge @!p0 [sflag:s8], $0x0  }
0x24: {  	s3 =	sadd.s32 $0x88, s3;
	s6 =	simm.s32 @!p1 $0x1082;
	[sflag:s4] =	ssyncset.s32 $0xFFFFF086  }
0x25: {  	[simem:s6], [sflag:s4] =	dma.local [hbm:s3], $0xF7A  }
0x26: {  	[smem:$0x3F44] =	sst s1;
	(tag) =	ssettag s2;
	_ =	strace s9  }
0x27: {  	s1 =	sld [smem:$0x3F54]  }
0x28: {  	s2 =	sld [smem:$0x3F55]  }
0x29: {  	s4 =	sld [smem:$0x3F57]  }
0x2a: {  	p0 =	seq.s32 s5, $0x0;
	s5 =	sld [smem:$0x3F58]  }
0x2b: {  	s6 =	sld [smem:$0x3F59]  }
0x2c: {  	s7 =	sld [smem:$0x3F5A]  }
0x2d: {  	s3 =	simm.s32 $0x108;
	s8 =	sld [smem:$0x3F5B]  }
0x2e: {  	s3 =	simm.s32 @!p0 $0x1082;
	s9 =	sld [smem:$0x3F5C]  }
0x2f: {  	lr =	sadd.s32 s0, s3;
	s0 =	sld [smem:$0x3F53]  }
0x30: {  	s3 =	sld [smem:$0x3F56]  }
0x31: {  	[smem:$0x3F5F] =	sst s10  }
0x32: {  	s10 =	sld [smem:$0x3F5D];
	_ =	sdelay $0x3  }
0x33: {  	p0 =	seq.s32 s10, $0x1;
	s10 =	sld [smem:$0x3F5F];
	_ =	sdelay $0x3  }
0x34: {  	[smem:$0x3F5F] =	sst s10  }
0x35: {  	s10 =	sld [smem:$0x3F5E];
	_ =	sdelay $0x3  }
0x36: {  	p1 =	seq.s32 s10, $0x1;
	s10 =	sld [smem:$0x3F5F];
	_ =	sdelay $0x3  }
0x37: {  	[smem:$0x3F5F] =	sst s10  }
0x38: {  	s10 =	sld [smem:$0x3F60]  }
0x39: {  	_ = 	snop;
	(pc) =	sbr.ind lr, $3  }
0x3a: {  	_ = 	snop  }
0x3b: {  	_ = 	snop  }
0x3c: {  	p2 =	seq.s32 s10, $0x1;
	s10 =	sld [smem:$0x3F5F]  }
0x3d: {  	_ =	shalt  }
0x3e: {  	_ =	shalt  }
0x3f: {  	_ =	shalt  }
0x40: {  	_ =	shalt  }
0x41: {  	_ =	shalt  }
0x42: {  	_ =	shalt  }
0x43: {  	_ =	shalt  }
0x44: {  	_ =	shalt  }
0x45: {  	_ =	shalt  }
0x46: {  	_ =	shalt  }
0x47: {  	_ =	shalt  }
0x48: {  	_ =	shalt  }
0x49: {  	_ =	shalt  }
0x4a: {  	_ =	shalt  }
0x4b: {  	_ =	shalt  }
0x4c: {  	_ =	shalt  }
0x4d: {  	_ =	shalt  }
0x4e: {  	_ =	shalt  }
0x4f: {  	_ =	shalt  }
0x50: {  	_ =	shalt  }
0x51: {  	_ =	shalt  }
0x52: {  	_ =	shalt  }
0x53: {  	_ =	shalt  }
0x54: {  	_ =	shalt  }
0x55: {  	_ =	shalt  }
0x56: {  	_ =	shalt  }
0x57: {  	_ =	shalt  }
0x58: {  	_ =	shalt  }
0x59: {  	_ =	shalt  }
0x5a: {  	_ =	shalt  }
0x5b: {  	_ =	shalt  }
0x5c: {  	_ =	shalt  }
0x5d: {  	_ =	shalt  }
0x5e: {  	_ =	shalt  }
0x5f: {  	_ =	shalt  }
0x60: {  	_ =	shalt  }
0x61: {  	_ =	shalt  }
0x62: {  	_ =	shalt  }
0x63: {  	_ =	shalt  }
0x64: {  	_ =	shalt  }
0x65: {  	_ =	shalt  }
0x66: {  	_ =	shalt  }
0x67: {  	_ =	shalt  }
0x68: {  	_ =	shalt  }
0x69: {  	_ =	shalt  }
0x6a: {  	_ =	shalt  }
0x6b: {  	_ =	shalt  }
0x6c: {  	_ =	shalt  }
0x6d: {  	_ =	shalt  }
0x6e: {  	_ =	shalt  }
0x6f: {  	_ =	shalt  }
0x70: {  	_ =	shalt  }
0x71: {  	_ =	shalt  }
0x72: {  	_ =	shalt  }
0x73: {  	_ =	shalt  }
0x74: {  	_ =	shalt  }
0x75: {  	_ =	shalt  }
0x76: {  	_ =	shalt  }
0x77: {  	_ =	shalt  }
0x78: {  	_ =	shalt  }
0x79: {  	_ =	shalt  }
0x7a: {  	_ =	shalt  }
0x7b: {  	_ =	shalt  }
0x7c: {  	_ =	shalt  }
0x7d: {  	_ =	shalt  }
0x7e: {  	_ =	shalt  }
0x7f: {  	_ =	shalt  }
0x80: {  	_ =	shalt  }
0x81: {  	_ =	shalt  }
0x82: {  	_ =	shalt  }
0x83: {  	_ =	shalt  }
0x84: {  	_ =	shalt  }
0x85: {  	_ =	shalt  }
0x86: {  	_ =	shalt  }
0x87: {  	_ =	shalt  }
.Lfunc_end0:
.L_simem_size_0:
called_computation.2_lowered:
.L_overlay_start_0:
0x88: {  	s2 =	sld [smem:$0x3FD9]  }
0x89: {  	s3 =	sld [smem:$0x3FFE];
	_ =	sdelay $0x1  }
0x8a: {  	s1 =	srdreg.scid  }
0x8b: {  	s0 =	sand.u32 $0x1, s1  }
0x8c: {  	s16 =	sshll.u32 s0, $0xA;
	s2 =	sadd.s32 s3, s2  }
0x8d: {  	s2 =	sadd.s32 s2, s16  }
0x8e: {  	[smem:$0x3F6B] =	sst s2  }
0x8f: {  	_ = 	snop  }
0x90: {  	(tm) =	ssettm $0x1  }
0x91: {  	s17 =	sld [smem:$0x3FFB];
	_ =	sdelay $0x3  }
0x92: {  	_ =	strace s17  }
0x93: {  	s2 =	sld [smem:$0x3FFC];
	_ =	sdelay $0x3  }
0x94: {  	_ =	strace s2  }
0x95: {  	s2 =	sld [smem:$0x3FFD];
	_ =	sdelay $0x3  }
0x96: {  	_ =	strace s2  }
0x97: {  	_ =	strace $0x8FFFFFFF  }
0x98: {  	s18 =	sld [smem:$0x3FDB];
	_ =	sdelay $0x1  }
0x99: {  	s19 =	simm.s32 $_scs_section_size  }
0x9a: {  	s4 =	simm.s32 $_size__tile_overlayer_lowered;
	s5 =	simm.s32 $_tile_overlayer_lowered  }
0x9b: {  	s22 =	simm.s32 $0x1BFF;
	s21 =	sshll.u32 s5, $0x1;
	s2 =	sadd.s32 s19, s18  }
0x9c: {  	s6 =	simm.s32 $0x0;
	s20 =	sshll.u32 s4, $0x1;
	s4 =	sadd.s32 s21, s2  }
0x9d: {  	[timem:s6], [sflag:s22] =	dma.local [hbm:s4], s20  }
0x9e: {  	_ =	swait.ge [sflag:s22], s20  }
0x9f: {  	s3 =	ssub.s32 $0x0, s20;
	[sflag:s22] =	ssyncset.done $0x0  }
0xa0: {  	[sflag:s22] =	ssyncadd.s32 s3;
	_ =	sdelay $0x1  }
0xa1: {  	s23 =	simm.s32 $0x1B8B  }
0xa2: {  	_ =	swait.ge [sflag:s23], $0x1  }
0xa3: {  	[sflag:s23] =	ssyncset.done $0x0  }
0xa4: {  	s25 =	simm.s32 $0x1B8E;
	s24 =	sld [smem:$0x3FFE];
	[sflag:s23] =	ssyncadd.s32 $0xFFFFFFFF  }
0xa5: {  	s26 =	simm.s32 $execute0_lowered;
	[smem:$0x3FD2] =	sst s25  }
0xa6: {  	s4 =	sshll.u32 s26, $0x1;
	_ =	strace $0x8000004C;
	[dreg:$0x1] =	wrdreg $0xFFFFFFFF  }
0xa7: {  	s28 =	simm.s32 $_size_execute0_lowered;
	s2 =	sadd.s32 s2, s4;
	[dreg:$0x0] =	wrdreg $0x0  }
0xa8: {  	s4 =	sshll.u32 s28, $0x1;
	[dreg:$0x2] =	wrdreg s2  }
0xa9: {  	[dreg:$0x3] =	wrdreg s4  }
0xaa: {  	[dreg:$0x4] =	wrdreg $0xC0  }
0xab: {  	_ =	task [dreg:s6], $0x5FFFF  }
0xac: {  	[dreg:$0x1] =	wrdreg $0xFFFFFFFF  }
0xad: {  	[dreg:$0x0] =	wrdreg $0x60  }
0xae: {  	[dreg:$0x2] =	wrdreg s24  }
0xaf: {  	[dreg:$0x3] =	wrdreg $0x9  }
0xb0: {  	_ =	task.clear_ibuf [dreg:s6], $0x4FFFF;
	_ =	strace $0x9000004C  }
0xb1: {  	s29 =	simm.s32 $0x9;
	_ =	strace $0x8000004E  }
0xb2: {  	_ =	swait.ge [sflag:s29], $0x1  }
0xb3: {  	[sflag:s29] =	ssyncadd.s32 $0xFFFFFFFF  }
0xb4: {  	_ =	strace $0x9000004E  }
0xb5: {  	_ =	sfence  }
0xb6: {  	s30 =	sld [smem:$0x0];
	_ =	sdelay $0x2  }
0xb7: {  	s31 =	sshll.u32 s1, $0xD;
	s1 =	sshrl.u32 s1, $0x2  }
0xb8: {  	s3 =	sand.u32 $0x4000, s31;
	s1 =	sadd.s32 s1, s30  }
0xb9: {  	s0 =	sor.u32 s3, s0;
	s1 =	sshll.u32 s1, $0x11  }
0xba: {  	s0 =	sor.u32 s1, s0  }
0xbb: {  	s0 =	sadd.s32 $0x8F2B, s0  }
0xbc: {  	[sflag:s0] =	ssyncadd.remote.s32 $0x1  }
0xbd: {  	_ =	sfence.sel $0xFFFF  }
0xbe: {  	[dreg:$0x0] =	wrdreg $0xFFFFFFFF;
	(pc) =	sbr.abs _section_cstart, $3  }
0xbf: {  	[dreg:$0x1] =	wrdreg $0xFFFFFFFF  }
0xc0: {  	_ =	task.clear_ibuf [dreg:s6], $0x2FFFF;
	_ =	strace $0x9FFFFFFF  }
0xc1: {  	(tm) =	ssettm $0x7FFFFFFF  }
tec
execute0_lowered:
.L_overlay_start_1:
0x0: {  	(tag) =	ssettag $0x1  }
0x1: {  	s0 =	srdreg.scid  }
0x2: {  	s7 =	sand.u32 $0x1, s0;
	s0 =	stileid.u32  }
0x3: {  	s2 =	sor.u32 s0, s7  }
0x4: {  	p0 =	sne.s32 s2, $0x0  }
.Ltmp0:
0x5: {  	_ = 	snop;
	(pc) =	sbr.rel @p0 .LBB2_9-.Ltmp0, $3  }
0x6: {  	_ =	sdelay $0x1  }
0x7: {  	s8 =	rddreg [dreg:$0x0]  }
0x8: {  	s1 =	rddreg [dreg:$0x1];
	_ =	strace $0x8000004D  }
0x9: {  	s2 =	sadd.s32 $0x16200, s8;
	s3 =	sadd.s32 $0x15C00, s8;
	s4 =	sadd.s32 $0x15600, s8  }
0xa: {  	s5 =	sadd.s32 $0x36EC00, s8;
	s6 =	sadd.s32 $0x36F800, s8;
	s9 =	ssub.s32 $0x2, s7  }
0xb: {  	s7 =	sadd.s32 $0x36F200, s8;
	s8 =	sadd.s32 $0x2F9000, s8;
	s11 =	simm.s32 $0x1  }
0xc: {  	s12 =	simm.s32 $0x2780;
	s13 =	simm.s32 $0x4F00;
	s14 =	simm.s32 $0x7680  }
0xd: {  	s15 =	simm.s32 $0x9E00;
	s16 =	simm.s32 $0xC580;
	s17 =	simm.s32 $0x11480  }
0xe: {  	s18 =	simm.s32 $0x13C00;
	s19 =	simm.s32 $0x16380;
	s10 =	sshrl.u32 s9, $0x1  }
0xf: {  	v0 =	vimm.f32 $0.0e+00;
	s20 =	simm.s32 $0x0;
	s9 =	ssub.s32 s9, s10;
	s10 =	simm.s32 $0x0  }
.LBB2_2:
0x10: {  	[tilespmem:s10], [sflag:$0x1] =	stream.linear.gather [hbm4b:s2+s10], $0x2780, $0x38;
	[tilespmem:$0x18B00] =	vst v63  }
0x11: {  	_ =	swait.ge [sflag:s11], $0x2780  }
0x12: {  	[sflag:s11] =	ssyncset.done $0x0  }
0x13: {  	[sflag:s11] =	ssyncadd.s32 $0xFFFFD880  }
0x14: {  	[tilespmem:s12], [sflag:$0x1] =	stream.linear.gather [hbm4b:s3+s10], $0x2780, $0x38;
	[tilespmem:$0x18B00] =	vst v63  }
0x15: {  	_ =	swait.ge [sflag:s11], $0x2780  }
0x16: {  	[sflag:s11] =	ssyncset.done $0x0  }
0x17: {  	[sflag:s11] =	ssyncadd.s32 $0xFFFFD880  }
0x18: {  	[tilespmem:s13], [sflag:$0x1] =	stream.linear.gather [hbm4b:s4+s10], $0x2780, $0x38;
	[tilespmem:$0x18B00] =	vst v63  }
0x19: {  	_ =	swait.ge [sflag:s11], $0x2780  }
0x1a: {  	[sflag:s11] =	ssyncset.done $0x0  }
0x1b: {  	[sflag:s11] =	ssyncadd.s32 $0xFFFFD880  }
0x1c: {  	[tilespmem:s14], [sflag:$0x1] =	stream.linear.gather [hbm4b:s5+s10], $0x2780, $0x38;
	[tilespmem:$0x18B00] =	vst v63  }
0x1d: {  	_ =	swait.ge [sflag:s11], $0x2780  }
0x1e: {  	[sflag:s11] =	ssyncset.done $0x0  }
0x1f: {  	[sflag:s11] =	ssyncadd.s32 $0xFFFFD880  }
0x20: {  	[tilespmem:s15], [sflag:$0x1] =	stream.linear.gather [hbm4b:s6+s10], $0x2780, $0x38;
	[tilespmem:$0x18B00] =	vst v63  }
0x21: {  	_ =	swait.ge [sflag:s11], $0x2780  }
0x22: {  	[sflag:s11] =	ssyncset.done $0x0  }
0x23: {  	[sflag:s11] =	ssyncadd.s32 $0xFFFFD880  }
0x24: {  	[tilespmem:s16], [sflag:$0x1] =	stream.linear.gather [hbm4b:s7+s10], $0x2780, $0x38;
	[tilespmem:$0x18B00] =	vst v63  }
0x25: {  	_ =	swait.ge [sflag:s11], $0x2780  }
0x26: {  	[sflag:s11] =	ssyncset.done $0x0  }
0x27: {  	s21 =	simm.s32 $0x40;
	s22 =	simm.s32 $0x0;
	[sflag:s11] =	ssyncadd.s32 $0xFFFFD880  }
.LBB2_3:
0x28: {  	p0 =	sne.s32 s21, $0x9C00;
	[tilespmem:s22+$0x11480] =	vst v0;
	s23 =	smov.u32 s21;
	s21 =	sadd.s32 $0x40, s21  }
.Ltmp1:
0x29: {  	[tilespmem:s22+$0x13C00] =	vst v0;
	(pc) =	sbr.rel @p0 .LBB2_3-.Ltmp1, $2  }
0x2a: {  	_ =	sdelay $0x2  }
0x2b: {  	s22 =	sshra.s32 s23, $0x2  }
0x2c: {  	[tilespmem:s22+$0x11480] =	vst v0  }
0x2d: {  	[tilespmem:s22+$0x13C00] =	vst v0;
	s23 =	simm.s32 $0x0  }
0x2e: {  	v1 =	vld [tilespmem:s23+$0x9E00]  }
0x2f: {  	v2 =	vld [tilespmem:s23+$0xC580];
	_ =	sdelay $0x5  }
0x30: {  	s21 =	simm.s32 $0x0  }
0x31: {  	v3 =	vld.idx.msk [tilespmem:v1+s21+$0x0], $0xffff  }
0x32: {  	v2 =	vld.idx.msk [tilespmem:v2+s12+$0x0], $0xffff;
	_ =	sdelay $0x4  }
0x33: {  	v2 =	vadd.f32 v2, v3;
	_ =	sdelay $0x1  }
0x34: {  	v3 =	vmul.f32 $2.000000030e-01, v2  }
0x35: {  	vm0 =	vge.f32 v2, $0.0e+00  }
0x36: {  	v2 =	vsel vm0, v2, v3  }
0x37: {  	v2 =	vmul.f32 $1.442695020e+00, v2;
	_ =	sdelay $0x1  }
0x38: {  	(erf) = vpow2.f32 v2;
	_ =	sdelay $0x8  }
0x39: {  	v2 =	vpop (erf)  }
0x3a: {  	[tilespmem:s23+$0xED00] =	vst v2  }
0x3b: {  	[tilespmem:v1+s17+$0x0] =	vst.idx.add.f32.msk $0xffff, v2  }
0x3c: {  	s22 =	simm.s32 $0x40;
	v2 =	vld [tilespmem:s23+$0x4F00]  }
.LBB2_5:
0x3d: {  	_ =	sdelay $0x2  }
0x3e: {  	p0 =	sne.s32 s22, $0x9C00;
	s23 =	smov.u32 s22;
	s22 =	sadd.s32 $0x40, s22  }
0x3f: {  	s23 =	sshra.s32 s23, $0x2;
	[tilespmem:v1+s18+$0x0] =	vst.idx.add.f32.msk $0xffff, v2  }
0x40: {  	v1 =	vld [tilespmem:s23+$0x9E00]  }
0x41: {  	v2 =	vld [tilespmem:s23+$0xC580];
	_ =	sdelay $0x6  }
0x42: {  	v3 =	vld.idx.msk [tilespmem:v1+s21+$0x0], $0xffff  }
0x43: {  	v2 =	vld.idx.msk [tilespmem:v2+s12+$0x0], $0xffff;
	_ =	sdelay $0x5  }
0x44: {  	v2 =	vadd.f32 v2, v3;
	_ =	sdelay $0x1  }
0x45: {  	vm0 =	vge.f32 v2, $0.0e+00;
	v3 =	vmul.f32 $2.000000030e-01, v2;
	_ =	sdelay $0x1  }
0x46: {  	v2 =	vsel vm0, v2, v3  }
0x47: {  	v2 =	vmul.f32 $1.442695020e+00, v2;
	_ =	sdelay $0x1  }
0x48: {  	(erf) = vpow2.f32 v2;
	_ =	sdelay $0x7  }
.Ltmp2:
0x49: {  	(pc) =	sbr.rel @p0 .LBB2_5-.Ltmp2, $4  }
0x4a: {  	v2 =	vpop (erf)  }
0x4b: {  	[tilespmem:s23+$0xED00] =	vst v2  }
0x4c: {  	[tilespmem:v1+s17+$0x0] =	vst.idx.add.f32.msk $0xffff, v2  }
0x4d: {  	v2 =	vld [tilespmem:s23+$0x4F00]  }
0x4e: {  	_ =	sdelay $0x3  }
0x4f: {  	s21 =	simm.s32 $0x0;
	[tilespmem:v1+s18+$0x0] =	vst.idx.add.f32.msk $0xffff, v2  }
0x50: {  	v1 =	vld [tilespmem:s21+$0x9E00];
	_ =	sdelay $0x7  }
0x51: {  	v2 =	vld.idx.msk [tilespmem:v1+s17+$0x0], $0xffff;
	_ =	sdelay $0x4  }
0x52: {  	v2 =	vadd.f32 $1.000000020e-16, v2;
	_ =	sdelay $0x1  }
0x53: {  	(erf) = vrcp.f32 v2;
	_ =	sdelay $0x1  }
0x54: {  	v1 =	vld.idx.msk [tilespmem:v1+s18+$0x0], $0xffff;
	_ =	sdelay $0x4  }
0x55: {  	v2 =	vadd.f32 $1.000000020e-16, v1;
	_ =	sdelay $0x1  }
0x56: {  	v4 =	vpop (erf);
	(erf) = vrcp.f32 v2;
	_ =	sdelay $0x2  }
0x57: {  	v3 =	vld [tilespmem:s21+$0xED00]  }
0x58: {  	v1 =	vld [tilespmem:s21+$0x7680]  }
0x59: {  	v2 =	vld [tilespmem:s21+$0x4F00];
	_ =	sdelay $0x2  }
0x5a: {  	s23 =	simm.s32 $0x10;
	s22 =	simm.s32 $0x80;
	v3 =	vmul.f32 v4, v3  }
.LBB2_7:
0x5b: {  	p0 =	sne.s32 s22, $0x9C00;
	v4 =	vld [tilespmem:s23+$0x9E00];
	v5 =	vpop (erf)  }
0x5c: {  	v1 =	vadd.f32 v1, v3;
	v2 =	vmul.f32 v2, v5;
	_ =	sdelay $0x1  }
0x5d: {  	v1 =	vadd.f32 v2, v1;
	_ =	sdelay $0x1  }
0x5e: {  	v1 =	vmul.f32 $3.333333430e-01, v1;
	_ =	sdelay $0x1  }
0x5f: {  	[tilespmem:s21+$0x16380] =	vst v1;
	s21 =	smov.u32 s23  }
0x60: {  	v1 =	vld.idx.msk [tilespmem:v4+s17+$0x0], $0xffff;
	_ =	sdelay $0x1  }
0x61: {  	v2 =	vld.idx.msk [tilespmem:v4+s18+$0x0], $0xffff;
	_ =	sdelay $0x3  }
0x62: {  	v1 =	vadd.f32 $1.000000020e-16, v1;
	_ =	sdelay $0x1  }
0x63: {  	v2 =	vadd.f32 $1.000000020e-16, v2;
	(erf) = vrcp.f32 v1;
	_ =	sdelay $0x1  }
0x64: {  	(erf) = vrcp.f32 v2;
	_ =	sdelay $0x2  }
0x65: {  	v3 =	vld [tilespmem:s21+$0xED00]  }
.Ltmp3:
0x66: {  	v1 =	vld [tilespmem:s21+$0x7680];
	(pc) =	sbr.rel @p0 .LBB2_7-.Ltmp3, $3  }
0x67: {  	v2 =	vld [tilespmem:s21+$0x4F00];
	_ =	sdelay $0x1  }
0x68: {  	v4 =	vpop (erf)  }
0x69: {  	s23 =	sshra.s32 s22, $0x2;
	s22 =	sadd.s32 $0x40, s22;
	v3 =	vmul.f32 v4, v3  }
0x6a: {  	v4 =	vld [tilespmem:s23+$0x9E00];
	v5 =	vpop (erf)  }
0x6b: {  	v1 =	vadd.f32 v1, v3;
	v2 =	vmul.f32 v2, v5;
	_ =	sdelay $0x1  }
0x6c: {  	v1 =	vadd.f32 v2, v1;
	_ =	sdelay $0x1  }
0x6d: {  	v1 =	vmul.f32 $3.333333430e-01, v1;
	_ =	sdelay $0x1  }
0x6e: {  	[tilespmem:s21+$0x16380] =	vst v1  }
0x6f: {  	v1 =	vld.idx.msk [tilespmem:v4+s17+$0x0], $0xffff;
	_ =	sdelay $0x1  }
0x70: {  	v2 =	vld.idx.msk [tilespmem:v4+s18+$0x0], $0xffff;
	_ =	sdelay $0x2  }
0x71: {  	v1 =	vadd.f32 $1.000000020e-16, v1;
	_ =	sdelay $0x1  }
0x72: {  	v2 =	vadd.f32 $1.000000020e-16, v2;
	(erf) = vrcp.f32 v1;
	_ =	sdelay $0x1  }
0x73: {  	(erf) = vrcp.f32 v2;
	_ =	sdelay $0x2  }
0x74: {  	v1 =	vld [tilespmem:s23+$0xED00]  }
0x75: {  	v3 =	vld [tilespmem:s23+$0x4F00]  }
0x76: {  	v2 =	vld [tilespmem:s23+$0x7680];
	_ =	sdelay $0x1  }
0x77: {  	v62 =	vpop (erf)  }
0x78: {  	v1 =	vmul.f32 v62, v1  }
0x79: {  	v63 =	vpop (erf)  }
0x7a: {  	v1 =	vadd.f32 v2, v1;
	v2 =	vmul.f32 v3, v63;
	_ =	sdelay $0x1  }
0x7b: {  	v1 =	vadd.f32 v2, v1;
	_ =	sdelay $0x1  }
0x7c: {  	s20 =	sadd.s32 $0x1, s20;
	v1 =	vmul.f32 $3.333333430e-01, v1  }
0x7d: {  	p0 =	sne.s32 s20, s9  }
.Ltmp4:
0x7e: {  	[tilespmem:s23+$0x16380] =	vst v1;
	(pc) =	sbr.rel @p0 .LBB2_2-.Ltmp4, $4  }
0x7f: {  	[hbm4b:s8+s10] =	stream.linear.scatter [tilespmem:s19], [sflag:$0x1], $0x2780, $0x38;
	[tilespmem:$0x18B00] =	vst v63  }
0x80: {  	_ =	swait.ge [sflag:s11], $0x2780  }
0x81: {  	[sflag:s11] =	ssyncset.done $0x0  }
0x82: {  	[sflag:s11] =	ssyncadd.s32 $0xFFFFD880  }
.LBB2_9:
0x83: {  	_ =	sfence.sel $0x180000  }
0x84: {  	[bflag:$0x0] =	sbarrier.arrive $0xFFFF  }
0x85: {  	p0 =	sne.s32 s0, $0x0;
	_ =	strace $0x9000004D  }
0x86: {  	s0 =	sadd.s32 @!p0 $0x100000, s1;
	[bflag:$0x2] =	sbarrier.arrive $0xFFFF  }
0x87: {  	[sflag:s0] =	ssyncadd.tile.s32 @!p0 $0x1;
	_ =	shalt  }
.Lfunc_end2:
_tile_overlayer_lowered:
.L_overlay_start_2:
0x88: {  	(tag) =	ssettag $0x2  }
0x89: {  	s0 =	rddreg [dreg:$0x0];
	s2 =	stileid.u32  }
0x8a: {  	s1 =	rddreg [dreg:$0x1];
	p0 =	sne.s32 s2, $0x0  }
0x8b: {  	s3 =	rddreg [dreg:$0x2];
	[bflag:$0x3] =	sbarrier.arrive $0xFFFF;
	s2 =	simm.s32 @!p0 $0x1C01  }
0x8c: {  	[timem:s3], [sflag:s2] =	dma.local @!p0 [hbm:s0], s1  }
0x8d: {  	s0 =	simm.s32 @!p0 $0x1  }
0x8e: {  	_ =	swait.ge @!p0 [sflag:s0], s1  }
0x8f: {  	s1 =	ssub.s32 @!p0 $0x0, s1;
	[sflag:s0] =	ssyncset.done @!p0 $0x0  }
0x90: {  	[sflag:s0] =	ssyncadd.s32 @!p0 s1  }
0x91: {  	[bflag:$0x3] =	sbarrier.arrive $0xFFFF  }
0x92: {  	_ =	shalt  }

// kernel: kernel.40.cloned.1.call-start
scs
__scs_entry_jumppad:
0x0: {  	(pc) =	sbr.rel $0x88, $3  }
0x1: {  	(tag) =	ssettag $0x0;
	lr =	simm.s32 $0x1  }
0x2: {  	[smem:$0x3F44] =	sst lr;
	_ =	strace $0xD0000000  }
0x3: {  	_ = 	snop  }
0x4: {  	_ = 	snop  }
0x5: {  	_ = 	snop  }
0x6: {  	_ = 	snop  }
0x7: {  	_ = 	snop  }
__scs_overlays_trampoline_lowered:
0x8: {  	[smem:$0x3F53] =	sst s0  }
0x9: {  	[smem:$0x3F54] =	sst s1  }
0xa: {  	[smem:$0x3F55] =	sst s2  }
0xb: {  	[smem:$0x3F56] =	sst s3  }
0xc: {  	[smem:$0x3F57] =	sst s4  }
0xd: {  	[smem:$0x3F58] =	sst s5  }
0xe: {  	[smem:$0x3F59] =	sst s6  }
0xf: {  	[smem:$0x3F5A] =	sst s7  }
0x10: {  	[smem:$0x3F5B] =	sst s8  }
0x11: {  	[smem:$0x3F5C] =	sst s9;
	s0 =	simm.s32 @!p0 $0x0  }
0x12: {  	s1 =	sld [smem:$0x3F42];
	s0 =	simm.s32 @p0 $0x1  }
0x13: {  	[smem:$0x3F5D] =	sst s0;
	s0 =	simm.s32 @!p1 $0x0  }
0x14: {  	s2 =	sld [smem:$0x3F41];
	s0 =	simm.s32 @p1 $0x1  }
0x15: {  	[smem:$0x3F5E] =	sst s0;
	s0 =	simm.s32 @!p2 $0x0  }
0x16: {  	s3 =	sld [smem:$0x3FDB];
	s0 =	simm.s32 @p2 $0x1  }
0x17: {  	s4 =	simm.s32 $0x1BF5;
	[smem:$0x3F60] =	sst s0  }
0x18: {  	s0 =	sld [smem:$0x3F43];
	_ =	swait.ge [sflag:s4], $0x0  }
0x19: {  	s7 =	sld [smem:$0x3F44]  }
0x1a: {  	s8 =	sadd.s32 $0xFFFFE003, lr  }
0x1b: {  	s9 =	sadd.s32 $0xFFFFFEF7, lr;
	s5 =	simm.s32 $0xFFFFFFFF;
	p2 =	slt.u32 s8, $0xFFFFF086  }
0x1c: {  	p1 =	slt.u32 s9, $0xF7A;
	s5 =	simm.s32 @!p2 $0x0  }
0x1d: {  	s5 =	simm.s32 @p1 $0x1;
	p0 =	seq.s32 s7, s2  }
0x1e: {  	s7 =	smul.u32 @!p0 $0xF7A, s2;
	p2 =	seq.s32 @!p0 s5, $0x0  }
0x1f: {  	s9 =	smul.u32 $0xF7A, s1;
	s8 =	simm.s32 @!p0 $0x1BF5;
	p2 =	por !p2, p0  }
0x20: {  	[sflag:s8] =	ssyncset.s32 @!p0 $0xFFFFF086;
	s6 =	sadd.s32 @!p0 s3, s7;
	s7 =	simm.s32 @!p0 $0x108  }
0x21: {  	s3 =	sadd.s32 s3, s9;
	s6 =	sadd.s32 @!p0 $0x88, s6;
	s7 =	simm.s32 @p2 $0x1082  }
0x22: {  	[simem:s7], [sflag:s8] =	dma.local @!p0 [hbm:s6], $0xF7A  }
0x23: {  	s9 =	sor.u32 $0xD0000000, s2;
	s6 =	simm.s32 $0x108;
	_ =	swait.ge @!p0 [sflag:s8], $0x0  }
0x24: {  	s3 =	sadd.s32 $0x88, s3;
	s6 =	simm.s32 @!p1 $0x1082;
	[sflag:s4] =	ssyncset.s32 $0xFFFFF086  }
0x25: {  	[simem:s6], [sflag:s4] =	dma.local [hbm:s3], $0xF7A  }
0x26: {  	[smem:$0x3F44] =	sst s1;
	(tag) =	ssettag s2;
	_ =	strace s9  }
0x27: {  	s1 =	sld [smem:$0x3F54]  }
0x28: {  	s2 =	sld [smem:$0x3F55]  }
0x29: {  	s4 =	sld [smem:$0x3F57]  }
0x2a: {  	p0 =	seq.s32 s5, $0x0;
	s5 =	sld [smem:$0x3F58]  }
0x2b: {  	s6 =	sld [smem:$0x3F59]  }
0x2c: {  	s7 =	sld [smem:$0x3F5A]  }
0x2d: {  	s3 =	simm.s32 $0x108;
	s8 =	sld [smem:$0x3F5B]  }
0x2e: {  	s3 =	simm.s32 @!p0 $0x1082;
	s9 =	sld [smem:$0x3F5C]  }
0x2f: {  	lr =	sadd.s32 s0, s3;
	s0 =	sld [smem:$0x3F53]  }
0x30: {  	s3 =	sld [smem:$0x3F56]  }
0x31: {  	[smem:$0x3F5F] =	sst s10  }
0x32: {  	s10 =	sld [smem:$0x3F5D];
	_ =	sdelay $0x3  }
0x33: {  	p0 =	seq.s32 s10, $0x1;
	s10 =	sld [smem:$0x3F5F];
	_ =	sdelay $0x3  }
0x34: {  	[smem:$0x3F5F] =	sst s10  }
0x35: {  	s10 =	sld [smem:$0x3F5E];
	_ =	sdelay $0x3  }
0x36: {  	p1 =	seq.s32 s10, $0x1;
	s10 =	sld [smem:$0x3F5F];
	_ =	sdelay $0x3  }
0x37: {  	[smem:$0x3F5F] =	sst s10  }
0x38: {  	s10 =	sld [smem:$0x3F60]  }
0x39: {  	_ = 	snop;
	(pc) =	sbr.ind lr, $3  }
0x3a: {  	_ = 	snop  }
0x3b: {  	_ = 	snop  }
0x3c: {  	p2 =	seq.s32 s10, $0x1;
	s10 =	sld [smem:$0x3F5F]  }
0x3d: {  	_ =	shalt  }
0x3e: {  	_ =	shalt  }
0x3f: {  	_ =	shalt  }
0x40: {  	_ =	shalt  }
0x41: {  	_ =	shalt  }
0x42: {  	_ =	shalt  }
0x43: {  	_ =	shalt  }
0x44: {  	_ =	shalt  }
0x45: {  	_ =	shalt  }
0x46: {  	_ =	shalt  }
0x47: {  	_ =	shalt  }
0x48: {  	_ =	shalt  }
0x49: {  	_ =	shalt  }
0x4a: {  	_ =	shalt  }
0x4b: {  	_ =	shalt  }
0x4c: {  	_ =	shalt  }
0x4d: {  	_ =	shalt  }
0x4e: {  	_ =	shalt  }
0x4f: {  	_ =	shalt  }
0x50: {  	_ =	shalt  }
0x51: {  	_ =	shalt  }
0x52: {  	_ =	shalt  }
0x53: {  	_ =	shalt  }
0x54: {  	_ =	shalt  }
0x55: {  	_ =	shalt  }
0x56: {  	_ =	shalt  }
0x57: {  	_ =	shalt  }
0x58: {  	_ =	shalt  }
0x59: {  	_ =	shalt  }
0x5a: {  	_ =	shalt  }
0x5b: {  	_ =	shalt  }
0x5c: {  	_ =	shalt  }
0x5d: {  	_ =	shalt  }
0x5e: {  	_ =	shalt  }
0x5f: {  	_ =	shalt  }
0x60: {  	_ =	shalt  }
0x61: {  	_ =	shalt  }
0x62: {  	_ =	shalt  }
0x63: {  	_ =	shalt  }
0x64: {  	_ =	shalt  }
0x65: {  	_ =	shalt  }
0x66: {  	_ =	shalt  }
0x67: {  	_ =	shalt  }
0x68: {  	_ =	shalt  }
0x69: {  	_ =	shalt  }
0x6a: {  	_ =	shalt  }
0x6b: {  	_ =	shalt  }
0x6c: {  	_ =	shalt  }
0x6d: {  	_ =	shalt  }
0x6e: {  	_ =	shalt  }
0x6f: {  	_ =	shalt  }
0x70: {  	_ =	shalt  }
0x71: {  	_ =	shalt  }
0x72: {  	_ =	shalt  }
0x73: {  	_ =	shalt  }
0x74: {  	_ =	shalt  }
0x75: {  	_ =	shalt  }
0x76: {  	_ =	shalt  }
0x77: {  	_ =	shalt  }
0x78: {  	_ =	shalt  }
0x79: {  	_ =	shalt  }
0x7a: {  	_ =	shalt  }
0x7b: {  	_ =	shalt  }
0x7c: {  	_ =	shalt  }
0x7d: {  	_ =	shalt  }
0x7e: {  	_ =	shalt  }
0x7f: {  	_ =	shalt  }
0x80: {  	_ =	shalt  }
0x81: {  	_ =	shalt  }
0x82: {  	_ =	shalt  }
0x83: {  	_ =	shalt  }
0x84: {  	_ =	shalt  }
0x85: {  	_ =	shalt  }
0x86: {  	_ =	shalt  }
0x87: {  	_ =	shalt  }
.Lfunc_end0:
.L_simem_size_0:
called_computation.3_lowered:
.L_overlay_start_0:
0x88: {  	s2 =	sld [smem:$0x3FD9]  }
0x89: {  	s3 =	sld [smem:$0x3FFE];
	_ =	sdelay $0x1  }
0x8a: {  	s1 =	srdreg.scid  }
0x8b: {  	s0 =	sand.u32 $0x1, s1  }
0x8c: {  	s16 =	sshll.u32 s0, $0xA;
	s2 =	sadd.s32 s3, s2  }
0x8d: {  	s2 =	sadd.s32 s2, s16  }
0x8e: {  	[smem:$0x3F6B] =	sst s2  }
0x8f: {  	_ = 	snop  }
0x90: {  	(tm) =	ssettm $0x1  }
0x91: {  	s17 =	sld [smem:$0x3FFB];
	_ =	sdelay $0x3  }
0x92: {  	_ =	strace s17  }
0x93: {  	s2 =	sld [smem:$0x3FFC];
	_ =	sdelay $0x3  }
0x94: {  	_ =	strace s2  }
0x95: {  	s2 =	sld [smem:$0x3FFD];
	_ =	sdelay $0x3  }
0x96: {  	_ =	strace s2  }
0x97: {  	_ =	strace $0x8FFFFFFF  }
0x98: {  	s18 =	sld [smem:$0x3FDB];
	_ =	sdelay $0x1  }
0x99: {  	s19 =	simm.s32 $_scs_section_size  }
0x9a: {  	s4 =	simm.s32 $_size__tile_overlayer_lowered;
	s5 =	simm.s32 $_tile_overlayer_lowered  }
0x9b: {  	s22 =	simm.s32 $0x1BFF;
	s21 =	sshll.u32 s5, $0x1;
	s2 =	sadd.s32 s19, s18  }
0x9c: {  	s6 =	simm.s32 $0x0;
	s20 =	sshll.u32 s4, $0x1;
	s4 =	sadd.s32 s21, s2  }
0x9d: {  	[timem:s6], [sflag:s22] =	dma.local [hbm:s4], s20  }
0x9e: {  	_ =	swait.ge [sflag:s22], s20  }
0x9f: {  	s3 =	ssub.s32 $0x0, s20;
	[sflag:s22] =	ssyncset.done $0x0  }
0xa0: {  	[sflag:s22] =	ssyncadd.s32 s3;
	_ =	sdelay $0x1  }
0xa1: {  	s23 =	simm.s32 $0x1B8B  }
0xa2: {  	_ =	swait.ge [sflag:s23], $0x1  }
0xa3: {  	[sflag:s23] =	ssyncset.done $0x0  }
0xa4: {  	s25 =	simm.s32 $0x1B8E;
	s24 =	sld [smem:$0x3FFE];
	[sflag:s23] =	ssyncadd.s32 $0xFFFFFFFF  }
0xa5: {  	s26 =	simm.s32 $execute0_lowered;
	[smem:$0x3FD2] =	sst s25  }
0xa6: {  	s4 =	sshll.u32 s26, $0x1;
	_ =	strace $0x8000004F;
	[dreg:$0x1] =	wrdreg $0xFFFFFFFF  }
0xa7: {  	s28 =	simm.s32 $_size_execute0_lowered;
	s2 =	sadd.s32 s2, s4;
	[dreg:$0x0] =	wrdreg $0x0  }
0xa8: {  	s4 =	sshll.u32 s28, $0x1;
	[dreg:$0x2] =	wrdreg s2  }
0xa9: {  	[dreg:$0x3] =	wrdreg s4  }
0xaa: {  	[dreg:$0x4] =	wrdreg $0xC0  }
0xab: {  	_ =	task [dreg:s6], $0x5FFFF  }
0xac: {  	[dreg:$0x1] =	wrdreg $0xFFFFFFFF  }
0xad: {  	[dreg:$0x0] =	wrdreg $0x60  }
0xae: {  	[dreg:$0x2] =	wrdreg s24  }
0xaf: {  	[dreg:$0x3] =	wrdreg $0x9  }
0xb0: {  	_ =	task.clear_ibuf [dreg:s6], $0x4FFFF;
	_ =	strace $0x9000004F  }
0xb1: {  	s29 =	simm.s32 $0x9;
	_ =	strace $0x80000051  }
0xb2: {  	_ =	swait.ge [sflag:s29], $0x1  }
0xb3: {  	[sflag:s29] =	ssyncadd.s32 $0xFFFFFFFF  }
0xb4: {  	_ =	strace $0x90000051  }
0xb5: {  	_ =	sfence  }
0xb6: {  	s30 =	sld [smem:$0x0];
	_ =	sdelay $0x2  }
0xb7: {  	s31 =	sshll.u32 s1, $0xD;
	s1 =	sshrl.u32 s1, $0x2  }
0xb8: {  	s3 =	sand.u32 $0x4000, s31;
	s1 =	sadd.s32 s1, s30  }
0xb9: {  	s0 =	sor.u32 s3, s0;
	s1 =	sshll.u32 s1, $0x11  }
0xba: {  	s0 =	sor.u32 s1, s0  }
0xbb: {  	s0 =	sadd.s32 $0x8F2B, s0  }
0xbc: {  	[sflag:s0] =	ssyncadd.remote.s32 $0x1  }
0xbd: {  	_ =	sfence.sel $0xFFFF  }
0xbe: {  	[dreg:$0x0] =	wrdreg $0xFFFFFFFF;
	(pc) =	sbr.abs _section_cstart, $3  }
0xbf: {  	[dreg:$0x1] =	wrdreg $0xFFFFFFFF  }
0xc0: {  	_ =	task.clear_ibuf [dreg:s6], $0x2FFFF;
	_ =	strace $0x9FFFFFFF  }
0xc1: {  	(tm) =	ssettm $0x7FFFFFFF  }
tec
execute0_lowered:
.L_overlay_start_1:
0x0: {  	(tag) =	ssettag $0x1  }
0x1: {  	s5 =	rddreg [dreg:$0x0]  }
0x2: {  	s0 =	rddreg [dreg:$0x1];
	s2 =	simm.s32 $0x0;
	s3 =	srdreg.scid  }
0x3: {  	s1 =	stileid.u32;
	s12 =	simm.s32 $0x100;
	s13 =	simm.s32 $0x2100  }
0x4: {  	s14 =	simm.s32 $0x1;
	s15 =	simm.s32 $0x2;
	s7 =	smul.u32 $0x2800, s1  }
0x5: {  	s16 =	simm.s32 $0x0;
	s6 =	sand.u32 $0x1, s3;
	s9 =	smul.u32 $0x14000, s1  }
0x6: {  	[smem:$0x7FF] =	sst s2;
	s3 =	sadd.s32 $0x321600, s5;
	s8 =	smul.u32 $0x1400, s6  }
0x7: {  	s4 =	sadd.s32 $0x36FE00, s5;
	s29 =	ssub.s32 $0x2, s6;
	s6 =	smul.u32 $0xA000, s6  }
0x8: {  	_ =	strace $0x80000050;
	s9 =	sadd.s32 s9, s5;
	s10 =	sshrl.u32 s29, $0x1  }
0x9: {  	s7 =	sadd.s32 s8, s7;
	s30 =	ssub.s32 s29, s10;
	s31 =	sadd.s32 s6, s9  }
0xa: {  	s10 =	simm.s32 $0x3;
	s7 =	sshrl.u32 s7, $0x3;
	s6 =	sadd.s32 $0x4C3800, s31  }
0xb: {  	s11 =	sadd.s32 s7, s5;
	s5 =	smax.u32 s30, $0x1;
	s7 =	sadd.s32 $0x383800, s31  }
0xc: {  	s8 =	sadd.s32 $0x16A00, s11;
	s9 =	sadd.s32 $0x6F000, s11;
	s11 =	simm.s32 $0x80  }
.LBB2_1:
0xd: {  	s17 =	sadd.s32 $0x0, s9  }
0xe: {  	[tilespmem:s2], [sflag:$0x3] =	stream.linear.gather [hbm4b:s17+s2], $0x80, $0x38;
	[tilespmem:$0x4100] =	vst v63  }
0xf: {  	_ =	swait.ge [sflag:s10], $0x80  }
0x10: {  	[sflag:s10] =	ssyncset.done $0x0  }
0x11: {  	s31 =	sadd.s32 $0x0, s8;
	[sflag:s10] =	ssyncadd.s32 $0xFFFFFF80  }
0x12: {  	[tilespmem:s11], [sflag:$0x3] =	stream.linear.gather [hbm4b:s31+s2], $0x80, $0x38;
	[tilespmem:$0x4100] =	vst v63  }
0x13: {  	_ =	swait.ge [sflag:s10], $0x80  }
0x14: {  	[sflag:s10] =	ssyncset.done $0x0  }
0x15: {  	[sflag:s10] =	ssyncadd.s32 $0xFFFFFF80  }
0x16: {  	[tilespmem:s12], [sflag:$0x1] =	stream.indirect.gather [hbm4b:s3+s11], $0x40, s2, s11, $0xb8;
	[tilespmem:$0x4100] =	vst v63  }
0x17: {  	_ = 	snop  }
0x18: {  	[tilespmem:s13], [sflag:$0x2] =	stream.indirect.gather [hbm4b:s4+s11], $0x40, s11, s11, $0xb8;
	[tilespmem:$0x4100] =	vst v63  }
0x19: {  	_ =	swait.ge [sflag:s14], $0x2000  }
0x1a: {  	[sflag:s14] =	ssyncset.done $0x0  }
0x1b: {  	[sflag:s14] =	ssyncadd.s32 $0xFFFFE000  }
0x1c: {  	_ =	swait.ge [sflag:s15], $0x2000  }
0x1d: {  	[sflag:s15] =	ssyncset.done $0x0  }
0x1e: {  	[sflag:s15] =	ssyncadd.s32 $0xFFFFE000  }
0x1f: {  	[hbm4b:s7+s2] =	stream.linear.scatter [tilespmem:s12], [sflag:$0x3], $0x2000, $0x38;
	[tilespmem:$0x4100] =	vst v63  }
0x20: {  	_ =	swait.ge [sflag:s10], $0x2000  }
0x21: {  	[sflag:s10] =	ssyncset.done $0x0  }
0x22: {  	[sflag:s10] =	ssyncadd.s32 $0xFFFFE000  }
0x23: {  	[hbm4b:s6+s2] =	stream.linear.scatter [tilespmem:s13], [sflag:$0x3], $0x2000, $0x38;
	[tilespmem:$0x4100] =	vst v63  }
0x24: {  	s19 =	simm.s32 $0x10;
	s20 =	simm.s32 $0x20;
	_ =	swait.ge [sflag:s10], $0x2000  }
0x25: {  	s18 =	sadd.s32 $0x400, s7;
	s17 =	sadd.s32 $0x400, s6;
	[sflag:s10] =	ssyncset.done $0x0  }
.LBB2_2:
0x26: {  	s21 =	sadd.s32 s19, s9  }
0x27: {  	[sflag:s10] =	ssyncadd.s32 $0xFFFFE000;
	s22 =	smov.u32 s20;
	s23 =	sadd.s32 $0x10, s20  }
0x28: {  	[tilespmem:s2], [sflag:$0x3] =	stream.linear.gather [hbm4b:s21+s2], $0x80, $0x38;
	[tilespmem:$0x4100] =	vst v63  }
0x29: {  	p0 =	sne.s32 s20, $0x270;
	_ =	swait.ge [sflag:s10], $0x80  }
0x2a: {  	[sflag:s10] =	ssyncset.done $0x0  }
0x2b: {  	s20 =	sadd.s32 s19, s8;
	s19 =	smov.u32 s22;
	[sflag:s10] =	ssyncadd.s32 $0xFFFFFF80  }
0x2c: {  	[tilespmem:s11], [sflag:$0x3] =	stream.linear.gather [hbm4b:s20+s2], $0x80, $0x38;
	[tilespmem:$0x4100] =	vst v63  }
0x2d: {  	_ =	swait.ge [sflag:s10], $0x80  }
0x2e: {  	[sflag:s10] =	ssyncset.done $0x0  }
0x2f: {  	[sflag:s10] =	ssyncadd.s32 $0xFFFFFF80  }
0x30: {  	[tilespmem:s12], [sflag:$0x1] =	stream.indirect.gather [hbm4b:s3+s11], $0x40, s2, s11, $0xb8;
	[tilespmem:$0x4100] =	vst v63  }
0x31: {  	_ = 	snop  }
0x32: {  	[tilespmem:s13], [sflag:$0x2] =	stream.indirect.gather [hbm4b:s4+s11], $0x40, s11, s11, $0xb8;
	[tilespmem:$0x4100] =	vst v63  }
0x33: {  	_ =	swait.ge [sflag:s14], $0x2000  }
0x34: {  	[sflag:s14] =	ssyncset.done $0x0  }
0x35: {  	[sflag:s14] =	ssyncadd.s32 $0xFFFFE000  }
0x36: {  	_ =	swait.ge [sflag:s15], $0x2000  }
0x37: {  	[sflag:s15] =	ssyncset.done $0x0  }
0x38: {  	[sflag:s15] =	ssyncadd.s32 $0xFFFFE000  }
0x39: {  	[hbm4b:s18+s2] =	stream.linear.scatter [tilespmem:s12], [sflag:$0x3], $0x2000, $0x38;
	[tilespmem:$0x4100] =	vst v63  }
0x3a: {  	_ =	swait.ge [sflag:s10], $0x2000  }
.Ltmp0:
0x3b: {  	[sflag:s10] =	ssyncset.done $0x0;
	(pc) =	sbr.rel @p0 .LBB2_2-.Ltmp0, $4  }
0x3c: {  	[sflag:s10] =	ssyncadd.s32 $0xFFFFE000  }
0x3d: {  	[hbm4b:s17+s2] =	stream.linear.scatter [tilespmem:s13], [sflag:$0x3], $0x2000, $0x38;
	[tilespmem:$0x4100] =	vst v63  }
0x3e: {  	s20 =	smov.u32 s23;
	_ =	swait.ge [sflag:s10], $0x2000  }
0x3f: {  	s18 =	sadd.s32 $0x400, s18;
	s17 =	sadd.s32 $0x400, s17;
	[sflag:s10] =	ssyncset.done $0x0  }
0x40: {  	s20 =	sadd.s32 s19, s9;
	[sflag:s10] =	ssyncadd.s32 $0xFFFFE000  }
0x41: {  	[tilespmem:s2], [sflag:$0x3] =	stream.linear.gather [hbm4b:s20+s2], $0x80, $0x38;
	[tilespmem:$0x4100] =	vst v63  }
0x42: {  	_ =	swait.ge [sflag:s10], $0x80  }
0x43: {  	[sflag:s10] =	ssyncset.done $0x0  }
0x44: {  	s31 =	sadd.s32 s19, s8;
	[sflag:s10] =	ssyncadd.s32 $0xFFFFFF80  }
0x45: {  	[tilespmem:s11], [sflag:$0x3] =	stream.linear.gather [hbm4b:s31+s2], $0x80, $0x38;
	[tilespmem:$0x4100] =	vst v63  }
0x46: {  	_ =	swait.ge [sflag:s10], $0x80  }
0x47: {  	[sflag:s10] =	ssyncset.done $0x0  }
0x48: {  	[sflag:s10] =	ssyncadd.s32 $0xFFFFFF80  }
0x49: {  	[tilespmem:s12], [sflag:$0x1] =	stream.indirect.gather [hbm4b:s3+s11], $0x40, s2, s11, $0xb8;
	[tilespmem:$0x4100] =	vst v63  }
0x4a: {  	_ = 	snop  }
0x4b: {  	[tilespmem:s13], [sflag:$0x2] =	stream.indirect.gather [hbm4b:s4+s11], $0x40, s11, s11, $0xb8;
	[tilespmem:$0x4100] =	vst v63  }
0x4c: {  	_ =	swait.ge [sflag:s14], $0x2000  }
0x4d: {  	[sflag:s14] =	ssyncset.done $0x0  }
0x4e: {  	[sflag:s14] =	ssyncadd.s32 $0xFFFFE000  }
0x4f: {  	_ =	swait.ge [sflag:s15], $0x2000  }
0x50: {  	[sflag:s15] =	ssyncset.done $0x0  }
0x51: {  	[sflag:s15] =	ssyncadd.s32 $0xFFFFE000  }
0x52: {  	[hbm4b:s18+s2] =	stream.linear.scatter [tilespmem:s12], [sflag:$0x3], $0x2000, $0x38;
	[tilespmem:$0x4100] =	vst v63  }
0x53: {  	s16 =	sadd.s32 $0x1, s16;
	_ =	swait.ge [sflag:s10], $0x2000  }
0x54: {  	p0 =	sne.s32 s16, s5;
	[sflag:s10] =	ssyncset.done $0x0  }
.Ltmp1:
0x55: {  	[sflag:s10] =	ssyncadd.s32 $0xFFFFE000;
	(pc) =	sbr.rel @p0 .LBB2_1-.Ltmp1, $4  }
0x56: {  	[hbm4b:s17+s2] =	stream.linear.scatter [tilespmem:s13], [sflag:$0x3], $0x2000, $0x38;
	[tilespmem:$0x4100] =	vst v63  }
0x57: {  	_ =	swait.ge [sflag:s10], $0x2000  }
0x58: {  	[sflag:s10] =	ssyncset.done $0x0  }
0x59: {  	[sflag:s10] =	ssyncadd.s32 $0xFFFFE000  }
0x5a: {  	_ =	sfence.sel $0x180000  }
0x5b: {  	[bflag:$0x0] =	sbarrier.arrive $0xFFFF  }
0x5c: {  	p0 =	sne.s32 s1, $0x0;
	_ =	strace $0x90000050  }
0x5d: {  	s0 =	sadd.s32 @!p0 $0x100000, s0;
	[bflag:$0x2] =	sbarrier.arrive $0xFFFF  }
0x5e: {  	[sflag:s0] =	ssyncadd.tile.s32 @!p0 $0x1;
	_ =	shalt  }
.Lfunc_end2:
_tile_overlayer_lowered:
.L_overlay_start_2:
0x5f: {  	(tag) =	ssettag $0x2  }
0x60: {  	s0 =	rddreg [dreg:$0x0];
	s2 =	stileid.u32  }
0x61: {  	s1 =	rddreg [dreg:$0x1];
	p0 =	sne.s32 s2, $0x0  }
0x62: {  	s3 =	rddreg [dreg:$0x2];
	[bflag:$0x3] =	sbarrier.arrive $0xFFFF;
	s2 =	simm.s32 @!p0 $0x1C03  }
0x63: {  	[timem:s3], [sflag:s2] =	dma.local @!p0 [hbm:s0], s1  }
0x64: {  	s0 =	simm.s32 @!p0 $0x3  }
0x65: {  	_ =	swait.ge @!p0 [sflag:s0], s1  }
0x66: {  	s1 =	ssub.s32 @!p0 $0x0, s1;
	[sflag:s0] =	ssyncset.done @!p0 $0x0  }
0x67: {  	[sflag:s0] =	ssyncadd.s32 @!p0 s1  }
0x68: {  	[bflag:$0x3] =	sbarrier.arrive $0xFFFF  }
0x69: {  	_ =	shalt  }

// kernel: kernel.43.cloned.1.call-start
scs
__scs_entry_jumppad:
0x0: {  	(pc) =	sbr.rel $0x88, $3  }
0x1: {  	(tag) =	ssettag $0x0;
	lr =	simm.s32 $0x1  }
0x2: {  	[smem:$0x3F44] =	sst lr;
	_ =	strace $0xD0000000  }
0x3: {  	_ = 	snop  }
0x4: {  	_ = 	snop  }
0x5: {  	_ = 	snop  }
0x6: {  	_ = 	snop  }
0x7: {  	_ = 	snop  }
__scs_overlays_trampoline_lowered:
0x8: {  	[smem:$0x3F53] =	sst s0  }
0x9: {  	[smem:$0x3F54] =	sst s1  }
0xa: {  	[smem:$0x3F55] =	sst s2  }
0xb: {  	[smem:$0x3F56] =	sst s3  }
0xc: {  	[smem:$0x3F57] =	sst s4  }
0xd: {  	[smem:$0x3F58] =	sst s5  }
0xe: {  	[smem:$0x3F59] =	sst s6  }
0xf: {  	[smem:$0x3F5A] =	sst s7  }
0x10: {  	[smem:$0x3F5B] =	sst s8  }
0x11: {  	[smem:$0x3F5C] =	sst s9;
	s0 =	simm.s32 @!p0 $0x0  }
0x12: {  	s1 =	sld [smem:$0x3F42];
	s0 =	simm.s32 @p0 $0x1  }
0x13: {  	[smem:$0x3F5D] =	sst s0;
	s0 =	simm.s32 @!p1 $0x0  }
0x14: {  	s2 =	sld [smem:$0x3F41];
	s0 =	simm.s32 @p1 $0x1  }
0x15: {  	[smem:$0x3F5E] =	sst s0;
	s0 =	simm.s32 @!p2 $0x0  }
0x16: {  	s3 =	sld [smem:$0x3FDB];
	s0 =	simm.s32 @p2 $0x1  }
0x17: {  	s4 =	simm.s32 $0x1BF5;
	[smem:$0x3F60] =	sst s0  }
0x18: {  	s0 =	sld [smem:$0x3F43];
	_ =	swait.ge [sflag:s4], $0x0  }
0x19: {  	s7 =	sld [smem:$0x3F44]  }
0x1a: {  	s8 =	sadd.s32 $0xFFFFE003, lr  }
0x1b: {  	s9 =	sadd.s32 $0xFFFFFEF7, lr;
	s5 =	simm.s32 $0xFFFFFFFF;
	p2 =	slt.u32 s8, $0xFFFFF086  }
0x1c: {  	p1 =	slt.u32 s9, $0xF7A;
	s5 =	simm.s32 @!p2 $0x0  }
0x1d: {  	s5 =	simm.s32 @p1 $0x1;
	p0 =	seq.s32 s7, s2  }
0x1e: {  	s7 =	smul.u32 @!p0 $0xF7A, s2;
	p2 =	seq.s32 @!p0 s5, $0x0  }
0x1f: {  	s9 =	smul.u32 $0xF7A, s1;
	s8 =	simm.s32 @!p0 $0x1BF5;
	p2 =	por !p2, p0  }
0x20: {  	[sflag:s8] =	ssyncset.s32 @!p0 $0xFFFFF086;
	s6 =	sadd.s32 @!p0 s3, s7;
	s7 =	simm.s32 @!p0 $0x108  }
0x21: {  	s3 =	sadd.s32 s3, s9;
	s6 =	sadd.s32 @!p0 $0x88, s6;
	s7 =	simm.s32 @p2 $0x1082  }
0x22: {  	[simem:s7], [sflag:s8] =	dma.local @!p0 [hbm:s6], $0xF7A  }
0x23: {  	s9 =	sor.u32 $0xD0000000, s2;
	s6 =	simm.s32 $0x108;
	_ =	swait.ge @!p0 [sflag:s8], $0x0  }
0x24: {  	s3 =	sadd.s32 $0x88, s3;
	s6 =	simm.s32 @!p1 $0x1082;
	[sflag:s4] =	ssyncset.s32 $0xFFFFF086  }
0x25: {  	[simem:s6], [sflag:s4] =	dma.local [hbm:s3], $0xF7A  }
0x26: {  	[smem:$0x3F44] =	sst s1;
	(tag) =	ssettag s2;
	_ =	strace s9  }
0x27: {  	s1 =	sld [smem:$0x3F54]  }
0x28: {  	s2 =	sld [smem:$0x3F55]  }
0x29: {  	s4 =	sld [smem:$0x3F57]  }
0x2a: {  	p0 =	seq.s32 s5, $0x0;
	s5 =	sld [smem:$0x3F58]  }
0x2b: {  	s6 =	sld [smem:$0x3F59]  }
0x2c: {  	s7 =	sld [smem:$0x3F5A]  }
0x2d: {  	s3 =	simm.s32 $0x108;
	s8 =	sld [smem:$0x3F5B]  }
0x2e: {  	s3 =	simm.s32 @!p0 $0x1082;
	s9 =	sld [smem:$0x3F5C]  }
0x2f: {  	lr =	sadd.s32 s0, s3;
	s0 =	sld [smem:$0x3F53]  }
0x30: {  	s3 =	sld [smem:$0x3F56]  }
0x31: {  	[smem:$0x3F5F] =	sst s10  }
0x32: {  	s10 =	sld [smem:$0x3F5D];
	_ =	sdelay $0x3  }
0x33: {  	p0 =	seq.s32 s10, $0x1;
	s10 =	sld [smem:$0x3F5F];
	_ =	sdelay $0x3  }
0x34: {  	[smem:$0x3F5F] =	sst s10  }
0x35: {  	s10 =	sld [smem:$0x3F5E];
	_ =	sdelay $0x3  }
0x36: {  	p1 =	seq.s32 s10, $0x1;
	s10 =	sld [smem:$0x3F5F];
	_ =	sdelay $0x3  }
0x37: {  	[smem:$0x3F5F] =	sst s10  }
0x38: {  	s10 =	sld [smem:$0x3F60]  }
0x39: {  	_ = 	snop;
	(pc) =	sbr.ind lr, $3  }
0x3a: {  	_ = 	snop  }
0x3b: {  	_ = 	snop  }
0x3c: {  	p2 =	seq.s32 s10, $0x1;
	s10 =	sld [smem:$0x3F5F]  }
0x3d: {  	_ =	shalt  }
0x3e: {  	_ =	shalt  }
0x3f: {  	_ =	shalt  }
0x40: {  	_ =	shalt  }
0x41: {  	_ =	shalt  }
0x42: {  	_ =	shalt  }
0x43: {  	_ =	shalt  }
0x44: {  	_ =	shalt  }
0x45: {  	_ =	shalt  }
0x46: {  	_ =	shalt  }
0x47: {  	_ =	shalt  }
0x48: {  	_ =	shalt  }
0x49: {  	_ =	shalt  }
0x4a: {  	_ =	shalt  }
0x4b: {  	_ =	shalt  }
0x4c: {  	_ =	shalt  }
0x4d: {  	_ =	shalt  }
0x4e: {  	_ =	shalt  }
0x4f: {  	_ =	shalt  }
0x50: {  	_ =	shalt  }
0x51: {  	_ =	shalt  }
0x52: {  	_ =	shalt  }
0x53: {  	_ =	shalt  }
0x54: {  	_ =	shalt  }
0x55: {  	_ =	shalt  }
0x56: {  	_ =	shalt  }
0x57: {  	_ =	shalt  }
0x58: {  	_ =	shalt  }
0x59: {  	_ =	shalt  }
0x5a: {  	_ =	shalt  }
0x5b: {  	_ =	shalt  }
0x5c: {  	_ =	shalt  }
0x5d: {  	_ =	shalt  }
0x5e: {  	_ =	shalt  }
0x5f: {  	_ =	shalt  }
0x60: {  	_ =	shalt  }
0x61: {  	_ =	shalt  }
0x62: {  	_ =	shalt  }
0x63: {  	_ =	shalt  }
0x64: {  	_ =	shalt  }
0x65: {  	_ =	shalt  }
0x66: {  	_ =	shalt  }
0x67: {  	_ =	shalt  }
0x68: {  	_ =	shalt  }
0x69: {  	_ =	shalt  }
0x6a: {  	_ =	shalt  }
0x6b: {  	_ =	shalt  }
0x6c: {  	_ =	shalt  }
0x6d: {  	_ =	shalt  }
0x6e: {  	_ =	shalt  }
0x6f: {  	_ =	shalt  }
0x70: {  	_ =	shalt  }
0x71: {  	_ =	shalt  }
0x72: {  	_ =	shalt  }
0x73: {  	_ =	shalt  }
0x74: {  	_ =	shalt  }
0x75: {  	_ =	shalt  }
0x76: {  	_ =	shalt  }
0x77: {  	_ =	shalt  }
0x78: {  	_ =	shalt  }
0x79: {  	_ =	shalt  }
0x7a: {  	_ =	shalt  }
0x7b: {  	_ =	shalt  }
0x7c: {  	_ =	shalt  }
0x7d: {  	_ =	shalt  }
0x7e: {  	_ =	shalt  }
0x7f: {  	_ =	shalt  }
0x80: {  	_ =	shalt  }
0x81: {  	_ =	shalt  }
0x82: {  	_ =	shalt  }
0x83: {  	_ =	shalt  }
0x84: {  	_ =	shalt  }
0x85: {  	_ =	shalt  }
0x86: {  	_ =	shalt  }
0x87: {  	_ =	shalt  }
.Lfunc_end0:
.L_simem_size_0:
called_computation.4_lowered:
.L_overlay_start_0:
0x88: {  	s2 =	sld [smem:$0x3FD9]  }
0x89: {  	s3 =	sld [smem:$0x3FFE];
	_ =	sdelay $0x1  }
0x8a: {  	s1 =	srdreg.scid  }
0x8b: {  	s0 =	sand.u32 $0x1, s1  }
0x8c: {  	s16 =	sshll.u32 s0, $0xA;
	s2 =	sadd.s32 s3, s2  }
0x8d: {  	s2 =	sadd.s32 s2, s16  }
0x8e: {  	[smem:$0x3F6B] =	sst s2  }
0x8f: {  	_ = 	snop  }
0x90: {  	(tm) =	ssettm $0x1  }
0x91: {  	s17 =	sld [smem:$0x3FFB];
	_ =	sdelay $0x3  }
0x92: {  	_ =	strace s17  }
0x93: {  	s2 =	sld [smem:$0x3FFC];
	_ =	sdelay $0x3  }
0x94: {  	_ =	strace s2  }
0x95: {  	s2 =	sld [smem:$0x3FFD];
	_ =	sdelay $0x3  }
0x96: {  	_ =	strace s2  }
0x97: {  	_ =	strace $0x8FFFFFFF  }
0x98: {  	s18 =	sld [smem:$0x3FDB];
	_ =	sdelay $0x1  }
0x99: {  	s19 =	simm.s32 $_scs_section_size  }
0x9a: {  	s4 =	simm.s32 $_size__tile_overlayer_lowered;
	s5 =	simm.s32 $_tile_overlayer_lowered  }
0x9b: {  	s22 =	simm.s32 $0x1BFF;
	s21 =	sshll.u32 s5, $0x1;
	s2 =	sadd.s32 s19, s18  }
0x9c: {  	s6 =	simm.s32 $0x0;
	s20 =	sshll.u32 s4, $0x1;
	s4 =	sadd.s32 s21, s2  }
0x9d: {  	[timem:s6], [sflag:s22] =	dma.local [hbm:s4], s20  }
0x9e: {  	_ =	swait.ge [sflag:s22], s20  }
0x9f: {  	s3 =	ssub.s32 $0x0, s20;
	[sflag:s22] =	ssyncset.done $0x0  }
0xa0: {  	[sflag:s22] =	ssyncadd.s32 s3;
	_ =	sdelay $0x1  }
0xa1: {  	s23 =	simm.s32 $0x1B8B  }
0xa2: {  	_ =	swait.ge [sflag:s23], $0x1  }
0xa3: {  	[sflag:s23] =	ssyncset.done $0x0  }
0xa4: {  	s25 =	simm.s32 $0x1B8E;
	s24 =	sld [smem:$0x3FFE];
	[sflag:s23] =	ssyncadd.s32 $0xFFFFFFFF  }
0xa5: {  	s26 =	simm.s32 $execute0_lowered;
	[smem:$0x3FD2] =	sst s25  }
0xa6: {  	s4 =	sshll.u32 s26, $0x1;
	_ =	strace $0x80000052;
	[dreg:$0x1] =	wrdreg $0xFFFFFFFF  }
0xa7: {  	s28 =	simm.s32 $_size_execute0_lowered;
	s2 =	sadd.s32 s2, s4;
	[dreg:$0x0] =	wrdreg $0x0  }
0xa8: {  	s4 =	sshll.u32 s28, $0x1;
	[dreg:$0x2] =	wrdreg s2  }
0xa9: {  	[dreg:$0x3] =	wrdreg s4  }
0xaa: {  	[dreg:$0x4] =	wrdreg $0xC0  }
0xab: {  	_ =	task [dreg:s6], $0x5FFFF  }
0xac: {  	[dreg:$0x1] =	wrdreg $0xFFFFFFFF  }
0xad: {  	[dreg:$0x0] =	wrdreg $0x60  }
0xae: {  	[dreg:$0x2] =	wrdreg s24  }
0xaf: {  	[dreg:$0x3] =	wrdreg $0x54000  }
0xb0: {  	[dreg:$0x4] =	wrdreg $0x9  }
0xb1: {  	_ =	task.clear_ibuf [dreg:s6], $0x5FFFF;
	_ =	strace $0x90000052  }
0xb2: {  	s29 =	simm.s32 $0x9;
	_ =	strace $0x80000054  }
0xb3: {  	_ =	swait.ge [sflag:s29], $0x1  }
0xb4: {  	[sflag:s29] =	ssyncadd.s32 $0xFFFFFFFF  }
0xb5: {  	_ =	strace $0x90000054  }
0xb6: {  	_ =	sfence  }
0xb7: {  	s30 =	sld [smem:$0x0];
	_ =	sdelay $0x2  }
0xb8: {  	s31 =	sshll.u32 s1, $0xD;
	s1 =	sshrl.u32 s1, $0x2  }
0xb9: {  	s3 =	sand.u32 $0x4000, s31;
	s1 =	sadd.s32 s1, s30  }
0xba: {  	s0 =	sor.u32 s3, s0;
	s1 =	sshll.u32 s1, $0x11  }
0xbb: {  	s0 =	sor.u32 s1, s0  }
0xbc: {  	s0 =	sadd.s32 $0x8F2B, s0  }
0xbd: {  	[sflag:s0] =	ssyncadd.remote.s32 $0x1  }
0xbe: {  	_ =	sfence.sel $0xFFFF  }
0xbf: {  	[dreg:$0x0] =	wrdreg $0xFFFFFFFF;
	(pc) =	sbr.abs _section_cstart, $3  }
0xc0: {  	[dreg:$0x1] =	wrdreg $0xFFFFFFFF  }
0xc1: {  	_ =	task.clear_ibuf [dreg:s6], $0x2FFFF;
	_ =	strace $0x9FFFFFFF  }
0xc2: {  	(tm) =	ssettm $0x7FFFFFFF  }
0xc3: {  	_ =	shalt  }
tec
execute0_lowered:
.L_overlay_start_1:
0x0: {  	(tag) =	ssettag $0x1  }
0x1: {  	s1 =	srdreg.scid;
	s0 =	stileid.u32  }
0x2: {  	s5 =	rddreg [dreg:$0x0];
	s7 =	smul.u32 $0x28000, s0  }
0x3: {  	s2 =	rddreg [dreg:$0x1];
	s3 =	simm.s32 $0x0;
	s9 =	smul.u32 $0x1F400, s0  }
0x4: {  	s13 =	simm.s32 $0x80;
	s14 =	simm.s32 $0x0;
	s10 =	smul.u32 $0x3E80, s0  }
0x5: {  	s4 =	sand.u32 $0x1, s1;
	s25 =	sshll.u32 s0, $0x1;
	s11 =	smul.u32 $0x7D000, s0  }
0x6: {  	[smem:$0x7FF] =	sst s3;
	p0 =	sgt.u32 s0, $0x9;
	s8 =	smul.u32 $0x138800, s4  }
0x7: {  	s1 =	sor.u32 s4, s25;
	s26 =	ssub.s32 $0x2, s4;
	s30 =	smul.u32 $0x14000, s4  }
0x8: {  	s6 =	smul.u32 $0x280, s1;
	s1 =	rddreg [dreg:$0x2];
	_ =	strace $0x80000053  }
0x9: {  	s7 =	sadd.s32 s7, s5;
	s10 =	sadd.s32 s10, s5;
	s28 =	sshrl.u32 s26, $0x1  }
0xa: {  	s29 =	sshrl.u32 s11, $0x2;
	s11 =	simm.s32 $0x1;
	s8 =	sadd.s32 s9, s8  }
0xb: {  	s9 =	ssub.s32 s26, s28;
	s12 =	sadd.s32 s29, s2;
	s4 =	sadd.s32 $0x47C00, s10  }
0xc: {  	s31 =	sadd.s32 s30, s7;
	s6 =	sadd.s32 s6, s5;
	s8 =	sshrl.u32 s8, $0x3  }
0xd: {  	s7 =	smax.u32 s9, $0x1;
	s9 =	sshll.u32 @!p0 s0, $0x6;
	s10 =	sshrl.u32 @!p0 s12, $0x3  }
0xe: {  	s12 =	simm.s32 $0x1400;
	s8 =	sadd.s32 s8, s5;
	s5 =	sadd.s32 $0x1BA00, s6  }
0xf: {  	s9 =	sor.u32 @!p0 $0x1C01, s9;
	s6 =	sadd.s32 $0x74000, s8;
	s8 =	sadd.s32 $0x36FE00, s31  }
.LBB2_1:
0x10: {  	[spmem:s10], [sflag:s9] =	dma.local @!p0 [hbm:s4], $0x3E80  }
0x11: {  	s15 =	simm.s32 @!p0 $0x1  }
0x12: {  	_ =	swait.ge @!p0 [sflag:s15], $0x3E80  }
0x13: {  	[sflag:s15] =	ssyncset.done @!p0 $0x0  }
0x14: {  	[sflag:s15] =	ssyncadd.s32 @!p0 $0xFFFFC180  }
0x15: {  	[tilespmem:s3], [sflag:$0x1] =	stream.linear.gather [hbm4b:s5+s3], $0x1400, $0x38;
	[tilespmem:$0x18C80] =	vst v63  }
0x16: {  	_ =	swait.ge [sflag:s11], $0x1400  }
0x17: {  	[sflag:s11] =	ssyncset.done $0x0  }
0x18: {  	[sflag:s11] =	ssyncadd.s32 $0xFFFFEC00  }
0x19: {  	[bflag:$0x0] =	sbarrier.arrive $0xFFFF  }
0x1a: {  	[tilespmem:s12], [sflag:$0x1] =	stream.linear.gather [hbm4b:s8+s3], $0x4000, $0x38;
	[tilespmem:$0x18C80] =	vst v63  }
0x1b: {  	_ =	swait.ge [sflag:s11], $0x4000  }
0x1c: {  	[sflag:s11] =	ssyncset.done $0x0  }
0x1d: {  	s31 =	simm.s32 $0x0;
	[sflag:s11] =	ssyncadd.s32 $0xFFFFC000  }
0x1e: {  	[spmem:s2] =	stream.indirect.scatter.add.f32 [tilespmem:s12], [sflag:$0x1], $0x80, s31, s13, $0xb8;
	[tilespmem:$0x18C80] =	vst v63  }
0x1f: {  	_ =	swait.ge [sflag:s11], $0x4000  }
0x20: {  	s16 =	smov.u32 s8;
	s15 =	simm.s32 $0x200;
	[sflag:s11] =	ssyncset.done $0x0  }
.LBB2_2:
0x21: {  	p1 =	sne.s32 s15, $0x4E00;
	[sflag:s11] =	ssyncadd.s32 $0xFFFFC000;
	s16 =	sadd.s32 $0x800, s16  }
0x22: {  	[tilespmem:s12], [sflag:$0x1] =	stream.linear.gather [hbm4b:s16+s3], $0x4000, $0x38;
	[tilespmem:$0x18C80] =	vst v63  }
0x23: {  	s17 =	smov.u32 s15;
	s15 =	sadd.s32 $0x200, s15;
	_ =	swait.ge [sflag:s11], $0x4000  }
.Ltmp0:
0x24: {  	[sflag:s11] =	ssyncset.done $0x0;
	(pc) =	sbr.rel @p1 .LBB2_2-.Ltmp0, $4  }
0x25: {  	s17 =	sshra.s32 s17, $0x2;
	[sflag:s11] =	ssyncadd.s32 $0xFFFFC000  }
0x26: {  	[spmem:s2] =	stream.indirect.scatter.add.f32 [tilespmem:s12], [sflag:$0x1], $0x80, s17, s13, $0xb8;
	[tilespmem:$0x18C80] =	vst v63  }
0x27: {  	_ =	swait.ge [sflag:s11], $0x4000  }
0x28: {  	[sflag:s11] =	ssyncset.done $0x0  }
0x29: {  	s14 =	sadd.s32 $0x1, s14  }
0x2a: {  	[sflag:s11] =	ssyncadd.s32 $0xFFFFC000;
	p1 =	sne.s32 s14, s7  }
.Ltmp1:
0x2b: {  	s15 =	simm.s32 @!p0 $0x1;
	[bflag:$0x0] =	sbarrier.arrive $0xFFFF;
	(pc) =	sbr.rel @p1 .LBB2_1-.Ltmp1, $4  }
0x2c: {  	[hbm:s6], [sflag:s9] =	dma.local @!p0 [spmem:s10], $0x3E80  }
0x2d: {  	_ =	swait.ge @!p0 [sflag:s15], $0x3E80  }
0x2e: {  	[sflag:s15] =	ssyncset.done @!p0 $0x0  }
0x2f: {  	[sflag:s15] =	ssyncadd.s32 @!p0 $0xFFFFC180  }
0x30: {  	_ =	sfence.sel $0x180000  }
0x31: {  	[bflag:$0x0] =	sbarrier.arrive $0xFFFF  }
0x32: {  	p0 =	sne.s32 s0, $0x0;
	_ =	strace $0x90000053  }
0x33: {  	s0 =	sadd.s32 @!p0 $0x100000, s1;
	[bflag:$0x2] =	sbarrier.arrive $0xFFFF  }
0x34: {  	[sflag:s0] =	ssyncadd.tile.s32 @!p0 $0x1;
	_ =	shalt  }
.Lfunc_end2:
_tile_overlayer_lowered:
.L_overlay_start_2:
0x35: {  	(tag) =	ssettag $0x2  }
0x36: {  	s0 =	rddreg [dreg:$0x0];
	s2 =	stileid.u32  }
0x37: {  	s1 =	rddreg [dreg:$0x1];
	p0 =	sne.s32 s2, $0x0  }
0x38: {  	s3 =	rddreg [dreg:$0x2];
	[bflag:$0x3] =	sbarrier.arrive $0xFFFF;
	s2 =	simm.s32 @!p0 $0x1C01  }
0x39: {  	[timem:s3], [sflag:s2] =	dma.local @!p0 [hbm:s0], s1  }
0x3a: {  	s0 =	simm.s32 @!p0 $0x1  }
0x3b: {  	_ =	swait.ge @!p0 [sflag:s0], s1  }
0x3c: {  	s1 =	ssub.s32 @!p0 $0x0, s1;
	[sflag:s0] =	ssyncset.done @!p0 $0x0  }
0x3d: {  	[sflag:s0] =	ssyncadd.s32 @!p0 s1  }
0x3e: {  	[bflag:$0x3] =	sbarrier.arrive $0xFFFF  }
0x3f: {  	_ =	shalt  }

// kernel: kernel.46.cloned.1.call-start
scs
__scs_entry_jumppad:
0x0: {  	(pc) =	sbr.rel $0x88, $3  }
0x1: {  	(tag) =	ssettag $0x0;
	lr =	simm.s32 $0x1  }
0x2: {  	[smem:$0x3F44] =	sst lr;
	_ =	strace $0xD0000000  }
0x3: {  	_ = 	snop  }
0x4: {  	_ = 	snop  }
0x5: {  	_ = 	snop  }
0x6: {  	_ = 	snop  }
0x7: {  	_ = 	snop  }
__scs_overlays_trampoline_lowered:
0x8: {  	[smem:$0x3F53] =	sst s0  }
0x9: {  	[smem:$0x3F54] =	sst s1  }
0xa: {  	[smem:$0x3F55] =	sst s2  }
0xb: {  	[smem:$0x3F56] =	sst s3  }
0xc: {  	[smem:$0x3F57] =	sst s4  }
0xd: {  	[smem:$0x3F58] =	sst s5  }
0xe: {  	[smem:$0x3F59] =	sst s6  }
0xf: {  	[smem:$0x3F5A] =	sst s7  }
0x10: {  	[smem:$0x3F5B] =	sst s8  }
0x11: {  	[smem:$0x3F5C] =	sst s9;
	s0 =	simm.s32 @!p0 $0x0  }
0x12: {  	s1 =	sld [smem:$0x3F42];
	s0 =	simm.s32 @p0 $0x1  }
0x13: {  	[smem:$0x3F5D] =	sst s0;
	s0 =	simm.s32 @!p1 $0x0  }
0x14: {  	s2 =	sld [smem:$0x3F41];
	s0 =	simm.s32 @p1 $0x1  }
0x15: {  	[smem:$0x3F5E] =	sst s0;
	s0 =	simm.s32 @!p2 $0x0  }
0x16: {  	s3 =	sld [smem:$0x3FDB];
	s0 =	simm.s32 @p2 $0x1  }
0x17: {  	s4 =	simm.s32 $0x1BF5;
	[smem:$0x3F60] =	sst s0  }
0x18: {  	s0 =	sld [smem:$0x3F43];
	_ =	swait.ge [sflag:s4], $0x0  }
0x19: {  	s7 =	sld [smem:$0x3F44]  }
0x1a: {  	s8 =	sadd.s32 $0xFFFFE003, lr  }
0x1b: {  	s9 =	sadd.s32 $0xFFFFFEF7, lr;
	s5 =	simm.s32 $0xFFFFFFFF;
	p2 =	slt.u32 s8, $0xFFFFF086  }
0x1c: {  	p1 =	slt.u32 s9, $0xF7A;
	s5 =	simm.s32 @!p2 $0x0  }
0x1d: {  	s5 =	simm.s32 @p1 $0x1;
	p0 =	seq.s32 s7, s2  }
0x1e: {  	s7 =	smul.u32 @!p0 $0xF7A, s2;
	p2 =	seq.s32 @!p0 s5, $0x0  }
0x1f: {  	s9 =	smul.u32 $0xF7A, s1;
	s8 =	simm.s32 @!p0 $0x1BF5;
	p2 =	por !p2, p0  }
0x20: {  	[sflag:s8] =	ssyncset.s32 @!p0 $0xFFFFF086;
	s6 =	sadd.s32 @!p0 s3, s7;
	s7 =	simm.s32 @!p0 $0x108  }
0x21: {  	s3 =	sadd.s32 s3, s9;
	s6 =	sadd.s32 @!p0 $0x88, s6;
	s7 =	simm.s32 @p2 $0x1082  }
0x22: {  	[simem:s7], [sflag:s8] =	dma.local @!p0 [hbm:s6], $0xF7A  }
0x23: {  	s9 =	sor.u32 $0xD0000000, s2;
	s6 =	simm.s32 $0x108;
	_ =	swait.ge @!p0 [sflag:s8], $0x0  }
0x24: {  	s3 =	sadd.s32 $0x88, s3;
	s6 =	simm.s32 @!p1 $0x1082;
	[sflag:s4] =	ssyncset.s32 $0xFFFFF086  }
0x25: {  	[simem:s6], [sflag:s4] =	dma.local [hbm:s3], $0xF7A  }
0x26: {  	[smem:$0x3F44] =	sst s1;
	(tag) =	ssettag s2;
	_ =	strace s9  }
0x27: {  	s1 =	sld [smem:$0x3F54]  }
0x28: {  	s2 =	sld [smem:$0x3F55]  }
0x29: {  	s4 =	sld [smem:$0x3F57]  }
0x2a: {  	p0 =	seq.s32 s5, $0x0;
	s5 =	sld [smem:$0x3F58]  }
0x2b: {  	s6 =	sld [smem:$0x3F59]  }
0x2c: {  	s7 =	sld [smem:$0x3F5A]  }
0x2d: {  	s3 =	simm.s32 $0x108;
	s8 =	sld [smem:$0x3F5B]  }
0x2e: {  	s3 =	simm.s32 @!p0 $0x1082;
	s9 =	sld [smem:$0x3F5C]  }
0x2f: {  	lr =	sadd.s32 s0, s3;
	s0 =	sld [smem:$0x3F53]  }
0x30: {  	s3 =	sld [smem:$0x3F56]  }
0x31: {  	[smem:$0x3F5F] =	sst s10  }
0x32: {  	s10 =	sld [smem:$0x3F5D];
	_ =	sdelay $0x3  }
0x33: {  	p0 =	seq.s32 s10, $0x1;
	s10 =	sld [smem:$0x3F5F];
	_ =	sdelay $0x3  }
0x34: {  	[smem:$0x3F5F] =	sst s10  }
0x35: {  	s10 =	sld [smem:$0x3F5E];
	_ =	sdelay $0x3  }
0x36: {  	p1 =	seq.s32 s10, $0x1;
	s10 =	sld [smem:$0x3F5F];
	_ =	sdelay $0x3  }
0x37: {  	[smem:$0x3F5F] =	sst s10  }
0x38: {  	s10 =	sld [smem:$0x3F60]  }
0x39: {  	_ = 	snop;
	(pc) =	sbr.ind lr, $3  }
0x3a: {  	_ = 	snop  }
0x3b: {  	_ = 	snop  }
0x3c: {  	p2 =	seq.s32 s10, $0x1;
	s10 =	sld [smem:$0x3F5F]  }
0x3d: {  	_ =	shalt  }
0x3e: {  	_ =	shalt  }
0x3f: {  	_ =	shalt  }
0x40: {  	_ =	shalt  }
0x41: {  	_ =	shalt  }
0x42: {  	_ =	shalt  }
0x43: {  	_ =	shalt  }
0x44: {  	_ =	shalt  }
0x45: {  	_ =	shalt  }
0x46: {  	_ =	shalt  }
0x47: {  	_ =	shalt  }
0x48: {  	_ =	shalt  }
0x49: {  	_ =	shalt  }
0x4a: {  	_ =	shalt  }
0x4b: {  	_ =	shalt  }
0x4c: {  	_ =	shalt  }
0x4d: {  	_ =	shalt  }
0x4e: {  	_ =	shalt  }
0x4f: {  	_ =	shalt  }
0x50: {  	_ =	shalt  }
0x51: {  	_ =	shalt  }
0x52: {  	_ =	shalt  }
0x53: {  	_ =	shalt  }
0x54: {  	_ =	shalt  }
0x55: {  	_ =	shalt  }
0x56: {  	_ =	shalt  }
0x57: {  	_ =	shalt  }
0x58: {  	_ =	shalt  }
0x59: {  	_ =	shalt  }
0x5a: {  	_ =	shalt  }
0x5b: {  	_ =	shalt  }
0x5c: {  	_ =	shalt  }
0x5d: {  	_ =	shalt  }
0x5e: {  	_ =	shalt  }
0x5f: {  	_ =	shalt  }
0x60: {  	_ =	shalt  }
0x61: {  	_ =	shalt  }
0x62: {  	_ =	shalt  }
0x63: {  	_ =	shalt  }
0x64: {  	_ =	shalt  }
0x65: {  	_ =	shalt  }
0x66: {  	_ =	shalt  }
0x67: {  	_ =	shalt  }
0x68: {  	_ =	shalt  }
0x69: {  	_ =	shalt  }
0x6a: {  	_ =	shalt  }
0x6b: {  	_ =	shalt  }
0x6c: {  	_ =	shalt  }
0x6d: {  	_ =	shalt  }
0x6e: {  	_ =	shalt  }
0x6f: {  	_ =	shalt  }
0x70: {  	_ =	shalt  }
0x71: {  	_ =	shalt  }
0x72: {  	_ =	shalt  }
0x73: {  	_ =	shalt  }
0x74: {  	_ =	shalt  }
0x75: {  	_ =	shalt  }
0x76: {  	_ =	shalt  }
0x77: {  	_ =	shalt  }
0x78: {  	_ =	shalt  }
0x79: {  	_ =	shalt  }
0x7a: {  	_ =	shalt  }
0x7b: {  	_ =	shalt  }
0x7c: {  	_ =	shalt  }
0x7d: {  	_ =	shalt  }
0x7e: {  	_ =	shalt  }
0x7f: {  	_ =	shalt  }
0x80: {  	_ =	shalt  }
0x81: {  	_ =	shalt  }
0x82: {  	_ =	shalt  }
0x83: {  	_ =	shalt  }
0x84: {  	_ =	shalt  }
0x85: {  	_ =	shalt  }
0x86: {  	_ =	shalt  }
0x87: {  	_ =	shalt  }
.Lfunc_end0:
.L_simem_size_0:
called_computation.5_lowered:
.L_overlay_start_0:
0x88: {  	s2 =	sld [smem:$0x3FD9]  }
0x89: {  	s3 =	sld [smem:$0x3FFE];
	_ =	sdelay $0x1  }
0x8a: {  	s1 =	srdreg.scid  }
0x8b: {  	s0 =	sand.u32 $0x1, s1  }
0x8c: {  	s16 =	sshll.u32 s0, $0xA;
	s2 =	sadd.s32 s3, s2  }
0x8d: {  	s2 =	sadd.s32 s2, s16  }
0x8e: {  	[smem:$0x3F6B] =	sst s2  }
0x8f: {  	_ = 	snop  }
0x90: {  	(tm) =	ssettm $0x1  }
0x91: {  	s17 =	sld [smem:$0x3FFB];
	_ =	sdelay $0x3  }
0x92: {  	_ =	strace s17  }
0x93: {  	s2 =	sld [smem:$0x3FFC];
	_ =	sdelay $0x3  }
0x94: {  	_ =	strace s2  }
0x95: {  	s2 =	sld [smem:$0x3FFD];
	_ =	sdelay $0x3  }
0x96: {  	_ =	strace s2  }
0x97: {  	_ =	strace $0x8FFFFFFF  }
0x98: {  	s18 =	sld [smem:$0x3FDB];
	_ =	sdelay $0x1  }
0x99: {  	s19 =	simm.s32 $_scs_section_size  }
0x9a: {  	s4 =	simm.s32 $_size__tile_overlayer_lowered;
	s5 =	simm.s32 $_tile_overlayer_lowered  }
0x9b: {  	s22 =	simm.s32 $0x1BFF;
	s21 =	sshll.u32 s5, $0x1;
	s2 =	sadd.s32 s19, s18  }
0x9c: {  	s6 =	simm.s32 $0x0;
	s20 =	sshll.u32 s4, $0x1;
	s4 =	sadd.s32 s21, s2  }
0x9d: {  	[timem:s6], [sflag:s22] =	dma.local [hbm:s4], s20  }
0x9e: {  	_ =	swait.ge [sflag:s22], s20  }
0x9f: {  	s3 =	ssub.s32 $0x0, s20;
	[sflag:s22] =	ssyncset.done $0x0  }
0xa0: {  	[sflag:s22] =	ssyncadd.s32 s3;
	_ =	sdelay $0x1  }
0xa1: {  	s23 =	simm.s32 $0x1B8B  }
0xa2: {  	_ =	swait.ge [sflag:s23], $0x1  }
0xa3: {  	[sflag:s23] =	ssyncset.done $0x0  }
0xa4: {  	s25 =	simm.s32 $0x1B8E;
	s24 =	sld [smem:$0x3FFE];
	[sflag:s23] =	ssyncadd.s32 $0xFFFFFFFF  }
0xa5: {  	s26 =	simm.s32 $execute0_lowered;
	[smem:$0x3FD2] =	sst s25  }
0xa6: {  	s4 =	sshll.u32 s26, $0x1;
	_ =	strace $0x80000055;
	[dreg:$0x1] =	wrdreg $0xFFFFFFFF  }
0xa7: {  	s28 =	simm.s32 $_size_execute0_lowered;
	s2 =	sadd.s32 s2, s4;
	[dreg:$0x0] =	wrdreg $0x0  }
0xa8: {  	s4 =	sshll.u32 s28, $0x1;
	[dreg:$0x2] =	wrdreg s2  }
0xa9: {  	[dreg:$0x3] =	wrdreg s4  }
0xaa: {  	[dreg:$0x4] =	wrdreg $0xC0  }
0xab: {  	_ =	task [dreg:s6], $0x5FFFF  }
0xac: {  	[dreg:$0x1] =	wrdreg $0xFFFFFFFF  }
0xad: {  	[dreg:$0x0] =	wrdreg $0x60  }
0xae: {  	[dreg:$0x2] =	wrdreg s24  }
0xaf: {  	[dreg:$0x3] =	wrdreg $0x9  }
0xb0: {  	_ =	task.clear_ibuf [dreg:s6], $0x4FFFF;
	_ =	strace $0x90000055  }
0xb1: {  	s29 =	simm.s32 $0x9;
	_ =	strace $0x80000057  }
0xb2: {  	_ =	swait.ge [sflag:s29], $0x1  }
0xb3: {  	[sflag:s29] =	ssyncadd.s32 $0xFFFFFFFF  }
0xb4: {  	_ =	strace $0x90000057  }
0xb5: {  	_ =	sfence  }
0xb6: {  	s30 =	sld [smem:$0x0];
	_ =	sdelay $0x2  }
0xb7: {  	s31 =	sshll.u32 s1, $0xD;
	s1 =	sshrl.u32 s1, $0x2  }
0xb8: {  	s3 =	sand.u32 $0x4000, s31;
	s1 =	sadd.s32 s1, s30  }
0xb9: {  	s0 =	sor.u32 s3, s0;
	s1 =	sshll.u32 s1, $0x11  }
0xba: {  	s0 =	sor.u32 s1, s0  }
0xbb: {  	s0 =	sadd.s32 $0x8F2B, s0  }
0xbc: {  	[sflag:s0] =	ssyncadd.remote.s32 $0x1  }
0xbd: {  	_ =	sfence.sel $0xFFFF  }
0xbe: {  	[dreg:$0x0] =	wrdreg $0xFFFFFFFF;
	(pc) =	sbr.abs _section_cstart, $3  }
0xbf: {  	[dreg:$0x1] =	wrdreg $0xFFFFFFFF  }
0xc0: {  	_ =	task.clear_ibuf [dreg:s6], $0x2FFFF;
	_ =	strace $0x9FFFFFFF  }
0xc1: {  	(tm) =	ssettm $0x7FFFFFFF  }
tec
execute0_lowered:
.L_overlay_start_1:
0x0: {  	(tag) =	ssettag $0x1  }
0x1: {  	s0 =	srdreg.scid  }
0x2: {  	s7 =	sand.u32 $0x1, s0;
	s0 =	stileid.u32  }
0x3: {  	s2 =	sor.u32 s0, s7  }
0x4: {  	p0 =	sne.s32 s2, $0x0  }
.Ltmp0:
0x5: {  	_ = 	snop;
	(pc) =	sbr.rel @p0 .LBB2_9-.Ltmp0, $3  }
0x6: {  	_ =	sdelay $0x1  }
0x7: {  	s8 =	rddreg [dreg:$0x0]  }
0x8: {  	s1 =	rddreg [dreg:$0x1];
	_ =	strace $0x80000056  }
0x9: {  	s2 =	sadd.s32 $0x2F9C00, s8;
	s3 =	sadd.s32 $0x16000, s8;
	s4 =	sadd.s32 $0x15A00, s8  }
0xa: {  	s5 =	sadd.s32 $0x36EC00, s8;
	s6 =	sadd.s32 $0x36F800, s8;
	s9 =	ssub.s32 $0x2, s7  }
0xb: {  	s7 =	sadd.s32 $0x36F200, s8;
	s8 =	sadd.s32 $0x2FA200, s8;
	s11 =	simm.s32 $0x1  }
0xc: {  	s12 =	simm.s32 $0x2780;
	s13 =	simm.s32 $0x4F00;
	s14 =	simm.s32 $0x7680  }
0xd: {  	s15 =	simm.s32 $0x9E00;
	s16 =	simm.s32 $0xC580;
	s17 =	simm.s32 $0x11480  }
0xe: {  	s18 =	simm.s32 $0x13C00;
	s19 =	simm.s32 $0x16380;
	s10 =	sshrl.u32 s9, $0x1  }
0xf: {  	v0 =	vimm.f32 $0.0e+00;
	s20 =	simm.s32 $0x0;
	s9 =	ssub.s32 s9, s10;
	s10 =	simm.s32 $0x0  }
.LBB2_2:
0x10: {  	[tilespmem:s10], [sflag:$0x1] =	stream.linear.gather [hbm4b:s2+s10], $0x2780, $0x38;
	[tilespmem:$0x18B00] =	vst v63  }
0x11: {  	_ =	swait.ge [sflag:s11], $0x2780  }
0x12: {  	[sflag:s11] =	ssyncset.done $0x0  }
0x13: {  	[sflag:s11] =	ssyncadd.s32 $0xFFFFD880  }
0x14: {  	[tilespmem:s12], [sflag:$0x1] =	stream.linear.gather [hbm4b:s3+s10], $0x2780, $0x38;
	[tilespmem:$0x18B00] =	vst v63  }
0x15: {  	_ =	swait.ge [sflag:s11], $0x2780  }
0x16: {  	[sflag:s11] =	ssyncset.done $0x0  }
0x17: {  	[sflag:s11] =	ssyncadd.s32 $0xFFFFD880  }
0x18: {  	[tilespmem:s13], [sflag:$0x1] =	stream.linear.gather [hbm4b:s4+s10], $0x2780, $0x38;
	[tilespmem:$0x18B00] =	vst v63  }
0x19: {  	_ =	swait.ge [sflag:s11], $0x2780  }
0x1a: {  	[sflag:s11] =	ssyncset.done $0x0  }
0x1b: {  	[sflag:s11] =	ssyncadd.s32 $0xFFFFD880  }
0x1c: {  	[tilespmem:s14], [sflag:$0x1] =	stream.linear.gather [hbm4b:s5+s10], $0x2780, $0x38;
	[tilespmem:$0x18B00] =	vst v63  }
0x1d: {  	_ =	swait.ge [sflag:s11], $0x2780  }
0x1e: {  	[sflag:s11] =	ssyncset.done $0x0  }
0x1f: {  	[sflag:s11] =	ssyncadd.s32 $0xFFFFD880  }
0x20: {  	[tilespmem:s15], [sflag:$0x1] =	stream.linear.gather [hbm4b:s6+s10], $0x2780, $0x38;
	[tilespmem:$0x18B00] =	vst v63  }
0x21: {  	_ =	swait.ge [sflag:s11], $0x2780  }
0x22: {  	[sflag:s11] =	ssyncset.done $0x0  }
0x23: {  	[sflag:s11] =	ssyncadd.s32 $0xFFFFD880  }
0x24: {  	[tilespmem:s16], [sflag:$0x1] =	stream.linear.gather [hbm4b:s7+s10], $0x2780, $0x38;
	[tilespmem:$0x18B00] =	vst v63  }
0x25: {  	_ =	swait.ge [sflag:s11], $0x2780  }
0x26: {  	[sflag:s11] =	ssyncset.done $0x0  }
0x27: {  	s21 =	simm.s32 $0x40;
	s22 =	simm.s32 $0x0;
	[sflag:s11] =	ssyncadd.s32 $0xFFFFD880  }
.LBB2_3:
0x28: {  	p0 =	sne.s32 s21, $0x9C00;
	[tilespmem:s22+$0x11480] =	vst v0;
	s23 =	smov.u32 s21;
	s21 =	sadd.s32 $0x40, s21  }
.Ltmp1:
0x29: {  	[tilespmem:s22+$0x13C00] =	vst v0;
	(pc) =	sbr.rel @p0 .LBB2_3-.Ltmp1, $2  }
0x2a: {  	_ =	sdelay $0x2  }
0x2b: {  	s22 =	sshra.s32 s23, $0x2  }
0x2c: {  	[tilespmem:s22+$0x11480] =	vst v0  }
0x2d: {  	[tilespmem:s22+$0x13C00] =	vst v0;
	s23 =	simm.s32 $0x0  }
0x2e: {  	v1 =	vld [tilespmem:s23+$0x9E00]  }
0x2f: {  	v2 =	vld [tilespmem:s23+$0xC580];
	_ =	sdelay $0x5  }
0x30: {  	s21 =	simm.s32 $0x0  }
0x31: {  	v3 =	vld.idx.msk [tilespmem:v1+s21+$0x0], $0xffff  }
0x32: {  	v2 =	vld.idx.msk [tilespmem:v2+s12+$0x0], $0xffff;
	_ =	sdelay $0x4  }
0x33: {  	v2 =	vadd.f32 v2, v3;
	_ =	sdelay $0x1  }
0x34: {  	v3 =	vmul.f32 $2.000000030e-01, v2  }
0x35: {  	vm0 =	vge.f32 v2, $0.0e+00  }
0x36: {  	v2 =	vsel vm0, v2, v3  }
0x37: {  	v2 =	vmul.f32 $1.442695020e+00, v2;
	_ =	sdelay $0x1  }
0x38: {  	(erf) = vpow2.f32 v2;
	_ =	sdelay $0x8  }
0x39: {  	v2 =	vpop (erf)  }
0x3a: {  	[tilespmem:s23+$0xED00] =	vst v2  }
0x3b: {  	[tilespmem:v1+s17+$0x0] =	vst.idx.add.f32.msk $0xffff, v2  }
0x3c: {  	s22 =	simm.s32 $0x40;
	v2 =	vld [tilespmem:s23+$0x4F00]  }
.LBB2_5:
0x3d: {  	_ =	sdelay $0x2  }
0x3e: {  	p0 =	sne.s32 s22, $0x9C00;
	s23 =	smov.u32 s22;
	s22 =	sadd.s32 $0x40, s22  }
0x3f: {  	s23 =	sshra.s32 s23, $0x2;
	[tilespmem:v1+s18+$0x0] =	vst.idx.add.f32.msk $0xffff, v2  }
0x40: {  	v1 =	vld [tilespmem:s23+$0x9E00]  }
0x41: {  	v2 =	vld [tilespmem:s23+$0xC580];
	_ =	sdelay $0x6  }
0x42: {  	v3 =	vld.idx.msk [tilespmem:v1+s21+$0x0], $0xffff  }
0x43: {  	v2 =	vld.idx.msk [tilespmem:v2+s12+$0x0], $0xffff;
	_ =	sdelay $0x5  }
0x44: {  	v2 =	vadd.f32 v2, v3;
	_ =	sdelay $0x1  }
0x45: {  	vm0 =	vge.f32 v2, $0.0e+00;
	v3 =	vmul.f32 $2.000000030e-01, v2;
	_ =	sdelay $0x1  }
0x46: {  	v2 =	vsel vm0, v2, v3  }
0x47: {  	v2 =	vmul.f32 $1.442695020e+00, v2;
	_ =	sdelay $0x1  }
0x48: {  	(erf) = vpow2.f32 v2;
	_ =	sdelay $0x7  }
.Ltmp2:
0x49: {  	(pc) =	sbr.rel @p0 .LBB2_5-.Ltmp2, $4  }
0x4a: {  	v2 =	vpop (erf)  }
0x4b: {  	[tilespmem:s23+$0xED00] =	vst v2  }
0x4c: {  	[tilespmem:v1+s17+$0x0] =	vst.idx.add.f32.msk $0xffff, v2  }
0x4d: {  	v2 =	vld [tilespmem:s23+$0x4F00]  }
0x4e: {  	_ =	sdelay $0x3  }
0x4f: {  	s21 =	simm.s32 $0x0;
	[tilespmem:v1+s18+$0x0] =	vst.idx.add.f32.msk $0xffff, v2  }
0x50: {  	v1 =	vld [tilespmem:s21+$0x9E00];
	_ =	sdelay $0x7  }
0x51: {  	v2 =	vld.idx.msk [tilespmem:v1+s17+$0x0], $0xffff;
	_ =	sdelay $0x4  }
0x52: {  	v2 =	vadd.f32 $1.000000020e-16, v2;
	_ =	sdelay $0x1  }
0x53: {  	(erf) = vrcp.f32 v2;
	_ =	sdelay $0x1  }
0x54: {  	v1 =	vld.idx.msk [tilespmem:v1+s18+$0x0], $0xffff;
	_ =	sdelay $0x4  }
0x55: {  	v2 =	vadd.f32 $1.000000020e-16, v1;
	_ =	sdelay $0x1  }
0x56: {  	v4 =	vpop (erf);
	(erf) = vrcp.f32 v2;
	_ =	sdelay $0x2  }
0x57: {  	v3 =	vld [tilespmem:s21+$0xED00]  }
0x58: {  	v1 =	vld [tilespmem:s21+$0x7680]  }
0x59: {  	v2 =	vld [tilespmem:s21+$0x4F00];
	_ =	sdelay $0x2  }
0x5a: {  	s23 =	simm.s32 $0x10;
	s22 =	simm.s32 $0x80;
	v3 =	vmul.f32 v4, v3  }
.LBB2_7:
0x5b: {  	p0 =	sne.s32 s22, $0x9C00;
	v4 =	vld [tilespmem:s23+$0x9E00];
	v5 =	vpop (erf)  }
0x5c: {  	v1 =	vadd.f32 v1, v3;
	v2 =	vmul.f32 v2, v5;
	_ =	sdelay $0x1  }
0x5d: {  	v1 =	vadd.f32 v2, v1;
	_ =	sdelay $0x1  }
0x5e: {  	v1 =	vmul.f32 $3.333333430e-01, v1;
	_ =	sdelay $0x1  }
0x5f: {  	[tilespmem:s21+$0x16380] =	vst v1;
	s21 =	smov.u32 s23  }
0x60: {  	v1 =	vld.idx.msk [tilespmem:v4+s17+$0x0], $0xffff;
	_ =	sdelay $0x1  }
0x61: {  	v2 =	vld.idx.msk [tilespmem:v4+s18+$0x0], $0xffff;
	_ =	sdelay $0x3  }
0x62: {  	v1 =	vadd.f32 $1.000000020e-16, v1;
	_ =	sdelay $0x1  }
0x63: {  	v2 =	vadd.f32 $1.000000020e-16, v2;
	(erf) = vrcp.f32 v1;
	_ =	sdelay $0x1  }
0x64: {  	(erf) = vrcp.f32 v2;
	_ =	sdelay $0x2  }
0x65: {  	v3 =	vld [tilespmem:s21+$0xED00]  }
.Ltmp3:
0x66: {  	v1 =	vld [tilespmem:s21+$0x7680];
	(pc) =	sbr.rel @p0 .LBB2_7-.Ltmp3, $3  }
0x67: {  	v2 =	vld [tilespmem:s21+$0x4F00];
	_ =	sdelay $0x1  }
0x68: {  	v4 =	vpop (erf)  }
0x69: {  	s23 =	sshra.s32 s22, $0x2;
	s22 =	sadd.s32 $0x40, s22;
	v3 =	vmul.f32 v4, v3  }
0x6a: {  	v4 =	vld [tilespmem:s23+$0x9E00];
	v5 =	vpop (erf)  }
0x6b: {  	v1 =	vadd.f32 v1, v3;
	v2 =	vmul.f32 v2, v5;
	_ =	sdelay $0x1  }
0x6c: {  	v1 =	vadd.f32 v2, v1;
	_ =	sdelay $0x1  }
0x6d: {  	v1 =	vmul.f32 $3.333333430e-01, v1;
	_ =	sdelay $0x1  }
0x6e: {  	[tilespmem:s21+$0x16380] =	vst v1  }
0x6f: {  	v1 =	vld.idx.msk [tilespmem:v4+s17+$0x0], $0xffff;
	_ =	sdelay $0x1  }
0x70: {  	v2 =	vld.idx.msk [tilespmem:v4+s18+$0x0], $0xffff;
	_ =	sdelay $0x2  }
0x71: {  	v1 =	vadd.f32 $1.000000020e-16, v1;
	_ =	sdelay $0x1  }
0x72: {  	v2 =	vadd.f32 $1.000000020e-16, v2;
	(erf) = vrcp.f32 v1;
	_ =	sdelay $0x1  }
0x73: {  	(erf) = vrcp.f32 v2;
	_ =	sdelay $0x2  }
0x74: {  	v1 =	vld [tilespmem:s23+$0xED00]  }
0x75: {  	v3 =	vld [tilespmem:s23+$0x4F00]  }
0x76: {  	v2 =	vld [tilespmem:s23+$0x7680];
	_ =	sdelay $0x1  }
0x77: {  	v62 =	vpop (erf)  }
0x78: {  	v1 =	vmul.f32 v62, v1  }
0x79: {  	v63 =	vpop (erf)  }
0x7a: {  	v1 =	vadd.f32 v2, v1;
	v2 =	vmul.f32 v3, v63;
	_ =	sdelay $0x1  }
0x7b: {  	v1 =	vadd.f32 v2, v1;
	_ =	sdelay $0x1  }
0x7c: {  	s20 =	sadd.s32 $0x1, s20;
	v1 =	vmul.f32 $3.333333430e-01, v1  }
0x7d: {  	p0 =	sne.s32 s20, s9  }
.Ltmp4:
0x7e: {  	[tilespmem:s23+$0x16380] =	vst v1;
	(pc) =	sbr.rel @p0 .LBB2_2-.Ltmp4, $4  }
0x7f: {  	[hbm4b:s8+s10] =	stream.linear.scatter [tilespmem:s19], [sflag:$0x1], $0x2780, $0x38;
	[tilespmem:$0x18B00] =	vst v63  }
0x80: {  	_ =	swait.ge [sflag:s11], $0x2780  }
0x81: {  	[sflag:s11] =	ssyncset.done $0x0  }
0x82: {  	[sflag:s11] =	ssyncadd.s32 $0xFFFFD880  }
.LBB2_9:
0x83: {  	_ =	sfence.sel $0x180000  }
0x84: {  	[bflag:$0x0] =	sbarrier.arrive $0xFFFF  }
0x85: {  	p0 =	sne.s32 s0, $0x0;
	_ =	strace $0x90000056  }
0x86: {  	s0 =	sadd.s32 @!p0 $0x100000, s1;
	[bflag:$0x2] =	sbarrier.arrive $0xFFFF  }
0x87: {  	[sflag:s0] =	ssyncadd.tile.s32 @!p0 $0x1;
	_ =	shalt  }
.Lfunc_end2:
_tile_overlayer_lowered:
.L_overlay_start_2:
0x88: {  	(tag) =	ssettag $0x2  }
0x89: {  	s0 =	rddreg [dreg:$0x0];
	s2 =	stileid.u32  }
0x8a: {  	s1 =	rddreg [dreg:$0x1];
	p0 =	sne.s32 s2, $0x0  }
0x8b: {  	s3 =	rddreg [dreg:$0x2];
	[bflag:$0x3] =	sbarrier.arrive $0xFFFF;
	s2 =	simm.s32 @!p0 $0x1C01  }
0x8c: {  	[timem:s3], [sflag:s2] =	dma.local @!p0 [hbm:s0], s1  }
0x8d: {  	s0 =	simm.s32 @!p0 $0x1  }
0x8e: {  	_ =	swait.ge @!p0 [sflag:s0], s1  }
0x8f: {  	s1 =	ssub.s32 @!p0 $0x0, s1;
	[sflag:s0] =	ssyncset.done @!p0 $0x0  }
0x90: {  	[sflag:s0] =	ssyncadd.s32 @!p0 s1  }
0x91: {  	[bflag:$0x3] =	sbarrier.arrive $0xFFFF  }
0x92: {  	_ =	shalt  }

// kernel: kernel.49.cloned.1.call-start
scs
__scs_entry_jumppad:
0x0: {  	(pc) =	sbr.rel $0x88, $3  }
0x1: {  	(tag) =	ssettag $0x0;
	lr =	simm.s32 $0x1  }
0x2: {  	[smem:$0x3F44] =	sst lr;
	_ =	strace $0xD0000000  }
0x3: {  	_ = 	snop  }
0x4: {  	_ = 	snop  }
0x5: {  	_ = 	snop  }
0x6: {  	_ = 	snop  }
0x7: {  	_ = 	snop  }
__scs_overlays_trampoline_lowered:
0x8: {  	[smem:$0x3F53] =	sst s0  }
0x9: {  	[smem:$0x3F54] =	sst s1  }
0xa: {  	[smem:$0x3F55] =	sst s2  }
0xb: {  	[smem:$0x3F56] =	sst s3  }
0xc: {  	[smem:$0x3F57] =	sst s4  }
0xd: {  	[smem:$0x3F58] =	sst s5  }
0xe: {  	[smem:$0x3F59] =	sst s6  }
0xf: {  	[smem:$0x3F5A] =	sst s7  }
0x10: {  	[smem:$0x3F5B] =	sst s8  }
0x11: {  	[smem:$0x3F5C] =	sst s9;
	s0 =	simm.s32 @!p0 $0x0  }
0x12: {  	s1 =	sld [smem:$0x3F42];
	s0 =	simm.s32 @p0 $0x1  }
0x13: {  	[smem:$0x3F5D] =	sst s0;
	s0 =	simm.s32 @!p1 $0x0  }
0x14: {  	s2 =	sld [smem:$0x3F41];
	s0 =	simm.s32 @p1 $0x1  }
0x15: {  	[smem:$0x3F5E] =	sst s0;
	s0 =	simm.s32 @!p2 $0x0  }
0x16: {  	s3 =	sld [smem:$0x3FDB];
	s0 =	simm.s32 @p2 $0x1  }
0x17: {  	s4 =	simm.s32 $0x1BF5;
	[smem:$0x3F60] =	sst s0  }
0x18: {  	s0 =	sld [smem:$0x3F43];
	_ =	swait.ge [sflag:s4], $0x0  }
0x19: {  	s7 =	sld [smem:$0x3F44]  }
0x1a: {  	s8 =	sadd.s32 $0xFFFFE003, lr  }
0x1b: {  	s9 =	sadd.s32 $0xFFFFFEF7, lr;
	s5 =	simm.s32 $0xFFFFFFFF;
	p2 =	slt.u32 s8, $0xFFFFF086  }
0x1c: {  	p1 =	slt.u32 s9, $0xF7A;
	s5 =	simm.s32 @!p2 $0x0  }
0x1d: {  	s5 =	simm.s32 @p1 $0x1;
	p0 =	seq.s32 s7, s2  }
0x1e: {  	s7 =	smul.u32 @!p0 $0xF7A, s2;
	p2 =	seq.s32 @!p0 s5, $0x0  }
0x1f: {  	s9 =	smul.u32 $0xF7A, s1;
	s8 =	simm.s32 @!p0 $0x1BF5;
	p2 =	por !p2, p0  }
0x20: {  	[sflag:s8] =	ssyncset.s32 @!p0 $0xFFFFF086;
	s6 =	sadd.s32 @!p0 s3, s7;
	s7 =	simm.s32 @!p0 $0x108  }
0x21: {  	s3 =	sadd.s32 s3, s9;
	s6 =	sadd.s32 @!p0 $0x88, s6;
	s7 =	simm.s32 @p2 $0x1082  }
0x22: {  	[simem:s7], [sflag:s8] =	dma.local @!p0 [hbm:s6], $0xF7A  }
0x23: {  	s9 =	sor.u32 $0xD0000000, s2;
	s6 =	simm.s32 $0x108;
	_ =	swait.ge @!p0 [sflag:s8], $0x0  }
0x24: {  	s3 =	sadd.s32 $0x88, s3;
	s6 =	simm.s32 @!p1 $0x1082;
	[sflag:s4] =	ssyncset.s32 $0xFFFFF086  }
0x25: {  	[simem:s6], [sflag:s4] =	dma.local [hbm:s3], $0xF7A  }
0x26: {  	[smem:$0x3F44] =	sst s1;
	(tag) =	ssettag s2;
	_ =	strace s9  }
0x27: {  	s1 =	sld [smem:$0x3F54]  }
0x28: {  	s2 =	sld [smem:$0x3F55]  }
0x29: {  	s4 =	sld [smem:$0x3F57]  }
0x2a: {  	p0 =	seq.s32 s5, $0x0;
	s5 =	sld [smem:$0x3F58]  }
0x2b: {  	s6 =	sld [smem:$0x3F59]  }
0x2c: {  	s7 =	sld [smem:$0x3F5A]  }
0x2d: {  	s3 =	simm.s32 $0x108;
	s8 =	sld [smem:$0x3F5B]  }
0x2e: {  	s3 =	simm.s32 @!p0 $0x1082;
	s9 =	sld [smem:$0x3F5C]  }
0x2f: {  	lr =	sadd.s32 s0, s3;
	s0 =	sld [smem:$0x3F53]  }
0x30: {  	s3 =	sld [smem:$0x3F56]  }
0x31: {  	[smem:$0x3F5F] =	sst s10  }
0x32: {  	s10 =	sld [smem:$0x3F5D];
	_ =	sdelay $0x3  }
0x33: {  	p0 =	seq.s32 s10, $0x1;
	s10 =	sld [smem:$0x3F5F];
	_ =	sdelay $0x3  }
0x34: {  	[smem:$0x3F5F] =	sst s10  }
0x35: {  	s10 =	sld [smem:$0x3F5E];
	_ =	sdelay $0x3  }
0x36: {  	p1 =	seq.s32 s10, $0x1;
	s10 =	sld [smem:$0x3F5F];
	_ =	sdelay $0x3  }
0x37: {  	[smem:$0x3F5F] =	sst s10  }
0x38: {  	s10 =	sld [smem:$0x3F60]  }
0x39: {  	_ = 	snop;
	(pc) =	sbr.ind lr, $3  }
0x3a: {  	_ = 	snop  }
0x3b: {  	_ = 	snop  }
0x3c: {  	p2 =	seq.s32 s10, $0x1;
	s10 =	sld [smem:$0x3F5F]  }
0x3d: {  	_ =	shalt  }
0x3e: {  	_ =	shalt  }
0x3f: {  	_ =	shalt  }
0x40: {  	_ =	shalt  }
0x41: {  	_ =	shalt  }
0x42: {  	_ =	shalt  }
0x43: {  	_ =	shalt  }
0x44: {  	_ =	shalt  }
0x45: {  	_ =	shalt  }
0x46: {  	_ =	shalt  }
0x47: {  	_ =	shalt  }
0x48: {  	_ =	shalt  }
0x49: {  	_ =	shalt  }
0x4a: {  	_ =	shalt  }
0x4b: {  	_ =	shalt  }
0x4c: {  	_ =	shalt  }
0x4d: {  	_ =	shalt  }
0x4e: {  	_ =	shalt  }
0x4f: {  	_ =	shalt  }
0x50: {  	_ =	shalt  }
0x51: {  	_ =	shalt  }
0x52: {  	_ =	shalt  }
0x53: {  	_ =	shalt  }
0x54: {  	_ =	shalt  }
0x55: {  	_ =	shalt  }
0x56: {  	_ =	shalt  }
0x57: {  	_ =	shalt  }
0x58: {  	_ =	shalt  }
0x59: {  	_ =	shalt  }
0x5a: {  	_ =	shalt  }
0x5b: {  	_ =	shalt  }
0x5c: {  	_ =	shalt  }
0x5d: {  	_ =	shalt  }
0x5e: {  	_ =	shalt  }
0x5f: {  	_ =	shalt  }
0x60: {  	_ =	shalt  }
0x61: {  	_ =	shalt  }
0x62: {  	_ =	shalt  }
0x63: {  	_ =	shalt  }
0x64: {  	_ =	shalt  }
0x65: {  	_ =	shalt  }
0x66: {  	_ =	shalt  }
0x67: {  	_ =	shalt  }
0x68: {  	_ =	shalt  }
0x69: {  	_ =	shalt  }
0x6a: {  	_ =	shalt  }
0x6b: {  	_ =	shalt  }
0x6c: {  	_ =	shalt  }
0x6d: {  	_ =	shalt  }
0x6e: {  	_ =	shalt  }
0x6f: {  	_ =	shalt  }
0x70: {  	_ =	shalt  }
0x71: {  	_ =	shalt  }
0x72: {  	_ =	shalt  }
0x73: {  	_ =	shalt  }
0x74: {  	_ =	shalt  }
0x75: {  	_ =	shalt  }
0x76: {  	_ =	shalt  }
0x77: {  	_ =	shalt  }
0x78: {  	_ =	shalt  }
0x79: {  	_ =	shalt  }
0x7a: {  	_ =	shalt  }
0x7b: {  	_ =	shalt  }
0x7c: {  	_ =	shalt  }
0x7d: {  	_ =	shalt  }
0x7e: {  	_ =	shalt  }
0x7f: {  	_ =	shalt  }
0x80: {  	_ =	shalt  }
0x81: {  	_ =	shalt  }
0x82: {  	_ =	shalt  }
0x83: {  	_ =	shalt  }
0x84: {  	_ =	shalt  }
0x85: {  	_ =	shalt  }
0x86: {  	_ =	shalt  }
0x87: {  	_ =	shalt  }
.Lfunc_end0:
.L_simem_size_0:
called_computation.6_lowered:
.L_overlay_start_0:
0x88: {  	s2 =	sld [smem:$0x3FD9]  }
0x89: {  	s3 =	sld [smem:$0x3FFE];
	_ =	sdelay $0x1  }
0x8a: {  	s1 =	srdreg.scid  }
0x8b: {  	s0 =	sand.u32 $0x1, s1  }
0x8c: {  	s16 =	sshll.u32 s0, $0xA;
	s2 =	sadd.s32 s3, s2  }
0x8d: {  	s2 =	sadd.s32 s2, s16  }
0x8e: {  	[smem:$0x3F6B] =	sst s2  }
0x8f: {  	_ = 	snop  }
0x90: {  	(tm) =	ssettm $0x1  }
0x91: {  	s17 =	sld [smem:$0x3FFB];
	_ =	sdelay $0x3  }
0x92: {  	_ =	strace s17  }
0x93: {  	s2 =	sld [smem:$0x3FFC];
	_ =	sdelay $0x3  }
0x94: {  	_ =	strace s2  }
0x95: {  	s2 =	sld [smem:$0x3FFD];
	_ =	sdelay $0x3  }
0x96: {  	_ =	strace s2  }
0x97: {  	_ =	strace $0x8FFFFFFF  }
0x98: {  	s18 =	sld [smem:$0x3FDB];
	_ =	sdelay $0x1  }
0x99: {  	s19 =	simm.s32 $_scs_section_size  }
0x9a: {  	s4 =	simm.s32 $_size__tile_overlayer_lowered;
	s5 =	simm.s32 $_tile_overlayer_lowered  }
0x9b: {  	s22 =	simm.s32 $0x1BFF;
	s21 =	sshll.u32 s5, $0x1;
	s2 =	sadd.s32 s19, s18  }
0x9c: {  	s6 =	simm.s32 $0x0;
	s20 =	sshll.u32 s4, $0x1;
	s4 =	sadd.s32 s21, s2  }
0x9d: {  	[timem:s6], [sflag:s22] =	dma.local [hbm:s4], s20  }
0x9e: {  	_ =	swait.ge [sflag:s22], s20  }
0x9f: {  	s3 =	ssub.s32 $0x0, s20;
	[sflag:s22] =	ssyncset.done $0x0  }
0xa0: {  	[sflag:s22] =	ssyncadd.s32 s3;
	_ =	sdelay $0x1  }
0xa1: {  	s23 =	simm.s32 $0x1B8B  }
0xa2: {  	_ =	swait.ge [sflag:s23], $0x1  }
0xa3: {  	[sflag:s23] =	ssyncset.done $0x0  }
0xa4: {  	s25 =	simm.s32 $0x1B8E;
	s24 =	sld [smem:$0x3FFE];
	[sflag:s23] =	ssyncadd.s32 $0xFFFFFFFF  }
0xa5: {  	s26 =	simm.s32 $execute0_lowered;
	[smem:$0x3FD2] =	sst s25  }
0xa6: {  	s4 =	sshll.u32 s26, $0x1;
	_ =	strace $0x80000058;
	[dreg:$0x1] =	wrdreg $0xFFFFFFFF  }
0xa7: {  	s28 =	simm.s32 $_size_execute0_lowered;
	s2 =	sadd.s32 s2, s4;
	[dreg:$0x0] =	wrdreg $0x0  }
0xa8: {  	s4 =	sshll.u32 s28, $0x1;
	[dreg:$0x2] =	wrdreg s2  }
0xa9: {  	[dreg:$0x3] =	wrdreg s4  }
0xaa: {  	[dreg:$0x4] =	wrdreg $0xC0  }
0xab: {  	_ =	task [dreg:s6], $0x5FFFF  }
0xac: {  	[dreg:$0x1] =	wrdreg $0xFFFFFFFF  }
0xad: {  	[dreg:$0x0] =	wrdreg $0x60  }
0xae: {  	[dreg:$0x2] =	wrdreg s24  }
0xaf: {  	[dreg:$0x3] =	wrdreg $0x9  }
0xb0: {  	_ =	task.clear_ibuf [dreg:s6], $0x4FFFF;
	_ =	strace $0x90000058  }
0xb1: {  	s29 =	simm.s32 $0x9;
	_ =	strace $0x8000005A  }
0xb2: {  	_ =	swait.ge [sflag:s29], $0x1  }
0xb3: {  	[sflag:s29] =	ssyncadd.s32 $0xFFFFFFFF  }
0xb4: {  	_ =	strace $0x9000005A  }
0xb5: {  	_ =	sfence  }
0xb6: {  	s30 =	sld [smem:$0x0];
	_ =	sdelay $0x2  }
0xb7: {  	s31 =	sshll.u32 s1, $0xD;
	s1 =	sshrl.u32 s1, $0x2  }
0xb8: {  	s3 =	sand.u32 $0x4000, s31;
	s1 =	sadd.s32 s1, s30  }
0xb9: {  	s0 =	sor.u32 s3, s0;
	s1 =	sshll.u32 s1, $0x11  }
0xba: {  	s0 =	sor.u32 s1, s0  }
0xbb: {  	s0 =	sadd.s32 $0x8F2B, s0  }
0xbc: {  	[sflag:s0] =	ssyncadd.remote.s32 $0x1  }
0xbd: {  	_ =	sfence.sel $0xFFFF  }
0xbe: {  	[dreg:$0x0] =	wrdreg $0xFFFFFFFF;
	(pc) =	sbr.abs _section_cstart, $3  }
0xbf: {  	[dreg:$0x1] =	wrdreg $0xFFFFFFFF  }
0xc0: {  	_ =	task.clear_ibuf [dreg:s6], $0x2FFFF;
	_ =	strace $0x9FFFFFFF  }
0xc1: {  	(tm) =	ssettm $0x7FFFFFFF  }
tec
execute0_lowered:
.L_overlay_start_1:
0x0: {  	(tag) =	ssettag $0x1  }
0x1: {  	s5 =	rddreg [dreg:$0x0]  }
0x2: {  	s0 =	rddreg [dreg:$0x1];
	s2 =	simm.s32 $0x0;
	s3 =	srdreg.scid  }
0x3: {  	s1 =	stileid.u32;
	s12 =	simm.s32 $0x100;
	s13 =	simm.s32 $0x2100  }
0x4: {  	s14 =	simm.s32 $0x1;
	s15 =	simm.s32 $0x2;
	s7 =	smul.u32 $0x2800, s1  }
0x5: {  	s16 =	simm.s32 $0x0;
	s6 =	sand.u32 $0x1, s3;
	s9 =	smul.u32 $0x14000, s1  }
0x6: {  	[smem:$0x7FF] =	sst s2;
	s3 =	sadd.s32 $0x321E00, s5;
	s8 =	smul.u32 $0x1400, s6  }
0x7: {  	s4 =	sadd.s32 $0x74000, s5;
	s29 =	ssub.s32 $0x2, s6;
	s6 =	smul.u32 $0xA000, s6  }
0x8: {  	_ =	strace $0x80000059;
	s9 =	sadd.s32 s9, s5;
	s10 =	sshrl.u32 s29, $0x1  }
0x9: {  	s7 =	sadd.s32 s8, s7;
	s30 =	ssub.s32 s29, s10;
	s31 =	sadd.s32 s6, s9  }
0xa: {  	s10 =	simm.s32 $0x3;
	s7 =	sshrl.u32 s7, $0x3;
	s6 =	sadd.s32 $0x5EFE00, s31  }
0xb: {  	s11 =	sadd.s32 s7, s5;
	s5 =	smax.u32 s30, $0x1;
	s7 =	sadd.s32 $0x87A00, s31  }
0xc: {  	s8 =	sadd.s32 $0x16A00, s11;
	s9 =	sadd.s32 $0x6F000, s11;
	s11 =	simm.s32 $0x80  }
.LBB2_1:
0xd: {  	s17 =	sadd.s32 $0x0, s9  }
0xe: {  	[tilespmem:s2], [sflag:$0x3] =	stream.linear.gather [hbm4b:s17+s2], $0x80, $0x38;
	[tilespmem:$0x4100] =	vst v63  }
0xf: {  	_ =	swait.ge [sflag:s10], $0x80  }
0x10: {  	[sflag:s10] =	ssyncset.done $0x0  }
0x11: {  	s31 =	sadd.s32 $0x0, s8;
	[sflag:s10] =	ssyncadd.s32 $0xFFFFFF80  }
0x12: {  	[tilespmem:s11], [sflag:$0x3] =	stream.linear.gather [hbm4b:s31+s2], $0x80, $0x38;
	[tilespmem:$0x4100] =	vst v63  }
0x13: {  	_ =	swait.ge [sflag:s10], $0x80  }
0x14: {  	[sflag:s10] =	ssyncset.done $0x0  }
0x15: {  	[sflag:s10] =	ssyncadd.s32 $0xFFFFFF80  }
0x16: {  	[tilespmem:s12], [sflag:$0x1] =	stream.indirect.gather [hbm4b:s3+s11], $0x40, s2, s11, $0xb8;
	[tilespmem:$0x4100] =	vst v63  }
0x17: {  	_ = 	snop  }
0x18: {  	[tilespmem:s13], [sflag:$0x2] =	stream.indirect.gather [hbm4b:s4+s11], $0x40, s11, s11, $0xb8;
	[tilespmem:$0x4100] =	vst v63  }
0x19: {  	_ =	swait.ge [sflag:s14], $0x2000  }
0x1a: {  	[sflag:s14] =	ssyncset.done $0x0  }
0x1b: {  	[sflag:s14] =	ssyncadd.s32 $0xFFFFE000  }
0x1c: {  	_ =	swait.ge [sflag:s15], $0x2000  }
0x1d: {  	[sflag:s15] =	ssyncset.done $0x0  }
0x1e: {  	[sflag:s15] =	ssyncadd.s32 $0xFFFFE000  }
0x1f: {  	[hbm4b:s7+s2] =	stream.linear.scatter [tilespmem:s12], [sflag:$0x3], $0x2000, $0x38;
	[tilespmem:$0x4100] =	vst v63  }
0x20: {  	_ =	swait.ge [sflag:s10], $0x2000  }
0x21: {  	[sflag:s10] =	ssyncset.done $0x0  }
0x22: {  	[sflag:s10] =	ssyncadd.s32 $0xFFFFE000  }
0x23: {  	[hbm4b:s6+s2] =	stream.linear.scatter [tilespmem:s13], [sflag:$0x3], $0x2000, $0x38;
	[tilespmem:$0x4100] =	vst v63  }
0x24: {  	s19 =	simm.s32 $0x10;
	s20 =	simm.s32 $0x20;
	_ =	swait.ge [sflag:s10], $0x2000  }
0x25: {  	s18 =	sadd.s32 $0x400, s7;
	s17 =	sadd.s32 $0x400, s6;
	[sflag:s10] =	ssyncset.done $0x0  }
.LBB2_2:
0x26: {  	s21 =	sadd.s32 s19, s9  }
0x27: {  	[sflag:s10] =	ssyncadd.s32 $0xFFFFE000;
	s22 =	smov.u32 s20;
	s23 =	sadd.s32 $0x10, s20  }
0x28: {  	[tilespmem:s2], [sflag:$0x3] =	stream.linear.gather [hbm4b:s21+s2], $0x80, $0x38;
	[tilespmem:$0x4100] =	vst v63  }
0x29: {  	p0 =	sne.s32 s20, $0x270;
	_ =	swait.ge [sflag:s10], $0x80  }
0x2a: {  	[sflag:s10] =	ssyncset.done $0x0  }
0x2b: {  	s20 =	sadd.s32 s19, s8;
	s19 =	smov.u32 s22;
	[sflag:s10] =	ssyncadd.s32 $0xFFFFFF80  }
0x2c: {  	[tilespmem:s11], [sflag:$0x3] =	stream.linear.gather [hbm4b:s20+s2], $0x80, $0x38;
	[tilespmem:$0x4100] =	vst v63  }
0x2d: {  	_ =	swait.ge [sflag:s10], $0x80  }
0x2e: {  	[sflag:s10] =	ssyncset.done $0x0  }
0x2f: {  	[sflag:s10] =	ssyncadd.s32 $0xFFFFFF80  }
0x30: {  	[tilespmem:s12], [sflag:$0x1] =	stream.indirect.gather [hbm4b:s3+s11], $0x40, s2, s11, $0xb8;
	[tilespmem:$0x4100] =	vst v63  }
0x31: {  	_ = 	snop  }
0x32: {  	[tilespmem:s13], [sflag:$0x2] =	stream.indirect.gather [hbm4b:s4+s11], $0x40, s11, s11, $0xb8;
	[tilespmem:$0x4100] =	vst v63  }
0x33: {  	_ =	swait.ge [sflag:s14], $0x2000  }
0x34: {  	[sflag:s14] =	ssyncset.done $0x0  }
0x35: {  	[sflag:s14] =	ssyncadd.s32 $0xFFFFE000  }
0x36: {  	_ =	swait.ge [sflag:s15], $0x2000  }
0x37: {  	[sflag:s15] =	ssyncset.done $0x0  }
0x38: {  	[sflag:s15] =	ssyncadd.s32 $0xFFFFE000  }
0x39: {  	[hbm4b:s18+s2] =	stream.linear.scatter [tilespmem:s12], [sflag:$0x3], $0x2000, $0x38;
	[tilespmem:$0x4100] =	vst v63  }
0x3a: {  	_ =	swait.ge [sflag:s10], $0x2000  }
.Ltmp0:
0x3b: {  	[sflag:s10] =	ssyncset.done $0x0;
	(pc) =	sbr.rel @p0 .LBB2_2-.Ltmp0, $4  }
0x3c: {  	[sflag:s10] =	ssyncadd.s32 $0xFFFFE000  }
0x3d: {  	[hbm4b:s17+s2] =	stream.linear.scatter [tilespmem:s13], [sflag:$0x3], $0x2000, $0x38;
	[tilespmem:$0x4100] =	vst v63  }
0x3e: {  	s20 =	smov.u32 s23;
	_ =	swait.ge [sflag:s10], $0x2000  }
0x3f: {  	s18 =	sadd.s32 $0x400, s18;
	s17 =	sadd.s32 $0x400, s17;
	[sflag:s10] =	ssyncset.done $0x0  }
0x40: {  	s20 =	sadd.s32 s19, s9;
	[sflag:s10] =	ssyncadd.s32 $0xFFFFE000  }
0x41: {  	[tilespmem:s2], [sflag:$0x3] =	stream.linear.gather [hbm4b:s20+s2], $0x80, $0x38;
	[tilespmem:$0x4100] =	vst v63  }
0x42: {  	_ =	swait.ge [sflag:s10], $0x80  }
0x43: {  	[sflag:s10] =	ssyncset.done $0x0  }
0x44: {  	s31 =	sadd.s32 s19, s8;
	[sflag:s10] =	ssyncadd.s32 $0xFFFFFF80  }
0x45: {  	[tilespmem:s11], [sflag:$0x3] =	stream.linear.gather [hbm4b:s31+s2], $0x80, $0x38;
	[tilespmem:$0x4100] =	vst v63  }
0x46: {  	_ =	swait.ge [sflag:s10], $0x80  }
0x47: {  	[sflag:s10] =	ssyncset.done $0x0  }
0x48: {  	[sflag:s10] =	ssyncadd.s32 $0xFFFFFF80  }
0x49: {  	[tilespmem:s12], [sflag:$0x1] =	stream.indirect.gather [hbm4b:s3+s11], $0x40, s2, s11, $0xb8;
	[tilespmem:$0x4100] =	vst v63  }
0x4a: {  	_ = 	snop  }
0x4b: {  	[tilespmem:s13], [sflag:$0x2] =	stream.indirect.gather [hbm4b:s4+s11], $0x40, s11, s11, $0xb8;
	[tilespmem:$0x4100] =	vst v63  }
0x4c: {  	_ =	swait.ge [sflag:s14], $0x2000  }
0x4d: {  	[sflag:s14] =	ssyncset.done $0x0  }
0x4e: {  	[sflag:s14] =	ssyncadd.s32 $0xFFFFE000  }
0x4f: {  	_ =	swait.ge [sflag:s15], $0x2000  }
0x50: {  	[sflag:s15] =	ssyncset.done $0x0  }
0x51: {  	[sflag:s15] =	ssyncadd.s32 $0xFFFFE000  }
0x52: {  	[hbm4b:s18+s2] =	stream.linear.scatter [tilespmem:s12], [sflag:$0x3], $0x2000, $0x38;
	[tilespmem:$0x4100] =	vst v63  }
0x53: {  	s16 =	sadd.s32 $0x1, s16;
	_ =	swait.ge [sflag:s10], $0x2000  }
0x54: {  	p0 =	sne.s32 s16, s5;
	[sflag:s10] =	ssyncset.done $0x0  }
.Ltmp1:
0x55: {  	[sflag:s10] =	ssyncadd.s32 $0xFFFFE000;
	(pc) =	sbr.rel @p0 .LBB2_1-.Ltmp1, $4  }
0x56: {  	[hbm4b:s17+s2] =	stream.linear.scatter [tilespmem:s13], [sflag:$0x3], $0x2000, $0x38;
	[tilespmem:$0x4100] =	vst v63  }
0x57: {  	_ =	swait.ge [sflag:s10], $0x2000  }
0x58: {  	[sflag:s10] =	ssyncset.done $0x0  }
0x59: {  	[sflag:s10] =	ssyncadd.s32 $0xFFFFE000  }
0x5a: {  	_ =	sfence.sel $0x180000  }
0x5b: {  	[bflag:$0x0] =	sbarrier.arrive $0xFFFF  }
0x5c: {  	p0 =	sne.s32 s1, $0x0;
	_ =	strace $0x90000059  }
0x5d: {  	s0 =	sadd.s32 @!p0 $0x100000, s0;
	[bflag:$0x2] =	sbarrier.arrive $0xFFFF  }
0x5e: {  	[sflag:s0] =	ssyncadd.tile.s32 @!p0 $0x1;
	_ =	shalt  }
.Lfunc_end2:
_tile_overlayer_lowered:
.L_overlay_start_2:
0x5f: {  	(tag) =	ssettag $0x2  }
0x60: {  	s0 =	rddreg [dreg:$0x0];
	s2 =	stileid.u32  }
0x61: {  	s1 =	rddreg [dreg:$0x1];
	p0 =	sne.s32 s2, $0x0  }
0x62: {  	s3 =	rddreg [dreg:$0x2];
	[bflag:$0x3] =	sbarrier.arrive $0xFFFF;
	s2 =	simm.s32 @!p0 $0x1C03  }
0x63: {  	[timem:s3], [sflag:s2] =	dma.local @!p0 [hbm:s0], s1  }
0x64: {  	s0 =	simm.s32 @!p0 $0x3  }
0x65: {  	_ =	swait.ge @!p0 [sflag:s0], s1  }
0x66: {  	s1 =	ssub.s32 @!p0 $0x0, s1;
	[sflag:s0] =	ssyncset.done @!p0 $0x0  }
0x67: {  	[sflag:s0] =	ssyncadd.s32 @!p0 s1  }
0x68: {  	[bflag:$0x3] =	sbarrier.arrive $0xFFFF  }
0x69: {  	_ =	shalt  }

// kernel: kernel.52.cloned.1.call-start
scs
__scs_entry_jumppad:
0x0: {  	(pc) =	sbr.rel $0x88, $3  }
0x1: {  	(tag) =	ssettag $0x0;
	lr =	simm.s32 $0x1  }
0x2: {  	[smem:$0x3F44] =	sst lr;
	_ =	strace $0xD0000000  }
0x3: {  	_ = 	snop  }
0x4: {  	_ = 	snop  }
0x5: {  	_ = 	snop  }
0x6: {  	_ = 	snop  }
0x7: {  	_ = 	snop  }
__scs_overlays_trampoline_lowered:
0x8: {  	[smem:$0x3F53] =	sst s0  }
0x9: {  	[smem:$0x3F54] =	sst s1  }
0xa: {  	[smem:$0x3F55] =	sst s2  }
0xb: {  	[smem:$0x3F56] =	sst s3  }
0xc: {  	[smem:$0x3F57] =	sst s4  }
0xd: {  	[smem:$0x3F58] =	sst s5  }
0xe: {  	[smem:$0x3F59] =	sst s6  }
0xf: {  	[smem:$0x3F5A] =	sst s7  }
0x10: {  	[smem:$0x3F5B] =	sst s8  }
0x11: {  	[smem:$0x3F5C] =	sst s9;
	s0 =	simm.s32 @!p0 $0x0  }
0x12: {  	s1 =	sld [smem:$0x3F42];
	s0 =	simm.s32 @p0 $0x1  }
0x13: {  	[smem:$0x3F5D] =	sst s0;
	s0 =	simm.s32 @!p1 $0x0  }
0x14: {  	s2 =	sld [smem:$0x3F41];
	s0 =	simm.s32 @p1 $0x1  }
0x15: {  	[smem:$0x3F5E] =	sst s0;
	s0 =	simm.s32 @!p2 $0x0  }
0x16: {  	s3 =	sld [smem:$0x3FDB];
	s0 =	simm.s32 @p2 $0x1  }
0x17: {  	s4 =	simm.s32 $0x1BF5;
	[smem:$0x3F60] =	sst s0  }
0x18: {  	s0 =	sld [smem:$0x3F43];
	_ =	swait.ge [sflag:s4], $0x0  }
0x19: {  	s7 =	sld [smem:$0x3F44]  }
0x1a: {  	s8 =	sadd.s32 $0xFFFFE003, lr  }
0x1b: {  	s9 =	sadd.s32 $0xFFFFFEF7, lr;
	s5 =	simm.s32 $0xFFFFFFFF;
	p2 =	slt.u32 s8, $0xFFFFF086  }
0x1c: {  	p1 =	slt.u32 s9, $0xF7A;
	s5 =	simm.s32 @!p2 $0x0  }
0x1d: {  	s5 =	simm.s32 @p1 $0x1;
	p0 =	seq.s32 s7, s2  }
0x1e: {  	s7 =	smul.u32 @!p0 $0xF7A, s2;
	p2 =	seq.s32 @!p0 s5, $0x0  }
0x1f: {  	s9 =	smul.u32 $0xF7A, s1;
	s8 =	simm.s32 @!p0 $0x1BF5;
	p2 =	por !p2, p0  }
0x20: {  	[sflag:s8] =	ssyncset.s32 @!p0 $0xFFFFF086;
	s6 =	sadd.s32 @!p0 s3, s7;
	s7 =	simm.s32 @!p0 $0x108  }
0x21: {  	s3 =	sadd.s32 s3, s9;
	s6 =	sadd.s32 @!p0 $0x88, s6;
	s7 =	simm.s32 @p2 $0x1082  }
0x22: {  	[simem:s7], [sflag:s8] =	dma.local @!p0 [hbm:s6], $0xF7A  }
0x23: {  	s9 =	sor.u32 $0xD0000000, s2;
	s6 =	simm.s32 $0x108;
	_ =	swait.ge @!p0 [sflag:s8], $0x0  }
0x24: {  	s3 =	sadd.s32 $0x88, s3;
	s6 =	simm.s32 @!p1 $0x1082;
	[sflag:s4] =	ssyncset.s32 $0xFFFFF086  }
0x25: {  	[simem:s6], [sflag:s4] =	dma.local [hbm:s3], $0xF7A  }
0x26: {  	[smem:$0x3F44] =	sst s1;
	(tag) =	ssettag s2;
	_ =	strace s9  }
0x27: {  	s1 =	sld [smem:$0x3F54]  }
0x28: {  	s2 =	sld [smem:$0x3F55]  }
0x29: {  	s4 =	sld [smem:$0x3F57]  }
0x2a: {  	p0 =	seq.s32 s5, $0x0;
	s5 =	sld [smem:$0x3F58]  }
0x2b: {  	s6 =	sld [smem:$0x3F59]  }
0x2c: {  	s7 =	sld [smem:$0x3F5A]  }
0x2d: {  	s3 =	simm.s32 $0x108;
	s8 =	sld [smem:$0x3F5B]  }
0x2e: {  	s3 =	simm.s32 @!p0 $0x1082;
	s9 =	sld [smem:$0x3F5C]  }
0x2f: {  	lr =	sadd.s32 s0, s3;
	s0 =	sld [smem:$0x3F53]  }
0x30: {  	s3 =	sld [smem:$0x3F56]  }
0x31: {  	[smem:$0x3F5F] =	sst s10  }
0x32: {  	s10 =	sld [smem:$0x3F5D];
	_ =	sdelay $0x3  }
0x33: {  	p0 =	seq.s32 s10, $0x1;
	s10 =	sld [smem:$0x3F5F];
	_ =	sdelay $0x3  }
0x34: {  	[smem:$0x3F5F] =	sst s10  }
0x35: {  	s10 =	sld [smem:$0x3F5E];
	_ =	sdelay $0x3  }
0x36: {  	p1 =	seq.s32 s10, $0x1;
	s10 =	sld [smem:$0x3F5F];
	_ =	sdelay $0x3  }
0x37: {  	[smem:$0x3F5F] =	sst s10  }
0x38: {  	s10 =	sld [smem:$0x3F60]  }
0x39: {  	_ = 	snop;
	(pc) =	sbr.ind lr, $3  }
0x3a: {  	_ = 	snop  }
0x3b: {  	_ = 	snop  }
0x3c: {  	p2 =	seq.s32 s10, $0x1;
	s10 =	sld [smem:$0x3F5F]  }
0x3d: {  	_ =	shalt  }
0x3e: {  	_ =	shalt  }
0x3f: {  	_ =	shalt  }
0x40: {  	_ =	shalt  }
0x41: {  	_ =	shalt  }
0x42: {  	_ =	shalt  }
0x43: {  	_ =	shalt  }
0x44: {  	_ =	shalt  }
0x45: {  	_ =	shalt  }
0x46: {  	_ =	shalt  }
0x47: {  	_ =	shalt  }
0x48: {  	_ =	shalt  }
0x49: {  	_ =	shalt  }
0x4a: {  	_ =	shalt  }
0x4b: {  	_ =	shalt  }
0x4c: {  	_ =	shalt  }
0x4d: {  	_ =	shalt  }
0x4e: {  	_ =	shalt  }
0x4f: {  	_ =	shalt  }
0x50: {  	_ =	shalt  }
0x51: {  	_ =	shalt  }
0x52: {  	_ =	shalt  }
0x53: {  	_ =	shalt  }
0x54: {  	_ =	shalt  }
0x55: {  	_ =	shalt  }
0x56: {  	_ =	shalt  }
0x57: {  	_ =	shalt  }
0x58: {  	_ =	shalt  }
0x59: {  	_ =	shalt  }
0x5a: {  	_ =	shalt  }
0x5b: {  	_ =	shalt  }
0x5c: {  	_ =	shalt  }
0x5d: {  	_ =	shalt  }
0x5e: {  	_ =	shalt  }
0x5f: {  	_ =	shalt  }
0x60: {  	_ =	shalt  }
0x61: {  	_ =	shalt  }
0x62: {  	_ =	shalt  }
0x63: {  	_ =	shalt  }
0x64: {  	_ =	shalt  }
0x65: {  	_ =	shalt  }
0x66: {  	_ =	shalt  }
0x67: {  	_ =	shalt  }
0x68: {  	_ =	shalt  }
0x69: {  	_ =	shalt  }
0x6a: {  	_ =	shalt  }
0x6b: {  	_ =	shalt  }
0x6c: {  	_ =	shalt  }
0x6d: {  	_ =	shalt  }
0x6e: {  	_ =	shalt  }
0x6f: {  	_ =	shalt  }
0x70: {  	_ =	shalt  }
0x71: {  	_ =	shalt  }
0x72: {  	_ =	shalt  }
0x73: {  	_ =	shalt  }
0x74: {  	_ =	shalt  }
0x75: {  	_ =	shalt  }
0x76: {  	_ =	shalt  }
0x77: {  	_ =	shalt  }
0x78: {  	_ =	shalt  }
0x79: {  	_ =	shalt  }
0x7a: {  	_ =	shalt  }
0x7b: {  	_ =	shalt  }
0x7c: {  	_ =	shalt  }
0x7d: {  	_ =	shalt  }
0x7e: {  	_ =	shalt  }
0x7f: {  	_ =	shalt  }
0x80: {  	_ =	shalt  }
0x81: {  	_ =	shalt  }
0x82: {  	_ =	shalt  }
0x83: {  	_ =	shalt  }
0x84: {  	_ =	shalt  }
0x85: {  	_ =	shalt  }
0x86: {  	_ =	shalt  }
0x87: {  	_ =	shalt  }
.Lfunc_end0:
.L_simem_size_0:
called_computation.7_lowered:
.L_overlay_start_0:
0x88: {  	s2 =	sld [smem:$0x3FD9]  }
0x89: {  	s3 =	sld [smem:$0x3FFE];
	_ =	sdelay $0x1  }
0x8a: {  	s1 =	srdreg.scid  }
0x8b: {  	s0 =	sand.u32 $0x1, s1  }
0x8c: {  	s16 =	sshll.u32 s0, $0xA;
	s2 =	sadd.s32 s3, s2  }
0x8d: {  	s2 =	sadd.s32 s2, s16  }
0x8e: {  	[smem:$0x3F6B] =	sst s2  }
0x8f: {  	_ = 	snop  }
0x90: {  	(tm) =	ssettm $0x1  }
0x91: {  	s17 =	sld [smem:$0x3FFB];
	_ =	sdelay $0x3  }
0x92: {  	_ =	strace s17  }
0x93: {  	s2 =	sld [smem:$0x3FFC];
	_ =	sdelay $0x3  }
0x94: {  	_ =	strace s2  }
0x95: {  	s2 =	sld [smem:$0x3FFD];
	_ =	sdelay $0x3  }
0x96: {  	_ =	strace s2  }
0x97: {  	_ =	strace $0x8FFFFFFF  }
0x98: {  	s18 =	sld [smem:$0x3FDB];
	_ =	sdelay $0x1  }
0x99: {  	s19 =	simm.s32 $_scs_section_size  }
0x9a: {  	s4 =	simm.s32 $_size__tile_overlayer_lowered;
	s5 =	simm.s32 $_tile_overlayer_lowered  }
0x9b: {  	s22 =	simm.s32 $0x1BFF;
	s21 =	sshll.u32 s5, $0x1;
	s2 =	sadd.s32 s19, s18  }
0x9c: {  	s6 =	simm.s32 $0x0;
	s20 =	sshll.u32 s4, $0x1;
	s4 =	sadd.s32 s21, s2  }
0x9d: {  	[timem:s6], [sflag:s22] =	dma.local [hbm:s4], s20  }
0x9e: {  	_ =	swait.ge [sflag:s22], s20  }
0x9f: {  	s3 =	ssub.s32 $0x0, s20;
	[sflag:s22] =	ssyncset.done $0x0  }
0xa0: {  	[sflag:s22] =	ssyncadd.s32 s3;
	_ =	sdelay $0x1  }
0xa1: {  	s23 =	simm.s32 $0x1B8B  }
0xa2: {  	_ =	swait.ge [sflag:s23], $0x1  }
0xa3: {  	[sflag:s23] =	ssyncset.done $0x0  }
0xa4: {  	s25 =	simm.s32 $0x1B8E;
	s24 =	sld [smem:$0x3FFE];
	[sflag:s23] =	ssyncadd.s32 $0xFFFFFFFF  }
0xa5: {  	s26 =	simm.s32 $execute0_lowered;
	[smem:$0x3FD2] =	sst s25  }
0xa6: {  	s4 =	sshll.u32 s26, $0x1;
	_ =	strace $0x8000005B;
	[dreg:$0x1] =	wrdreg $0xFFFFFFFF  }
0xa7: {  	s28 =	simm.s32 $_size_execute0_lowered;
	s2 =	sadd.s32 s2, s4;
	[dreg:$0x0] =	wrdreg $0x0  }
0xa8: {  	s4 =	sshll.u32 s28, $0x1;
	[dreg:$0x2] =	wrdreg s2  }
0xa9: {  	[dreg:$0x3] =	wrdreg s4  }
0xaa: {  	[dreg:$0x4] =	wrdreg $0xC0  }
0xab: {  	_ =	task [dreg:s6], $0x5FFFF  }
0xac: {  	[dreg:$0x1] =	wrdreg $0xFFFFFFFF  }
0xad: {  	[dreg:$0x0] =	wrdreg $0x60  }
0xae: {  	[dreg:$0x2] =	wrdreg s24  }
0xaf: {  	[dreg:$0x3] =	wrdreg $0x54000  }
0xb0: {  	[dreg:$0x4] =	wrdreg $0x9  }
0xb1: {  	_ =	task.clear_ibuf [dreg:s6], $0x5FFFF;
	_ =	strace $0x9000005B  }
0xb2: {  	s29 =	simm.s32 $0x9;
	_ =	strace $0x8000005D  }
0xb3: {  	_ =	swait.ge [sflag:s29], $0x1  }
0xb4: {  	[sflag:s29] =	ssyncadd.s32 $0xFFFFFFFF  }
0xb5: {  	_ =	strace $0x9000005D  }
0xb6: {  	_ =	sfence  }
0xb7: {  	s30 =	sld [smem:$0x0];
	_ =	sdelay $0x2  }
0xb8: {  	s31 =	sshll.u32 s1, $0xD;
	s1 =	sshrl.u32 s1, $0x2  }
0xb9: {  	s3 =	sand.u32 $0x4000, s31;
	s1 =	sadd.s32 s1, s30  }
0xba: {  	s0 =	sor.u32 s3, s0;
	s1 =	sshll.u32 s1, $0x11  }
0xbb: {  	s0 =	sor.u32 s1, s0  }
0xbc: {  	s0 =	sadd.s32 $0x8F2B, s0  }
0xbd: {  	[sflag:s0] =	ssyncadd.remote.s32 $0x1  }
0xbe: {  	_ =	sfence.sel $0xFFFF  }
0xbf: {  	[dreg:$0x0] =	wrdreg $0xFFFFFFFF;
	(pc) =	sbr.abs _section_cstart, $3  }
0xc0: {  	[dreg:$0x1] =	wrdreg $0xFFFFFFFF  }
0xc1: {  	_ =	task.clear_ibuf [dreg:s6], $0x2FFFF;
	_ =	strace $0x9FFFFFFF  }
0xc2: {  	(tm) =	ssettm $0x7FFFFFFF  }
0xc3: {  	_ =	shalt  }
tec
execute0_lowered:
.L_overlay_start_1:
0x0: {  	(tag) =	ssettag $0x1  }
0x1: {  	s1 =	srdreg.scid;
	s0 =	stileid.u32  }
0x2: {  	s5 =	rddreg [dreg:$0x0];
	s7 =	smul.u32 $0x28000, s0  }
0x3: {  	s2 =	rddreg [dreg:$0x1];
	s3 =	simm.s32 $0x0;
	s9 =	smul.u32 $0x1F400, s0  }
0x4: {  	s13 =	simm.s32 $0x80;
	s14 =	simm.s32 $0x0;
	s10 =	smul.u32 $0x3E80, s0  }
0x5: {  	s4 =	sand.u32 $0x1, s1;
	s25 =	sshll.u32 s0, $0x1;
	s11 =	smul.u32 $0x7D000, s0  }
0x6: {  	[smem:$0x7FF] =	sst s3;
	p0 =	sgt.u32 s0, $0x9;
	s8 =	smul.u32 $0x138800, s4  }
0x7: {  	s1 =	sor.u32 s4, s25;
	s26 =	ssub.s32 $0x2, s4;
	s30 =	smul.u32 $0x14000, s4  }
0x8: {  	s6 =	smul.u32 $0x280, s1;
	s1 =	rddreg [dreg:$0x2];
	_ =	strace $0x8000005C  }
0x9: {  	s7 =	sadd.s32 s7, s5;
	s10 =	sadd.s32 s10, s5;
	s28 =	sshrl.u32 s26, $0x1  }
0xa: {  	s29 =	sshrl.u32 s11, $0x2;
	s11 =	simm.s32 $0x1;
	s8 =	sadd.s32 s9, s8  }
0xb: {  	s9 =	ssub.s32 s26, s28;
	s12 =	sadd.s32 s29, s2;
	s4 =	sadd.s32 $0x47C00, s10  }
0xc: {  	s31 =	sadd.s32 s30, s7;
	s6 =	sadd.s32 s6, s5;
	s8 =	sshrl.u32 s8, $0x3  }
0xd: {  	s7 =	smax.u32 s9, $0x1;
	s9 =	sshll.u32 @!p0 s0, $0x6;
	s10 =	sshrl.u32 @!p0 s12, $0x3  }
0xe: {  	s12 =	simm.s32 $0x1400;
	s8 =	sadd.s32 s8, s5;
	s5 =	sadd.s32 $0x1BA00, s6  }
0xf: {  	s9 =	sor.u32 @!p0 $0x1C01, s9;
	s6 =	sadd.s32 $0x74000, s8;
	s8 =	sadd.s32 $0x9AFE00, s31  }
.LBB2_1:
0x10: {  	[spmem:s10], [sflag:s9] =	dma.local @!p0 [hbm:s4], $0x3E80  }
0x11: {  	s15 =	simm.s32 @!p0 $0x1  }
0x12: {  	_ =	swait.ge @!p0 [sflag:s15], $0x3E80  }
0x13: {  	[sflag:s15] =	ssyncset.done @!p0 $0x0  }
0x14: {  	[sflag:s15] =	ssyncadd.s32 @!p0 $0xFFFFC180  }
0x15: {  	[tilespmem:s3], [sflag:$0x1] =	stream.linear.gather [hbm4b:s5+s3], $0x1400, $0x38;
	[tilespmem:$0x18C80] =	vst v63  }
0x16: {  	_ =	swait.ge [sflag:s11], $0x1400  }
0x17: {  	[sflag:s11] =	ssyncset.done $0x0  }
0x18: {  	[sflag:s11] =	ssyncadd.s32 $0xFFFFEC00  }
0x19: {  	[bflag:$0x0] =	sbarrier.arrive $0xFFFF  }
0x1a: {  	[tilespmem:s12], [sflag:$0x1] =	stream.linear.gather [hbm4b:s8+s3], $0x4000, $0x38;
	[tilespmem:$0x18C80] =	vst v63  }
0x1b: {  	_ =	swait.ge [sflag:s11], $0x4000  }
0x1c: {  	[sflag:s11] =	ssyncset.done $0x0  }
0x1d: {  	s31 =	simm.s32 $0x0;
	[sflag:s11] =	ssyncadd.s32 $0xFFFFC000  }
0x1e: {  	[spmem:s2] =	stream.indirect.scatter.add.f32 [tilespmem:s12], [sflag:$0x1], $0x80, s31, s13, $0xb8;
	[tilespmem:$0x18C80] =	vst v63  }
0x1f: {  	_ =	swait.ge [sflag:s11], $0x4000  }
0x20: {  	s16 =	smov.u32 s8;
	s15 =	simm.s32 $0x200;
	[sflag:s11] =	ssyncset.done $0x0  }
.LBB2_2:
0x21: {  	p1 =	sne.s32 s15, $0x4E00;
	[sflag:s11] =	ssyncadd.s32 $0xFFFFC000;
	s16 =	sadd.s32 $0x800, s16  }
0x22: {  	[tilespmem:s12], [sflag:$0x1] =	stream.linear.gather [hbm4b:s16+s3], $0x4000, $0x38;
	[tilespmem:$0x18C80] =	vst v63  }
0x23: {  	s17 =	smov.u32 s15;
	s15 =	sadd.s32 $0x200, s15;
	_ =	swait.ge [sflag:s11], $0x4000  }
.Ltmp0:
0x24: {  	[sflag:s11] =	ssyncset.done $0x0;
	(pc) =	sbr.rel @p1 .LBB2_2-.Ltmp0, $4  }
0x25: {  	s17 =	sshra.s32 s17, $0x2;
	[sflag:s11] =	ssyncadd.s32 $0xFFFFC000  }
0x26: {  	[spmem:s2] =	stream.indirect.scatter.add.f32 [tilespmem:s12], [sflag:$0x1], $0x80, s17, s13, $0xb8;
	[tilespmem:$0x18C80] =	vst v63  }
0x27: {  	_ =	swait.ge [sflag:s11], $0x4000  }
0x28: {  	[sflag:s11] =	ssyncset.done $0x0  }
0x29: {  	s14 =	sadd.s32 $0x1, s14  }
0x2a: {  	[sflag:s11] =	ssyncadd.s32 $0xFFFFC000;
	p1 =	sne.s32 s14, s7  }
.Ltmp1:
0x2b: {  	s15 =	simm.s32 @!p0 $0x1;
	[bflag:$0x0] =	sbarrier.arrive $0xFFFF;
	(pc) =	sbr.rel @p1 .LBB2_1-.Ltmp1, $4  }
0x2c: {  	[hbm:s6], [sflag:s9] =	dma.local @!p0 [spmem:s10], $0x3E80  }
0x2d: {  	_ =	swait.ge @!p0 [sflag:s15], $0x3E80  }
0x2e: {  	[sflag:s15] =	ssyncset.done @!p0 $0x0  }
0x2f: {  	[sflag:s15] =	ssyncadd.s32 @!p0 $0xFFFFC180  }
0x30: {  	_ =	sfence.sel $0x180000  }
0x31: {  	[bflag:$0x0] =	sbarrier.arrive $0xFFFF  }
0x32: {  	p0 =	sne.s32 s0, $0x0;
	_ =	strace $0x9000005C  }
0x33: {  	s0 =	sadd.s32 @!p0 $0x100000, s1;
	[bflag:$0x2] =	sbarrier.arrive $0xFFFF  }
0x34: {  	[sflag:s0] =	ssyncadd.tile.s32 @!p0 $0x1;
	_ =	shalt  }
.Lfunc_end2:
_tile_overlayer_lowered:
.L_overlay_start_2:
0x35: {  	(tag) =	ssettag $0x2  }
0x36: {  	s0 =	rddreg [dreg:$0x0];
	s2 =	stileid.u32  }
0x37: {  	s1 =	rddreg [dreg:$0x1];
	p0 =	sne.s32 s2, $0x0  }
0x38: {  	s3 =	rddreg [dreg:$0x2];
	[bflag:$0x3] =	sbarrier.arrive $0xFFFF;
	s2 =	simm.s32 @!p0 $0x1C01  }
0x39: {  	[timem:s3], [sflag:s2] =	dma.local @!p0 [hbm:s0], s1  }
0x3a: {  	s0 =	simm.s32 @!p0 $0x1  }
0x3b: {  	_ =	swait.ge @!p0 [sflag:s0], s1  }
0x3c: {  	s1 =	ssub.s32 @!p0 $0x0, s1;
	[sflag:s0] =	ssyncset.done @!p0 $0x0  }
0x3d: {  	[sflag:s0] =	ssyncadd.s32 @!p0 s1  }
0x3e: {  	[bflag:$0x3] =	sbarrier.arrive $0xFFFF  }
0x3f: {  	_ =	shalt  }

// kernel: kernel.55.cloned.1.call-start
scs
__scs_entry_jumppad:
0x0: {  	(pc) =	sbr.rel $0x88, $3  }
0x1: {  	(tag) =	ssettag $0x0;
	lr =	simm.s32 $0x1  }
0x2: {  	[smem:$0x3F44] =	sst lr;
	_ =	strace $0xD0000000  }
0x3: {  	_ = 	snop  }
0x4: {  	_ = 	snop  }
0x5: {  	_ = 	snop  }
0x6: {  	_ = 	snop  }
0x7: {  	_ = 	snop  }
__scs_overlays_trampoline_lowered:
0x8: {  	[smem:$0x3F53] =	sst s0  }
0x9: {  	[smem:$0x3F54] =	sst s1  }
0xa: {  	[smem:$0x3F55] =	sst s2  }
0xb: {  	[smem:$0x3F56] =	sst s3  }
0xc: {  	[smem:$0x3F57] =	sst s4  }
0xd: {  	[smem:$0x3F58] =	sst s5  }
0xe: {  	[smem:$0x3F59] =	sst s6  }
0xf: {  	[smem:$0x3F5A] =	sst s7  }
0x10: {  	[smem:$0x3F5B] =	sst s8  }
0x11: {  	[smem:$0x3F5C] =	sst s9;
	s0 =	simm.s32 @!p0 $0x0  }
0x12: {  	s1 =	sld [smem:$0x3F42];
	s0 =	simm.s32 @p0 $0x1  }
0x13: {  	[smem:$0x3F5D] =	sst s0;
	s0 =	simm.s32 @!p1 $0x0  }
0x14: {  	s2 =	sld [smem:$0x3F41];
	s0 =	simm.s32 @p1 $0x1  }
0x15: {  	[smem:$0x3F5E] =	sst s0;
	s0 =	simm.s32 @!p2 $0x0  }
0x16: {  	s3 =	sld [smem:$0x3FDB];
	s0 =	simm.s32 @p2 $0x1  }
0x17: {  	s4 =	simm.s32 $0x1BF5;
	[smem:$0x3F60] =	sst s0  }
0x18: {  	s0 =	sld [smem:$0x3F43];
	_ =	swait.ge [sflag:s4], $0x0  }
0x19: {  	s7 =	sld [smem:$0x3F44]  }
0x1a: {  	s8 =	sadd.s32 $0xFFFFE003, lr  }
0x1b: {  	s9 =	sadd.s32 $0xFFFFFEF7, lr;
	s5 =	simm.s32 $0xFFFFFFFF;
	p2 =	slt.u32 s8, $0xFFFFF086  }
0x1c: {  	p1 =	slt.u32 s9, $0xF7A;
	s5 =	simm.s32 @!p2 $0x0  }
0x1d: {  	s5 =	simm.s32 @p1 $0x1;
	p0 =	seq.s32 s7, s2  }
0x1e: {  	s7 =	smul.u32 @!p0 $0xF7A, s2;
	p2 =	seq.s32 @!p0 s5, $0x0  }
0x1f: {  	s9 =	smul.u32 $0xF7A, s1;
	s8 =	simm.s32 @!p0 $0x1BF5;
	p2 =	por !p2, p0  }
0x20: {  	[sflag:s8] =	ssyncset.s32 @!p0 $0xFFFFF086;
	s6 =	sadd.s32 @!p0 s3, s7;
	s7 =	simm.s32 @!p0 $0x108  }
0x21: {  	s3 =	sadd.s32 s3, s9;
	s6 =	sadd.s32 @!p0 $0x88, s6;
	s7 =	simm.s32 @p2 $0x1082  }
0x22: {  	[simem:s7], [sflag:s8] =	dma.local @!p0 [hbm:s6], $0xF7A  }
0x23: {  	s9 =	sor.u32 $0xD0000000, s2;
	s6 =	simm.s32 $0x108;
	_ =	swait.ge @!p0 [sflag:s8], $0x0  }
0x24: {  	s3 =	sadd.s32 $0x88, s3;
	s6 =	simm.s32 @!p1 $0x1082;
	[sflag:s4] =	ssyncset.s32 $0xFFFFF086  }
0x25: {  	[simem:s6], [sflag:s4] =	dma.local [hbm:s3], $0xF7A  }
0x26: {  	[smem:$0x3F44] =	sst s1;
	(tag) =	ssettag s2;
	_ =	strace s9  }
0x27: {  	s1 =	sld [smem:$0x3F54]  }
0x28: {  	s2 =	sld [smem:$0x3F55]  }
0x29: {  	s4 =	sld [smem:$0x3F57]  }
0x2a: {  	p0 =	seq.s32 s5, $0x0;
	s5 =	sld [smem:$0x3F58]  }
0x2b: {  	s6 =	sld [smem:$0x3F59]  }
0x2c: {  	s7 =	sld [smem:$0x3F5A]  }
0x2d: {  	s3 =	simm.s32 $0x108;
	s8 =	sld [smem:$0x3F5B]  }
0x2e: {  	s3 =	simm.s32 @!p0 $0x1082;
	s9 =	sld [smem:$0x3F5C]  }
0x2f: {  	lr =	sadd.s32 s0, s3;
	s0 =	sld [smem:$0x3F53]  }
0x30: {  	s3 =	sld [smem:$0x3F56]  }
0x31: {  	[smem:$0x3F5F] =	sst s10  }
0x32: {  	s10 =	sld [smem:$0x3F5D];
	_ =	sdelay $0x3  }
0x33: {  	p0 =	seq.s32 s10, $0x1;
	s10 =	sld [smem:$0x3F5F];
	_ =	sdelay $0x3  }
0x34: {  	[smem:$0x3F5F] =	sst s10  }
0x35: {  	s10 =	sld [smem:$0x3F5E];
	_ =	sdelay $0x3  }
0x36: {  	p1 =	seq.s32 s10, $0x1;
	s10 =	sld [smem:$0x3F5F];
	_ =	sdelay $0x3  }
0x37: {  	[smem:$0x3F5F] =	sst s10  }
0x38: {  	s10 =	sld [smem:$0x3F60]  }
0x39: {  	_ = 	snop;
	(pc) =	sbr.ind lr, $3  }
0x3a: {  	_ = 	snop  }
0x3b: {  	_ = 	snop  }
0x3c: {  	p2 =	seq.s32 s10, $0x1;
	s10 =	sld [smem:$0x3F5F]  }
0x3d: {  	_ =	shalt  }
0x3e: {  	_ =	shalt  }
0x3f: {  	_ =	shalt  }
0x40: {  	_ =	shalt  }
0x41: {  	_ =	shalt  }
0x42: {  	_ =	shalt  }
0x43: {  	_ =	shalt  }
0x44: {  	_ =	shalt  }
0x45: {  	_ =	shalt  }
0x46: {  	_ =	shalt  }
0x47: {  	_ =	shalt  }
0x48: {  	_ =	shalt  }
0x49: {  	_ =	shalt  }
0x4a: {  	_ =	shalt  }
0x4b: {  	_ =	shalt  }
0x4c: {  	_ =	shalt  }
0x4d: {  	_ =	shalt  }
0x4e: {  	_ =	shalt  }
0x4f: {  	_ =	shalt  }
0x50: {  	_ =	shalt  }
0x51: {  	_ =	shalt  }
0x52: {  	_ =	shalt  }
0x53: {  	_ =	shalt  }
0x54: {  	_ =	shalt  }
0x55: {  	_ =	shalt  }
0x56: {  	_ =	shalt  }
0x57: {  	_ =	shalt  }
0x58: {  	_ =	shalt  }
0x59: {  	_ =	shalt  }
0x5a: {  	_ =	shalt  }
0x5b: {  	_ =	shalt  }
0x5c: {  	_ =	shalt  }
0x5d: {  	_ =	shalt  }
0x5e: {  	_ =	shalt  }
0x5f: {  	_ =	shalt  }
0x60: {  	_ =	shalt  }
0x61: {  	_ =	shalt  }
0x62: {  	_ =	shalt  }
0x63: {  	_ =	shalt  }
0x64: {  	_ =	shalt  }
0x65: {  	_ =	shalt  }
0x66: {  	_ =	shalt  }
0x67: {  	_ =	shalt  }
0x68: {  	_ =	shalt  }
0x69: {  	_ =	shalt  }
0x6a: {  	_ =	shalt  }
0x6b: {  	_ =	shalt  }
0x6c: {  	_ =	shalt  }
0x6d: {  	_ =	shalt  }
0x6e: {  	_ =	shalt  }
0x6f: {  	_ =	shalt  }
0x70: {  	_ =	shalt  }
0x71: {  	_ =	shalt  }
0x72: {  	_ =	shalt  }
0x73: {  	_ =	shalt  }
0x74: {  	_ =	shalt  }
0x75: {  	_ =	shalt  }
0x76: {  	_ =	shalt  }
0x77: {  	_ =	shalt  }
0x78: {  	_ =	shalt  }
0x79: {  	_ =	shalt  }
0x7a: {  	_ =	shalt  }
0x7b: {  	_ =	shalt  }
0x7c: {  	_ =	shalt  }
0x7d: {  	_ =	shalt  }
0x7e: {  	_ =	shalt  }
0x7f: {  	_ =	shalt  }
0x80: {  	_ =	shalt  }
0x81: {  	_ =	shalt  }
0x82: {  	_ =	shalt  }
0x83: {  	_ =	shalt  }
0x84: {  	_ =	shalt  }
0x85: {  	_ =	shalt  }
0x86: {  	_ =	shalt  }
0x87: {  	_ =	shalt  }
.Lfunc_end0:
.L_simem_size_0:
called_computation.8_lowered:
.L_overlay_start_0:
0x88: {  	s2 =	sld [smem:$0x3FD9]  }
0x89: {  	s3 =	sld [smem:$0x3FFE];
	_ =	sdelay $0x1  }
0x8a: {  	s1 =	srdreg.scid  }
0x8b: {  	s0 =	sand.u32 $0x1, s1  }
0x8c: {  	s16 =	sshll.u32 s0, $0xA;
	s2 =	sadd.s32 s3, s2  }
0x8d: {  	s2 =	sadd.s32 s2, s16  }
0x8e: {  	[smem:$0x3F6B] =	sst s2  }
0x8f: {  	_ = 	snop  }
0x90: {  	(tm) =	ssettm $0x1  }
0x91: {  	s17 =	sld [smem:$0x3FFB];
	_ =	sdelay $0x3  }
0x92: {  	_ =	strace s17  }
0x93: {  	s2 =	sld [smem:$0x3FFC];
	_ =	sdelay $0x3  }
0x94: {  	_ =	strace s2  }
0x95: {  	s2 =	sld [smem:$0x3FFD];
	_ =	sdelay $0x3  }
0x96: {  	_ =	strace s2  }
0x97: {  	_ =	strace $0x8FFFFFFF  }
0x98: {  	s18 =	sld [smem:$0x3FDB];
	_ =	sdelay $0x1  }
0x99: {  	s19 =	simm.s32 $_scs_section_size  }
0x9a: {  	s4 =	simm.s32 $_size__tile_overlayer_lowered;
	s5 =	simm.s32 $_tile_overlayer_lowered  }
0x9b: {  	s22 =	simm.s32 $0x1BFF;
	s21 =	sshll.u32 s5, $0x1;
	s2 =	sadd.s32 s19, s18  }
0x9c: {  	s6 =	simm.s32 $0x0;
	s20 =	sshll.u32 s4, $0x1;
	s4 =	sadd.s32 s21, s2  }
0x9d: {  	[timem:s6], [sflag:s22] =	dma.local [hbm:s4], s20  }
0x9e: {  	_ =	swait.ge [sflag:s22], s20  }
0x9f: {  	s3 =	ssub.s32 $0x0, s20;
	[sflag:s22] =	ssyncset.done $0x0  }
0xa0: {  	[sflag:s22] =	ssyncadd.s32 s3;
	_ =	sdelay $0x1  }
0xa1: {  	s23 =	simm.s32 $0x1B8B  }
0xa2: {  	_ =	swait.ge [sflag:s23], $0x1  }
0xa3: {  	[sflag:s23] =	ssyncset.done $0x0  }
0xa4: {  	s25 =	simm.s32 $0x1B8E;
	s24 =	sld [smem:$0x3FFE];
	[sflag:s23] =	ssyncadd.s32 $0xFFFFFFFF  }
0xa5: {  	s26 =	simm.s32 $execute0_lowered;
	[smem:$0x3FD2] =	sst s25  }
0xa6: {  	s4 =	sshll.u32 s26, $0x1;
	_ =	strace $0x8000005E;
	[dreg:$0x1] =	wrdreg $0xFFFFFFFF  }
0xa7: {  	s28 =	simm.s32 $_size_execute0_lowered;
	s2 =	sadd.s32 s2, s4;
	[dreg:$0x0] =	wrdreg $0x0  }
0xa8: {  	s4 =	sshll.u32 s28, $0x1;
	[dreg:$0x2] =	wrdreg s2  }
0xa9: {  	[dreg:$0x3] =	wrdreg s4  }
0xaa: {  	[dreg:$0x4] =	wrdreg $0xC0  }
0xab: {  	_ =	task [dreg:s6], $0x5FFFF  }
0xac: {  	[dreg:$0x1] =	wrdreg $0xFFFFFFFF  }
0xad: {  	[dreg:$0x0] =	wrdreg $0x60  }
0xae: {  	[dreg:$0x2] =	wrdreg s24  }
0xaf: {  	[dreg:$0x3] =	wrdreg $0x9  }
0xb0: {  	_ =	task.clear_ibuf [dreg:s6], $0x4FFFF;
	_ =	strace $0x9000005E  }
0xb1: {  	s29 =	simm.s32 $0x9;
	_ =	strace $0x80000060  }
0xb2: {  	_ =	swait.ge [sflag:s29], $0x1  }
0xb3: {  	[sflag:s29] =	ssyncadd.s32 $0xFFFFFFFF  }
0xb4: {  	_ =	strace $0x90000060  }
0xb5: {  	_ =	sfence  }
0xb6: {  	s30 =	sld [smem:$0x0];
	_ =	sdelay $0x2  }
0xb7: {  	s31 =	sshll.u32 s1, $0xD;
	s1 =	sshrl.u32 s1, $0x2  }
0xb8: {  	s3 =	sand.u32 $0x4000, s31;
	s1 =	sadd.s32 s1, s30  }
0xb9: {  	s0 =	sor.u32 s3, s0;
	s1 =	sshll.u32 s1, $0x11  }
0xba: {  	s0 =	sor.u32 s1, s0  }
0xbb: {  	s0 =	sadd.s32 $0x8F2B, s0  }
0xbc: {  	[sflag:s0] =	ssyncadd.remote.s32 $0x1  }
0xbd: {  	_ =	sfence.sel $0xFFFF  }
0xbe: {  	[dreg:$0x0] =	wrdreg $0xFFFFFFFF;
	(pc) =	sbr.abs _section_cstart, $3  }
0xbf: {  	[dreg:$0x1] =	wrdreg $0xFFFFFFFF  }
0xc0: {  	_ =	task.clear_ibuf [dreg:s6], $0x2FFFF;
	_ =	strace $0x9FFFFFFF  }
0xc1: {  	(tm) =	ssettm $0x7FFFFFFF  }
tec
execute0_lowered:
.L_overlay_start_1:
0x0: {  	(tag) =	ssettag $0x1  }
0x1: {  	s0 =	srdreg.scid  }
0x2: {  	s7 =	sand.u32 $0x1, s0;
	s0 =	stileid.u32  }
0x3: {  	s2 =	sor.u32 s0, s7  }
0x4: {  	p0 =	sne.s32 s2, $0x0  }
.Ltmp0:
0x5: {  	_ = 	snop;
	(pc) =	sbr.rel @p0 .LBB2_9-.Ltmp0, $3  }
0x6: {  	_ =	sdelay $0x1  }
0x7: {  	s8 =	rddreg [dreg:$0x0]  }
0x8: {  	s1 =	rddreg [dreg:$0x1];
	_ =	strace $0x8000005F  }
0x9: {  	s2 =	sadd.s32 $0x2FA200, s8  }
0xa: {  	s3 =	sadd.s32 $0x2F9C00, s8;
	s4 =	sadd.s32 $0x16200, s8  }
0xb: {  	s5 =	sadd.s32 $0x36EC00, s8;
	s6 =	sadd.s32 $0x36F800, s8;
	s9 =	ssub.s32 $0x2, s7  }
0xc: {  	s7 =	sadd.s32 $0x36F200, s8;
	s8 =	sadd.s32 $0x2FA800, s8;
	s11 =	simm.s32 $0x1  }
0xd: {  	s12 =	simm.s32 $0x2780;
	s13 =	simm.s32 $0x4F00;
	s14 =	simm.s32 $0x7680  }
0xe: {  	s15 =	simm.s32 $0x9E00;
	s16 =	simm.s32 $0xC580;
	s17 =	simm.s32 $0x11480  }
0xf: {  	s18 =	simm.s32 $0x13C00;
	s19 =	simm.s32 $0x16380;
	s10 =	sshrl.u32 s9, $0x1  }
0x10: {  	v0 =	vimm.f32 $0.0e+00;
	s20 =	simm.s32 $0x0;
	s9 =	ssub.s32 s9, s10;
	s10 =	simm.s32 $0x0  }
.LBB2_2:
0x11: {  	[tilespmem:s10], [sflag:$0x1] =	stream.linear.gather [hbm4b:s2+s10], $0x2780, $0x38;
	[tilespmem:$0x18B00] =	vst v63  }
0x12: {  	_ =	swait.ge [sflag:s11], $0x2780  }
0x13: {  	[sflag:s11] =	ssyncset.done $0x0  }
0x14: {  	[sflag:s11] =	ssyncadd.s32 $0xFFFFD880  }
0x15: {  	[tilespmem:s12], [sflag:$0x1] =	stream.linear.gather [hbm4b:s3+s10], $0x2780, $0x38;
	[tilespmem:$0x18B00] =	vst v63  }
0x16: {  	_ =	swait.ge [sflag:s11], $0x2780  }
0x17: {  	[sflag:s11] =	ssyncset.done $0x0  }
0x18: {  	[sflag:s11] =	ssyncadd.s32 $0xFFFFD880  }
0x19: {  	[tilespmem:s13], [sflag:$0x1] =	stream.linear.gather [hbm4b:s4+s10], $0x2780, $0x38;
	[tilespmem:$0x18B00] =	vst v63  }
0x1a: {  	_ =	swait.ge [sflag:s11], $0x2780  }
0x1b: {  	[sflag:s11] =	ssyncset.done $0x0  }
0x1c: {  	[sflag:s11] =	ssyncadd.s32 $0xFFFFD880  }
0x1d: {  	[tilespmem:s14], [sflag:$0x1] =	stream.linear.gather [hbm4b:s5+s10], $0x2780, $0x38;
	[tilespmem:$0x18B00] =	vst v63  }
0x1e: {  	_ =	swait.ge [sflag:s11], $0x2780  }
0x1f: {  	[sflag:s11] =	ssyncset.done $0x0  }
0x20: {  	[sflag:s11] =	ssyncadd.s32 $0xFFFFD880  }
0x21: {  	[tilespmem:s15], [sflag:$0x1] =	stream.linear.gather [hbm4b:s6+s10], $0x2780, $0x38;
	[tilespmem:$0x18B00] =	vst v63  }
0x22: {  	_ =	swait.ge [sflag:s11], $0x2780  }
0x23: {  	[sflag:s11] =	ssyncset.done $0x0  }
0x24: {  	[sflag:s11] =	ssyncadd.s32 $0xFFFFD880  }
0x25: {  	[tilespmem:s16], [sflag:$0x1] =	stream.linear.gather [hbm4b:s7+s10], $0x2780, $0x38;
	[tilespmem:$0x18B00] =	vst v63  }
0x26: {  	_ =	swait.ge [sflag:s11], $0x2780  }
0x27: {  	[sflag:s11] =	ssyncset.done $0x0  }
0x28: {  	s21 =	simm.s32 $0x40;
	s22 =	simm.s32 $0x0;
	[sflag:s11] =	ssyncadd.s32 $0xFFFFD880  }
.LBB2_3:
0x29: {  	p0 =	sne.s32 s21, $0x9C00;
	[tilespmem:s22+$0x11480] =	vst v0;
	s23 =	smov.u32 s21;
	s21 =	sadd.s32 $0x40, s21  }
.Ltmp1:
0x2a: {  	[tilespmem:s22+$0x13C00] =	vst v0;
	(pc) =	sbr.rel @p0 .LBB2_3-.Ltmp1, $2  }
0x2b: {  	_ =	sdelay $0x2  }
0x2c: {  	s22 =	sshra.s32 s23, $0x2  }
0x2d: {  	[tilespmem:s22+$0x11480] =	vst v0  }
0x2e: {  	[tilespmem:s22+$0x13C00] =	vst v0;
	s23 =	simm.s32 $0x0  }
0x2f: {  	v1 =	vld [tilespmem:s23+$0x9E00]  }
0x30: {  	v2 =	vld [tilespmem:s23+$0xC580];
	_ =	sdelay $0x5  }
0x31: {  	s21 =	simm.s32 $0x0  }
0x32: {  	v3 =	vld.idx.msk [tilespmem:v1+s21+$0x0], $0xffff  }
0x33: {  	v2 =	vld.idx.msk [tilespmem:v2+s12+$0x0], $0xffff;
	_ =	sdelay $0x4  }
0x34: {  	v2 =	vadd.f32 v2, v3;
	_ =	sdelay $0x1  }
0x35: {  	v3 =	vmul.f32 $2.000000030e-01, v2  }
0x36: {  	vm0 =	vge.f32 v2, $0.0e+00  }
0x37: {  	v2 =	vsel vm0, v2, v3  }
0x38: {  	v2 =	vmul.f32 $1.442695020e+00, v2;
	_ =	sdelay $0x1  }
0x39: {  	(erf) = vpow2.f32 v2;
	_ =	sdelay $0x8  }
0x3a: {  	v2 =	vpop (erf)  }
0x3b: {  	[tilespmem:s23+$0xED00] =	vst v2  }
0x3c: {  	[tilespmem:v1+s17+$0x0] =	vst.idx.add.f32.msk $0xffff, v2  }
0x3d: {  	s22 =	simm.s32 $0x40;
	v2 =	vld [tilespmem:s23+$0x4F00]  }
.LBB2_5:
0x3e: {  	_ =	sdelay $0x2  }
0x3f: {  	p0 =	sne.s32 s22, $0x9C00;
	s23 =	smov.u32 s22;
	s22 =	sadd.s32 $0x40, s22  }
0x40: {  	s23 =	sshra.s32 s23, $0x2;
	[tilespmem:v1+s18+$0x0] =	vst.idx.add.f32.msk $0xffff, v2  }
0x41: {  	v1 =	vld [tilespmem:s23+$0x9E00]  }
0x42: {  	v2 =	vld [tilespmem:s23+$0xC580];
	_ =	sdelay $0x6  }
0x43: {  	v3 =	vld.idx.msk [tilespmem:v1+s21+$0x0], $0xffff  }
0x44: {  	v2 =	vld.idx.msk [tilespmem:v2+s12+$0x0], $0xffff;
	_ =	sdelay $0x5  }
0x45: {  	v2 =	vadd.f32 v2, v3;
	_ =	sdelay $0x1  }
0x46: {  	vm0 =	vge.f32 v2, $0.0e+00;
	v3 =	vmul.f32 $2.000000030e-01, v2;
	_ =	sdelay $0x1  }
0x47: {  	v2 =	vsel vm0, v2, v3  }
0x48: {  	v2 =	vmul.f32 $1.442695020e+00, v2;
	_ =	sdelay $0x1  }
0x49: {  	(erf) = vpow2.f32 v2;
	_ =	sdelay $0x7  }
.Ltmp2:
0x4a: {  	(pc) =	sbr.rel @p0 .LBB2_5-.Ltmp2, $4  }
0x4b: {  	v2 =	vpop (erf)  }
0x4c: {  	[tilespmem:s23+$0xED00] =	vst v2  }
0x4d: {  	[tilespmem:v1+s17+$0x0] =	vst.idx.add.f32.msk $0xffff, v2  }
0x4e: {  	v2 =	vld [tilespmem:s23+$0x4F00]  }
0x4f: {  	_ =	sdelay $0x3  }
0x50: {  	s21 =	simm.s32 $0x0;
	[tilespmem:v1+s18+$0x0] =	vst.idx.add.f32.msk $0xffff, v2  }
0x51: {  	v1 =	vld [tilespmem:s21+$0x9E00];
	_ =	sdelay $0x7  }
0x52: {  	v2 =	vld.idx.msk [tilespmem:v1+s17+$0x0], $0xffff;
	_ =	sdelay $0x4  }
0x53: {  	v2 =	vadd.f32 $1.000000020e-16, v2;
	_ =	sdelay $0x1  }
0x54: {  	(erf) = vrcp.f32 v2;
	_ =	sdelay $0x1  }
0x55: {  	v1 =	vld.idx.msk [tilespmem:v1+s18+$0x0], $0xffff;
	_ =	sdelay $0x4  }
0x56: {  	v2 =	vadd.f32 $1.000000020e-16, v1;
	_ =	sdelay $0x1  }
0x57: {  	v4 =	vpop (erf);
	(erf) = vrcp.f32 v2;
	_ =	sdelay $0x2  }
0x58: {  	v3 =	vld [tilespmem:s21+$0xED00]  }
0x59: {  	v1 =	vld [tilespmem:s21+$0x7680]  }
0x5a: {  	v2 =	vld [tilespmem:s21+$0x4F00];
	_ =	sdelay $0x2  }
0x5b: {  	s23 =	simm.s32 $0x10;
	s22 =	simm.s32 $0x80;
	v3 =	vmul.f32 v4, v3  }
.LBB2_7:
0x5c: {  	p0 =	sne.s32 s22, $0x9C00;
	v4 =	vld [tilespmem:s23+$0x9E00];
	v5 =	vpop (erf)  }
0x5d: {  	v1 =	vadd.f32 v1, v3;
	v2 =	vmul.f32 v2, v5;
	_ =	sdelay $0x1  }
0x5e: {  	v1 =	vadd.f32 v2, v1;
	_ =	sdelay $0x1  }
0x5f: {  	v1 =	vmul.f32 $3.333333430e-01, v1;
	_ =	sdelay $0x1  }
0x60: {  	[tilespmem:s21+$0x16380] =	vst v1;
	s21 =	smov.u32 s23  }
0x61: {  	v1 =	vld.idx.msk [tilespmem:v4+s17+$0x0], $0xffff;
	_ =	sdelay $0x1  }
0x62: {  	v2 =	vld.idx.msk [tilespmem:v4+s18+$0x0], $0xffff;
	_ =	sdelay $0x3  }
0x63: {  	v1 =	vadd.f32 $1.000000020e-16, v1;
	_ =	sdelay $0x1  }
0x64: {  	v2 =	vadd.f32 $1.000000020e-16, v2;
	(erf) = vrcp.f32 v1;
	_ =	sdelay $0x1  }
0x65: {  	(erf) = vrcp.f32 v2;
	_ =	sdelay $0x2  }
0x66: {  	v3 =	vld [tilespmem:s21+$0xED00]  }
.Ltmp3:
0x67: {  	v1 =	vld [tilespmem:s21+$0x7680];
	(pc) =	sbr.rel @p0 .LBB2_7-.Ltmp3, $3  }
0x68: {  	v2 =	vld [tilespmem:s21+$0x4F00];
	_ =	sdelay $0x1  }
0x69: {  	v4 =	vpop (erf)  }
0x6a: {  	s23 =	sshra.s32 s22, $0x2;
	s22 =	sadd.s32 $0x40, s22;
	v3 =	vmul.f32 v4, v3  }
0x6b: {  	v4 =	vld [tilespmem:s23+$0x9E00];
	v5 =	vpop (erf)  }
0x6c: {  	v1 =	vadd.f32 v1, v3;
	v2 =	vmul.f32 v2, v5;
	_ =	sdelay $0x1  }
0x6d: {  	v1 =	vadd.f32 v2, v1;
	_ =	sdelay $0x1  }
0x6e: {  	v1 =	vmul.f32 $3.333333430e-01, v1;
	_ =	sdelay $0x1  }
0x6f: {  	[tilespmem:s21+$0x16380] =	vst v1  }
0x70: {  	v1 =	vld.idx.msk [tilespmem:v4+s17+$0x0], $0xffff;
	_ =	sdelay $0x1  }
0x71: {  	v2 =	vld.idx.msk [tilespmem:v4+s18+$0x0], $0xffff;
	_ =	sdelay $0x2  }
0x72: {  	v1 =	vadd.f32 $1.000000020e-16, v1;
	_ =	sdelay $0x1  }
0x73: {  	v2 =	vadd.f32 $1.000000020e-16, v2;
	(erf) = vrcp.f32 v1;
	_ =	sdelay $0x1  }
0x74: {  	(erf) = vrcp.f32 v2;
	_ =	sdelay $0x2  }
0x75: {  	v1 =	vld [tilespmem:s23+$0xED00]  }
0x76: {  	v3 =	vld [tilespmem:s23+$0x4F00]  }
0x77: {  	v2 =	vld [tilespmem:s23+$0x7680];
	_ =	sdelay $0x1  }
0x78: {  	v62 =	vpop (erf)  }
0x79: {  	v1 =	vmul.f32 v62, v1  }
0x7a: {  	v63 =	vpop (erf)  }
0x7b: {  	v1 =	vadd.f32 v2, v1;
	v2 =	vmul.f32 v3, v63;
	_ =	sdelay $0x1  }
0x7c: {  	v1 =	vadd.f32 v2, v1;
	_ =	sdelay $0x1  }
0x7d: {  	s20 =	sadd.s32 $0x1, s20;
	v1 =	vmul.f32 $3.333333430e-01, v1  }
0x7e: {  	p0 =	sne.s32 s20, s9  }
.Ltmp4:
0x7f: {  	[tilespmem:s23+$0x16380] =	vst v1;
	(pc) =	sbr.rel @p0 .LBB2_2-.Ltmp4, $4  }
0x80: {  	[hbm4b:s8+s10] =	stream.linear.scatter [tilespmem:s19], [sflag:$0x1], $0x2780, $0x38;
	[tilespmem:$0x18B00] =	vst v63  }
0x81: {  	_ =	swait.ge [sflag:s11], $0x2780  }
0x82: {  	[sflag:s11] =	ssyncset.done $0x0  }
0x83: {  	[sflag:s11] =	ssyncadd.s32 $0xFFFFD880  }
.LBB2_9:
0x84: {  	_ =	sfence.sel $0x180000  }
0x85: {  	[bflag:$0x0] =	sbarrier.arrive $0xFFFF  }
0x86: {  	p0 =	sne.s32 s0, $0x0;
	_ =	strace $0x9000005F  }
0x87: {  	s0 =	sadd.s32 @!p0 $0x100000, s1;
	[bflag:$0x2] =	sbarrier.arrive $0xFFFF  }
0x88: {  	[sflag:s0] =	ssyncadd.tile.s32 @!p0 $0x1;
	_ =	shalt  }
.Lfunc_end2:
_tile_overlayer_lowered:
.L_overlay_start_2:
0x89: {  	(tag) =	ssettag $0x2  }
0x8a: {  	s0 =	rddreg [dreg:$0x0];
	s2 =	stileid.u32  }
0x8b: {  	s1 =	rddreg [dreg:$0x1];
	p0 =	sne.s32 s2, $0x0  }
0x8c: {  	s3 =	rddreg [dreg:$0x2];
	[bflag:$0x3] =	sbarrier.arrive $0xFFFF;
	s2 =	simm.s32 @!p0 $0x1C01  }
0x8d: {  	[timem:s3], [sflag:s2] =	dma.local @!p0 [hbm:s0], s1  }
0x8e: {  	s0 =	simm.s32 @!p0 $0x1  }
0x8f: {  	_ =	swait.ge @!p0 [sflag:s0], s1  }
0x90: {  	s1 =	ssub.s32 @!p0 $0x0, s1;
	[sflag:s0] =	ssyncset.done @!p0 $0x0  }
0x91: {  	[sflag:s0] =	ssyncadd.s32 @!p0 s1  }
0x92: {  	[bflag:$0x3] =	sbarrier.arrive $0xFFFF  }
0x93: {  	_ =	shalt  }

// kernel: kernel.58.cloned.1.call-start
scs
__scs_entry_jumppad:
0x0: {  	(pc) =	sbr.rel $0x88, $3  }
0x1: {  	(tag) =	ssettag $0x0;
	lr =	simm.s32 $0x1  }
0x2: {  	[smem:$0x3F44] =	sst lr;
	_ =	strace $0xD0000000  }
0x3: {  	_ = 	snop  }
0x4: {  	_ = 	snop  }
0x5: {  	_ = 	snop  }
0x6: {  	_ = 	snop  }
0x7: {  	_ = 	snop  }
__scs_overlays_trampoline_lowered:
0x8: {  	[smem:$0x3F53] =	sst s0  }
0x9: {  	[smem:$0x3F54] =	sst s1  }
0xa: {  	[smem:$0x3F55] =	sst s2  }
0xb: {  	[smem:$0x3F56] =	sst s3  }
0xc: {  	[smem:$0x3F57] =	sst s4  }
0xd: {  	[smem:$0x3F58] =	sst s5  }
0xe: {  	[smem:$0x3F59] =	sst s6  }
0xf: {  	[smem:$0x3F5A] =	sst s7  }
0x10: {  	[smem:$0x3F5B] =	sst s8  }
0x11: {  	[smem:$0x3F5C] =	sst s9;
	s0 =	simm.s32 @!p0 $0x0  }
0x12: {  	s1 =	sld [smem:$0x3F42];
	s0 =	simm.s32 @p0 $0x1  }
0x13: {  	[smem:$0x3F5D] =	sst s0;
	s0 =	simm.s32 @!p1 $0x0  }
0x14: {  	s2 =	sld [smem:$0x3F41];
	s0 =	simm.s32 @p1 $0x1  }
0x15: {  	[smem:$0x3F5E] =	sst s0;
	s0 =	simm.s32 @!p2 $0x0  }
0x16: {  	s3 =	sld [smem:$0x3FDB];
	s0 =	simm.s32 @p2 $0x1  }
0x17: {  	s4 =	simm.s32 $0x1BF5;
	[smem:$0x3F60] =	sst s0  }
0x18: {  	s0 =	sld [smem:$0x3F43];
	_ =	swait.ge [sflag:s4], $0x0  }
0x19: {  	s7 =	sld [smem:$0x3F44]  }
0x1a: {  	s8 =	sadd.s32 $0xFFFFE003, lr  }
0x1b: {  	s9 =	sadd.s32 $0xFFFFFEF7, lr;
	s5 =	simm.s32 $0xFFFFFFFF;
	p2 =	slt.u32 s8, $0xFFFFF086  }
0x1c: {  	p1 =	slt.u32 s9, $0xF7A;
	s5 =	simm.s32 @!p2 $0x0  }
0x1d: {  	s5 =	simm.s32 @p1 $0x1;
	p0 =	seq.s32 s7, s2  }
0x1e: {  	s7 =	smul.u32 @!p0 $0xF7A, s2;
	p2 =	seq.s32 @!p0 s5, $0x0  }
0x1f: {  	s9 =	smul.u32 $0xF7A, s1;
	s8 =	simm.s32 @!p0 $0x1BF5;
	p2 =	por !p2, p0  }
0x20: {  	[sflag:s8] =	ssyncset.s32 @!p0 $0xFFFFF086;
	s6 =	sadd.s32 @!p0 s3, s7;
	s7 =	simm.s32 @!p0 $0x108  }
0x21: {  	s3 =	sadd.s32 s3, s9;
	s6 =	sadd.s32 @!p0 $0x88, s6;
	s7 =	simm.s32 @p2 $0x1082  }
0x22: {  	[simem:s7], [sflag:s8] =	dma.local @!p0 [hbm:s6], $0xF7A  }
0x23: {  	s9 =	sor.u32 $0xD0000000, s2;
	s6 =	simm.s32 $0x108;
	_ =	swait.ge @!p0 [sflag:s8], $0x0  }
0x24: {  	s3 =	sadd.s32 $0x88, s3;
	s6 =	simm.s32 @!p1 $0x1082;
	[sflag:s4] =	ssyncset.s32 $0xFFFFF086  }
0x25: {  	[simem:s6], [sflag:s4] =	dma.local [hbm:s3], $0xF7A  }
0x26: {  	[smem:$0x3F44] =	sst s1;
	(tag) =	ssettag s2;
	_ =	strace s9  }
0x27: {  	s1 =	sld [smem:$0x3F54]  }
0x28: {  	s2 =	sld [smem:$0x3F55]  }
0x29: {  	s4 =	sld [smem:$0x3F57]  }
0x2a: {  	p0 =	seq.s32 s5, $0x0;
	s5 =	sld [smem:$0x3F58]  }
0x2b: {  	s6 =	sld [smem:$0x3F59]  }
0x2c: {  	s7 =	sld [smem:$0x3F5A]  }
0x2d: {  	s3 =	simm.s32 $0x108;
	s8 =	sld [smem:$0x3F5B]  }
0x2e: {  	s3 =	simm.s32 @!p0 $0x1082;
	s9 =	sld [smem:$0x3F5C]  }
0x2f: {  	lr =	sadd.s32 s0, s3;
	s0 =	sld [smem:$0x3F53]  }
0x30: {  	s3 =	sld [smem:$0x3F56]  }
0x31: {  	[smem:$0x3F5F] =	sst s10  }
0x32: {  	s10 =	sld [smem:$0x3F5D];
	_ =	sdelay $0x3  }
0x33: {  	p0 =	seq.s32 s10, $0x1;
	s10 =	sld [smem:$0x3F5F];
	_ =	sdelay $0x3  }
0x34: {  	[smem:$0x3F5F] =	sst s10  }
0x35: {  	s10 =	sld [smem:$0x3F5E];
	_ =	sdelay $0x3  }
0x36: {  	p1 =	seq.s32 s10, $0x1;
	s10 =	sld [smem:$0x3F5F];
	_ =	sdelay $0x3  }
0x37: {  	[smem:$0x3F5F] =	sst s10  }
0x38: {  	s10 =	sld [smem:$0x3F60]  }
0x39: {  	_ = 	snop;
	(pc) =	sbr.ind lr, $3  }
0x3a: {  	_ = 	snop  }
0x3b: {  	_ = 	snop  }
0x3c: {  	p2 =	seq.s32 s10, $0x1;
	s10 =	sld [smem:$0x3F5F]  }
0x3d: {  	_ =	shalt  }
0x3e: {  	_ =	shalt  }
0x3f: {  	_ =	shalt  }
0x40: {  	_ =	shalt  }
0x41: {  	_ =	shalt  }
0x42: {  	_ =	shalt  }
0x43: {  	_ =	shalt  }
0x44: {  	_ =	shalt  }
0x45: {  	_ =	shalt  }
0x46: {  	_ =	shalt  }
0x47: {  	_ =	shalt  }
0x48: {  	_ =	shalt  }
0x49: {  	_ =	shalt  }
0x4a: {  	_ =	shalt  }
0x4b: {  	_ =	shalt  }
0x4c: {  	_ =	shalt  }
0x4d: {  	_ =	shalt  }
0x4e: {  	_ =	shalt  }
0x4f: {  	_ =	shalt  }
0x50: {  	_ =	shalt  }
0x51: {  	_ =	shalt  }
0x52: {  	_ =	shalt  }
0x53: {  	_ =	shalt  }
0x54: {  	_ =	shalt  }
0x55: {  	_ =	shalt  }
0x56: {  	_ =	shalt  }
0x57: {  	_ =	shalt  }
0x58: {  	_ =	shalt  }
0x59: {  	_ =	shalt  }
0x5a: {  	_ =	shalt  }
0x5b: {  	_ =	shalt  }
0x5c: {  	_ =	shalt  }
0x5d: {  	_ =	shalt  }
0x5e: {  	_ =	shalt  }
0x5f: {  	_ =	shalt  }
0x60: {  	_ =	shalt  }
0x61: {  	_ =	shalt  }
0x62: {  	_ =	shalt  }
0x63: {  	_ =	shalt  }
0x64: {  	_ =	shalt  }
0x65: {  	_ =	shalt  }
0x66: {  	_ =	shalt  }
0x67: {  	_ =	shalt  }
0x68: {  	_ =	shalt  }
0x69: {  	_ =	shalt  }
0x6a: {  	_ =	shalt  }
0x6b: {  	_ =	shalt  }
0x6c: {  	_ =	shalt  }
0x6d: {  	_ =	shalt  }
0x6e: {  	_ =	shalt  }
0x6f: {  	_ =	shalt  }
0x70: {  	_ =	shalt  }
0x71: {  	_ =	shalt  }
0x72: {  	_ =	shalt  }
0x73: {  	_ =	shalt  }
0x74: {  	_ =	shalt  }
0x75: {  	_ =	shalt  }
0x76: {  	_ =	shalt  }
0x77: {  	_ =	shalt  }
0x78: {  	_ =	shalt  }
0x79: {  	_ =	shalt  }
0x7a: {  	_ =	shalt  }
0x7b: {  	_ =	shalt  }
0x7c: {  	_ =	shalt  }
0x7d: {  	_ =	shalt  }
0x7e: {  	_ =	shalt  }
0x7f: {  	_ =	shalt  }
0x80: {  	_ =	shalt  }
0x81: {  	_ =	shalt  }
0x82: {  	_ =	shalt  }
0x83: {  	_ =	shalt  }
0x84: {  	_ =	shalt  }
0x85: {  	_ =	shalt  }
0x86: {  	_ =	shalt  }
0x87: {  	_ =	shalt  }
.Lfunc_end0:
.L_simem_size_0:
called_computation.9_lowered:
.L_overlay_start_0:
0x88: {  	s2 =	sld [smem:$0x3FD9]  }
0x89: {  	s3 =	sld [smem:$0x3FFE];
	_ =	sdelay $0x1  }
0x8a: {  	s1 =	srdreg.scid  }
0x8b: {  	s0 =	sand.u32 $0x1, s1  }
0x8c: {  	s16 =	sshll.u32 s0, $0xA;
	s2 =	sadd.s32 s3, s2  }
0x8d: {  	s2 =	sadd.s32 s2, s16  }
0x8e: {  	[smem:$0x3F6B] =	sst s2  }
0x8f: {  	_ = 	snop  }
0x90: {  	(tm) =	ssettm $0x1  }
0x91: {  	s17 =	sld [smem:$0x3FFB];
	_ =	sdelay $0x3  }
0x92: {  	_ =	strace s17  }
0x93: {  	s2 =	sld [smem:$0x3FFC];
	_ =	sdelay $0x3  }
0x94: {  	_ =	strace s2  }
0x95: {  	s2 =	sld [smem:$0x3FFD];
	_ =	sdelay $0x3  }
0x96: {  	_ =	strace s2  }
0x97: {  	_ =	strace $0x8FFFFFFF  }
0x98: {  	s18 =	sld [smem:$0x3FDB];
	_ =	sdelay $0x1  }
0x99: {  	s19 =	simm.s32 $_scs_section_size  }
0x9a: {  	s4 =	simm.s32 $_size__tile_overlayer_lowered;
	s5 =	simm.s32 $_tile_overlayer_lowered  }
0x9b: {  	s22 =	simm.s32 $0x1BFF;
	s21 =	sshll.u32 s5, $0x1;
	s2 =	sadd.s32 s19, s18  }
0x9c: {  	s6 =	simm.s32 $0x0;
	s20 =	sshll.u32 s4, $0x1;
	s4 =	sadd.s32 s21, s2  }
0x9d: {  	[timem:s6], [sflag:s22] =	dma.local [hbm:s4], s20  }
0x9e: {  	_ =	swait.ge [sflag:s22], s20  }
0x9f: {  	s3 =	ssub.s32 $0x0, s20;
	[sflag:s22] =	ssyncset.done $0x0  }
0xa0: {  	[sflag:s22] =	ssyncadd.s32 s3;
	_ =	sdelay $0x1  }
0xa1: {  	s23 =	simm.s32 $0x1B8B  }
0xa2: {  	_ =	swait.ge [sflag:s23], $0x1  }
0xa3: {  	[sflag:s23] =	ssyncset.done $0x0  }
0xa4: {  	s25 =	simm.s32 $0x1B8E;
	s24 =	sld [smem:$0x3FFE];
	[sflag:s23] =	ssyncadd.s32 $0xFFFFFFFF  }
0xa5: {  	s26 =	simm.s32 $execute0_lowered;
	[smem:$0x3FD2] =	sst s25  }
0xa6: {  	s4 =	sshll.u32 s26, $0x1;
	_ =	strace $0x80000061;
	[dreg:$0x1] =	wrdreg $0xFFFFFFFF  }
0xa7: {  	s28 =	simm.s32 $_size_execute0_lowered;
	s2 =	sadd.s32 s2, s4;
	[dreg:$0x0] =	wrdreg $0x0  }
0xa8: {  	s4 =	sshll.u32 s28, $0x1;
	[dreg:$0x2] =	wrdreg s2  }
0xa9: {  	[dreg:$0x3] =	wrdreg s4  }
0xaa: {  	[dreg:$0x4] =	wrdreg $0xC0  }
0xab: {  	_ =	task [dreg:s6], $0x5FFFF  }
0xac: {  	[dreg:$0x1] =	wrdreg $0xFFFFFFFF  }
0xad: {  	[dreg:$0x0] =	wrdreg $0x60  }
0xae: {  	[dreg:$0x2] =	wrdreg s24  }
0xaf: {  	[dreg:$0x3] =	wrdreg $0x9  }
0xb0: {  	_ =	task.clear_ibuf [dreg:s6], $0x4FFFF;
	_ =	strace $0x90000061  }
0xb1: {  	s29 =	simm.s32 $0x9;
	_ =	strace $0x80000063  }
0xb2: {  	_ =	swait.ge [sflag:s29], $0x1  }
0xb3: {  	[sflag:s29] =	ssyncadd.s32 $0xFFFFFFFF  }
0xb4: {  	_ =	strace $0x90000063  }
0xb5: {  	_ =	sfence  }
0xb6: {  	s30 =	sld [smem:$0x0];
	_ =	sdelay $0x2  }
0xb7: {  	s31 =	sshll.u32 s1, $0xD;
	s1 =	sshrl.u32 s1, $0x2  }
0xb8: {  	s3 =	sand.u32 $0x4000, s31;
	s1 =	sadd.s32 s1, s30  }
0xb9: {  	s0 =	sor.u32 s3, s0;
	s1 =	sshll.u32 s1, $0x11  }
0xba: {  	s0 =	sor.u32 s1, s0  }
0xbb: {  	s0 =	sadd.s32 $0x8F2B, s0  }
0xbc: {  	[sflag:s0] =	ssyncadd.remote.s32 $0x1  }
0xbd: {  	_ =	sfence.sel $0xFFFF  }
0xbe: {  	[dreg:$0x0] =	wrdreg $0xFFFFFFFF;
	(pc) =	sbr.abs _section_cstart, $3  }
0xbf: {  	[dreg:$0x1] =	wrdreg $0xFFFFFFFF  }
0xc0: {  	_ =	task.clear_ibuf [dreg:s6], $0x2FFFF;
	_ =	strace $0x9FFFFFFF  }
0xc1: {  	(tm) =	ssettm $0x7FFFFFFF  }
tec
execute0_lowered:
.L_overlay_start_1:
0x0: {  	(tag) =	ssettag $0x1  }
0x1: {  	s5 =	rddreg [dreg:$0x0]  }
0x2: {  	s0 =	rddreg [dreg:$0x1];
	s2 =	simm.s32 $0x0;
	s3 =	srdreg.scid  }
0x3: {  	s1 =	stileid.u32;
	s12 =	simm.s32 $0x100;
	s13 =	simm.s32 $0x2100  }
0x4: {  	s14 =	simm.s32 $0x1;
	s15 =	simm.s32 $0x2;
	s7 =	smul.u32 $0x2800, s1  }
0x5: {  	s16 =	simm.s32 $0x0;
	s6 =	sand.u32 $0x1, s3;
	s9 =	smul.u32 $0x14000, s1  }
0x6: {  	[smem:$0x7FF] =	sst s2;
	s3 =	sadd.s32 $0x322800, s5;
	s8 =	smul.u32 $0x1400, s6  }
0x7: {  	s4 =	sadd.s32 $0x74000, s5;
	s29 =	ssub.s32 $0x2, s6;
	s6 =	smul.u32 $0xA000, s6  }
0x8: {  	_ =	strace $0x80000062;
	s9 =	sadd.s32 s9, s5;
	s10 =	sshrl.u32 s29, $0x1  }
0x9: {  	s7 =	sadd.s32 s8, s7;
	s30 =	ssub.s32 s29, s10;
	s31 =	sadd.s32 s6, s9  }
0xa: {  	s10 =	simm.s32 $0x3;
	s7 =	sshrl.u32 s7, $0x3;
	s6 =	sadd.s32 $0x36FE00, s31  }
0xb: {  	s11 =	sadd.s32 s7, s5;
	s5 =	smax.u32 s30, $0x1;
	s7 =	sadd.s32 $0x87A00, s31  }
0xc: {  	s8 =	sadd.s32 $0x16A00, s11;
	s9 =	sadd.s32 $0x6F000, s11;
	s11 =	simm.s32 $0x80  }
.LBB2_1:
0xd: {  	s17 =	sadd.s32 $0x0, s9  }
0xe: {  	[tilespmem:s2], [sflag:$0x3] =	stream.linear.gather [hbm4b:s17+s2], $0x80, $0x38;
	[tilespmem:$0x4100] =	vst v63  }
0xf: {  	_ =	swait.ge [sflag:s10], $0x80  }
0x10: {  	[sflag:s10] =	ssyncset.done $0x0  }
0x11: {  	s31 =	sadd.s32 $0x0, s8;
	[sflag:s10] =	ssyncadd.s32 $0xFFFFFF80  }
0x12: {  	[tilespmem:s11], [sflag:$0x3] =	stream.linear.gather [hbm4b:s31+s2], $0x80, $0x38;
	[tilespmem:$0x4100] =	vst v63  }
0x13: {  	_ =	swait.ge [sflag:s10], $0x80  }
0x14: {  	[sflag:s10] =	ssyncset.done $0x0  }
0x15: {  	[sflag:s10] =	ssyncadd.s32 $0xFFFFFF80  }
0x16: {  	[tilespmem:s12], [sflag:$0x1] =	stream.indirect.gather [hbm4b:s3+s11], $0x40, s2, s11, $0xb8;
	[tilespmem:$0x4100] =	vst v63  }
0x17: {  	_ = 	snop  }
0x18: {  	[tilespmem:s13], [sflag:$0x2] =	stream.indirect.gather [hbm4b:s4+s11], $0x40, s11, s11, $0xb8;
	[tilespmem:$0x4100] =	vst v63  }
0x19: {  	_ =	swait.ge [sflag:s14], $0x2000  }
0x1a: {  	[sflag:s14] =	ssyncset.done $0x0  }
0x1b: {  	[sflag:s14] =	ssyncadd.s32 $0xFFFFE000  }
0x1c: {  	_ =	swait.ge [sflag:s15], $0x2000  }
0x1d: {  	[sflag:s15] =	ssyncset.done $0x0  }
0x1e: {  	[sflag:s15] =	ssyncadd.s32 $0xFFFFE000  }
0x1f: {  	[hbm4b:s7+s2] =	stream.linear.scatter [tilespmem:s12], [sflag:$0x3], $0x2000, $0x38;
	[tilespmem:$0x4100] =	vst v63  }
0x20: {  	_ =	swait.ge [sflag:s10], $0x2000  }
0x21: {  	[sflag:s10] =	ssyncset.done $0x0  }
0x22: {  	[sflag:s10] =	ssyncadd.s32 $0xFFFFE000  }
0x23: {  	[hbm4b:s6+s2] =	stream.linear.scatter [tilespmem:s13], [sflag:$0x3], $0x2000, $0x38;
	[tilespmem:$0x4100] =	vst v63  }
0x24: {  	s19 =	simm.s32 $0x10;
	s20 =	simm.s32 $0x20;
	_ =	swait.ge [sflag:s10], $0x2000  }
0x25: {  	s18 =	sadd.s32 $0x400, s7;
	s17 =	sadd.s32 $0x400, s6;
	[sflag:s10] =	ssyncset.done $0x0  }
.LBB2_2:
0x26: {  	s21 =	sadd.s32 s19, s9  }
0x27: {  	[sflag:s10] =	ssyncadd.s32 $0xFFFFE000;
	s22 =	smov.u32 s20;
	s23 =	sadd.s32 $0x10, s20  }
0x28: {  	[tilespmem:s2], [sflag:$0x3] =	stream.linear.gather [hbm4b:s21+s2], $0x80, $0x38;
	[tilespmem:$0x4100] =	vst v63  }
0x29: {  	p0 =	sne.s32 s20, $0x270;
	_ =	swait.ge [sflag:s10], $0x80  }
0x2a: {  	[sflag:s10] =	ssyncset.done $0x0  }
0x2b: {  	s20 =	sadd.s32 s19, s8;
	s19 =	smov.u32 s22;
	[sflag:s10] =	ssyncadd.s32 $0xFFFFFF80  }
0x2c: {  	[tilespmem:s11], [sflag:$0x3] =	stream.linear.gather [hbm4b:s20+s2], $0x80, $0x38;
	[tilespmem:$0x4100] =	vst v63  }
0x2d: {  	_ =	swait.ge [sflag:s10], $0x80  }
0x2e: {  	[sflag:s10] =	ssyncset.done $0x0  }
0x2f: {  	[sflag:s10] =	ssyncadd.s32 $0xFFFFFF80  }
0x30: {  	[tilespmem:s12], [sflag:$0x1] =	stream.indirect.gather [hbm4b:s3+s11], $0x40, s2, s11, $0xb8;
	[tilespmem:$0x4100] =	vst v63  }
0x31: {  	_ = 	snop  }
0x32: {  	[tilespmem:s13], [sflag:$0x2] =	stream.indirect.gather [hbm4b:s4+s11], $0x40, s11, s11, $0xb8;
	[tilespmem:$0x4100] =	vst v63  }
0x33: {  	_ =	swait.ge [sflag:s14], $0x2000  }
0x34: {  	[sflag:s14] =	ssyncset.done $0x0  }
0x35: {  	[sflag:s14] =	ssyncadd.s32 $0xFFFFE000  }
0x36: {  	_ =	swait.ge [sflag:s15], $0x2000  }
0x37: {  	[sflag:s15] =	ssyncset.done $0x0  }
0x38: {  	[sflag:s15] =	ssyncadd.s32 $0xFFFFE000  }
0x39: {  	[hbm4b:s18+s2] =	stream.linear.scatter [tilespmem:s12], [sflag:$0x3], $0x2000, $0x38;
	[tilespmem:$0x4100] =	vst v63  }
0x3a: {  	_ =	swait.ge [sflag:s10], $0x2000  }
.Ltmp0:
0x3b: {  	[sflag:s10] =	ssyncset.done $0x0;
	(pc) =	sbr.rel @p0 .LBB2_2-.Ltmp0, $4  }
0x3c: {  	[sflag:s10] =	ssyncadd.s32 $0xFFFFE000  }
0x3d: {  	[hbm4b:s17+s2] =	stream.linear.scatter [tilespmem:s13], [sflag:$0x3], $0x2000, $0x38;
	[tilespmem:$0x4100] =	vst v63  }
0x3e: {  	s20 =	smov.u32 s23;
	_ =	swait.ge [sflag:s10], $0x2000  }
0x3f: {  	s18 =	sadd.s32 $0x400, s18;
	s17 =	sadd.s32 $0x400, s17;
	[sflag:s10] =	ssyncset.done $0x0  }
0x40: {  	s20 =	sadd.s32 s19, s9;
	[sflag:s10] =	ssyncadd.s32 $0xFFFFE000  }
0x41: {  	[tilespmem:s2], [sflag:$0x3] =	stream.linear.gather [hbm4b:s20+s2], $0x80, $0x38;
	[tilespmem:$0x4100] =	vst v63  }
0x42: {  	_ =	swait.ge [sflag:s10], $0x80  }
0x43: {  	[sflag:s10] =	ssyncset.done $0x0  }
0x44: {  	s31 =	sadd.s32 s19, s8;
	[sflag:s10] =	ssyncadd.s32 $0xFFFFFF80  }
0x45: {  	[tilespmem:s11], [sflag:$0x3] =	stream.linear.gather [hbm4b:s31+s2], $0x80, $0x38;
	[tilespmem:$0x4100] =	vst v63  }
0x46: {  	_ =	swait.ge [sflag:s10], $0x80  }
0x47: {  	[sflag:s10] =	ssyncset.done $0x0  }
0x48: {  	[sflag:s10] =	ssyncadd.s32 $0xFFFFFF80  }
0x49: {  	[tilespmem:s12], [sflag:$0x1] =	stream.indirect.gather [hbm4b:s3+s11], $0x40, s2, s11, $0xb8;
	[tilespmem:$0x4100] =	vst v63  }
0x4a: {  	_ = 	snop  }
0x4b: {  	[tilespmem:s13], [sflag:$0x2] =	stream.indirect.gather [hbm4b:s4+s11], $0x40, s11, s11, $0xb8;
	[tilespmem:$0x4100] =	vst v63  }
0x4c: {  	_ =	swait.ge [sflag:s14], $0x2000  }
0x4d: {  	[sflag:s14] =	ssyncset.done $0x0  }
0x4e: {  	[sflag:s14] =	ssyncadd.s32 $0xFFFFE000  }
0x4f: {  	_ =	swait.ge [sflag:s15], $0x2000  }
0x50: {  	[sflag:s15] =	ssyncset.done $0x0  }
0x51: {  	[sflag:s15] =	ssyncadd.s32 $0xFFFFE000  }
0x52: {  	[hbm4b:s18+s2] =	stream.linear.scatter [tilespmem:s12], [sflag:$0x3], $0x2000, $0x38;
	[tilespmem:$0x4100] =	vst v63  }
0x53: {  	s16 =	sadd.s32 $0x1, s16;
	_ =	swait.ge [sflag:s10], $0x2000  }
0x54: {  	p0 =	sne.s32 s16, s5;
	[sflag:s10] =	ssyncset.done $0x0  }
.Ltmp1:
0x55: {  	[sflag:s10] =	ssyncadd.s32 $0xFFFFE000;
	(pc) =	sbr.rel @p0 .LBB2_1-.Ltmp1, $4  }
0x56: {  	[hbm4b:s17+s2] =	stream.linear.scatter [tilespmem:s13], [sflag:$0x3], $0x2000, $0x38;
	[tilespmem:$0x4100] =	vst v63  }
0x57: {  	_ =	swait.ge [sflag:s10], $0x2000  }
0x58: {  	[sflag:s10] =	ssyncset.done $0x0  }
0x59: {  	[sflag:s10] =	ssyncadd.s32 $0xFFFFE000  }
0x5a: {  	_ =	sfence.sel $0x180000  }
0x5b: {  	[bflag:$0x0] =	sbarrier.arrive $0xFFFF  }
0x5c: {  	p0 =	sne.s32 s1, $0x0;
	_ =	strace $0x90000062  }
0x5d: {  	s0 =	sadd.s32 @!p0 $0x100000, s0;
	[bflag:$0x2] =	sbarrier.arrive $0xFFFF  }
0x5e: {  	[sflag:s0] =	ssyncadd.tile.s32 @!p0 $0x1;
	_ =	shalt  }
.Lfunc_end2:
_tile_overlayer_lowered:
.L_overlay_start_2:
0x5f: {  	(tag) =	ssettag $0x2  }
0x60: {  	s0 =	rddreg [dreg:$0x0];
	s2 =	stileid.u32  }
0x61: {  	s1 =	rddreg [dreg:$0x1];
	p0 =	sne.s32 s2, $0x0  }
0x62: {  	s3 =	rddreg [dreg:$0x2];
	[bflag:$0x3] =	sbarrier.arrive $0xFFFF;
	s2 =	simm.s32 @!p0 $0x1C03  }
0x63: {  	[timem:s3], [sflag:s2] =	dma.local @!p0 [hbm:s0], s1  }
0x64: {  	s0 =	simm.s32 @!p0 $0x3  }
0x65: {  	_ =	swait.ge @!p0 [sflag:s0], s1  }
0x66: {  	s1 =	ssub.s32 @!p0 $0x0, s1;
	[sflag:s0] =	ssyncset.done @!p0 $0x0  }
0x67: {  	[sflag:s0] =	ssyncadd.s32 @!p0 s1  }
0x68: {  	[bflag:$0x3] =	sbarrier.arrive $0xFFFF  }
0x69: {  	_ =	shalt  }

// kernel: kernel.61.cloned.1.call-start
scs
__scs_entry_jumppad:
0x0: {  	(pc) =	sbr.rel $0x88, $3  }
0x1: {  	(tag) =	ssettag $0x0;
	lr =	simm.s32 $0x1  }
0x2: {  	[smem:$0x3F44] =	sst lr;
	_ =	strace $0xD0000000  }
0x3: {  	_ = 	snop  }
0x4: {  	_ = 	snop  }
0x5: {  	_ = 	snop  }
0x6: {  	_ = 	snop  }
0x7: {  	_ = 	snop  }
__scs_overlays_trampoline_lowered:
0x8: {  	[smem:$0x3F53] =	sst s0  }
0x9: {  	[smem:$0x3F54] =	sst s1  }
0xa: {  	[smem:$0x3F55] =	sst s2  }
0xb: {  	[smem:$0x3F56] =	sst s3  }
0xc: {  	[smem:$0x3F57] =	sst s4  }
0xd: {  	[smem:$0x3F58] =	sst s5  }
0xe: {  	[smem:$0x3F59] =	sst s6  }
0xf: {  	[smem:$0x3F5A] =	sst s7  }
0x10: {  	[smem:$0x3F5B] =	sst s8  }
0x11: {  	[smem:$0x3F5C] =	sst s9;
	s0 =	simm.s32 @!p0 $0x0  }
0x12: {  	s1 =	sld [smem:$0x3F42];
	s0 =	simm.s32 @p0 $0x1  }
0x13: {  	[smem:$0x3F5D] =	sst s0;
	s0 =	simm.s32 @!p1 $0x0  }
0x14: {  	s2 =	sld [smem:$0x3F41];
	s0 =	simm.s32 @p1 $0x1  }
0x15: {  	[smem:$0x3F5E] =	sst s0;
	s0 =	simm.s32 @!p2 $0x0  }
0x16: {  	s3 =	sld [smem:$0x3FDB];
	s0 =	simm.s32 @p2 $0x1  }
0x17: {  	s4 =	simm.s32 $0x1BF5;
	[smem:$0x3F60] =	sst s0  }
0x18: {  	s0 =	sld [smem:$0x3F43];
	_ =	swait.ge [sflag:s4], $0x0  }
0x19: {  	s7 =	sld [smem:$0x3F44]  }
0x1a: {  	s8 =	sadd.s32 $0xFFFFE003, lr  }
0x1b: {  	s9 =	sadd.s32 $0xFFFFFEF7, lr;
	s5 =	simm.s32 $0xFFFFFFFF;
	p2 =	slt.u32 s8, $0xFFFFF086  }
0x1c: {  	p1 =	slt.u32 s9, $0xF7A;
	s5 =	simm.s32 @!p2 $0x0  }
0x1d: {  	s5 =	simm.s32 @p1 $0x1;
	p0 =	seq.s32 s7, s2  }
0x1e: {  	s7 =	smul.u32 @!p0 $0xF7A, s2;
	p2 =	seq.s32 @!p0 s5, $0x0  }
0x1f: {  	s9 =	smul.u32 $0xF7A, s1;
	s8 =	simm.s32 @!p0 $0x1BF5;
	p2 =	por !p2, p0  }
0x20: {  	[sflag:s8] =	ssyncset.s32 @!p0 $0xFFFFF086;
	s6 =	sadd.s32 @!p0 s3, s7;
	s7 =	simm.s32 @!p0 $0x108  }
0x21: {  	s3 =	sadd.s32 s3, s9;
	s6 =	sadd.s32 @!p0 $0x88, s6;
	s7 =	simm.s32 @p2 $0x1082  }
0x22: {  	[simem:s7], [sflag:s8] =	dma.local @!p0 [hbm:s6], $0xF7A  }
0x23: {  	s9 =	sor.u32 $0xD0000000, s2;
	s6 =	simm.s32 $0x108;
	_ =	swait.ge @!p0 [sflag:s8], $0x0  }
0x24: {  	s3 =	sadd.s32 $0x88, s3;
	s6 =	simm.s32 @!p1 $0x1082;
	[sflag:s4] =	ssyncset.s32 $0xFFFFF086  }
0x25: {  	[simem:s6], [sflag:s4] =	dma.local [hbm:s3], $0xF7A  }
0x26: {  	[smem:$0x3F44] =	sst s1;
	(tag) =	ssettag s2;
	_ =	strace s9  }
0x27: {  	s1 =	sld [smem:$0x3F54]  }
0x28: {  	s2 =	sld [smem:$0x3F55]  }
0x29: {  	s4 =	sld [smem:$0x3F57]  }
0x2a: {  	p0 =	seq.s32 s5, $0x0;
	s5 =	sld [smem:$0x3F58]  }
0x2b: {  	s6 =	sld [smem:$0x3F59]  }
0x2c: {  	s7 =	sld [smem:$0x3F5A]  }
0x2d: {  	s3 =	simm.s32 $0x108;
	s8 =	sld [smem:$0x3F5B]  }
0x2e: {  	s3 =	simm.s32 @!p0 $0x1082;
	s9 =	sld [smem:$0x3F5C]  }
0x2f: {  	lr =	sadd.s32 s0, s3;
	s0 =	sld [smem:$0x3F53]  }
0x30: {  	s3 =	sld [smem:$0x3F56]  }
0x31: {  	[smem:$0x3F5F] =	sst s10  }
0x32: {  	s10 =	sld [smem:$0x3F5D];
	_ =	sdelay $0x3  }
0x33: {  	p0 =	seq.s32 s10, $0x1;
	s10 =	sld [smem:$0x3F5F];
	_ =	sdelay $0x3  }
0x34: {  	[smem:$0x3F5F] =	sst s10  }
0x35: {  	s10 =	sld [smem:$0x3F5E];
	_ =	sdelay $0x3  }
0x36: {  	p1 =	seq.s32 s10, $0x1;
	s10 =	sld [smem:$0x3F5F];
	_ =	sdelay $0x3  }
0x37: {  	[smem:$0x3F5F] =	sst s10  }
0x38: {  	s10 =	sld [smem:$0x3F60]  }
0x39: {  	_ = 	snop;
	(pc) =	sbr.ind lr, $3  }
0x3a: {  	_ = 	snop  }
0x3b: {  	_ = 	snop  }
0x3c: {  	p2 =	seq.s32 s10, $0x1;
	s10 =	sld [smem:$0x3F5F]  }
0x3d: {  	_ =	shalt  }
0x3e: {  	_ =	shalt  }
0x3f: {  	_ =	shalt  }
0x40: {  	_ =	shalt  }
0x41: {  	_ =	shalt  }
0x42: {  	_ =	shalt  }
0x43: {  	_ =	shalt  }
0x44: {  	_ =	shalt  }
0x45: {  	_ =	shalt  }
0x46: {  	_ =	shalt  }
0x47: {  	_ =	shalt  }
0x48: {  	_ =	shalt  }
0x49: {  	_ =	shalt  }
0x4a: {  	_ =	shalt  }
0x4b: {  	_ =	shalt  }
0x4c: {  	_ =	shalt  }
0x4d: {  	_ =	shalt  }
0x4e: {  	_ =	shalt  }
0x4f: {  	_ =	shalt  }
0x50: {  	_ =	shalt  }
0x51: {  	_ =	shalt  }
0x52: {  	_ =	shalt  }
0x53: {  	_ =	shalt  }
0x54: {  	_ =	shalt  }
0x55: {  	_ =	shalt  }
0x56: {  	_ =	shalt  }
0x57: {  	_ =	shalt  }
0x58: {  	_ =	shalt  }
0x59: {  	_ =	shalt  }
0x5a: {  	_ =	shalt  }
0x5b: {  	_ =	shalt  }
0x5c: {  	_ =	shalt  }
0x5d: {  	_ =	shalt  }
0x5e: {  	_ =	shalt  }
0x5f: {  	_ =	shalt  }
0x60: {  	_ =	shalt  }
0x61: {  	_ =	shalt  }
0x62: {  	_ =	shalt  }
0x63: {  	_ =	shalt  }
0x64: {  	_ =	shalt  }
0x65: {  	_ =	shalt  }
0x66: {  	_ =	shalt  }
0x67: {  	_ =	shalt  }
0x68: {  	_ =	shalt  }
0x69: {  	_ =	shalt  }
0x6a: {  	_ =	shalt  }
0x6b: {  	_ =	shalt  }
0x6c: {  	_ =	shalt  }
0x6d: {  	_ =	shalt  }
0x6e: {  	_ =	shalt  }
0x6f: {  	_ =	shalt  }
0x70: {  	_ =	shalt  }
0x71: {  	_ =	shalt  }
0x72: {  	_ =	shalt  }
0x73: {  	_ =	shalt  }
0x74: {  	_ =	shalt  }
0x75: {  	_ =	shalt  }
0x76: {  	_ =	shalt  }
0x77: {  	_ =	shalt  }
0x78: {  	_ =	shalt  }
0x79: {  	_ =	shalt  }
0x7a: {  	_ =	shalt  }
0x7b: {  	_ =	shalt  }
0x7c: {  	_ =	shalt  }
0x7d: {  	_ =	shalt  }
0x7e: {  	_ =	shalt  }
0x7f: {  	_ =	shalt  }
0x80: {  	_ =	shalt  }
0x81: {  	_ =	shalt  }
0x82: {  	_ =	shalt  }
0x83: {  	_ =	shalt  }
0x84: {  	_ =	shalt  }
0x85: {  	_ =	shalt  }
0x86: {  	_ =	shalt  }
0x87: {  	_ =	shalt  }
.Lfunc_end0:
.L_simem_size_0:
called_computation.10_lowered:
.L_overlay_start_0:
0x88: {  	s2 =	sld [smem:$0x3FD9]  }
0x89: {  	s3 =	sld [smem:$0x3FFE];
	_ =	sdelay $0x1  }
0x8a: {  	s1 =	srdreg.scid  }
0x8b: {  	s0 =	sand.u32 $0x1, s1  }
0x8c: {  	s16 =	sshll.u32 s0, $0xA;
	s2 =	sadd.s32 s3, s2  }
0x8d: {  	s2 =	sadd.s32 s2, s16  }
0x8e: {  	[smem:$0x3F6B] =	sst s2  }
0x8f: {  	_ = 	snop  }
0x90: {  	(tm) =	ssettm $0x1  }
0x91: {  	s17 =	sld [smem:$0x3FFB];
	_ =	sdelay $0x3  }
0x92: {  	_ =	strace s17  }
0x93: {  	s2 =	sld [smem:$0x3FFC];
	_ =	sdelay $0x3  }
0x94: {  	_ =	strace s2  }
0x95: {  	s2 =	sld [smem:$0x3FFD];
	_ =	sdelay $0x3  }
0x96: {  	_ =	strace s2  }
0x97: {  	_ =	strace $0x8FFFFFFF  }
0x98: {  	s18 =	sld [smem:$0x3FDB];
	_ =	sdelay $0x1  }
0x99: {  	s19 =	simm.s32 $_scs_section_size  }
0x9a: {  	s4 =	simm.s32 $_size__tile_overlayer_lowered;
	s5 =	simm.s32 $_tile_overlayer_lowered  }
0x9b: {  	s22 =	simm.s32 $0x1BFF;
	s21 =	sshll.u32 s5, $0x1;
	s2 =	sadd.s32 s19, s18  }
0x9c: {  	s6 =	simm.s32 $0x0;
	s20 =	sshll.u32 s4, $0x1;
	s4 =	sadd.s32 s21, s2  }
0x9d: {  	[timem:s6], [sflag:s22] =	dma.local [hbm:s4], s20  }
0x9e: {  	_ =	swait.ge [sflag:s22], s20  }
0x9f: {  	s3 =	ssub.s32 $0x0, s20;
	[sflag:s22] =	ssyncset.done $0x0  }
0xa0: {  	[sflag:s22] =	ssyncadd.s32 s3;
	_ =	sdelay $0x1  }
0xa1: {  	s23 =	simm.s32 $0x1B8B  }
0xa2: {  	_ =	swait.ge [sflag:s23], $0x1  }
0xa3: {  	[sflag:s23] =	ssyncset.done $0x0  }
0xa4: {  	s25 =	simm.s32 $0x1B8E;
	s24 =	sld [smem:$0x3FFE];
	[sflag:s23] =	ssyncadd.s32 $0xFFFFFFFF  }
0xa5: {  	s26 =	simm.s32 $execute0_lowered;
	[smem:$0x3FD2] =	sst s25  }
0xa6: {  	s4 =	sshll.u32 s26, $0x1;
	_ =	strace $0x80000064;
	[dreg:$0x1] =	wrdreg $0xFFFFFFFF  }
0xa7: {  	s28 =	simm.s32 $_size_execute0_lowered;
	s2 =	sadd.s32 s2, s4;
	[dreg:$0x0] =	wrdreg $0x0  }
0xa8: {  	s4 =	sshll.u32 s28, $0x1;
	[dreg:$0x2] =	wrdreg s2  }
0xa9: {  	[dreg:$0x3] =	wrdreg s4  }
0xaa: {  	[dreg:$0x4] =	wrdreg $0xC0  }
0xab: {  	_ =	task [dreg:s6], $0x5FFFF  }
0xac: {  	[dreg:$0x1] =	wrdreg $0xFFFFFFFF  }
0xad: {  	[dreg:$0x0] =	wrdreg $0x60  }
0xae: {  	[dreg:$0x2] =	wrdreg s24  }
0xaf: {  	[dreg:$0x3] =	wrdreg $0x54000  }
0xb0: {  	[dreg:$0x4] =	wrdreg $0x9  }
0xb1: {  	_ =	task.clear_ibuf [dreg:s6], $0x5FFFF;
	_ =	strace $0x90000064  }
0xb2: {  	s29 =	simm.s32 $0x9;
	_ =	strace $0x80000066  }
0xb3: {  	_ =	swait.ge [sflag:s29], $0x1  }
0xb4: {  	[sflag:s29] =	ssyncadd.s32 $0xFFFFFFFF  }
0xb5: {  	_ =	strace $0x90000066  }
0xb6: {  	_ =	sfence  }
0xb7: {  	s30 =	sld [smem:$0x0];
	_ =	sdelay $0x2  }
0xb8: {  	s31 =	sshll.u32 s1, $0xD;
	s1 =	sshrl.u32 s1, $0x2  }
0xb9: {  	s3 =	sand.u32 $0x4000, s31;
	s1 =	sadd.s32 s1, s30  }
0xba: {  	s0 =	sor.u32 s3, s0;
	s1 =	sshll.u32 s1, $0x11  }
0xbb: {  	s0 =	sor.u32 s1, s0  }
0xbc: {  	s0 =	sadd.s32 $0x8F2B, s0  }
0xbd: {  	[sflag:s0] =	ssyncadd.remote.s32 $0x1  }
0xbe: {  	_ =	sfence.sel $0xFFFF  }
0xbf: {  	[dreg:$0x0] =	wrdreg $0xFFFFFFFF;
	(pc) =	sbr.abs _section_cstart, $3  }
0xc0: {  	[dreg:$0x1] =	wrdreg $0xFFFFFFFF  }
0xc1: {  	_ =	task.clear_ibuf [dreg:s6], $0x2FFFF;
	_ =	strace $0x9FFFFFFF  }
0xc2: {  	(tm) =	ssettm $0x7FFFFFFF  }
0xc3: {  	_ =	shalt  }
tec
execute0_lowered:
.L_overlay_start_1:
0x0: {  	(tag) =	ssettag $0x1  }
0x1: {  	s1 =	srdreg.scid;
	s0 =	stileid.u32  }
0x2: {  	s5 =	rddreg [dreg:$0x0];
	s7 =	smul.u32 $0x28000, s0  }
0x3: {  	s2 =	rddreg [dreg:$0x1];
	s3 =	simm.s32 $0x0;
	s9 =	smul.u32 $0x1F400, s0  }
0x4: {  	s13 =	simm.s32 $0x80;
	s14 =	simm.s32 $0x0;
	s10 =	smul.u32 $0x3E80, s0  }
0x5: {  	s4 =	sand.u32 $0x1, s1;
	s25 =	sshll.u32 s0, $0x1;
	s11 =	smul.u32 $0x7D000, s0  }
0x6: {  	[smem:$0x7FF] =	sst s3;
	p0 =	sgt.u32 s0, $0x9;
	s8 =	smul.u32 $0x138800, s4  }
0x7: {  	s1 =	sor.u32 s4, s25;
	s26 =	ssub.s32 $0x2, s4;
	s30 =	smul.u32 $0x14000, s4  }
0x8: {  	s6 =	smul.u32 $0x280, s1;
	s1 =	rddreg [dreg:$0x2];
	_ =	strace $0x80000065  }
0x9: {  	s7 =	sadd.s32 s7, s5;
	s10 =	sadd.s32 s10, s5;
	s28 =	sshrl.u32 s26, $0x1  }
0xa: {  	s29 =	sshrl.u32 s11, $0x2;
	s11 =	simm.s32 $0x1;
	s8 =	sadd.s32 s9, s8  }
0xb: {  	s9 =	ssub.s32 s26, s28;
	s12 =	sadd.s32 s29, s2;
	s4 =	sadd.s32 $0x47C00, s10  }
0xc: {  	s31 =	sadd.s32 s30, s7;
	s6 =	sadd.s32 s6, s5;
	s8 =	sshrl.u32 s8, $0x3  }
0xd: {  	s7 =	smax.u32 s9, $0x1;
	s9 =	sshll.u32 @!p0 s0, $0x6;
	s10 =	sshrl.u32 @!p0 s12, $0x3  }
0xe: {  	s12 =	simm.s32 $0x1400;
	s8 =	sadd.s32 s8, s5;
	s5 =	sadd.s32 $0x1BA00, s6  }
0xf: {  	s9 =	sor.u32 @!p0 $0x1C01, s9;
	s6 =	sadd.s32 $0x36FE00, s8;
	s8 =	sadd.s32 $0x6EE00, s31  }
.LBB2_1:
0x10: {  	[spmem:s10], [sflag:s9] =	dma.local @!p0 [hbm:s4], $0x3E80  }
0x11: {  	s15 =	simm.s32 @!p0 $0x1  }
0x12: {  	_ =	swait.ge @!p0 [sflag:s15], $0x3E80  }
0x13: {  	[sflag:s15] =	ssyncset.done @!p0 $0x0  }
0x14: {  	[sflag:s15] =	ssyncadd.s32 @!p0 $0xFFFFC180  }
0x15: {  	[tilespmem:s3], [sflag:$0x1] =	stream.linear.gather [hbm4b:s5+s3], $0x1400, $0x38;
	[tilespmem:$0x18C80] =	vst v63  }
0x16: {  	_ =	swait.ge [sflag:s11], $0x1400  }
0x17: {  	[sflag:s11] =	ssyncset.done $0x0  }
0x18: {  	[sflag:s11] =	ssyncadd.s32 $0xFFFFEC00  }
0x19: {  	[bflag:$0x0] =	sbarrier.arrive $0xFFFF  }
0x1a: {  	[tilespmem:s12], [sflag:$0x1] =	stream.linear.gather [hbm4b:s8+s3], $0x4000, $0x38;
	[tilespmem:$0x18C80] =	vst v63  }
0x1b: {  	_ =	swait.ge [sflag:s11], $0x4000  }
0x1c: {  	[sflag:s11] =	ssyncset.done $0x0  }
0x1d: {  	s31 =	simm.s32 $0x0;
	[sflag:s11] =	ssyncadd.s32 $0xFFFFC000  }
0x1e: {  	[spmem:s2] =	stream.indirect.scatter.add.f32 [tilespmem:s12], [sflag:$0x1], $0x80, s31, s13, $0xb8;
	[tilespmem:$0x18C80] =	vst v63  }
0x1f: {  	_ =	swait.ge [sflag:s11], $0x4000  }
0x20: {  	s16 =	smov.u32 s8;
	s15 =	simm.s32 $0x200;
	[sflag:s11] =	ssyncset.done $0x0  }
.LBB2_2:
0x21: {  	p1 =	sne.s32 s15, $0x4E00;
	[sflag:s11] =	ssyncadd.s32 $0xFFFFC000;
	s16 =	sadd.s32 $0x800, s16  }
0x22: {  	[tilespmem:s12], [sflag:$0x1] =	stream.linear.gather [hbm4b:s16+s3], $0x4000, $0x38;
	[tilespmem:$0x18C80] =	vst v63  }
0x23: {  	s17 =	smov.u32 s15;
	s15 =	sadd.s32 $0x200, s15;
	_ =	swait.ge [sflag:s11], $0x4000  }
.Ltmp0:
0x24: {  	[sflag:s11] =	ssyncset.done $0x0;
	(pc) =	sbr.rel @p1 .LBB2_2-.Ltmp0, $4  }
0x25: {  	s17 =	sshra.s32 s17, $0x2;
	[sflag:s11] =	ssyncadd.s32 $0xFFFFC000  }
0x26: {  	[spmem:s2] =	stream.indirect.scatter.add.f32 [tilespmem:s12], [sflag:$0x1], $0x80, s17, s13, $0xb8;
	[tilespmem:$0x18C80] =	vst v63  }
0x27: {  	_ =	swait.ge [sflag:s11], $0x4000  }
0x28: {  	[sflag:s11] =	ssyncset.done $0x0  }
0x29: {  	s14 =	sadd.s32 $0x1, s14  }
0x2a: {  	[sflag:s11] =	ssyncadd.s32 $0xFFFFC000;
	p1 =	sne.s32 s14, s7  }
.Ltmp1:
0x2b: {  	s15 =	simm.s32 @!p0 $0x1;
	[bflag:$0x0] =	sbarrier.arrive $0xFFFF;
	(pc) =	sbr.rel @p1 .LBB2_1-.Ltmp1, $4  }
0x2c: {  	[hbm:s6], [sflag:s9] =	dma.local @!p0 [spmem:s10], $0x3E80  }
0x2d: {  	_ =	swait.ge @!p0 [sflag:s15], $0x3E80  }
0x2e: {  	[sflag:s15] =	ssyncset.done @!p0 $0x0  }
0x2f: {  	[sflag:s15] =	ssyncadd.s32 @!p0 $0xFFFFC180  }
0x30: {  	_ =	sfence.sel $0x180000  }
0x31: {  	[bflag:$0x0] =	sbarrier.arrive $0xFFFF  }
0x32: {  	p0 =	sne.s32 s0, $0x0;
	_ =	strace $0x90000065  }
0x33: {  	s0 =	sadd.s32 @!p0 $0x100000, s1;
	[bflag:$0x2] =	sbarrier.arrive $0xFFFF  }
0x34: {  	[sflag:s0] =	ssyncadd.tile.s32 @!p0 $0x1;
	_ =	shalt  }
.Lfunc_end2:
_tile_overlayer_lowered:
.L_overlay_start_2:
0x35: {  	(tag) =	ssettag $0x2  }
0x36: {  	s0 =	rddreg [dreg:$0x0];
	s2 =	stileid.u32  }
0x37: {  	s1 =	rddreg [dreg:$0x1];
	p0 =	sne.s32 s2, $0x0  }
0x38: {  	s3 =	rddreg [dreg:$0x2];
	[bflag:$0x3] =	sbarrier.arrive $0xFFFF;
	s2 =	simm.s32 @!p0 $0x1C01  }
0x39: {  	[timem:s3], [sflag:s2] =	dma.local @!p0 [hbm:s0], s1  }
0x3a: {  	s0 =	simm.s32 @!p0 $0x1  }
0x3b: {  	_ =	swait.ge @!p0 [sflag:s0], s1  }
0x3c: {  	s1 =	ssub.s32 @!p0 $0x0, s1;
	[sflag:s0] =	ssyncset.done @!p0 $0x0  }
0x3d: {  	[sflag:s0] =	ssyncadd.s32 @!p0 s1  }
0x3e: {  	[bflag:$0x3] =	sbarrier.arrive $0xFFFF  }
0x3f: {  	_ =	shalt  }

// kernel: kernel.64.cloned.1.call-start
scs
__scs_entry_jumppad:
0x0: {  	(pc) =	sbr.rel $0x88, $3  }
0x1: {  	(tag) =	ssettag $0x0;
	lr =	simm.s32 $0x1  }
0x2: {  	[smem:$0x3F44] =	sst lr;
	_ =	strace $0xD0000000  }
0x3: {  	_ = 	snop  }
0x4: {  	_ = 	snop  }
0x5: {  	_ = 	snop  }
0x6: {  	_ = 	snop  }
0x7: {  	_ = 	snop  }
__scs_overlays_trampoline_lowered:
0x8: {  	[smem:$0x3F53] =	sst s0  }
0x9: {  	[smem:$0x3F54] =	sst s1  }
0xa: {  	[smem:$0x3F55] =	sst s2  }
0xb: {  	[smem:$0x3F56] =	sst s3  }
0xc: {  	[smem:$0x3F57] =	sst s4  }
0xd: {  	[smem:$0x3F58] =	sst s5  }
0xe: {  	[smem:$0x3F59] =	sst s6  }
0xf: {  	[smem:$0x3F5A] =	sst s7  }
0x10: {  	[smem:$0x3F5B] =	sst s8  }
0x11: {  	[smem:$0x3F5C] =	sst s9;
	s0 =	simm.s32 @!p0 $0x0  }
0x12: {  	s1 =	sld [smem:$0x3F42];
	s0 =	simm.s32 @p0 $0x1  }
0x13: {  	[smem:$0x3F5D] =	sst s0;
	s0 =	simm.s32 @!p1 $0x0  }
0x14: {  	s2 =	sld [smem:$0x3F41];
	s0 =	simm.s32 @p1 $0x1  }
0x15: {  	[smem:$0x3F5E] =	sst s0;
	s0 =	simm.s32 @!p2 $0x0  }
0x16: {  	s3 =	sld [smem:$0x3FDB];
	s0 =	simm.s32 @p2 $0x1  }
0x17: {  	s4 =	simm.s32 $0x1BF5;
	[smem:$0x3F60] =	sst s0  }
0x18: {  	s0 =	sld [smem:$0x3F43];
	_ =	swait.ge [sflag:s4], $0x0  }
0x19: {  	s7 =	sld [smem:$0x3F44]  }
0x1a: {  	s8 =	sadd.s32 $0xFFFFE003, lr  }
0x1b: {  	s9 =	sadd.s32 $0xFFFFFEF7, lr;
	s5 =	simm.s32 $0xFFFFFFFF;
	p2 =	slt.u32 s8, $0xFFFFF086  }
0x1c: {  	p1 =	slt.u32 s9, $0xF7A;
	s5 =	simm.s32 @!p2 $0x0  }
0x1d: {  	s5 =	simm.s32 @p1 $0x1;
	p0 =	seq.s32 s7, s2  }
0x1e: {  	s7 =	smul.u32 @!p0 $0xF7A, s2;
	p2 =	seq.s32 @!p0 s5, $0x0  }
0x1f: {  	s9 =	smul.u32 $0xF7A, s1;
	s8 =	simm.s32 @!p0 $0x1BF5;
	p2 =	por !p2, p0  }
0x20: {  	[sflag:s8] =	ssyncset.s32 @!p0 $0xFFFFF086;
	s6 =	sadd.s32 @!p0 s3, s7;
	s7 =	simm.s32 @!p0 $0x108  }
0x21: {  	s3 =	sadd.s32 s3, s9;
	s6 =	sadd.s32 @!p0 $0x88, s6;
	s7 =	simm.s32 @p2 $0x1082  }
0x22: {  	[simem:s7], [sflag:s8] =	dma.local @!p0 [hbm:s6], $0xF7A  }
0x23: {  	s9 =	sor.u32 $0xD0000000, s2;
	s6 =	simm.s32 $0x108;
	_ =	swait.ge @!p0 [sflag:s8], $0x0  }
0x24: {  	s3 =	sadd.s32 $0x88, s3;
	s6 =	simm.s32 @!p1 $0x1082;
	[sflag:s4] =	ssyncset.s32 $0xFFFFF086  }
0x25: {  	[simem:s6], [sflag:s4] =	dma.local [hbm:s3], $0xF7A  }
0x26: {  	[smem:$0x3F44] =	sst s1;
	(tag) =	ssettag s2;
	_ =	strace s9  }
0x27: {  	s1 =	sld [smem:$0x3F54]  }
0x28: {  	s2 =	sld [smem:$0x3F55]  }
0x29: {  	s4 =	sld [smem:$0x3F57]  }
0x2a: {  	p0 =	seq.s32 s5, $0x0;
	s5 =	sld [smem:$0x3F58]  }
0x2b: {  	s6 =	sld [smem:$0x3F59]  }
0x2c: {  	s7 =	sld [smem:$0x3F5A]  }
0x2d: {  	s3 =	simm.s32 $0x108;
	s8 =	sld [smem:$0x3F5B]  }
0x2e: {  	s3 =	simm.s32 @!p0 $0x1082;
	s9 =	sld [smem:$0x3F5C]  }
0x2f: {  	lr =	sadd.s32 s0, s3;
	s0 =	sld [smem:$0x3F53]  }
0x30: {  	s3 =	sld [smem:$0x3F56]  }
0x31: {  	[smem:$0x3F5F] =	sst s10  }
0x32: {  	s10 =	sld [smem:$0x3F5D];
	_ =	sdelay $0x3  }
0x33: {  	p0 =	seq.s32 s10, $0x1;
	s10 =	sld [smem:$0x3F5F];
	_ =	sdelay $0x3  }
0x34: {  	[smem:$0x3F5F] =	sst s10  }
0x35: {  	s10 =	sld [smem:$0x3F5E];
	_ =	sdelay $0x3  }
0x36: {  	p1 =	seq.s32 s10, $0x1;
	s10 =	sld [smem:$0x3F5F];
	_ =	sdelay $0x3  }
0x37: {  	[smem:$0x3F5F] =	sst s10  }
0x38: {  	s10 =	sld [smem:$0x3F60]  }
0x39: {  	_ = 	snop;
	(pc) =	sbr.ind lr, $3  }
0x3a: {  	_ = 	snop  }
0x3b: {  	_ = 	snop  }
0x3c: {  	p2 =	seq.s32 s10, $0x1;
	s10 =	sld [smem:$0x3F5F]  }
0x3d: {  	_ =	shalt  }
0x3e: {  	_ =	shalt  }
0x3f: {  	_ =	shalt  }
0x40: {  	_ =	shalt  }
0x41: {  	_ =	shalt  }
0x42: {  	_ =	shalt  }
0x43: {  	_ =	shalt  }
0x44: {  	_ =	shalt  }
0x45: {  	_ =	shalt  }
0x46: {  	_ =	shalt  }
0x47: {  	_ =	shalt  }
0x48: {  	_ =	shalt  }
0x49: {  	_ =	shalt  }
0x4a: {  	_ =	shalt  }
0x4b: {  	_ =	shalt  }
0x4c: {  	_ =	shalt  }
0x4d: {  	_ =	shalt  }
0x4e: {  	_ =	shalt  }
0x4f: {  	_ =	shalt  }
0x50: {  	_ =	shalt  }
0x51: {  	_ =	shalt  }
0x52: {  	_ =	shalt  }
0x53: {  	_ =	shalt  }
0x54: {  	_ =	shalt  }
0x55: {  	_ =	shalt  }
0x56: {  	_ =	shalt  }
0x57: {  	_ =	shalt  }
0x58: {  	_ =	shalt  }
0x59: {  	_ =	shalt  }
0x5a: {  	_ =	shalt  }
0x5b: {  	_ =	shalt  }
0x5c: {  	_ =	shalt  }
0x5d: {  	_ =	shalt  }
0x5e: {  	_ =	shalt  }
0x5f: {  	_ =	shalt  }
0x60: {  	_ =	shalt  }
0x61: {  	_ =	shalt  }
0x62: {  	_ =	shalt  }
0x63: {  	_ =	shalt  }
0x64: {  	_ =	shalt  }
0x65: {  	_ =	shalt  }
0x66: {  	_ =	shalt  }
0x67: {  	_ =	shalt  }
0x68: {  	_ =	shalt  }
0x69: {  	_ =	shalt  }
0x6a: {  	_ =	shalt  }
0x6b: {  	_ =	shalt  }
0x6c: {  	_ =	shalt  }
0x6d: {  	_ =	shalt  }
0x6e: {  	_ =	shalt  }
0x6f: {  	_ =	shalt  }
0x70: {  	_ =	shalt  }
0x71: {  	_ =	shalt  }
0x72: {  	_ =	shalt  }
0x73: {  	_ =	shalt  }
0x74: {  	_ =	shalt  }
0x75: {  	_ =	shalt  }
0x76: {  	_ =	shalt  }
0x77: {  	_ =	shalt  }
0x78: {  	_ =	shalt  }
0x79: {  	_ =	shalt  }
0x7a: {  	_ =	shalt  }
0x7b: {  	_ =	shalt  }
0x7c: {  	_ =	shalt  }
0x7d: {  	_ =	shalt  }
0x7e: {  	_ =	shalt  }
0x7f: {  	_ =	shalt  }
0x80: {  	_ =	shalt  }
0x81: {  	_ =	shalt  }
0x82: {  	_ =	shalt  }
0x83: {  	_ =	shalt  }
0x84: {  	_ =	shalt  }
0x85: {  	_ =	shalt  }
0x86: {  	_ =	shalt  }
0x87: {  	_ =	shalt  }
.Lfunc_end0:
.L_simem_size_0:
called_computation.11_lowered:
.L_overlay_start_0:
0x88: {  	s2 =	sld [smem:$0x3FD9]  }
0x89: {  	s3 =	sld [smem:$0x3FFE];
	_ =	sdelay $0x1  }
0x8a: {  	s1 =	srdreg.scid  }
0x8b: {  	s0 =	sand.u32 $0x1, s1  }
0x8c: {  	s16 =	sshll.u32 s0, $0xA;
	s2 =	sadd.s32 s3, s2  }
0x8d: {  	s2 =	sadd.s32 s2, s16  }
0x8e: {  	[smem:$0x3F6B] =	sst s2  }
0x8f: {  	_ = 	snop  }
0x90: {  	(tm) =	ssettm $0x1  }
0x91: {  	s17 =	sld [smem:$0x3FFB];
	_ =	sdelay $0x3  }
0x92: {  	_ =	strace s17  }
0x93: {  	s2 =	sld [smem:$0x3FFC];
	_ =	sdelay $0x3  }
0x94: {  	_ =	strace s2  }
0x95: {  	s2 =	sld [smem:$0x3FFD];
	_ =	sdelay $0x3  }
0x96: {  	_ =	strace s2  }
0x97: {  	_ =	strace $0x8FFFFFFF  }
0x98: {  	s18 =	sld [smem:$0x3FDB];
	_ =	sdelay $0x1  }
0x99: {  	s19 =	simm.s32 $_scs_section_size  }
0x9a: {  	s4 =	simm.s32 $_size__tile_overlayer_lowered;
	s5 =	simm.s32 $_tile_overlayer_lowered  }
0x9b: {  	s22 =	simm.s32 $0x1BFF;
	s21 =	sshll.u32 s5, $0x1;
	s2 =	sadd.s32 s19, s18  }
0x9c: {  	s6 =	simm.s32 $0x0;
	s20 =	sshll.u32 s4, $0x1;
	s4 =	sadd.s32 s21, s2  }
0x9d: {  	[timem:s6], [sflag:s22] =	dma.local [hbm:s4], s20  }
0x9e: {  	_ =	swait.ge [sflag:s22], s20  }
0x9f: {  	s3 =	ssub.s32 $0x0, s20;
	[sflag:s22] =	ssyncset.done $0x0  }
0xa0: {  	[sflag:s22] =	ssyncadd.s32 s3;
	_ =	sdelay $0x1  }
0xa1: {  	s23 =	simm.s32 $0x1B8B  }
0xa2: {  	_ =	swait.ge [sflag:s23], $0x1  }
0xa3: {  	[sflag:s23] =	ssyncset.done $0x0  }
0xa4: {  	s25 =	simm.s32 $0x1B8E;
	s24 =	sld [smem:$0x3FFE];
	[sflag:s23] =	ssyncadd.s32 $0xFFFFFFFF  }
0xa5: {  	s26 =	simm.s32 $execute0_lowered;
	[smem:$0x3FD2] =	sst s25  }
0xa6: {  	s4 =	sshll.u32 s26, $0x1;
	_ =	strace $0x80000067;
	[dreg:$0x1] =	wrdreg $0xFFFFFFFF  }
0xa7: {  	s28 =	simm.s32 $_size_execute0_lowered;
	s2 =	sadd.s32 s2, s4;
	[dreg:$0x0] =	wrdreg $0x0  }
0xa8: {  	s4 =	sshll.u32 s28, $0x1;
	[dreg:$0x2] =	wrdreg s2  }
0xa9: {  	[dreg:$0x3] =	wrdreg s4  }
0xaa: {  	[dreg:$0x4] =	wrdreg $0xC0  }
0xab: {  	_ =	task [dreg:s6], $0x5FFFF  }
0xac: {  	[dreg:$0x1] =	wrdreg $0xFFFFFFFF  }
0xad: {  	[dreg:$0x0] =	wrdreg $0x60  }
0xae: {  	[dreg:$0x2] =	wrdreg s24  }
0xaf: {  	[dreg:$0x3] =	wrdreg $0x9  }
0xb0: {  	_ =	task.clear_ibuf [dreg:s6], $0x4FFFF;
	_ =	strace $0x90000067  }
0xb1: {  	s29 =	simm.s32 $0x9;
	_ =	strace $0x80000069  }
0xb2: {  	_ =	swait.ge [sflag:s29], $0x1  }
0xb3: {  	[sflag:s29] =	ssyncadd.s32 $0xFFFFFFFF  }
0xb4: {  	_ =	strace $0x90000069  }
0xb5: {  	_ =	sfence  }
0xb6: {  	s30 =	sld [smem:$0x0];
	_ =	sdelay $0x2  }
0xb7: {  	s31 =	sshll.u32 s1, $0xD;
	s1 =	sshrl.u32 s1, $0x2  }
0xb8: {  	s3 =	sand.u32 $0x4000, s31;
	s1 =	sadd.s32 s1, s30  }
0xb9: {  	s0 =	sor.u32 s3, s0;
	s1 =	sshll.u32 s1, $0x11  }
0xba: {  	s0 =	sor.u32 s1, s0  }
0xbb: {  	s0 =	sadd.s32 $0x8F2B, s0  }
0xbc: {  	[sflag:s0] =	ssyncadd.remote.s32 $0x1  }
0xbd: {  	_ =	sfence.sel $0xFFFF  }
0xbe: {  	[dreg:$0x0] =	wrdreg $0xFFFFFFFF;
	(pc) =	sbr.abs _section_cstart, $3  }
0xbf: {  	[dreg:$0x1] =	wrdreg $0xFFFFFFFF  }
0xc0: {  	_ =	task.clear_ibuf [dreg:s6], $0x2FFFF;
	_ =	strace $0x9FFFFFFF  }
0xc1: {  	(tm) =	ssettm $0x7FFFFFFF  }
tec
execute0_lowered:
.L_overlay_start_1:
0x0: {  	(tag) =	ssettag $0x1  }
0x1: {  	s0 =	srdreg.scid  }
0x2: {  	s7 =	sand.u32 $0x1, s0;
	s0 =	stileid.u32  }
0x3: {  	s2 =	sor.u32 s0, s7  }
0x4: {  	p0 =	sne.s32 s2, $0x0  }
.Ltmp0:
0x5: {  	_ = 	snop;
	(pc) =	sbr.rel @p0 .LBB2_9-.Ltmp0, $3  }
0x6: {  	_ =	sdelay $0x1  }
0x7: {  	s8 =	rddreg [dreg:$0x0]  }
0x8: {  	s1 =	rddreg [dreg:$0x1];
	_ =	strace $0x80000068  }
0x9: {  	s2 =	sadd.s32 $0x2FA800, s8  }
0xa: {  	s3 =	sadd.s32 $0x2FA200, s8;
	s4 =	sadd.s32 $0x2F9C00, s8  }
0xb: {  	s5 =	sadd.s32 $0x36EC00, s8;
	s6 =	sadd.s32 $0x36F800, s8;
	s9 =	ssub.s32 $0x2, s7  }
0xc: {  	s7 =	sadd.s32 $0x36F200, s8;
	s8 =	sadd.s32 $0x2FAE00, s8;
	s11 =	simm.s32 $0x1  }
0xd: {  	s12 =	simm.s32 $0x2780;
	s13 =	simm.s32 $0x4F00;
	s14 =	simm.s32 $0x7680  }
0xe: {  	s15 =	simm.s32 $0x9E00;
	s16 =	simm.s32 $0xC580;
	s17 =	simm.s32 $0x11480  }
0xf: {  	s18 =	simm.s32 $0x13C00;
	s19 =	simm.s32 $0x16380;
	s10 =	sshrl.u32 s9, $0x1  }
0x10: {  	v0 =	vimm.f32 $0.0e+00;
	s20 =	simm.s32 $0x0;
	s9 =	ssub.s32 s9, s10;
	s10 =	simm.s32 $0x0  }
.LBB2_2:
0x11: {  	[tilespmem:s10], [sflag:$0x1] =	stream.linear.gather [hbm4b:s2+s10], $0x2780, $0x38;
	[tilespmem:$0x18B00] =	vst v63  }
0x12: {  	_ =	swait.ge [sflag:s11], $0x2780  }
0x13: {  	[sflag:s11] =	ssyncset.done $0x0  }
0x14: {  	[sflag:s11] =	ssyncadd.s32 $0xFFFFD880  }
0x15: {  	[tilespmem:s12], [sflag:$0x1] =	stream.linear.gather [hbm4b:s3+s10], $0x2780, $0x38;
	[tilespmem:$0x18B00] =	vst v63  }
0x16: {  	_ =	swait.ge [sflag:s11], $0x2780  }
0x17: {  	[sflag:s11] =	ssyncset.done $0x0  }
0x18: {  	[sflag:s11] =	ssyncadd.s32 $0xFFFFD880  }
0x19: {  	[tilespmem:s13], [sflag:$0x1] =	stream.linear.gather [hbm4b:s4+s10], $0x2780, $0x38;
	[tilespmem:$0x18B00] =	vst v63  }
0x1a: {  	_ =	swait.ge [sflag:s11], $0x2780  }
0x1b: {  	[sflag:s11] =	ssyncset.done $0x0  }
0x1c: {  	[sflag:s11] =	ssyncadd.s32 $0xFFFFD880  }
0x1d: {  	[tilespmem:s14], [sflag:$0x1] =	stream.linear.gather [hbm4b:s5+s10], $0x2780, $0x38;
	[tilespmem:$0x18B00] =	vst v63  }
0x1e: {  	_ =	swait.ge [sflag:s11], $0x2780  }
0x1f: {  	[sflag:s11] =	ssyncset.done $0x0  }
0x20: {  	[sflag:s11] =	ssyncadd.s32 $0xFFFFD880  }
0x21: {  	[tilespmem:s15], [sflag:$0x1] =	stream.linear.gather [hbm4b:s6+s10], $0x2780, $0x38;
	[tilespmem:$0x18B00] =	vst v63  }
0x22: {  	_ =	swait.ge [sflag:s11], $0x2780  }
0x23: {  	[sflag:s11] =	ssyncset.done $0x0  }
0x24: {  	[sflag:s11] =	ssyncadd.s32 $0xFFFFD880  }
0x25: {  	[tilespmem:s16], [sflag:$0x1] =	stream.linear.gather [hbm4b:s7+s10], $0x2780, $0x38;
	[tilespmem:$0x18B00] =	vst v63  }
0x26: {  	_ =	swait.ge [sflag:s11], $0x2780  }
0x27: {  	[sflag:s11] =	ssyncset.done $0x0  }
0x28: {  	s21 =	simm.s32 $0x40;
	s22 =	simm.s32 $0x0;
	[sflag:s11] =	ssyncadd.s32 $0xFFFFD880  }
.LBB2_3:
0x29: {  	p0 =	sne.s32 s21, $0x9C00;
	[tilespmem:s22+$0x11480] =	vst v0;
	s23 =	smov.u32 s21;
	s21 =	sadd.s32 $0x40, s21  }
.Ltmp1:
0x2a: {  	[tilespmem:s22+$0x13C00] =	vst v0;
	(pc) =	sbr.rel @p0 .LBB2_3-.Ltmp1, $2  }
0x2b: {  	_ =	sdelay $0x2  }
0x2c: {  	s22 =	sshra.s32 s23, $0x2  }
0x2d: {  	[tilespmem:s22+$0x11480] =	vst v0  }
0x2e: {  	[tilespmem:s22+$0x13C00] =	vst v0;
	s23 =	simm.s32 $0x0  }
0x2f: {  	v1 =	vld [tilespmem:s23+$0x9E00]  }
0x30: {  	v2 =	vld [tilespmem:s23+$0xC580];
	_ =	sdelay $0x5  }
0x31: {  	s21 =	simm.s32 $0x0  }
0x32: {  	v3 =	vld.idx.msk [tilespmem:v1+s21+$0x0], $0xffff  }
0x33: {  	v2 =	vld.idx.msk [tilespmem:v2+s12+$0x0], $0xffff;
	_ =	sdelay $0x4  }
0x34: {  	v2 =	vadd.f32 v2, v3;
	_ =	sdelay $0x1  }
0x35: {  	v3 =	vmul.f32 $2.000000030e-01, v2  }
0x36: {  	vm0 =	vge.f32 v2, $0.0e+00  }
0x37: {  	v2 =	vsel vm0, v2, v3  }
0x38: {  	v2 =	vmul.f32 $1.442695020e+00, v2;
	_ =	sdelay $0x1  }
0x39: {  	(erf) = vpow2.f32 v2;
	_ =	sdelay $0x8  }
0x3a: {  	v2 =	vpop (erf)  }
0x3b: {  	[tilespmem:s23+$0xED00] =	vst v2  }
0x3c: {  	[tilespmem:v1+s17+$0x0] =	vst.idx.add.f32.msk $0xffff, v2  }
0x3d: {  	s22 =	simm.s32 $0x40;
	v2 =	vld [tilespmem:s23+$0x4F00]  }
.LBB2_5:
0x3e: {  	_ =	sdelay $0x2  }
0x3f: {  	p0 =	sne.s32 s22, $0x9C00;
	s23 =	smov.u32 s22;
	s22 =	sadd.s32 $0x40, s22  }
0x40: {  	s23 =	sshra.s32 s23, $0x2;
	[tilespmem:v1+s18+$0x0] =	vst.idx.add.f32.msk $0xffff, v2  }
0x41: {  	v1 =	vld [tilespmem:s23+$0x9E00]  }
0x42: {  	v2 =	vld [tilespmem:s23+$0xC580];
	_ =	sdelay $0x6  }
0x43: {  	v3 =	vld.idx.msk [tilespmem:v1+s21+$0x0], $0xffff  }
0x44: {  	v2 =	vld.idx.msk [tilespmem:v2+s12+$0x0], $0xffff;
	_ =	sdelay $0x5  }
0x45: {  	v2 =	vadd.f32 v2, v3;
	_ =	sdelay $0x1  }
0x46: {  	vm0 =	vge.f32 v2, $0.0e+00;
	v3 =	vmul.f32 $2.000000030e-01, v2;
	_ =	sdelay $0x1  }
0x47: {  	v2 =	vsel vm0, v2, v3  }
0x48: {  	v2 =	vmul.f32 $1.442695020e+00, v2;
	_ =	sdelay $0x1  }
0x49: {  	(erf) = vpow2.f32 v2;
	_ =	sdelay $0x7  }
.Ltmp2:
0x4a: {  	(pc) =	sbr.rel @p0 .LBB2_5-.Ltmp2, $4  }
0x4b: {  	v2 =	vpop (erf)  }
0x4c: {  	[tilespmem:s23+$0xED00] =	vst v2  }
0x4d: {  	[tilespmem:v1+s17+$0x0] =	vst.idx.add.f32.msk $0xffff, v2  }
0x4e: {  	v2 =	vld [tilespmem:s23+$0x4F00]  }
0x4f: {  	_ =	sdelay $0x3  }
0x50: {  	s21 =	simm.s32 $0x0;
	[tilespmem:v1+s18+$0x0] =	vst.idx.add.f32.msk $0xffff, v2  }
0x51: {  	v1 =	vld [tilespmem:s21+$0x9E00];
	_ =	sdelay $0x7  }
0x52: {  	v2 =	vld.idx.msk [tilespmem:v1+s17+$0x0], $0xffff;
	_ =	sdelay $0x4  }
0x53: {  	v2 =	vadd.f32 $1.000000020e-16, v2;
	_ =	sdelay $0x1  }
0x54: {  	(erf) = vrcp.f32 v2;
	_ =	sdelay $0x1  }
0x55: {  	v1 =	vld.idx.msk [tilespmem:v1+s18+$0x0], $0xffff;
	_ =	sdelay $0x4  }
0x56: {  	v2 =	vadd.f32 $1.000000020e-16, v1;
	_ =	sdelay $0x1  }
0x57: {  	v4 =	vpop (erf);
	(erf) = vrcp.f32 v2;
	_ =	sdelay $0x2  }
0x58: {  	v3 =	vld [tilespmem:s21+$0xED00]  }
0x59: {  	v1 =	vld [tilespmem:s21+$0x7680]  }
0x5a: {  	v2 =	vld [tilespmem:s21+$0x4F00];
	_ =	sdelay $0x2  }
0x5b: {  	s23 =	simm.s32 $0x10;
	s22 =	simm.s32 $0x80;
	v3 =	vmul.f32 v4, v3  }
.LBB2_7:
0x5c: {  	p0 =	sne.s32 s22, $0x9C00;
	v4 =	vld [tilespmem:s23+$0x9E00];
	v5 =	vpop (erf)  }
0x5d: {  	v1 =	vadd.f32 v1, v3;
	v2 =	vmul.f32 v2, v5;
	_ =	sdelay $0x1  }
0x5e: {  	v1 =	vadd.f32 v2, v1;
	_ =	sdelay $0x1  }
0x5f: {  	v1 =	vmul.f32 $3.333333430e-01, v1;
	_ =	sdelay $0x1  }
0x60: {  	[tilespmem:s21+$0x16380] =	vst v1;
	s21 =	smov.u32 s23  }
0x61: {  	v1 =	vld.idx.msk [tilespmem:v4+s17+$0x0], $0xffff;
	_ =	sdelay $0x1  }
0x62: {  	v2 =	vld.idx.msk [tilespmem:v4+s18+$0x0], $0xffff;
	_ =	sdelay $0x3  }
0x63: {  	v1 =	vadd.f32 $1.000000020e-16, v1;
	_ =	sdelay $0x1  }
0x64: {  	v2 =	vadd.f32 $1.000000020e-16, v2;
	(erf) = vrcp.f32 v1;
	_ =	sdelay $0x1  }
0x65: {  	(erf) = vrcp.f32 v2;
	_ =	sdelay $0x2  }
0x66: {  	v3 =	vld [tilespmem:s21+$0xED00]  }
.Ltmp3:
0x67: {  	v1 =	vld [tilespmem:s21+$0x7680];
	(pc) =	sbr.rel @p0 .LBB2_7-.Ltmp3, $3  }
0x68: {  	v2 =	vld [tilespmem:s21+$0x4F00];
	_ =	sdelay $0x1  }
0x69: {  	v4 =	vpop (erf)  }
0x6a: {  	s23 =	sshra.s32 s22, $0x2;
	s22 =	sadd.s32 $0x40, s22;
	v3 =	vmul.f32 v4, v3  }
0x6b: {  	v4 =	vld [tilespmem:s23+$0x9E00];
	v5 =	vpop (erf)  }
0x6c: {  	v1 =	vadd.f32 v1, v3;
	v2 =	vmul.f32 v2, v5;
	_ =	sdelay $0x1  }
0x6d: {  	v1 =	vadd.f32 v2, v1;
	_ =	sdelay $0x1  }
0x6e: {  	v1 =	vmul.f32 $3.333333430e-01, v1;
	_ =	sdelay $0x1  }
0x6f: {  	[tilespmem:s21+$0x16380] =	vst v1  }
0x70: {  	v1 =	vld.idx.msk [tilespmem:v4+s17+$0x0], $0xffff;
	_ =	sdelay $0x1  }
0x71: {  	v2 =	vld.idx.msk [tilespmem:v4+s18+$0x0], $0xffff;
	_ =	sdelay $0x2  }
0x72: {  	v1 =	vadd.f32 $1.000000020e-16, v1;
	_ =	sdelay $0x1  }
0x73: {  	v2 =	vadd.f32 $1.000000020e-16, v2;
	(erf) = vrcp.f32 v1;
	_ =	sdelay $0x1  }
0x74: {  	(erf) = vrcp.f32 v2;
	_ =	sdelay $0x2  }
0x75: {  	v1 =	vld [tilespmem:s23+$0xED00]  }
0x76: {  	v3 =	vld [tilespmem:s23+$0x4F00]  }
0x77: {  	v2 =	vld [tilespmem:s23+$0x7680];
	_ =	sdelay $0x1  }
0x78: {  	v62 =	vpop (erf)  }
0x79: {  	v1 =	vmul.f32 v62, v1  }
0x7a: {  	v63 =	vpop (erf)  }
0x7b: {  	v1 =	vadd.f32 v2, v1;
	v2 =	vmul.f32 v3, v63;
	_ =	sdelay $0x1  }
0x7c: {  	v1 =	vadd.f32 v2, v1;
	_ =	sdelay $0x1  }
0x7d: {  	s20 =	sadd.s32 $0x1, s20;
	v1 =	vmul.f32 $3.333333430e-01, v1  }
0x7e: {  	p0 =	sne.s32 s20, s9  }
.Ltmp4:
0x7f: {  	[tilespmem:s23+$0x16380] =	vst v1;
	(pc) =	sbr.rel @p0 .LBB2_2-.Ltmp4, $4  }
0x80: {  	[hbm4b:s8+s10] =	stream.linear.scatter [tilespmem:s19], [sflag:$0x1], $0x2780, $0x38;
	[tilespmem:$0x18B00] =	vst v63  }
0x81: {  	_ =	swait.ge [sflag:s11], $0x2780  }
0x82: {  	[sflag:s11] =	ssyncset.done $0x0  }
0x83: {  	[sflag:s11] =	ssyncadd.s32 $0xFFFFD880  }
.LBB2_9:
0x84: {  	_ =	sfence.sel $0x180000  }
0x85: {  	[bflag:$0x0] =	sbarrier.arrive $0xFFFF  }
0x86: {  	p0 =	sne.s32 s0, $0x0;
	_ =	strace $0x90000068  }
0x87: {  	s0 =	sadd.s32 @!p0 $0x100000, s1;
	[bflag:$0x2] =	sbarrier.arrive $0xFFFF  }
0x88: {  	[sflag:s0] =	ssyncadd.tile.s32 @!p0 $0x1;
	_ =	shalt  }
.Lfunc_end2:
_tile_overlayer_lowered:
.L_overlay_start_2:
0x89: {  	(tag) =	ssettag $0x2  }
0x8a: {  	s0 =	rddreg [dreg:$0x0];
	s2 =	stileid.u32  }
0x8b: {  	s1 =	rddreg [dreg:$0x1];
	p0 =	sne.s32 s2, $0x0  }
0x8c: {  	s3 =	rddreg [dreg:$0x2];
	[bflag:$0x3] =	sbarrier.arrive $0xFFFF;
	s2 =	simm.s32 @!p0 $0x1C01  }
0x8d: {  	[timem:s3], [sflag:s2] =	dma.local @!p0 [hbm:s0], s1  }
0x8e: {  	s0 =	simm.s32 @!p0 $0x1  }
0x8f: {  	_ =	swait.ge @!p0 [sflag:s0], s1  }
0x90: {  	s1 =	ssub.s32 @!p0 $0x0, s1;
	[sflag:s0] =	ssyncset.done @!p0 $0x0  }
0x91: {  	[sflag:s0] =	ssyncadd.s32 @!p0 s1  }
0x92: {  	[bflag:$0x3] =	sbarrier.arrive $0xFFFF  }
0x93: {  	_ =	shalt  }

</sc_bundles>
